<compile_context>
chip_gen: v7x
topology: tpu7x:2x2x1
jax: 0.10.2.dev20260603
libtpu: 0.0.44.dev20260713+nightly
codegen_flags: <defaults>
</compile_context>

<pallas_src>
import functools

import jax
import jax.numpy as jnp
from jax import lax
from jax.experimental import pallas as pl
from jax.experimental.pallas import tpu as pltpu
from jax.experimental.pallas import tpu_sc as plsc

B = 64
S = 512
H = 768
V16 = H // 16
NC = 2
NS = 16
NW = NC * NS
SLAB = S // NW
TPW = B * SLAB
NB = 2
G = NB * SLAB
NCHUNK = TPW // G
NBUF = 4
EPS = 1e-05

_mesh = plsc.VectorSubcoreMesh(
    core_axis_name="c", subcore_axis_name="s", num_cores=NC, num_subcores=NS
)


def _hsum(v):
    lanes = lax.iota(jnp.int32, 16)
    for k in (1, 2, 4, 8):
        v = v + jnp.take_along_axis(v, lanes ^ k, axis=0,
                                    mode="promise_in_bounds")
    return v


def _body(ids_h, tti_h, word_h, comb_h, gam_h, bet_h, out_h,
          ids_v, tti_v, comb_v, gam_v, bet_v, rows, gsems, wsems):
    cid = lax.axis_index("c")
    sid = lax.axis_index("s")
    wid = sid * NC + cid

    pltpu.sync_copy(ids_h.at[wid], ids_v)
    pltpu.sync_copy(tti_h.at[wid], tti_v)
    pltpu.sync_copy(comb_h.at[pl.ds(wid * SLAB, SLAB)],
                    comb_v.at[pl.ds(0, SLAB)])
    pltpu.sync_copy(comb_h.at[pl.ds(S + wid * SLAB, SLAB)],
                    comb_v.at[pl.ds(SLAB, SLAB)])
    pltpu.sync_copy(gam_h, gam_v)
    pltpu.sync_copy(bet_h, bet_v)

    def start_gather(c, k):
        idx = ids_v.at[pl.ds(c * G, G)]
        pltpu.async_copy(word_h.at[idx], rows.at[k], gsems.at[k])

    def wait_gather(k):
        idx = ids_v.at[pl.ds(0, G)]
        pltpu.make_async_copy(word_h.at[idx], rows.at[k], gsems.at[k]).wait()

    def start_writes(c, k):
        for kb in range(NB):
            orow = (NB * c + kb) * S + wid * SLAB
            pltpu.async_copy(rows.at[k, pl.ds(kb * SLAB, SLAB)],
                             out_h.at[pl.ds(orow, SLAB)], wsems.at[k])

    def wait_writes(k):
        for kb in range(NB):
            pltpu.make_async_copy(
                rows.at[k, pl.ds(kb * SLAB, SLAB)],
                out_h.at[pl.ds(0, SLAB)], wsems.at[k]).wait()

    def ln_one(k, t, coff):
        s_loc = t & (SLAB - 1)
        tt16 = tti_v[pl.ds(coff + t - s_loc, 16)]
        lanes = lax.iota(jnp.int32, 16)
        selv = jnp.where(lanes == s_loc, tt16, 0)
        itt = _hsum(selv)[0]
        row = itt + s_loc
        acc_s = jnp.zeros((16,), jnp.float32)
        acc_q = jnp.zeros((16,), jnp.float32)
        for j in range(V16):
            sl = pl.ds(j * 16, 16)
            v = rows[k, t, sl] + comb_v[row, sl]
            rows[k, t, sl] = v
            acc_s = acc_s + v
            acc_q = acc_q + v * v
        mean = _hsum(acc_s)[0] * (1.0 / H)
        var = _hsum(acc_q)[0] * (1.0 / H) - mean * mean
        x = var + EPS
        i = lax.bitcast_convert_type(x, jnp.int32)
        i = jnp.int32(0x5F3759DF) - (i >> 1)
        ys = lax.bitcast_convert_type(i, jnp.float32)
        for _ in range(3):
            ys = ys * (1.5 - 0.5 * x * ys * ys)
        return mean, ys

    def process(c, k):
        coff = c * G

        @plsc.parallel_loop(0, G)
        def tok(t):
            m0, y0 = ln_one(k, t, coff)
            for j in range(V16):
                sl = pl.ds(j * 16, 16)
                v0 = rows[k, t, sl]
                rows[k, t, sl] = (v0 - m0) * y0 * gam_v[sl] + bet_v[sl]
            return ()

    for k in range(NBUF):
        start_gather(k, k)

    def outer(c, carry):
        k = c & (NBUF - 1)
        wait_gather(k)
        process(c, k)
        start_writes(c, k)
        kp = (c - 1) & (NBUF - 1)

        @pl.when(c >= 1)
        def _():
            wait_writes(kp)

        @pl.when(jnp.logical_and(c >= 1, c + NBUF - 1 < NCHUNK))
        def _():
            start_gather(c + NBUF - 1, kp)

        return carry

    lax.fori_loop(0, NCHUNK, outer, 0)
    wait_writes((NCHUNK - 1) & (NBUF - 1))


_emb_ln = functools.partial(
    pl.kernel,
    out_type=jax.ShapeDtypeStruct((B * S, H), jnp.float32),
    mesh=_mesh,
    scratch_types=[
        pltpu.VMEM((TPW,), jnp.int32),
        pltpu.VMEM((TPW,), jnp.int32),
        pltpu.VMEM((2 * SLAB, H), jnp.float32),
        pltpu.VMEM((H,), jnp.float32),
        pltpu.VMEM((H,), jnp.float32),
        pltpu.VMEM((NBUF, G, H), jnp.float32),
        pltpu.SemaphoreType.DMA((NBUF,)),
        pltpu.SemaphoreType.DMA((NBUF,)),
    ],
)(_body)


def kernel(input_ids, token_type_ids, word_embedding, segment_embedding,
           position_embedding, ln_gamma, ln_beta):
    ids = input_ids.astype(jnp.int32)
    ids_w = ids.reshape(B, NW, SLAB).transpose(1, 0, 2).reshape(NW, TPW)
    tti_w = (token_type_ids.astype(jnp.int32) * SLAB
             ).reshape(B, NW, SLAB).transpose(1, 0, 2).reshape(NW, TPW)
    comb = (position_embedding[None, :, :]
            + segment_embedding[:, None, :]).reshape(2 * S, H)
    out = _emb_ln(ids_w, tti_w, word_embedding, comb, ln_gamma, ln_beta)
    return out.reshape(B, S, H)

# --- scband reference (transcript-rebuilt; emitter-appended) ---
"""Pipeline reference for scband-bert-embedding-7413113553466 (READ-ONLY COPY).

The authoritative reference and input builder live on the scoring server;
editing this copy changes nothing except your own understanding.
"""

import jax, jax.numpy as jnp
import numpy as np

VOCAB = 100000
HIDDEN = 768
TYPE_VOCAB = 2
MAX_POS = 512
B, S = 64, 512
EPS = 1e-05

def setup_inputs(seed: int = 0) -> dict:
    key = jax.random.key(seed)
    k1, k2, k3, k4, k5 = jax.random.split(key, 5)
    input_ids = jax.random.randint(k1, (B, S), 0, VOCAB, dtype=jnp.int64 if jax.config.read('jax_enable_x64') else jnp.int32)
    token_type_ids = jax.random.randint(k2, (B, S), 0, TYPE_VOCAB, dtype=input_ids.dtype)
    word_embedding = jax.random.normal(k3, (VOCAB, HIDDEN), dtype=jnp.float32) * 0.02
    segment_embedding = jax.random.normal(k4, (TYPE_VOCAB, HIDDEN), dtype=jnp.float32) * 0.02
    position_embedding = jax.random.normal(k5, (MAX_POS, HIDDEN), dtype=jnp.float32) * 0.02
    ln_gamma = jnp.ones((HIDDEN,), dtype=jnp.float32)
    ln_beta = jnp.zeros((HIDDEN,), dtype=jnp.float32)
    return {
        'input_ids': input_ids,
        'token_type_ids': token_type_ids,
        'word_embedding': word_embedding,
        'segment_embedding': segment_embedding,
        'position_embedding': position_embedding,
        'ln_gamma': ln_gamma,
        'ln_beta': ln_beta,
    }

def reference(input_ids, token_type_ids, word_embedding, segment_embedding, position_embedding, ln_gamma, ln_beta):
    # token embedding: gather rows from large table
    token_embeddings = jnp.take(word_embedding, input_ids, axis=0)
    # segment embedding
    segment_embeddings = jnp.take(segment_embedding, token_type_ids, axis=0)
    # position embedding: positions 0..S-1, broadcast over batch
    position_ids = jnp.arange(input_ids.shape[1], dtype=jnp.int32)
    position_embeddings = jnp.take(position_embedding, position_ids, axis=0)
    embeddings = token_embeddings + segment_embeddings + position_embeddings[None, :, :]
    # LayerNorm over last axis (epsilon=1e-5), Keras default center+scale
    mean = jnp.mean(embeddings, axis=-1, keepdims=True)
    var = jnp.mean(jnp.square(embeddings - mean), axis=-1, keepdims=True)
    normed = (embeddings - mean) / jnp.sqrt(var + EPS)
    out = normed * ln_gamma + ln_beta
    # dropout is identity at inference (training=None)
    return out

if __name__ == "__main__":
    import jax
    _d = setup_inputs()
    print(jax.jit(kernel)(*tuple(_d.values())))

</pallas_src>

<mosaic_0001>
#map = affine_map<(d0, d1) -> (0, 0)>
#map1 = affine_map<(d0, d1) -> (0)>
module attributes {stable_mosaic.version = 14 : i64} {
  func.func @_body(%arg0: i32, %arg1: i32, %arg2: memref<32x1024xi32, #tpu.memory_space<hbm>>, %arg3: memref<32x1024xi32, #tpu.memory_space<hbm>>, %arg4: memref<100000x768xf32, #tpu.memory_space<hbm>>, %arg5: memref<1024x768xf32, #tpu.memory_space<hbm>>, %arg6: memref<768xf32, #tpu.memory_space<hbm>>, %arg7: memref<768xf32, #tpu.memory_space<hbm>>, %arg8: memref<32768x768xf32, #tpu.memory_space<hbm>>, %arg9: memref<1024xi32, #tpu.memory_space<vmem>>, %arg10: memref<1024xi32, #tpu.memory_space<vmem>>, %arg11: memref<32x768xf32, #tpu.memory_space<vmem>>, %arg12: memref<768xf32, #tpu.memory_space<vmem>>, %arg13: memref<768xf32, #tpu.memory_space<vmem>>, %arg14: memref<4x32x768xf32, #tpu.memory_space<vmem>>, %arg15: memref<4x!tpu.dma_semaphore, #tpu.memory_space<semaphore_mem>>, %arg16: memref<4x!tpu.dma_semaphore, #tpu.memory_space<semaphore_mem>>) attributes {dimension_semantics = [#tpu.dimension_semantics<core_parallel>, #tpu.dimension_semantics<subcore_parallel>], iteration_bounds = array<i64: 2, 16>, scalar_prefetch = 0 : i64, scratch_operands = 8 : i64, tpu.core_type = #tpu.core_type<sc_vector_subcore>, window_params = [{transform_indices = #map}, {transform_indices = #map}, {transform_indices = #map}, {transform_indices = #map}, {transform_indices = #map1}, {transform_indices = #map1}, {transform_indices = #map}]} {
    %mul3A = arith.constant 2 : i32
    %mul3A_0 = arith.muli %arg1, %mul3A : i32
    %add3A = arith.addi %mul3A_0, %arg0 : i32
    "tpu.region"() ({
      %run_scoped3A = tpu.sem_alloc : memref<!tpu.dma_semaphore, #tpu.memory_space<semaphore_mem>>
      %dma_start3A_98 = arith.constant 0 : i32
      %dma_start3A_99 = tpu.memref_slice %arg2[%add3A, %dma_start3A_98] : memref<32x1024xi32, #tpu.memory_space<hbm>> -> memref<1x1024xi32, #tpu.memory_space<hbm>>
      %dma_start3A_100 = tpu.memref_squeeze %dma_start3A_99 : memref<1x1024xi32, #tpu.memory_space<hbm>> -> memref<1024xi32, #tpu.memory_space<hbm>>
      %dma_start3A_101 = arith.constant 0 : i32
      %dma_start3A_102 = tpu.memref_slice %arg2[%add3A, %dma_start3A_101] : memref<32x1024xi32, #tpu.memory_space<hbm>> -> memref<1x1024xi32, #tpu.memory_space<hbm>>
      %dma_start3A_103 = tpu.memref_squeeze %dma_start3A_102 : memref<1x1024xi32, #tpu.memory_space<hbm>> -> memref<1024xi32, #tpu.memory_space<hbm>>
      tpu.enqueue_dma source(%dma_start3A_103 : memref<1024xi32, #tpu.memory_space<hbm>>) target(%arg9 : memref<1024xi32, #tpu.memory_space<vmem>>) target_semaphore(%run_scoped3A : memref<!tpu.dma_semaphore, #tpu.memory_space<semaphore_mem>>)
      %dma_wait3A_104 = arith.constant 0 : i32
      %dma_wait3A_105 = tpu.memref_slice %arg2[%add3A, %dma_wait3A_104] : memref<32x1024xi32, #tpu.memory_space<hbm>> -> memref<1x1024xi32, #tpu.memory_space<hbm>>
      %dma_wait3A_106 = tpu.memref_squeeze %dma_wait3A_105 : memref<1x1024xi32, #tpu.memory_space<hbm>> -> memref<1024xi32, #tpu.memory_space<hbm>>
      %dma_wait3A_107 = arith.constant 0 : i32
      %dma_wait3A_108 = tpu.memref_slice %arg2[%add3A, %dma_wait3A_107] : memref<32x1024xi32, #tpu.memory_space<hbm>> -> memref<1x1024xi32, #tpu.memory_space<hbm>>
      %dma_wait3A_109 = tpu.memref_squeeze %dma_wait3A_108 : memref<1x1024xi32, #tpu.memory_space<hbm>> -> memref<1024xi32, #tpu.memory_space<hbm>>
      tpu.wait_dma2 semaphore(%run_scoped3A : memref<!tpu.dma_semaphore, #tpu.memory_space<semaphore_mem>>) src(%dma_wait3A_109 : memref<1024xi32, #tpu.memory_space<hbm>>) dst(%arg9 : memref<1024xi32, #tpu.memory_space<vmem>>)
      tpu.yield
    }) : () -> ()
    "tpu.region"() ({
      %run_scoped3A = tpu.sem_alloc : memref<!tpu.dma_semaphore, #tpu.memory_space<semaphore_mem>>
      %dma_start3A_98 = arith.constant 0 : i32
      %dma_start3A_99 = tpu.memref_slice %arg3[%add3A, %dma_start3A_98] : memref<32x1024xi32, #tpu.memory_space<hbm>> -> memref<1x1024xi32, #tpu.memory_space<hbm>>
      %dma_start3A_100 = tpu.memref_squeeze %dma_start3A_99 : memref<1x1024xi32, #tpu.memory_space<hbm>> -> memref<1024xi32, #tpu.memory_space<hbm>>
      %dma_start3A_101 = arith.constant 0 : i32
      %dma_start3A_102 = tpu.memref_slice %arg3[%add3A, %dma_start3A_101] : memref<32x1024xi32, #tpu.memory_space<hbm>> -> memref<1x1024xi32, #tpu.memory_space<hbm>>
      %dma_start3A_103 = tpu.memref_squeeze %dma_start3A_102 : memref<1x1024xi32, #tpu.memory_space<hbm>> -> memref<1024xi32, #tpu.memory_space<hbm>>
      tpu.enqueue_dma source(%dma_start3A_103 : memref<1024xi32, #tpu.memory_space<hbm>>) target(%arg10 : memref<1024xi32, #tpu.memory_space<vmem>>) target_semaphore(%run_scoped3A : memref<!tpu.dma_semaphore, #tpu.memory_space<semaphore_mem>>)
      %dma_wait3A_104 = arith.constant 0 : i32
      %dma_wait3A_105 = tpu.memref_slice %arg3[%add3A, %dma_wait3A_104] : memref<32x1024xi32, #tpu.memory_space<hbm>> -> memref<1x1024xi32, #tpu.memory_space<hbm>>
      %dma_wait3A_106 = tpu.memref_squeeze %dma_wait3A_105 : memref<1x1024xi32, #tpu.memory_space<hbm>> -> memref<1024xi32, #tpu.memory_space<hbm>>
      %dma_wait3A_107 = arith.constant 0 : i32
      %dma_wait3A_108 = tpu.memref_slice %arg3[%add3A, %dma_wait3A_107] : memref<32x1024xi32, #tpu.memory_space<hbm>> -> memref<1x1024xi32, #tpu.memory_space<hbm>>
      %dma_wait3A_109 = tpu.memref_squeeze %dma_wait3A_108 : memref<1x1024xi32, #tpu.memory_space<hbm>> -> memref<1024xi32, #tpu.memory_space<hbm>>
      tpu.wait_dma2 semaphore(%run_scoped3A : memref<!tpu.dma_semaphore, #tpu.memory_space<semaphore_mem>>) src(%dma_wait3A_109 : memref<1024xi32, #tpu.memory_space<hbm>>) dst(%arg10 : memref<1024xi32, #tpu.memory_space<vmem>>)
      tpu.yield
    }) : () -> ()
    %mul3A_1 = arith.constant 16 : i32
    %mul3A_2 = arith.muli %add3A, %mul3A_1 : i32
    "tpu.region"() ({
      %run_scoped3A = tpu.sem_alloc : memref<!tpu.dma_semaphore, #tpu.memory_space<semaphore_mem>>
      %dma_start3A_98 = arith.constant 0 : i32
      %dma_start3A_99 = arith.constant 0 : i32
      %dma_start3A_100 = tpu.memref_slice %arg11[%dma_start3A_98, %dma_start3A_99] : memref<32x768xf32, #tpu.memory_space<vmem>> -> memref<16x768xf32, #tpu.memory_space<vmem>>
      %dma_start3A_101 = arith.constant 0 : i32
      %dma_start3A_102 = tpu.memref_slice %arg5[%mul3A_2, %dma_start3A_101] : memref<1024x768xf32, #tpu.memory_space<hbm>> -> memref<16x768xf32, #tpu.memory_space<hbm>>
      %dma_start3A_103 = arith.constant 0 : i32
      %dma_start3A_104 = arith.constant 0 : i32
      %dma_start3A_105 = tpu.memref_slice %arg11[%dma_start3A_103, %dma_start3A_104] : memref<32x768xf32, #tpu.memory_space<vmem>> -> memref<16x768xf32, #tpu.memory_space<vmem>>
      %dma_start3A_106 = arith.constant 0 : i32
      %dma_start3A_107 = tpu.memref_slice %arg5[%mul3A_2, %dma_start3A_106] : memref<1024x768xf32, #tpu.memory_space<hbm>> -> memref<16x768xf32, #tpu.memory_space<hbm>>
      tpu.enqueue_dma source(%dma_start3A_107 : memref<16x768xf32, #tpu.memory_space<hbm>>) target(%dma_start3A_105 : memref<16x768xf32, #tpu.memory_space<vmem>>) target_semaphore(%run_scoped3A : memref<!tpu.dma_semaphore, #tpu.memory_space<semaphore_mem>>)
      %dma_wait3A_108 = arith.constant 0 : i32
      %dma_wait3A_109 = arith.constant 0 : i32
      %dma_wait3A_110 = tpu.memref_slice %arg11[%dma_wait3A_108, %dma_wait3A_109] : memref<32x768xf32, #tpu.memory_space<vmem>> -> memref<16x768xf32, #tpu.memory_space<vmem>>
      %dma_wait3A_111 = arith.constant 0 : i32
      %dma_wait3A_112 = tpu.memref_slice %arg5[%mul3A_2, %dma_wait3A_111] : memref<1024x768xf32, #tpu.memory_space<hbm>> -> memref<16x768xf32, #tpu.memory_space<hbm>>
      %dma_wait3A_113 = arith.constant 0 : i32
      %dma_wait3A_114 = arith.constant 0 : i32
      %dma_wait3A_115 = tpu.memref_slice %arg11[%dma_wait3A_113, %dma_wait3A_114] : memref<32x768xf32, #tpu.memory_space<vmem>> -> memref<16x768xf32, #tpu.memory_space<vmem>>
      %dma_wait3A_116 = arith.constant 0 : i32
      %dma_wait3A_117 = tpu.memref_slice %arg5[%mul3A_2, %dma_wait3A_116] : memref<1024x768xf32, #tpu.memory_space<hbm>> -> memref<16x768xf32, #tpu.memory_space<hbm>>
      tpu.wait_dma2 semaphore(%run_scoped3A : memref<!tpu.dma_semaphore, #tpu.memory_space<semaphore_mem>>) src(%dma_wait3A_117 : memref<16x768xf32, #tpu.memory_space<hbm>>) dst(%dma_wait3A_115 : memref<16x768xf32, #tpu.memory_space<vmem>>)
      tpu.yield
    }) : () -> ()
    %mul3A_3 = arith.constant 16 : i32
    %mul3A_4 = arith.muli %add3A, %mul3A_3 : i32
    %add3A_5 = arith.constant 512 : i32
    %add3A_6 = arith.addi %add3A_5, %mul3A_4 : i32
    "tpu.region"() ({
      %run_scoped3A = tpu.sem_alloc : memref<!tpu.dma_semaphore, #tpu.memory_space<semaphore_mem>>
      %dma_start3A_98 = arith.constant 16 : i32
      %dma_start3A_99 = arith.constant 0 : i32
      %dma_start3A_100 = tpu.memref_slice %arg11[%dma_start3A_98, %dma_start3A_99] : memref<32x768xf32, #tpu.memory_space<vmem>> -> memref<16x768xf32, #tpu.memory_space<vmem>>
      %dma_start3A_101 = arith.constant 0 : i32
      %dma_start3A_102 = tpu.memref_slice %arg5[%add3A_6, %dma_start3A_101] : memref<1024x768xf32, #tpu.memory_space<hbm>> -> memref<16x768xf32, #tpu.memory_space<hbm>>
      %dma_start3A_103 = arith.constant 16 : i32
      %dma_start3A_104 = arith.constant 0 : i32
      %dma_start3A_105 = tpu.memref_slice %arg11[%dma_start3A_103, %dma_start3A_104] : memref<32x768xf32, #tpu.memory_space<vmem>> -> memref<16x768xf32, #tpu.memory_space<vmem>>
      %dma_start3A_106 = arith.constant 0 : i32
      %dma_start3A_107 = tpu.memref_slice %arg5[%add3A_6, %dma_start3A_106] : memref<1024x768xf32, #tpu.memory_space<hbm>> -> memref<16x768xf32, #tpu.memory_space<hbm>>
      tpu.enqueue_dma source(%dma_start3A_107 : memref<16x768xf32, #tpu.memory_space<hbm>>) target(%dma_start3A_105 : memref<16x768xf32, #tpu.memory_space<vmem>>) target_semaphore(%run_scoped3A : memref<!tpu.dma_semaphore, #tpu.memory_space<semaphore_mem>>)
      %dma_wait3A_108 = arith.constant 16 : i32
      %dma_wait3A_109 = arith.constant 0 : i32
      %dma_wait3A_110 = tpu.memref_slice %arg11[%dma_wait3A_108, %dma_wait3A_109] : memref<32x768xf32, #tpu.memory_space<vmem>> -> memref<16x768xf32, #tpu.memory_space<vmem>>
      %dma_wait3A_111 = arith.constant 0 : i32
      %dma_wait3A_112 = tpu.memref_slice %arg5[%add3A_6, %dma_wait3A_111] : memref<1024x768xf32, #tpu.memory_space<hbm>> -> memref<16x768xf32, #tpu.memory_space<hbm>>
      %dma_wait3A_113 = arith.constant 16 : i32
      %dma_wait3A_114 = arith.constant 0 : i32
      %dma_wait3A_115 = tpu.memref_slice %arg11[%dma_wait3A_113, %dma_wait3A_114] : memref<32x768xf32, #tpu.memory_space<vmem>> -> memref<16x768xf32, #tpu.memory_space<vmem>>
      %dma_wait3A_116 = arith.constant 0 : i32
      %dma_wait3A_117 = tpu.memref_slice %arg5[%add3A_6, %dma_wait3A_116] : memref<1024x768xf32, #tpu.memory_space<hbm>> -> memref<16x768xf32, #tpu.memory_space<hbm>>
      tpu.wait_dma2 semaphore(%run_scoped3A : memref<!tpu.dma_semaphore, #tpu.memory_space<semaphore_mem>>) src(%dma_wait3A_117 : memref<16x768xf32, #tpu.memory_space<hbm>>) dst(%dma_wait3A_115 : memref<16x768xf32, #tpu.memory_space<vmem>>)
      tpu.yield
    }) : () -> ()
    "tpu.region"() ({
      %run_scoped3A = tpu.sem_alloc : memref<!tpu.dma_semaphore, #tpu.memory_space<semaphore_mem>>
      tpu.enqueue_dma source(%arg6 : memref<768xf32, #tpu.memory_space<hbm>>) target(%arg12 : memref<768xf32, #tpu.memory_space<vmem>>) target_semaphore(%run_scoped3A : memref<!tpu.dma_semaphore, #tpu.memory_space<semaphore_mem>>)
      tpu.wait_dma2 semaphore(%run_scoped3A : memref<!tpu.dma_semaphore, #tpu.memory_space<semaphore_mem>>) src(%arg6 : memref<768xf32, #tpu.memory_space<hbm>>) dst(%arg12 : memref<768xf32, #tpu.memory_space<vmem>>)
      tpu.yield
    }) : () -> ()
    "tpu.region"() ({
      %run_scoped3A = tpu.sem_alloc : memref<!tpu.dma_semaphore, #tpu.memory_space<semaphore_mem>>
      tpu.enqueue_dma source(%arg7 : memref<768xf32, #tpu.memory_space<hbm>>) target(%arg13 : memref<768xf32, #tpu.memory_space<vmem>>) target_semaphore(%run_scoped3A : memref<!tpu.dma_semaphore, #tpu.memory_space<semaphore_mem>>)
      tpu.wait_dma2 semaphore(%run_scoped3A : memref<!tpu.dma_semaphore, #tpu.memory_space<semaphore_mem>>) src(%arg7 : memref<768xf32, #tpu.memory_space<hbm>>) dst(%arg13 : memref<768xf32, #tpu.memory_space<vmem>>)
      tpu.yield
    }) : () -> ()
    %dma_start3A = arith.constant 0 : i32
    %dma_start3A_7 = arith.constant 0 : i32
    %dma_start3A_8 = arith.constant 0 : i32
    %dma_start3A_9 = arith.constant 0 : i32
    %dma_start3A_10 = tpu.memref_slice %arg14[%dma_start3A, %dma_start3A_8, %dma_start3A_9] : memref<4x32x768xf32, #tpu.memory_space<vmem>> -> memref<1x32x768xf32, #tpu.memory_space<vmem>>
    %dma_start3A_11 = tpu.memref_squeeze %dma_start3A_10 : memref<1x32x768xf32, #tpu.memory_space<vmem>> -> memref<32x768xf32, #tpu.memory_space<vmem>>
    %dma_start3A_12 = arith.constant 0 : i32
    %dma_start3A_13 = tpu.memref_slice %arg9[%dma_start3A_12] : memref<1024xi32, #tpu.memory_space<vmem>> -> memref<32xi32, #tpu.memory_space<vmem>>
    %dma_start3A_14 = arith.constant 0 : i32
    %dma_start3A_15 = arith.constant 0 : i32
    %dma_start3A_16 = tpu.memref_slice %arg4[%dma_start3A_14, %dma_start3A_15] : memref<100000x768xf32, #tpu.memory_space<hbm>> -> memref<100000x768xf32, #tpu.memory_space<hbm>>
    %dma_start3A_17 = tpu.memref_slice %arg15[%dma_start3A_7] : memref<4x!tpu.dma_semaphore, #tpu.memory_space<semaphore_mem>> -> memref<1x!tpu.dma_semaphore, #tpu.memory_space<semaphore_mem>>
    %dma_start3A_18 = tpu.memref_squeeze %dma_start3A_17 : memref<1x!tpu.dma_semaphore, #tpu.memory_space<semaphore_mem>> -> memref<!tpu.dma_semaphore, #tpu.memory_space<semaphore_mem>>
    tpu.enqueue_indirect_dma source(%dma_start3A_16 : memref<100000x768xf32, #tpu.memory_space<hbm>>) target(%dma_start3A_11 : memref<32x768xf32, #tpu.memory_space<vmem>>) offsets(%dma_start3A_13 : memref<32xi32, #tpu.memory_space<vmem>>) semaphore(%dma_start3A_18 : memref<!tpu.dma_semaphore, #tpu.memory_space<semaphore_mem>>)
    %dma_start3A_19 = arith.constant 1 : i32
    %dma_start3A_20 = arith.constant 1 : i32
    %dma_start3A_21 = arith.constant 0 : i32
    %dma_start3A_22 = arith.constant 0 : i32
    %dma_start3A_23 = tpu.memref_slice %arg14[%dma_start3A_19, %dma_start3A_21, %dma_start3A_22] : memref<4x32x768xf32, #tpu.memory_space<vmem>> -> memref<1x32x768xf32, #tpu.memory_space<vmem>>
    %dma_start3A_24 = tpu.memref_squeeze %dma_start3A_23 : memref<1x32x768xf32, #tpu.memory_space<vmem>> -> memref<32x768xf32, #tpu.memory_space<vmem>>
    %dma_start3A_25 = arith.constant 32 : i32
    %dma_start3A_26 = tpu.memref_slice %arg9[%dma_start3A_25] : memref<1024xi32, #tpu.memory_space<vmem>> -> memref<32xi32, #tpu.memory_space<vmem>>
    %dma_start3A_27 = arith.constant 0 : i32
    %dma_start3A_28 = arith.constant 0 : i32
    %dma_start3A_29 = tpu.memref_slice %arg4[%dma_start3A_27, %dma_start3A_28] : memref<100000x768xf32, #tpu.memory_space<hbm>> -> memref<100000x768xf32, #tpu.memory_space<hbm>>
    %dma_start3A_30 = tpu.memref_slice %arg15[%dma_start3A_20] : memref<4x!tpu.dma_semaphore, #tpu.memory_space<semaphore_mem>> -> memref<1x!tpu.dma_semaphore, #tpu.memory_space<semaphore_mem>>
    %dma_start3A_31 = tpu.memref_squeeze %dma_start3A_30 : memref<1x!tpu.dma_semaphore, #tpu.memory_space<semaphore_mem>> -> memref<!tpu.dma_semaphore, #tpu.memory_space<semaphore_mem>>
    tpu.enqueue_indirect_dma source(%dma_start3A_29 : memref<100000x768xf32, #tpu.memory_space<hbm>>) target(%dma_start3A_24 : memref<32x768xf32, #tpu.memory_space<vmem>>) offsets(%dma_start3A_26 : memref<32xi32, #tpu.memory_space<vmem>>) semaphore(%dma_start3A_31 : memref<!tpu.dma_semaphore, #tpu.memory_space<semaphore_mem>>)
    %dma_start3A_32 = arith.constant 2 : i32
    %dma_start3A_33 = arith.constant 2 : i32
    %dma_start3A_34 = arith.constant 0 : i32
    %dma_start3A_35 = arith.constant 0 : i32
    %dma_start3A_36 = tpu.memref_slice %arg14[%dma_start3A_32, %dma_start3A_34, %dma_start3A_35] : memref<4x32x768xf32, #tpu.memory_space<vmem>> -> memref<1x32x768xf32, #tpu.memory_space<vmem>>
    %dma_start3A_37 = tpu.memref_squeeze %dma_start3A_36 : memref<1x32x768xf32, #tpu.memory_space<vmem>> -> memref<32x768xf32, #tpu.memory_space<vmem>>
    %dma_start3A_38 = arith.constant 64 : i32
    %dma_start3A_39 = tpu.memref_slice %arg9[%dma_start3A_38] : memref<1024xi32, #tpu.memory_space<vmem>> -> memref<32xi32, #tpu.memory_space<vmem>>
    %dma_start3A_40 = arith.constant 0 : i32
    %dma_start3A_41 = arith.constant 0 : i32
    %dma_start3A_42 = tpu.memref_slice %arg4[%dma_start3A_40, %dma_start3A_41] : memref<100000x768xf32, #tpu.memory_space<hbm>> -> memref<100000x768xf32, #tpu.memory_space<hbm>>
    %dma_start3A_43 = tpu.memref_slice %arg15[%dma_start3A_33] : memref<4x!tpu.dma_semaphore, #tpu.memory_space<semaphore_mem>> -> memref<1x!tpu.dma_semaphore, #tpu.memory_space<semaphore_mem>>
    %dma_start3A_44 = tpu.memref_squeeze %dma_start3A_43 : memref<1x!tpu.dma_semaphore, #tpu.memory_space<semaphore_mem>> -> memref<!tpu.dma_semaphore, #tpu.memory_space<semaphore_mem>>
    tpu.enqueue_indirect_dma source(%dma_start3A_42 : memref<100000x768xf32, #tpu.memory_space<hbm>>) target(%dma_start3A_37 : memref<32x768xf32, #tpu.memory_space<vmem>>) offsets(%dma_start3A_39 : memref<32xi32, #tpu.memory_space<vmem>>) semaphore(%dma_start3A_44 : memref<!tpu.dma_semaphore, #tpu.memory_space<semaphore_mem>>)
    %dma_start3A_45 = arith.constant 3 : i32
    %dma_start3A_46 = arith.constant 3 : i32
    %dma_start3A_47 = arith.constant 0 : i32
    %dma_start3A_48 = arith.constant 0 : i32
    %dma_start3A_49 = tpu.memref_slice %arg14[%dma_start3A_45, %dma_start3A_47, %dma_start3A_48] : memref<4x32x768xf32, #tpu.memory_space<vmem>> -> memref<1x32x768xf32, #tpu.memory_space<vmem>>
    %dma_start3A_50 = tpu.memref_squeeze %dma_start3A_49 : memref<1x32x768xf32, #tpu.memory_space<vmem>> -> memref<32x768xf32, #tpu.memory_space<vmem>>
    %dma_start3A_51 = arith.constant 96 : i32
    %dma_start3A_52 = tpu.memref_slice %arg9[%dma_start3A_51] : memref<1024xi32, #tpu.memory_space<vmem>> -> memref<32xi32, #tpu.memory_space<vmem>>
    %dma_start3A_53 = arith.constant 0 : i32
    %dma_start3A_54 = arith.constant 0 : i32
    %dma_start3A_55 = tpu.memref_slice %arg4[%dma_start3A_53, %dma_start3A_54] : memref<100000x768xf32, #tpu.memory_space<hbm>> -> memref<100000x768xf32, #tpu.memory_space<hbm>>
    %dma_start3A_56 = tpu.memref_slice %arg15[%dma_start3A_46] : memref<4x!tpu.dma_semaphore, #tpu.memory_space<semaphore_mem>> -> memref<1x!tpu.dma_semaphore, #tpu.memory_space<semaphore_mem>>
    %dma_start3A_57 = tpu.memref_squeeze %dma_start3A_56 : memref<1x!tpu.dma_semaphore, #tpu.memory_space<semaphore_mem>> -> memref<!tpu.dma_semaphore, #tpu.memory_space<semaphore_mem>>
    tpu.enqueue_indirect_dma source(%dma_start3A_55 : memref<100000x768xf32, #tpu.memory_space<hbm>>) target(%dma_start3A_50 : memref<32x768xf32, #tpu.memory_space<vmem>>) offsets(%dma_start3A_52 : memref<32xi32, #tpu.memory_space<vmem>>) semaphore(%dma_start3A_57 : memref<!tpu.dma_semaphore, #tpu.memory_space<semaphore_mem>>)
    %scan3A = arith.constant 0 : i32
    %scan3A_58 = arith.constant 0 : i32
    %scan3A_59 = arith.constant 32 : i32
    %scan3A_60 = arith.addi %scan3A_58, %scan3A_59 : i32
    %scan3A_61 = arith.constant 1 : i32
    scf.for %scan3A_98 = %scan3A_58 to %scan3A_60 step %scan3A_61  : i32 {
      %and3A = arith.constant 3 : i32
      %and3A_99 = arith.andi %scan3A_98, %and3A : i32
      %dma_wait3A_100 = arith.constant 0 : i32
      %dma_wait3A_101 = arith.constant 0 : i32
      %dma_wait3A_102 = tpu.memref_slice %arg14[%and3A_99, %dma_wait3A_100, %dma_wait3A_101] : memref<4x32x768xf32, #tpu.memory_space<vmem>> -> memref<1x32x768xf32, #tpu.memory_space<vmem>>
      %dma_wait3A_103 = tpu.memref_squeeze %dma_wait3A_102 : memref<1x32x768xf32, #tpu.memory_space<vmem>> -> memref<32x768xf32, #tpu.memory_space<vmem>>
      %dma_wait3A_104 = arith.constant 0 : i32
      %dma_wait3A_105 = tpu.memref_slice %arg9[%dma_wait3A_104] : memref<1024xi32, #tpu.memory_space<vmem>> -> memref<32xi32, #tpu.memory_space<vmem>>
      %dma_wait3A_106 = arith.constant 0 : i32
      %dma_wait3A_107 = arith.constant 0 : i32
      %dma_wait3A_108 = tpu.memref_slice %arg4[%dma_wait3A_106, %dma_wait3A_107] : memref<100000x768xf32, #tpu.memory_space<hbm>> -> memref<100000x768xf32, #tpu.memory_space<hbm>>
      %dma_wait3A_109 = tpu.memref_slice %arg15[%and3A_99] : memref<4x!tpu.dma_semaphore, #tpu.memory_space<semaphore_mem>> -> memref<1x!tpu.dma_semaphore, #tpu.memory_space<semaphore_mem>>
      %dma_wait3A_110 = tpu.memref_squeeze %dma_wait3A_109 : memref<1x!tpu.dma_semaphore, #tpu.memory_space<semaphore_mem>> -> memref<!tpu.dma_semaphore, #tpu.memory_space<semaphore_mem>>
      tpu.wait_indirect_dma semaphore(%dma_wait3A_110 : memref<!tpu.dma_semaphore, #tpu.memory_space<semaphore_mem>>) src(%dma_wait3A_108 : memref<100000x768xf32, #tpu.memory_space<hbm>>) dst(%dma_wait3A_103 : memref<32x768xf32, #tpu.memory_space<vmem>>)
      %mul3A_111 = arith.constant 32 : i32
      %mul3A_112 = arith.muli %scan3A_98, %mul3A_111 : i32
      %parallel_loop3A = arith.constant 0 : i32
      %parallel_loop3A_113 = arith.constant 32 : i32
      %parallel_loop3A_114 = arith.constant 1 : i32
      scf.for %parallel_loop3A_177 = %parallel_loop3A to %parallel_loop3A_113 step %parallel_loop3A_114  : i32 {
        %parallel_loop3A_178 = arith.constant 15 : i32
        %parallel_loop3A_179 = arith.andi %parallel_loop3A_177, %parallel_loop3A_178 : i32
        %parallel_loop3A_180 = arith.addi %mul3A_112, %parallel_loop3A_177 : i32
        %parallel_loop3A_181 = arith.subi %parallel_loop3A_180, %parallel_loop3A_179 : i32
        %parallel_loop3A_182 = arith.index_cast %parallel_loop3A_181 : i32 to index
        %parallel_loop3A_183 = tpu.vector_load %arg10[%parallel_loop3A_182] {strides = array<i32>} : memref<1024xi32, #tpu.memory_space<vmem>>, vector<16xi32>,
        %parallel_loop3A_184 = vector.shape_cast %parallel_loop3A_183 : vector<16xi32> to vector<16xi32>
        %parallel_loop3A_185 = tpu.iota {dimensions = array<i32: 0>} : vector<16xi32>
        %parallel_loop3A_186 = vector.broadcast %parallel_loop3A_179 : i32 to vector<16xi32>
        %parallel_loop3A_187 = arith.cmpi eq, %parallel_loop3A_185, %parallel_loop3A_186 : vector<16xi32>
        %parallel_loop3A_188 = arith.constant 0 : i32
        %parallel_loop3A_189 = vector.broadcast %parallel_loop3A_188 : i32 to vector<16xi32>
        %parallel_loop3A_190 = arith.select %parallel_loop3A_187, %parallel_loop3A_184, %parallel_loop3A_189 : vector<16xi1>, vector<16xi32>
        %parallel_loop3A_191 = tpu.iota {dimensions = array<i32: 0>} : vector<16xi32>
        %parallel_loop3A_192 = arith.constant 1 : i32
        %parallel_loop3A_193 = vector.broadcast %parallel_loop3A_192 : i32 to vector<16xi32>
        %parallel_loop3A_194 = arith.xori %parallel_loop3A_191, %parallel_loop3A_193 : vector<16xi32>
        %parallel_loop3A_195 = vector.shape_cast %parallel_loop3A_194 : vector<16xi32> to vector<16x1xi32>
        %parallel_loop3A_196 = vector.shape_cast %parallel_loop3A_195 : vector<16x1xi32> to vector<16xi32>
        %parallel_loop3A_197 = tpu.dynamic_gather %parallel_loop3A_190[%parallel_loop3A_196] in [0] : vector<16xi32>, vector<16xi32> -> vector<16xi32>
        %parallel_loop3A_198 = arith.addi %parallel_loop3A_190, %parallel_loop3A_197 : vector<16xi32>
        %parallel_loop3A_199 = arith.constant 2 : i32
        %parallel_loop3A_200 = vector.broadcast %parallel_loop3A_199 : i32 to vector<16xi32>
        %parallel_loop3A_201 = arith.xori %parallel_loop3A_191, %parallel_loop3A_200 : vector<16xi32>
        %parallel_loop3A_202 = vector.shape_cast %parallel_loop3A_201 : vector<16xi32> to vector<16x1xi32>
        %parallel_loop3A_203 = vector.shape_cast %parallel_loop3A_202 : vector<16x1xi32> to vector<16xi32>
        %parallel_loop3A_204 = tpu.dynamic_gather %parallel_loop3A_198[%parallel_loop3A_203] in [0] : vector<16xi32>, vector<16xi32> -> vector<16xi32>
        %parallel_loop3A_205 = arith.addi %parallel_loop3A_198, %parallel_loop3A_204 : vector<16xi32>
        %parallel_loop3A_206 = arith.constant 4 : i32
        %parallel_loop3A_207 = vector.broadcast %parallel_loop3A_206 : i32 to vector<16xi32>
        %parallel_loop3A_208 = arith.xori %parallel_loop3A_191, %parallel_loop3A_207 : vector<16xi32>
        %parallel_loop3A_209 = vector.shape_cast %parallel_loop3A_208 : vector<16xi32> to vector<16x1xi32>
        %parallel_loop3A_210 = vector.shape_cast %parallel_loop3A_209 : vector<16x1xi32> to vector<16xi32>
        %parallel_loop3A_211 = tpu.dynamic_gather %parallel_loop3A_205[%parallel_loop3A_210] in [0] : vector<16xi32>, vector<16xi32> -> vector<16xi32>
        %parallel_loop3A_212 = arith.addi %parallel_loop3A_205, %parallel_loop3A_211 : vector<16xi32>
        %parallel_loop3A_213 = arith.constant 8 : i32
        %parallel_loop3A_214 = vector.broadcast %parallel_loop3A_213 : i32 to vector<16xi32>
        %parallel_loop3A_215 = arith.xori %parallel_loop3A_191, %parallel_loop3A_214 : vector<16xi32>
        %parallel_loop3A_216 = vector.shape_cast %parallel_loop3A_215 : vector<16xi32> to vector<16x1xi32>
        %parallel_loop3A_217 = vector.shape_cast %parallel_loop3A_216 : vector<16x1xi32> to vector<16xi32>
        %parallel_loop3A_218 = tpu.dynamic_gather %parallel_loop3A_212[%parallel_loop3A_217] in [0] : vector<16xi32>, vector<16xi32> -> vector<16xi32>
        %parallel_loop3A_219 = arith.addi %parallel_loop3A_212, %parallel_loop3A_218 : vector<16xi32>
        %parallel_loop3A_220 = vector.extract_strided_slice %parallel_loop3A_219 {offsets = [0], sizes = [1], strides = [1]} : vector<16xi32> to vector<1xi32>
        %parallel_loop3A_221 = vector.extract %parallel_loop3A_220[0] : i32 from vector<1xi32>
        %parallel_loop3A_222 = arith.addi %parallel_loop3A_221, %parallel_loop3A_179 : i32
        %parallel_loop3A_223 = arith.constant 0.000000e+00 : f32
        %parallel_loop3A_224 = vector.broadcast %parallel_loop3A_223 : f32 to vector<16xf32>
        %parallel_loop3A_225 = arith.constant 0.000000e+00 : f32
        %parallel_loop3A_226 = vector.broadcast %parallel_loop3A_225 : f32 to vector<16xf32>
        %parallel_loop3A_227 = arith.index_cast %and3A_99 : i32 to index
        %parallel_loop3A_228 = arith.index_cast %parallel_loop3A_177 : i32 to index
        %parallel_loop3A_229 = arith.constant 0 : index
        %parallel_loop3A_230 = tpu.vector_load %arg14[%parallel_loop3A_227, %parallel_loop3A_228, %parallel_loop3A_229] {strides = array<i32>} : memref<4x32x768xf32, #tpu.memory_space<vmem>>, vector<1x1x16xf32>,
        %parallel_loop3A_231 = vector.shape_cast %parallel_loop3A_230 : vector<1x1x16xf32> to vector<16xf32>
        %parallel_loop3A_232 = arith.index_cast %parallel_loop3A_222 : i32 to index
        %parallel_loop3A_233 = arith.constant 0 : index
        %parallel_loop3A_234 = tpu.vector_load %arg11[%parallel_loop3A_232, %parallel_loop3A_233] {strides = array<i32>} : memref<32x768xf32, #tpu.memory_space<vmem>>, vector<1x16xf32>,
        %parallel_loop3A_235 = vector.shape_cast %parallel_loop3A_234 : vector<1x16xf32> to vector<16xf32>
        %parallel_loop3A_236 = arith.addf %parallel_loop3A_231, %parallel_loop3A_235 : vector<16xf32>
        %parallel_loop3A_237 = arith.index_cast %and3A_99 : i32 to index
        %parallel_loop3A_238 = arith.index_cast %parallel_loop3A_177 : i32 to index
        %parallel_loop3A_239 = arith.constant 0 : index
        %parallel_loop3A_240 = tpu.vector_load %arg14[%parallel_loop3A_237, %parallel_loop3A_238, %parallel_loop3A_239] {strides = array<i32>} : memref<4x32x768xf32, #tpu.memory_space<vmem>>, vector<1x1x16xf32>,
        %parallel_loop3A_241 = vector.shape_cast %parallel_loop3A_240 : vector<1x1x16xf32> to vector<16xf32>
        %parallel_loop3A_242 = vector.shape_cast %parallel_loop3A_236 : vector<16xf32> to vector<1x1x16xf32>
        tpu.vector_store %arg14[%parallel_loop3A_237, %parallel_loop3A_238, %parallel_loop3A_239], %parallel_loop3A_242 {strides = array<i32>} : memref<4x32x768xf32, #tpu.memory_space<vmem>>, vector<1x1x16xf32>,
        %parallel_loop3A_243 = arith.addf %parallel_loop3A_224, %parallel_loop3A_236 : vector<16xf32>
        %parallel_loop3A_244 = arith.mulf %parallel_loop3A_236, %parallel_loop3A_236 : vector<16xf32>
        %parallel_loop3A_245 = arith.addf %parallel_loop3A_226, %parallel_loop3A_244 : vector<16xf32>
        %parallel_loop3A_246 = arith.index_cast %and3A_99 : i32 to index
        %parallel_loop3A_247 = arith.index_cast %parallel_loop3A_177 : i32 to index
        %parallel_loop3A_248 = arith.constant 16 : index
        %parallel_loop3A_249 = tpu.vector_load %arg14[%parallel_loop3A_246, %parallel_loop3A_247, %parallel_loop3A_248] {strides = array<i32>} : memref<4x32x768xf32, #tpu.memory_space<vmem>>, vector<1x1x16xf32>,
        %parallel_loop3A_250 = vector.shape_cast %parallel_loop3A_249 : vector<1x1x16xf32> to vector<16xf32>
        %parallel_loop3A_251 = arith.index_cast %parallel_loop3A_222 : i32 to index
        %parallel_loop3A_252 = arith.constant 16 : index
        %parallel_loop3A_253 = tpu.vector_load %arg11[%parallel_loop3A_251, %parallel_loop3A_252] {strides = array<i32>} : memref<32x768xf32, #tpu.memory_space<vmem>>, vector<1x16xf32>,
        %parallel_loop3A_254 = vector.shape_cast %parallel_loop3A_253 : vector<1x16xf32> to vector<16xf32>
        %parallel_loop3A_255 = arith.addf %parallel_loop3A_250, %parallel_loop3A_254 : vector<16xf32>
        %parallel_loop3A_256 = arith.index_cast %and3A_99 : i32 to index
        %parallel_loop3A_257 = arith.index_cast %parallel_loop3A_177 : i32 to index
        %parallel_loop3A_258 = arith.constant 16 : index
        %parallel_loop3A_259 = tpu.vector_load %arg14[%parallel_loop3A_256, %parallel_loop3A_257, %parallel_loop3A_258] {strides = array<i32>} : memref<4x32x768xf32, #tpu.memory_space<vmem>>, vector<1x1x16xf32>,
        %parallel_loop3A_260 = vector.shape_cast %parallel_loop3A_259 : vector<1x1x16xf32> to vector<16xf32>
        %parallel_loop3A_261 = vector.shape_cast %parallel_loop3A_255 : vector<16xf32> to vector<1x1x16xf32>
        tpu.vector_store %arg14[%parallel_loop3A_256, %parallel_loop3A_257, %parallel_loop3A_258], %parallel_loop3A_261 {strides = array<i32>} : memref<4x32x768xf32, #tpu.memory_space<vmem>>, vector<1x1x16xf32>,
        %parallel_loop3A_262 = arith.addf %parallel_loop3A_243, %parallel_loop3A_255 : vector<16xf32>
        %parallel_loop3A_263 = arith.mulf %parallel_loop3A_255, %parallel_loop3A_255 : vector<16xf32>
        %parallel_loop3A_264 = arith.addf %parallel_loop3A_245, %parallel_loop3A_263 : vector<16xf32>
        %parallel_loop3A_265 = arith.index_cast %and3A_99 : i32 to index
        %parallel_loop3A_266 = arith.index_cast %parallel_loop3A_177 : i32 to index
        %parallel_loop3A_267 = arith.constant 32 : index
        %parallel_loop3A_268 = tpu.vector_load %arg14[%parallel_loop3A_265, %parallel_loop3A_266, %parallel_loop3A_267] {strides = array<i32>} : memref<4x32x768xf32, #tpu.memory_space<vmem>>, vector<1x1x16xf32>,
        %parallel_loop3A_269 = vector.shape_cast %parallel_loop3A_268 : vector<1x1x16xf32> to vector<16xf32>
        %parallel_loop3A_270 = arith.index_cast %parallel_loop3A_222 : i32 to index
        %parallel_loop3A_271 = arith.constant 32 : index
        %parallel_loop3A_272 = tpu.vector_load %arg11[%parallel_loop3A_270, %parallel_loop3A_271] {strides = array<i32>} : memref<32x768xf32, #tpu.memory_space<vmem>>, vector<1x16xf32>,
        %parallel_loop3A_273 = vector.shape_cast %parallel_loop3A_272 : vector<1x16xf32> to vector<16xf32>
        %parallel_loop3A_274 = arith.addf %parallel_loop3A_269, %parallel_loop3A_273 : vector<16xf32>
        %parallel_loop3A_275 = arith.index_cast %and3A_99 : i32 to index
        %parallel_loop3A_276 = arith.index_cast %parallel_loop3A_177 : i32 to index
        %parallel_loop3A_277 = arith.constant 32 : index
        %parallel_loop3A_278 = tpu.vector_load %arg14[%parallel_loop3A_275, %parallel_loop3A_276, %parallel_loop3A_277] {strides = array<i32>} : memref<4x32x768xf32, #tpu.memory_space<vmem>>, vector<1x1x16xf32>,
        %parallel_loop3A_279 = vector.shape_cast %parallel_loop3A_278 : vector<1x1x16xf32> to vector<16xf32>
        %parallel_loop3A_280 = vector.shape_cast %parallel_loop3A_274 : vector<16xf32> to vector<1x1x16xf32>
        tpu.vector_store %arg14[%parallel_loop3A_275, %parallel_loop3A_276, %parallel_loop3A_277], %parallel_loop3A_280 {strides = array<i32>} : memref<4x32x768xf32, #tpu.memory_space<vmem>>, vector<1x1x16xf32>,
        %parallel_loop3A_281 = arith.addf %parallel_loop3A_262, %parallel_loop3A_274 : vector<16xf32>
        %parallel_loop3A_282 = arith.mulf %parallel_loop3A_274, %parallel_loop3A_274 : vector<16xf32>
        %parallel_loop3A_283 = arith.addf %parallel_loop3A_264, %parallel_loop3A_282 : vector<16xf32>
        %parallel_loop3A_284 = arith.index_cast %and3A_99 : i32 to index
        %parallel_loop3A_285 = arith.index_cast %parallel_loop3A_177 : i32 to index
        %parallel_loop3A_286 = arith.constant 48 : index
        %parallel_loop3A_287 = tpu.vector_load %arg14[%parallel_loop3A_284, %parallel_loop3A_285, %parallel_loop3A_286] {strides = array<i32>} : memref<4x32x768xf32, #tpu.memory_space<vmem>>, vector<1x1x16xf32>,
        %parallel_loop3A_288 = vector.shape_cast %parallel_loop3A_287 : vector<1x1x16xf32> to vector<16xf32>
        %parallel_loop3A_289 = arith.index_cast %parallel_loop3A_222 : i32 to index
        %parallel_loop3A_290 = arith.constant 48 : index
        %parallel_loop3A_291 = tpu.vector_load %arg11[%parallel_loop3A_289, %parallel_loop3A_290] {strides = array<i32>} : memref<32x768xf32, #tpu.memory_space<vmem>>, vector<1x16xf32>,
        %parallel_loop3A_292 = vector.shape_cast %parallel_loop3A_291 : vector<1x16xf32> to vector<16xf32>
        %parallel_loop3A_293 = arith.addf %parallel_loop3A_288, %parallel_loop3A_292 : vector<16xf32>
        %parallel_loop3A_294 = arith.index_cast %and3A_99 : i32 to index
        %parallel_loop3A_295 = arith.index_cast %parallel_loop3A_177 : i32 to index
        %parallel_loop3A_296 = arith.constant 48 : index
        %parallel_loop3A_297 = tpu.vector_load %arg14[%parallel_loop3A_294, %parallel_loop3A_295, %parallel_loop3A_296] {strides = array<i32>} : memref<4x32x768xf32, #tpu.memory_space<vmem>>, vector<1x1x16xf32>,
        %parallel_loop3A_298 = vector.shape_cast %parallel_loop3A_297 : vector<1x1x16xf32> to vector<16xf32>
        %parallel_loop3A_299 = vector.shape_cast %parallel_loop3A_293 : vector<16xf32> to vector<1x1x16xf32>
        tpu.vector_store %arg14[%parallel_loop3A_294, %parallel_loop3A_295, %parallel_loop3A_296], %parallel_loop3A_299 {strides = array<i32>} : memref<4x32x768xf32, #tpu.memory_space<vmem>>, vector<1x1x16xf32>,
        %parallel_loop3A_300 = arith.addf %parallel_loop3A_281, %parallel_loop3A_293 : vector<16xf32>
        %parallel_loop3A_301 = arith.mulf %parallel_loop3A_293, %parallel_loop3A_293 : vector<16xf32>
        %parallel_loop3A_302 = arith.addf %parallel_loop3A_283, %parallel_loop3A_301 : vector<16xf32>
        %parallel_loop3A_303 = arith.index_cast %and3A_99 : i32 to index
        %parallel_loop3A_304 = arith.index_cast %parallel_loop3A_177 : i32 to index
        %parallel_loop3A_305 = arith.constant 64 : index
        %parallel_loop3A_306 = tpu.vector_load %arg14[%parallel_loop3A_303, %parallel_loop3A_304, %parallel_loop3A_305] {strides = array<i32>} : memref<4x32x768xf32, #tpu.memory_space<vmem>>, vector<1x1x16xf32>,
        %parallel_loop3A_307 = vector.shape_cast %parallel_loop3A_306 : vector<1x1x16xf32> to vector<16xf32>
        %parallel_loop3A_308 = arith.index_cast %parallel_loop3A_222 : i32 to index
        %parallel_loop3A_309 = arith.constant 64 : index
        %parallel_loop3A_310 = tpu.vector_load %arg11[%parallel_loop3A_308, %parallel_loop3A_309] {strides = array<i32>} : memref<32x768xf32, #tpu.memory_space<vmem>>, vector<1x16xf32>,
        %parallel_loop3A_311 = vector.shape_cast %parallel_loop3A_310 : vector<1x16xf32> to vector<16xf32>
        %parallel_loop3A_312 = arith.addf %parallel_loop3A_307, %parallel_loop3A_311 : vector<16xf32>
        %parallel_loop3A_313 = arith.index_cast %and3A_99 : i32 to index
        %parallel_loop3A_314 = arith.index_cast %parallel_loop3A_177 : i32 to index
        %parallel_loop3A_315 = arith.constant 64 : index
        %parallel_loop3A_316 = tpu.vector_load %arg14[%parallel_loop3A_313, %parallel_loop3A_314, %parallel_loop3A_315] {strides = array<i32>} : memref<4x32x768xf32, #tpu.memory_space<vmem>>, vector<1x1x16xf32>,
        %parallel_loop3A_317 = vector.shape_cast %parallel_loop3A_316 : vector<1x1x16xf32> to vector<16xf32>
        %parallel_loop3A_318 = vector.shape_cast %parallel_loop3A_312 : vector<16xf32> to vector<1x1x16xf32>
        tpu.vector_store %arg14[%parallel_loop3A_313, %parallel_loop3A_314, %parallel_loop3A_315], %parallel_loop3A_318 {strides = array<i32>} : memref<4x32x768xf32, #tpu.memory_space<vmem>>, vector<1x1x16xf32>,
        %parallel_loop3A_319 = arith.addf %parallel_loop3A_300, %parallel_loop3A_312 : vector<16xf32>
        %parallel_loop3A_320 = arith.mulf %parallel_loop3A_312, %parallel_loop3A_312 : vector<16xf32>
        %parallel_loop3A_321 = arith.addf %parallel_loop3A_302, %parallel_loop3A_320 : vector<16xf32>
        %parallel_loop3A_322 = arith.index_cast %and3A_99 : i32 to index
        %parallel_loop3A_323 = arith.index_cast %parallel_loop3A_177 : i32 to index
        %parallel_loop3A_324 = arith.constant 80 : index
        %parallel_loop3A_325 = tpu.vector_load %arg14[%parallel_loop3A_322, %parallel_loop3A_323, %parallel_loop3A_324] {strides = array<i32>} : memref<4x32x768xf32, #tpu.memory_space<vmem>>, vector<1x1x16xf32>,
        %parallel_loop3A_326 = vector.shape_cast %parallel_loop3A_325 : vector<1x1x16xf32> to vector<16xf32>
        %parallel_loop3A_327 = arith.index_cast %parallel_loop3A_222 : i32 to index
        %parallel_loop3A_328 = arith.constant 80 : index
        %parallel_loop3A_329 = tpu.vector_load %arg11[%parallel_loop3A_327, %parallel_loop3A_328] {strides = array<i32>} : memref<32x768xf32, #tpu.memory_space<vmem>>, vector<1x16xf32>,
        %parallel_loop3A_330 = vector.shape_cast %parallel_loop3A_329 : vector<1x16xf32> to vector<16xf32>
        %parallel_loop3A_331 = arith.addf %parallel_loop3A_326, %parallel_loop3A_330 : vector<16xf32>
        %parallel_loop3A_332 = arith.index_cast %and3A_99 : i32 to index
        %parallel_loop3A_333 = arith.index_cast %parallel_loop3A_177 : i32 to index
        %parallel_loop3A_334 = arith.constant 80 : index
        %parallel_loop3A_335 = tpu.vector_load %arg14[%parallel_loop3A_332, %parallel_loop3A_333, %parallel_loop3A_334] {strides = array<i32>} : memref<4x32x768xf32, #tpu.memory_space<vmem>>, vector<1x1x16xf32>,
        %parallel_loop3A_336 = vector.shape_cast %parallel_loop3A_335 : vector<1x1x16xf32> to vector<16xf32>
        %parallel_loop3A_337 = vector.shape_cast %parallel_loop3A_331 : vector<16xf32> to vector<1x1x16xf32>
        tpu.vector_store %arg14[%parallel_loop3A_332, %parallel_loop3A_333, %parallel_loop3A_334], %parallel_loop3A_337 {strides = array<i32>} : memref<4x32x768xf32, #tpu.memory_space<vmem>>, vector<1x1x16xf32>,
        %parallel_loop3A_338 = arith.addf %parallel_loop3A_319, %parallel_loop3A_331 : vector<16xf32>
        %parallel_loop3A_339 = arith.mulf %parallel_loop3A_331, %parallel_loop3A_331 : vector<16xf32>
        %parallel_loop3A_340 = arith.addf %parallel_loop3A_321, %parallel_loop3A_339 : vector<16xf32>
        %parallel_loop3A_341 = arith.index_cast %and3A_99 : i32 to index
        %parallel_loop3A_342 = arith.index_cast %parallel_loop3A_177 : i32 to index
        %parallel_loop3A_343 = arith.constant 96 : index
        %parallel_loop3A_344 = tpu.vector_load %arg14[%parallel_loop3A_341, %parallel_loop3A_342, %parallel_loop3A_343] {strides = array<i32>} : memref<4x32x768xf32, #tpu.memory_space<vmem>>, vector<1x1x16xf32>,
        %parallel_loop3A_345 = vector.shape_cast %parallel_loop3A_344 : vector<1x1x16xf32> to vector<16xf32>
        %parallel_loop3A_346 = arith.index_cast %parallel_loop3A_222 : i32 to index
        %parallel_loop3A_347 = arith.constant 96 : index
        %parallel_loop3A_348 = tpu.vector_load %arg11[%parallel_loop3A_346, %parallel_loop3A_347] {strides = array<i32>} : memref<32x768xf32, #tpu.memory_space<vmem>>, vector<1x16xf32>,
        %parallel_loop3A_349 = vector.shape_cast %parallel_loop3A_348 : vector<1x16xf32> to vector<16xf32>
        %parallel_loop3A_350 = arith.addf %parallel_loop3A_345, %parallel_loop3A_349 : vector<16xf32>
        %parallel_loop3A_351 = arith.index_cast %and3A_99 : i32 to index
        %parallel_loop3A_352 = arith.index_cast %parallel_loop3A_177 : i32 to index
        %parallel_loop3A_353 = arith.constant 96 : index
        %parallel_loop3A_354 = tpu.vector_load %arg14[%parallel_loop3A_351, %parallel_loop3A_352, %parallel_loop3A_353] {strides = array<i32>} : memref<4x32x768xf32, #tpu.memory_space<vmem>>, vector<1x1x16xf32>,
        %parallel_loop3A_355 = vector.shape_cast %parallel_loop3A_354 : vector<1x1x16xf32> to vector<16xf32>
        %parallel_loop3A_356 = vector.shape_cast %parallel_loop3A_350 : vector<16xf32> to vector<1x1x16xf32>
        tpu.vector_store %arg14[%parallel_loop3A_351, %parallel_loop3A_352, %parallel_loop3A_353], %parallel_loop3A_356 {strides = array<i32>} : memref<4x32x768xf32, #tpu.memory_space<vmem>>, vector<1x1x16xf32>,
        %parallel_loop3A_357 = arith.addf %parallel_loop3A_338, %parallel_loop3A_350 : vector<16xf32>
        %parallel_loop3A_358 = arith.mulf %parallel_loop3A_350, %parallel_loop3A_350 : vector<16xf32>
        %parallel_loop3A_359 = arith.addf %parallel_loop3A_340, %parallel_loop3A_358 : vector<16xf32>
        %parallel_loop3A_360 = arith.index_cast %and3A_99 : i32 to index
        %parallel_loop3A_361 = arith.index_cast %parallel_loop3A_177 : i32 to index
        %parallel_loop3A_362 = arith.constant 112 : index
        %parallel_loop3A_363 = tpu.vector_load %arg14[%parallel_loop3A_360, %parallel_loop3A_361, %parallel_loop3A_362] {strides = array<i32>} : memref<4x32x768xf32, #tpu.memory_space<vmem>>, vector<1x1x16xf32>,
        %parallel_loop3A_364 = vector.shape_cast %parallel_loop3A_363 : vector<1x1x16xf32> to vector<16xf32>
        %parallel_loop3A_365 = arith.index_cast %parallel_loop3A_222 : i32 to index
        %parallel_loop3A_366 = arith.constant 112 : index
        %parallel_loop3A_367 = tpu.vector_load %arg11[%parallel_loop3A_365, %parallel_loop3A_366] {strides = array<i32>} : memref<32x768xf32, #tpu.memory_space<vmem>>, vector<1x16xf32>,
        %parallel_loop3A_368 = vector.shape_cast %parallel_loop3A_367 : vector<1x16xf32> to vector<16xf32>
        %parallel_loop3A_369 = arith.addf %parallel_loop3A_364, %parallel_loop3A_368 : vector<16xf32>
        %parallel_loop3A_370 = arith.index_cast %and3A_99 : i32 to index
        %parallel_loop3A_371 = arith.index_cast %parallel_loop3A_177 : i32 to index
        %parallel_loop3A_372 = arith.constant 112 : index
        %parallel_loop3A_373 = tpu.vector_load %arg14[%parallel_loop3A_370, %parallel_loop3A_371, %parallel_loop3A_372] {strides = array<i32>} : memref<4x32x768xf32, #tpu.memory_space<vmem>>, vector<1x1x16xf32>,
        %parallel_loop3A_374 = vector.shape_cast %parallel_loop3A_373 : vector<1x1x16xf32> to vector<16xf32>
        %parallel_loop3A_375 = vector.shape_cast %parallel_loop3A_369 : vector<16xf32> to vector<1x1x16xf32>
        tpu.vector_store %arg14[%parallel_loop3A_370, %parallel_loop3A_371, %parallel_loop3A_372], %parallel_loop3A_375 {strides = array<i32>} : memref<4x32x768xf32, #tpu.memory_space<vmem>>, vector<1x1x16xf32>,
        %parallel_loop3A_376 = arith.addf %parallel_loop3A_357, %parallel_loop3A_369 : vector<16xf32>
        %parallel_loop3A_377 = arith.mulf %parallel_loop3A_369, %parallel_loop3A_369 : vector<16xf32>
        %parallel_loop3A_378 = arith.addf %parallel_loop3A_359, %parallel_loop3A_377 : vector<16xf32>
        %parallel_loop3A_379 = arith.index_cast %and3A_99 : i32 to index
        %parallel_loop3A_380 = arith.index_cast %parallel_loop3A_177 : i32 to index
        %parallel_loop3A_381 = arith.constant 128 : index
        %parallel_loop3A_382 = tpu.vector_load %arg14[%parallel_loop3A_379, %parallel_loop3A_380, %parallel_loop3A_381] {strides = array<i32>} : memref<4x32x768xf32, #tpu.memory_space<vmem>>, vector<1x1x16xf32>,
        %parallel_loop3A_383 = vector.shape_cast %parallel_loop3A_382 : vector<1x1x16xf32> to vector<16xf32>
        %parallel_loop3A_384 = arith.index_cast %parallel_loop3A_222 : i32 to index
        %parallel_loop3A_385 = arith.constant 128 : index
        %parallel_loop3A_386 = tpu.vector_load %arg11[%parallel_loop3A_384, %parallel_loop3A_385] {strides = array<i32>} : memref<32x768xf32, #tpu.memory_space<vmem>>, vector<1x16xf32>,
        %parallel_loop3A_387 = vector.shape_cast %parallel_loop3A_386 : vector<1x16xf32> to vector<16xf32>
        %parallel_loop3A_388 = arith.addf %parallel_loop3A_383, %parallel_loop3A_387 : vector<16xf32>
        %parallel_loop3A_389 = arith.index_cast %and3A_99 : i32 to index
        %parallel_loop3A_390 = arith.index_cast %parallel_loop3A_177 : i32 to index
        %parallel_loop3A_391 = arith.constant 128 : index
        %parallel_loop3A_392 = tpu.vector_load %arg14[%parallel_loop3A_389, %parallel_loop3A_390, %parallel_loop3A_391] {strides = array<i32>} : memref<4x32x768xf32, #tpu.memory_space<vmem>>, vector<1x1x16xf32>,
        %parallel_loop3A_393 = vector.shape_cast %parallel_loop3A_392 : vector<1x1x16xf32> to vector<16xf32>
        %parallel_loop3A_394 = vector.shape_cast %parallel_loop3A_388 : vector<16xf32> to vector<1x1x16xf32>
        tpu.vector_store %arg14[%parallel_loop3A_389, %parallel_loop3A_390, %parallel_loop3A_391], %parallel_loop3A_394 {strides = array<i32>} : memref<4x32x768xf32, #tpu.memory_space<vmem>>, vector<1x1x16xf32>,
        %parallel_loop3A_395 = arith.addf %parallel_loop3A_376, %parallel_loop3A_388 : vector<16xf32>
        %parallel_loop3A_396 = arith.mulf %parallel_loop3A_388, %parallel_loop3A_388 : vector<16xf32>
        %parallel_loop3A_397 = arith.addf %parallel_loop3A_378, %parallel_loop3A_396 : vector<16xf32>
        %parallel_loop3A_398 = arith.index_cast %and3A_99 : i32 to index
        %parallel_loop3A_399 = arith.index_cast %parallel_loop3A_177 : i32 to index
        %parallel_loop3A_400 = arith.constant 144 : index
        %parallel_loop3A_401 = tpu.vector_load %arg14[%parallel_loop3A_398, %parallel_loop3A_399, %parallel_loop3A_400] {strides = array<i32>} : memref<4x32x768xf32, #tpu.memory_space<vmem>>, vector<1x1x16xf32>,
        %parallel_loop3A_402 = vector.shape_cast %parallel_loop3A_401 : vector<1x1x16xf32> to vector<16xf32>
        %parallel_loop3A_403 = arith.index_cast %parallel_loop3A_222 : i32 to index
        %parallel_loop3A_404 = arith.constant 144 : index
        %parallel_loop3A_405 = tpu.vector_load %arg11[%parallel_loop3A_403, %parallel_loop3A_404] {strides = array<i32>} : memref<32x768xf32, #tpu.memory_space<vmem>>, vector<1x16xf32>,
        %parallel_loop3A_406 = vector.shape_cast %parallel_loop3A_405 : vector<1x16xf32> to vector<16xf32>
        %parallel_loop3A_407 = arith.addf %parallel_loop3A_402, %parallel_loop3A_406 : vector<16xf32>
        %parallel_loop3A_408 = arith.index_cast %and3A_99 : i32 to index
        %parallel_loop3A_409 = arith.index_cast %parallel_loop3A_177 : i32 to index
        %parallel_loop3A_410 = arith.constant 144 : index
        %parallel_loop3A_411 = tpu.vector_load %arg14[%parallel_loop3A_408, %parallel_loop3A_409, %parallel_loop3A_410] {strides = array<i32>} : memref<4x32x768xf32, #tpu.memory_space<vmem>>, vector<1x1x16xf32>,
        %parallel_loop3A_412 = vector.shape_cast %parallel_loop3A_411 : vector<1x1x16xf32> to vector<16xf32>
        %parallel_loop3A_413 = vector.shape_cast %parallel_loop3A_407 : vector<16xf32> to vector<1x1x16xf32>
        tpu.vector_store %arg14[%parallel_loop3A_408, %parallel_loop3A_409, %parallel_loop3A_410], %parallel_loop3A_413 {strides = array<i32>} : memref<4x32x768xf32, #tpu.memory_space<vmem>>, vector<1x1x16xf32>,
        %parallel_loop3A_414 = arith.addf %parallel_loop3A_395, %parallel_loop3A_407 : vector<16xf32>
        %parallel_loop3A_415 = arith.mulf %parallel_loop3A_407, %parallel_loop3A_407 : vector<16xf32>
        %parallel_loop3A_416 = arith.addf %parallel_loop3A_397, %parallel_loop3A_415 : vector<16xf32>
        %parallel_loop3A_417 = arith.index_cast %and3A_99 : i32 to index
        %parallel_loop3A_418 = arith.index_cast %parallel_loop3A_177 : i32 to index
        %parallel_loop3A_419 = arith.constant 160 : index
        %parallel_loop3A_420 = tpu.vector_load %arg14[%parallel_loop3A_417, %parallel_loop3A_418, %parallel_loop3A_419] {strides = array<i32>} : memref<4x32x768xf32, #tpu.memory_space<vmem>>, vector<1x1x16xf32>,
        %parallel_loop3A_421 = vector.shape_cast %parallel_loop3A_420 : vector<1x1x16xf32> to vector<16xf32>
        %parallel_loop3A_422 = arith.index_cast %parallel_loop3A_222 : i32 to index
        %parallel_loop3A_423 = arith.constant 160 : index
        %parallel_loop3A_424 = tpu.vector_load %arg11[%parallel_loop3A_422, %parallel_loop3A_423] {strides = array<i32>} : memref<32x768xf32, #tpu.memory_space<vmem>>, vector<1x16xf32>,
        %parallel_loop3A_425 = vector.shape_cast %parallel_loop3A_424 : vector<1x16xf32> to vector<16xf32>
        %parallel_loop3A_426 = arith.addf %parallel_loop3A_421, %parallel_loop3A_425 : vector<16xf32>
        %parallel_loop3A_427 = arith.index_cast %and3A_99 : i32 to index
        %parallel_loop3A_428 = arith.index_cast %parallel_loop3A_177 : i32 to index
        %parallel_loop3A_429 = arith.constant 160 : index
        %parallel_loop3A_430 = tpu.vector_load %arg14[%parallel_loop3A_427, %parallel_loop3A_428, %parallel_loop3A_429] {strides = array<i32>} : memref<4x32x768xf32, #tpu.memory_space<vmem>>, vector<1x1x16xf32>,
        %parallel_loop3A_431 = vector.shape_cast %parallel_loop3A_430 : vector<1x1x16xf32> to vector<16xf32>
        %parallel_loop3A_432 = vector.shape_cast %parallel_loop3A_426 : vector<16xf32> to vector<1x1x16xf32>
        tpu.vector_store %arg14[%parallel_loop3A_427, %parallel_loop3A_428, %parallel_loop3A_429], %parallel_loop3A_432 {strides = array<i32>} : memref<4x32x768xf32, #tpu.memory_space<vmem>>, vector<1x1x16xf32>,
        %parallel_loop3A_433 = arith.addf %parallel_loop3A_414, %parallel_loop3A_426 : vector<16xf32>
        %parallel_loop3A_434 = arith.mulf %parallel_loop3A_426, %parallel_loop3A_426 : vector<16xf32>
        %parallel_loop3A_435 = arith.addf %parallel_loop3A_416, %parallel_loop3A_434 : vector<16xf32>
        %parallel_loop3A_436 = arith.index_cast %and3A_99 : i32 to index
        %parallel_loop3A_437 = arith.index_cast %parallel_loop3A_177 : i32 to index
        %parallel_loop3A_438 = arith.constant 176 : index
        %parallel_loop3A_439 = tpu.vector_load %arg14[%parallel_loop3A_436, %parallel_loop3A_437, %parallel_loop3A_438] {strides = array<i32>} : memref<4x32x768xf32, #tpu.memory_space<vmem>>, vector<1x1x16xf32>,
        %parallel_loop3A_440 = vector.shape_cast %parallel_loop3A_439 : vector<1x1x16xf32> to vector<16xf32>
        %parallel_loop3A_441 = arith.index_cast %parallel_loop3A_222 : i32 to index
        %parallel_loop3A_442 = arith.constant 176 : index
        %parallel_loop3A_443 = tpu.vector_load %arg11[%parallel_loop3A_441, %parallel_loop3A_442] {strides = array<i32>} : memref<32x768xf32, #tpu.memory_space<vmem>>, vector<1x16xf32>,
        %parallel_loop3A_444 = vector.shape_cast %parallel_loop3A_443 : vector<1x16xf32> to vector<16xf32>
        %parallel_loop3A_445 = arith.addf %parallel_loop3A_440, %parallel_loop3A_444 : vector<16xf32>
        %parallel_loop3A_446 = arith.index_cast %and3A_99 : i32 to index
        %parallel_loop3A_447 = arith.index_cast %parallel_loop3A_177 : i32 to index
        %parallel_loop3A_448 = arith.constant 176 : index
        %parallel_loop3A_449 = tpu.vector_load %arg14[%parallel_loop3A_446, %parallel_loop3A_447, %parallel_loop3A_448] {strides = array<i32>} : memref<4x32x768xf32, #tpu.memory_space<vmem>>, vector<1x1x16xf32>,
        %parallel_loop3A_450 = vector.shape_cast %parallel_loop3A_449 : vector<1x1x16xf32> to vector<16xf32>
        %parallel_loop3A_451 = vector.shape_cast %parallel_loop3A_445 : vector<16xf32> to vector<1x1x16xf32>
        tpu.vector_store %arg14[%parallel_loop3A_446, %parallel_loop3A_447, %parallel_loop3A_448], %parallel_loop3A_451 {strides = array<i32>} : memref<4x32x768xf32, #tpu.memory_space<vmem>>, vector<1x1x16xf32>,
        %parallel_loop3A_452 = arith.addf %parallel_loop3A_433, %parallel_loop3A_445 : vector<16xf32>
        %parallel_loop3A_453 = arith.mulf %parallel_loop3A_445, %parallel_loop3A_445 : vector<16xf32>
        %parallel_loop3A_454 = arith.addf %parallel_loop3A_435, %parallel_loop3A_453 : vector<16xf32>
        %parallel_loop3A_455 = arith.index_cast %and3A_99 : i32 to index
        %parallel_loop3A_456 = arith.index_cast %parallel_loop3A_177 : i32 to index
        %parallel_loop3A_457 = arith.constant 192 : index
        %parallel_loop3A_458 = tpu.vector_load %arg14[%parallel_loop3A_455, %parallel_loop3A_456, %parallel_loop3A_457] {strides = array<i32>} : memref<4x32x768xf32, #tpu.memory_space<vmem>>, vector<1x1x16xf32>,
        %parallel_loop3A_459 = vector.shape_cast %parallel_loop3A_458 : vector<1x1x16xf32> to vector<16xf32>
        %parallel_loop3A_460 = arith.index_cast %parallel_loop3A_222 : i32 to index
        %parallel_loop3A_461 = arith.constant 192 : index
        %parallel_loop3A_462 = tpu.vector_load %arg11[%parallel_loop3A_460, %parallel_loop3A_461] {strides = array<i32>} : memref<32x768xf32, #tpu.memory_space<vmem>>, vector<1x16xf32>,
        %parallel_loop3A_463 = vector.shape_cast %parallel_loop3A_462 : vector<1x16xf32> to vector<16xf32>
        %parallel_loop3A_464 = arith.addf %parallel_loop3A_459, %parallel_loop3A_463 : vector<16xf32>
        %parallel_loop3A_465 = arith.index_cast %and3A_99 : i32 to index
        %parallel_loop3A_466 = arith.index_cast %parallel_loop3A_177 : i32 to index
        %parallel_loop3A_467 = arith.constant 192 : index
        %parallel_loop3A_468 = tpu.vector_load %arg14[%parallel_loop3A_465, %parallel_loop3A_466, %parallel_loop3A_467] {strides = array<i32>} : memref<4x32x768xf32, #tpu.memory_space<vmem>>, vector<1x1x16xf32>,
        %parallel_loop3A_469 = vector.shape_cast %parallel_loop3A_468 : vector<1x1x16xf32> to vector<16xf32>
        %parallel_loop3A_470 = vector.shape_cast %parallel_loop3A_464 : vector<16xf32> to vector<1x1x16xf32>
        tpu.vector_store %arg14[%parallel_loop3A_465, %parallel_loop3A_466, %parallel_loop3A_467], %parallel_loop3A_470 {strides = array<i32>} : memref<4x32x768xf32, #tpu.memory_space<vmem>>, vector<1x1x16xf32>,
        %parallel_loop3A_471 = arith.addf %parallel_loop3A_452, %parallel_loop3A_464 : vector<16xf32>
        %parallel_loop3A_472 = arith.mulf %parallel_loop3A_464, %parallel_loop3A_464 : vector<16xf32>
        %parallel_loop3A_473 = arith.addf %parallel_loop3A_454, %parallel_loop3A_472 : vector<16xf32>
        %parallel_loop3A_474 = arith.index_cast %and3A_99 : i32 to index
        %parallel_loop3A_475 = arith.index_cast %parallel_loop3A_177 : i32 to index
        %parallel_loop3A_476 = arith.constant 208 : index
        %parallel_loop3A_477 = tpu.vector_load %arg14[%parallel_loop3A_474, %parallel_loop3A_475, %parallel_loop3A_476] {strides = array<i32>} : memref<4x32x768xf32, #tpu.memory_space<vmem>>, vector<1x1x16xf32>,
        %parallel_loop3A_478 = vector.shape_cast %parallel_loop3A_477 : vector<1x1x16xf32> to vector<16xf32>
        %parallel_loop3A_479 = arith.index_cast %parallel_loop3A_222 : i32 to index
        %parallel_loop3A_480 = arith.constant 208 : index
        %parallel_loop3A_481 = tpu.vector_load %arg11[%parallel_loop3A_479, %parallel_loop3A_480] {strides = array<i32>} : memref<32x768xf32, #tpu.memory_space<vmem>>, vector<1x16xf32>,
        %parallel_loop3A_482 = vector.shape_cast %parallel_loop3A_481 : vector<1x16xf32> to vector<16xf32>
        %parallel_loop3A_483 = arith.addf %parallel_loop3A_478, %parallel_loop3A_482 : vector<16xf32>
        %parallel_loop3A_484 = arith.index_cast %and3A_99 : i32 to index
        %parallel_loop3A_485 = arith.index_cast %parallel_loop3A_177 : i32 to index
        %parallel_loop3A_486 = arith.constant 208 : index
        %parallel_loop3A_487 = tpu.vector_load %arg14[%parallel_loop3A_484, %parallel_loop3A_485, %parallel_loop3A_486] {strides = array<i32>} : memref<4x32x768xf32, #tpu.memory_space<vmem>>, vector<1x1x16xf32>,
        %parallel_loop3A_488 = vector.shape_cast %parallel_loop3A_487 : vector<1x1x16xf32> to vector<16xf32>
        %parallel_loop3A_489 = vector.shape_cast %parallel_loop3A_483 : vector<16xf32> to vector<1x1x16xf32>
        tpu.vector_store %arg14[%parallel_loop3A_484, %parallel_loop3A_485, %parallel_loop3A_486], %parallel_loop3A_489 {strides = array<i32>} : memref<4x32x768xf32, #tpu.memory_space<vmem>>, vector<1x1x16xf32>,
        %parallel_loop3A_490 = arith.addf %parallel_loop3A_471, %parallel_loop3A_483 : vector<16xf32>
        %parallel_loop3A_491 = arith.mulf %parallel_loop3A_483, %parallel_loop3A_483 : vector<16xf32>
        %parallel_loop3A_492 = arith.addf %parallel_loop3A_473, %parallel_loop3A_491 : vector<16xf32>
        %parallel_loop3A_493 = arith.index_cast %and3A_99 : i32 to index
        %parallel_loop3A_494 = arith.index_cast %parallel_loop3A_177 : i32 to index
        %parallel_loop3A_495 = arith.constant 224 : index
        %parallel_loop3A_496 = tpu.vector_load %arg14[%parallel_loop3A_493, %parallel_loop3A_494, %parallel_loop3A_495] {strides = array<i32>} : memref<4x32x768xf32, #tpu.memory_space<vmem>>, vector<1x1x16xf32>,
        %parallel_loop3A_497 = vector.shape_cast %parallel_loop3A_496 : vector<1x1x16xf32> to vector<16xf32>
        %parallel_loop3A_498 = arith.index_cast %parallel_loop3A_222 : i32 to index
        %parallel_loop3A_499 = arith.constant 224 : index
        %parallel_loop3A_500 = tpu.vector_load %arg11[%parallel_loop3A_498, %parallel_loop3A_499] {strides = array<i32>} : memref<32x768xf32, #tpu.memory_space<vmem>>, vector<1x16xf32>,
        %parallel_loop3A_501 = vector.shape_cast %parallel_loop3A_500 : vector<1x16xf32> to vector<16xf32>
        %parallel_loop3A_502 = arith.addf %parallel_loop3A_497, %parallel_loop3A_501 : vector<16xf32>
        %parallel_loop3A_503 = arith.index_cast %and3A_99 : i32 to index
        %parallel_loop3A_504 = arith.index_cast %parallel_loop3A_177 : i32 to index
        %parallel_loop3A_505 = arith.constant 224 : index
        %parallel_loop3A_506 = tpu.vector_load %arg14[%parallel_loop3A_503, %parallel_loop3A_504, %parallel_loop3A_505] {strides = array<i32>} : memref<4x32x768xf32, #tpu.memory_space<vmem>>, vector<1x1x16xf32>,
        %parallel_loop3A_507 = vector.shape_cast %parallel_loop3A_506 : vector<1x1x16xf32> to vector<16xf32>
        %parallel_loop3A_508 = vector.shape_cast %parallel_loop3A_502 : vector<16xf32> to vector<1x1x16xf32>
        tpu.vector_store %arg14[%parallel_loop3A_503, %parallel_loop3A_504, %parallel_loop3A_505], %parallel_loop3A_508 {strides = array<i32>} : memref<4x32x768xf32, #tpu.memory_space<vmem>>, vector<1x1x16xf32>,
        %parallel_loop3A_509 = arith.addf %parallel_loop3A_490, %parallel_loop3A_502 : vector<16xf32>
        %parallel_loop3A_510 = arith.mulf %parallel_loop3A_502, %parallel_loop3A_502 : vector<16xf32>
        %parallel_loop3A_511 = arith.addf %parallel_loop3A_492, %parallel_loop3A_510 : vector<16xf32>
        %parallel_loop3A_512 = arith.index_cast %and3A_99 : i32 to index
        %parallel_loop3A_513 = arith.index_cast %parallel_loop3A_177 : i32 to index
        %parallel_loop3A_514 = arith.constant 240 : index
        %parallel_loop3A_515 = tpu.vector_load %arg14[%parallel_loop3A_512, %parallel_loop3A_513, %parallel_loop3A_514] {strides = array<i32>} : memref<4x32x768xf32, #tpu.memory_space<vmem>>, vector<1x1x16xf32>,
        %parallel_loop3A_516 = vector.shape_cast %parallel_loop3A_515 : vector<1x1x16xf32> to vector<16xf32>
        %parallel_loop3A_517 = arith.index_cast %parallel_loop3A_222 : i32 to index
        %parallel_loop3A_518 = arith.constant 240 : index
        %parallel_loop3A_519 = tpu.vector_load %arg11[%parallel_loop3A_517, %parallel_loop3A_518] {strides = array<i32>} : memref<32x768xf32, #tpu.memory_space<vmem>>, vector<1x16xf32>,
        %parallel_loop3A_520 = vector.shape_cast %parallel_loop3A_519 : vector<1x16xf32> to vector<16xf32>
        %parallel_loop3A_521 = arith.addf %parallel_loop3A_516, %parallel_loop3A_520 : vector<16xf32>
        %parallel_loop3A_522 = arith.index_cast %and3A_99 : i32 to index
        %parallel_loop3A_523 = arith.index_cast %parallel_loop3A_177 : i32 to index
        %parallel_loop3A_524 = arith.constant 240 : index
        %parallel_loop3A_525 = tpu.vector_load %arg14[%parallel_loop3A_522, %parallel_loop3A_523, %parallel_loop3A_524] {strides = array<i32>} : memref<4x32x768xf32, #tpu.memory_space<vmem>>, vector<1x1x16xf32>,
        %parallel_loop3A_526 = vector.shape_cast %parallel_loop3A_525 : vector<1x1x16xf32> to vector<16xf32>
        %parallel_loop3A_527 = vector.shape_cast %parallel_loop3A_521 : vector<16xf32> to vector<1x1x16xf32>
        tpu.vector_store %arg14[%parallel_loop3A_522, %parallel_loop3A_523, %parallel_loop3A_524], %parallel_loop3A_527 {strides = array<i32>} : memref<4x32x768xf32, #tpu.memory_space<vmem>>, vector<1x1x16xf32>,
        %parallel_loop3A_528 = arith.addf %parallel_loop3A_509, %parallel_loop3A_521 : vector<16xf32>
        %parallel_loop3A_529 = arith.mulf %parallel_loop3A_521, %parallel_loop3A_521 : vector<16xf32>
        %parallel_loop3A_530 = arith.addf %parallel_loop3A_511, %parallel_loop3A_529 : vector<16xf32>
        %parallel_loop3A_531 = arith.index_cast %and3A_99 : i32 to index
        %parallel_loop3A_532 = arith.index_cast %parallel_loop3A_177 : i32 to index
        %parallel_loop3A_533 = arith.constant 256 : index
        %parallel_loop3A_534 = tpu.vector_load %arg14[%parallel_loop3A_531, %parallel_loop3A_532, %parallel_loop3A_533] {strides = array<i32>} : memref<4x32x768xf32, #tpu.memory_space<vmem>>, vector<1x1x16xf32>,
        %parallel_loop3A_535 = vector.shape_cast %parallel_loop3A_534 : vector<1x1x16xf32> to vector<16xf32>
        %parallel_loop3A_536 = arith.index_cast %parallel_loop3A_222 : i32 to index
        %parallel_loop3A_537 = arith.constant 256 : index
        %parallel_loop3A_538 = tpu.vector_load %arg11[%parallel_loop3A_536, %parallel_loop3A_537] {strides = array<i32>} : memref<32x768xf32, #tpu.memory_space<vmem>>, vector<1x16xf32>,
        %parallel_loop3A_539 = vector.shape_cast %parallel_loop3A_538 : vector<1x16xf32> to vector<16xf32>
        %parallel_loop3A_540 = arith.addf %parallel_loop3A_535, %parallel_loop3A_539 : vector<16xf32>
        %parallel_loop3A_541 = arith.index_cast %and3A_99 : i32 to index
        %parallel_loop3A_542 = arith.index_cast %parallel_loop3A_177 : i32 to index
        %parallel_loop3A_543 = arith.constant 256 : index
        %parallel_loop3A_544 = tpu.vector_load %arg14[%parallel_loop3A_541, %parallel_loop3A_542, %parallel_loop3A_543] {strides = array<i32>} : memref<4x32x768xf32, #tpu.memory_space<vmem>>, vector<1x1x16xf32>,
        %parallel_loop3A_545 = vector.shape_cast %parallel_loop3A_544 : vector<1x1x16xf32> to vector<16xf32>
        %parallel_loop3A_546 = vector.shape_cast %parallel_loop3A_540 : vector<16xf32> to vector<1x1x16xf32>
        tpu.vector_store %arg14[%parallel_loop3A_541, %parallel_loop3A_542, %parallel_loop3A_543], %parallel_loop3A_546 {strides = array<i32>} : memref<4x32x768xf32, #tpu.memory_space<vmem>>, vector<1x1x16xf32>,
        %parallel_loop3A_547 = arith.addf %parallel_loop3A_528, %parallel_loop3A_540 : vector<16xf32>
        %parallel_loop3A_548 = arith.mulf %parallel_loop3A_540, %parallel_loop3A_540 : vector<16xf32>
        %parallel_loop3A_549 = arith.addf %parallel_loop3A_530, %parallel_loop3A_548 : vector<16xf32>
        %parallel_loop3A_550 = arith.index_cast %and3A_99 : i32 to index
        %parallel_loop3A_551 = arith.index_cast %parallel_loop3A_177 : i32 to index
        %parallel_loop3A_552 = arith.constant 272 : index
        %parallel_loop3A_553 = tpu.vector_load %arg14[%parallel_loop3A_550, %parallel_loop3A_551, %parallel_loop3A_552] {strides = array<i32>} : memref<4x32x768xf32, #tpu.memory_space<vmem>>, vector<1x1x16xf32>,
        %parallel_loop3A_554 = vector.shape_cast %parallel_loop3A_553 : vector<1x1x16xf32> to vector<16xf32>
        %parallel_loop3A_555 = arith.index_cast %parallel_loop3A_222 : i32 to index
        %parallel_loop3A_556 = arith.constant 272 : index
        %parallel_loop3A_557 = tpu.vector_load %arg11[%parallel_loop3A_555, %parallel_loop3A_556] {strides = array<i32>} : memref<32x768xf32, #tpu.memory_space<vmem>>, vector<1x16xf32>,
        %parallel_loop3A_558 = vector.shape_cast %parallel_loop3A_557 : vector<1x16xf32> to vector<16xf32>
        %parallel_loop3A_559 = arith.addf %parallel_loop3A_554, %parallel_loop3A_558 : vector<16xf32>
        %parallel_loop3A_560 = arith.index_cast %and3A_99 : i32 to index
        %parallel_loop3A_561 = arith.index_cast %parallel_loop3A_177 : i32 to index
        %parallel_loop3A_562 = arith.constant 272 : index
        %parallel_loop3A_563 = tpu.vector_load %arg14[%parallel_loop3A_560, %parallel_loop3A_561, %parallel_loop3A_562] {strides = array<i32>} : memref<4x32x768xf32, #tpu.memory_space<vmem>>, vector<1x1x16xf32>,
        %parallel_loop3A_564 = vector.shape_cast %parallel_loop3A_563 : vector<1x1x16xf32> to vector<16xf32>
        %parallel_loop3A_565 = vector.shape_cast %parallel_loop3A_559 : vector<16xf32> to vector<1x1x16xf32>
        tpu.vector_store %arg14[%parallel_loop3A_560, %parallel_loop3A_561, %parallel_loop3A_562], %parallel_loop3A_565 {strides = array<i32>} : memref<4x32x768xf32, #tpu.memory_space<vmem>>, vector<1x1x16xf32>,
        %parallel_loop3A_566 = arith.addf %parallel_loop3A_547, %parallel_loop3A_559 : vector<16xf32>
        %parallel_loop3A_567 = arith.mulf %parallel_loop3A_559, %parallel_loop3A_559 : vector<16xf32>
        %parallel_loop3A_568 = arith.addf %parallel_loop3A_549, %parallel_loop3A_567 : vector<16xf32>
        %parallel_loop3A_569 = arith.index_cast %and3A_99 : i32 to index
        %parallel_loop3A_570 = arith.index_cast %parallel_loop3A_177 : i32 to index
        %parallel_loop3A_571 = arith.constant 288 : index
        %parallel_loop3A_572 = tpu.vector_load %arg14[%parallel_loop3A_569, %parallel_loop3A_570, %parallel_loop3A_571] {strides = array<i32>} : memref<4x32x768xf32, #tpu.memory_space<vmem>>, vector<1x1x16xf32>,
        %parallel_loop3A_573 = vector.shape_cast %parallel_loop3A_572 : vector<1x1x16xf32> to vector<16xf32>
        %parallel_loop3A_574 = arith.index_cast %parallel_loop3A_222 : i32 to index
        %parallel_loop3A_575 = arith.constant 288 : index
        %parallel_loop3A_576 = tpu.vector_load %arg11[%parallel_loop3A_574, %parallel_loop3A_575] {strides = array<i32>} : memref<32x768xf32, #tpu.memory_space<vmem>>, vector<1x16xf32>,
        %parallel_loop3A_577 = vector.shape_cast %parallel_loop3A_576 : vector<1x16xf32> to vector<16xf32>
        %parallel_loop3A_578 = arith.addf %parallel_loop3A_573, %parallel_loop3A_577 : vector<16xf32>
        %parallel_loop3A_579 = arith.index_cast %and3A_99 : i32 to index
        %parallel_loop3A_580 = arith.index_cast %parallel_loop3A_177 : i32 to index
        %parallel_loop3A_581 = arith.constant 288 : index
        %parallel_loop3A_582 = tpu.vector_load %arg14[%parallel_loop3A_579, %parallel_loop3A_580, %parallel_loop3A_581] {strides = array<i32>} : memref<4x32x768xf32, #tpu.memory_space<vmem>>, vector<1x1x16xf32>,
        %parallel_loop3A_583 = vector.shape_cast %parallel_loop3A_582 : vector<1x1x16xf32> to vector<16xf32>
        %parallel_loop3A_584 = vector.shape_cast %parallel_loop3A_578 : vector<16xf32> to vector<1x1x16xf32>
        tpu.vector_store %arg14[%parallel_loop3A_579, %parallel_loop3A_580, %parallel_loop3A_581], %parallel_loop3A_584 {strides = array<i32>} : memref<4x32x768xf32, #tpu.memory_space<vmem>>, vector<1x1x16xf32>,
        %parallel_loop3A_585 = arith.addf %parallel_loop3A_566, %parallel_loop3A_578 : vector<16xf32>
        %parallel_loop3A_586 = arith.mulf %parallel_loop3A_578, %parallel_loop3A_578 : vector<16xf32>
        %parallel_loop3A_587 = arith.addf %parallel_loop3A_568, %parallel_loop3A_586 : vector<16xf32>
        %parallel_loop3A_588 = arith.index_cast %and3A_99 : i32 to index
        %parallel_loop3A_589 = arith.index_cast %parallel_loop3A_177 : i32 to index
        %parallel_loop3A_590 = arith.constant 304 : index
        %parallel_loop3A_591 = tpu.vector_load %arg14[%parallel_loop3A_588, %parallel_loop3A_589, %parallel_loop3A_590] {strides = array<i32>} : memref<4x32x768xf32, #tpu.memory_space<vmem>>, vector<1x1x16xf32>,
        %parallel_loop3A_592 = vector.shape_cast %parallel_loop3A_591 : vector<1x1x16xf32> to vector<16xf32>
        %parallel_loop3A_593 = arith.index_cast %parallel_loop3A_222 : i32 to index
        %parallel_loop3A_594 = arith.constant 304 : index
        %parallel_loop3A_595 = tpu.vector_load %arg11[%parallel_loop3A_593, %parallel_loop3A_594] {strides = array<i32>} : memref<32x768xf32, #tpu.memory_space<vmem>>, vector<1x16xf32>,
        %parallel_loop3A_596 = vector.shape_cast %parallel_loop3A_595 : vector<1x16xf32> to vector<16xf32>
        %parallel_loop3A_597 = arith.addf %parallel_loop3A_592, %parallel_loop3A_596 : vector<16xf32>
        %parallel_loop3A_598 = arith.index_cast %and3A_99 : i32 to index
        %parallel_loop3A_599 = arith.index_cast %parallel_loop3A_177 : i32 to index
        %parallel_loop3A_600 = arith.constant 304 : index
        %parallel_loop3A_601 = tpu.vector_load %arg14[%parallel_loop3A_598, %parallel_loop3A_599, %parallel_loop3A_600] {strides = array<i32>} : memref<4x32x768xf32, #tpu.memory_space<vmem>>, vector<1x1x16xf32>,
        %parallel_loop3A_602 = vector.shape_cast %parallel_loop3A_601 : vector<1x1x16xf32> to vector<16xf32>
        %parallel_loop3A_603 = vector.shape_cast %parallel_loop3A_597 : vector<16xf32> to vector<1x1x16xf32>
        tpu.vector_store %arg14[%parallel_loop3A_598, %parallel_loop3A_599, %parallel_loop3A_600], %parallel_loop3A_603 {strides = array<i32>} : memref<4x32x768xf32, #tpu.memory_space<vmem>>, vector<1x1x16xf32>,
        %parallel_loop3A_604 = arith.addf %parallel_loop3A_585, %parallel_loop3A_597 : vector<16xf32>
        %parallel_loop3A_605 = arith.mulf %parallel_loop3A_597, %parallel_loop3A_597 : vector<16xf32>
        %parallel_loop3A_606 = arith.addf %parallel_loop3A_587, %parallel_loop3A_605 : vector<16xf32>
        %parallel_loop3A_607 = arith.index_cast %and3A_99 : i32 to index
        %parallel_loop3A_608 = arith.index_cast %parallel_loop3A_177 : i32 to index
        %parallel_loop3A_609 = arith.constant 320 : index
        %parallel_loop3A_610 = tpu.vector_load %arg14[%parallel_loop3A_607, %parallel_loop3A_608, %parallel_loop3A_609] {strides = array<i32>} : memref<4x32x768xf32, #tpu.memory_space<vmem>>, vector<1x1x16xf32>,
        %parallel_loop3A_611 = vector.shape_cast %parallel_loop3A_610 : vector<1x1x16xf32> to vector<16xf32>
        %parallel_loop3A_612 = arith.index_cast %parallel_loop3A_222 : i32 to index
        %parallel_loop3A_613 = arith.constant 320 : index
        %parallel_loop3A_614 = tpu.vector_load %arg11[%parallel_loop3A_612, %parallel_loop3A_613] {strides = array<i32>} : memref<32x768xf32, #tpu.memory_space<vmem>>, vector<1x16xf32>,
        %parallel_loop3A_615 = vector.shape_cast %parallel_loop3A_614 : vector<1x16xf32> to vector<16xf32>
        %parallel_loop3A_616 = arith.addf %parallel_loop3A_611, %parallel_loop3A_615 : vector<16xf32>
        %parallel_loop3A_617 = arith.index_cast %and3A_99 : i32 to index
        %parallel_loop3A_618 = arith.index_cast %parallel_loop3A_177 : i32 to index
        %parallel_loop3A_619 = arith.constant 320 : index
        %parallel_loop3A_620 = tpu.vector_load %arg14[%parallel_loop3A_617, %parallel_loop3A_618, %parallel_loop3A_619] {strides = array<i32>} : memref<4x32x768xf32, #tpu.memory_space<vmem>>, vector<1x1x16xf32>,
        %parallel_loop3A_621 = vector.shape_cast %parallel_loop3A_620 : vector<1x1x16xf32> to vector<16xf32>
        %parallel_loop3A_622 = vector.shape_cast %parallel_loop3A_616 : vector<16xf32> to vector<1x1x16xf32>
        tpu.vector_store %arg14[%parallel_loop3A_617, %parallel_loop3A_618, %parallel_loop3A_619], %parallel_loop3A_622 {strides = array<i32>} : memref<4x32x768xf32, #tpu.memory_space<vmem>>, vector<1x1x16xf32>,
        %parallel_loop3A_623 = arith.addf %parallel_loop3A_604, %parallel_loop3A_616 : vector<16xf32>
        %parallel_loop3A_624 = arith.mulf %parallel_loop3A_616, %parallel_loop3A_616 : vector<16xf32>
        %parallel_loop3A_625 = arith.addf %parallel_loop3A_606, %parallel_loop3A_624 : vector<16xf32>
        %parallel_loop3A_626 = arith.index_cast %and3A_99 : i32 to index
        %parallel_loop3A_627 = arith.index_cast %parallel_loop3A_177 : i32 to index
        %parallel_loop3A_628 = arith.constant 336 : index
        %parallel_loop3A_629 = tpu.vector_load %arg14[%parallel_loop3A_626, %parallel_loop3A_627, %parallel_loop3A_628] {strides = array<i32>} : memref<4x32x768xf32, #tpu.memory_space<vmem>>, vector<1x1x16xf32>,
        %parallel_loop3A_630 = vector.shape_cast %parallel_loop3A_629 : vector<1x1x16xf32> to vector<16xf32>
        %parallel_loop3A_631 = arith.index_cast %parallel_loop3A_222 : i32 to index
        %parallel_loop3A_632 = arith.constant 336 : index
        %parallel_loop3A_633 = tpu.vector_load %arg11[%parallel_loop3A_631, %parallel_loop3A_632] {strides = array<i32>} : memref<32x768xf32, #tpu.memory_space<vmem>>, vector<1x16xf32>,
        %parallel_loop3A_634 = vector.shape_cast %parallel_loop3A_633 : vector<1x16xf32> to vector<16xf32>
        %parallel_loop3A_635 = arith.addf %parallel_loop3A_630, %parallel_loop3A_634 : vector<16xf32>
        %parallel_loop3A_636 = arith.index_cast %and3A_99 : i32 to index
        %parallel_loop3A_637 = arith.index_cast %parallel_loop3A_177 : i32 to index
        %parallel_loop3A_638 = arith.constant 336 : index
        %parallel_loop3A_639 = tpu.vector_load %arg14[%parallel_loop3A_636, %parallel_loop3A_637, %parallel_loop3A_638] {strides = array<i32>} : memref<4x32x768xf32, #tpu.memory_space<vmem>>, vector<1x1x16xf32>,
        %parallel_loop3A_640 = vector.shape_cast %parallel_loop3A_639 : vector<1x1x16xf32> to vector<16xf32>
        %parallel_loop3A_641 = vector.shape_cast %parallel_loop3A_635 : vector<16xf32> to vector<1x1x16xf32>
        tpu.vector_store %arg14[%parallel_loop3A_636, %parallel_loop3A_637, %parallel_loop3A_638], %parallel_loop3A_641 {strides = array<i32>} : memref<4x32x768xf32, #tpu.memory_space<vmem>>, vector<1x1x16xf32>,
        %parallel_loop3A_642 = arith.addf %parallel_loop3A_623, %parallel_loop3A_635 : vector<16xf32>
        %parallel_loop3A_643 = arith.mulf %parallel_loop3A_635, %parallel_loop3A_635 : vector<16xf32>
        %parallel_loop3A_644 = arith.addf %parallel_loop3A_625, %parallel_loop3A_643 : vector<16xf32>
        %parallel_loop3A_645 = arith.index_cast %and3A_99 : i32 to index
        %parallel_loop3A_646 = arith.index_cast %parallel_loop3A_177 : i32 to index
        %parallel_loop3A_647 = arith.constant 352 : index
        %parallel_loop3A_648 = tpu.vector_load %arg14[%parallel_loop3A_645, %parallel_loop3A_646, %parallel_loop3A_647] {strides = array<i32>} : memref<4x32x768xf32, #tpu.memory_space<vmem>>, vector<1x1x16xf32>,
        %parallel_loop3A_649 = vector.shape_cast %parallel_loop3A_648 : vector<1x1x16xf32> to vector<16xf32>
        %parallel_loop3A_650 = arith.index_cast %parallel_loop3A_222 : i32 to index
        %parallel_loop3A_651 = arith.constant 352 : index
        %parallel_loop3A_652 = tpu.vector_load %arg11[%parallel_loop3A_650, %parallel_loop3A_651] {strides = array<i32>} : memref<32x768xf32, #tpu.memory_space<vmem>>, vector<1x16xf32>,
        %parallel_loop3A_653 = vector.shape_cast %parallel_loop3A_652 : vector<1x16xf32> to vector<16xf32>
        %parallel_loop3A_654 = arith.addf %parallel_loop3A_649, %parallel_loop3A_653 : vector<16xf32>
        %parallel_loop3A_655 = arith.index_cast %and3A_99 : i32 to index
        %parallel_loop3A_656 = arith.index_cast %parallel_loop3A_177 : i32 to index
        %parallel_loop3A_657 = arith.constant 352 : index
        %parallel_loop3A_658 = tpu.vector_load %arg14[%parallel_loop3A_655, %parallel_loop3A_656, %parallel_loop3A_657] {strides = array<i32>} : memref<4x32x768xf32, #tpu.memory_space<vmem>>, vector<1x1x16xf32>,
        %parallel_loop3A_659 = vector.shape_cast %parallel_loop3A_658 : vector<1x1x16xf32> to vector<16xf32>
        %parallel_loop3A_660 = vector.shape_cast %parallel_loop3A_654 : vector<16xf32> to vector<1x1x16xf32>
        tpu.vector_store %arg14[%parallel_loop3A_655, %parallel_loop3A_656, %parallel_loop3A_657], %parallel_loop3A_660 {strides = array<i32>} : memref<4x32x768xf32, #tpu.memory_space<vmem>>, vector<1x1x16xf32>,
        %parallel_loop3A_661 = arith.addf %parallel_loop3A_642, %parallel_loop3A_654 : vector<16xf32>
        %parallel_loop3A_662 = arith.mulf %parallel_loop3A_654, %parallel_loop3A_654 : vector<16xf32>
        %parallel_loop3A_663 = arith.addf %parallel_loop3A_644, %parallel_loop3A_662 : vector<16xf32>
        %parallel_loop3A_664 = arith.index_cast %and3A_99 : i32 to index
        %parallel_loop3A_665 = arith.index_cast %parallel_loop3A_177 : i32 to index
        %parallel_loop3A_666 = arith.constant 368 : index
        %parallel_loop3A_667 = tpu.vector_load %arg14[%parallel_loop3A_664, %parallel_loop3A_665, %parallel_loop3A_666] {strides = array<i32>} : memref<4x32x768xf32, #tpu.memory_space<vmem>>, vector<1x1x16xf32>,
        %parallel_loop3A_668 = vector.shape_cast %parallel_loop3A_667 : vector<1x1x16xf32> to vector<16xf32>
        %parallel_loop3A_669 = arith.index_cast %parallel_loop3A_222 : i32 to index
        %parallel_loop3A_670 = arith.constant 368 : index
        %parallel_loop3A_671 = tpu.vector_load %arg11[%parallel_loop3A_669, %parallel_loop3A_670] {strides = array<i32>} : memref<32x768xf32, #tpu.memory_space<vmem>>, vector<1x16xf32>,
        %parallel_loop3A_672 = vector.shape_cast %parallel_loop3A_671 : vector<1x16xf32> to vector<16xf32>
        %parallel_loop3A_673 = arith.addf %parallel_loop3A_668, %parallel_loop3A_672 : vector<16xf32>
        %parallel_loop3A_674 = arith.index_cast %and3A_99 : i32 to index
        %parallel_loop3A_675 = arith.index_cast %parallel_loop3A_177 : i32 to index
        %parallel_loop3A_676 = arith.constant 368 : index
        %parallel_loop3A_677 = tpu.vector_load %arg14[%parallel_loop3A_674, %parallel_loop3A_675, %parallel_loop3A_676] {strides = array<i32>} : memref<4x32x768xf32, #tpu.memory_space<vmem>>, vector<1x1x16xf32>,
        %parallel_loop3A_678 = vector.shape_cast %parallel_loop3A_677 : vector<1x1x16xf32> to vector<16xf32>
        %parallel_loop3A_679 = vector.shape_cast %parallel_loop3A_673 : vector<16xf32> to vector<1x1x16xf32>
        tpu.vector_store %arg14[%parallel_loop3A_674, %parallel_loop3A_675, %parallel_loop3A_676], %parallel_loop3A_679 {strides = array<i32>} : memref<4x32x768xf32, #tpu.memory_space<vmem>>, vector<1x1x16xf32>,
        %parallel_loop3A_680 = arith.addf %parallel_loop3A_661, %parallel_loop3A_673 : vector<16xf32>
        %parallel_loop3A_681 = arith.mulf %parallel_loop3A_673, %parallel_loop3A_673 : vector<16xf32>
        %parallel_loop3A_682 = arith.addf %parallel_loop3A_663, %parallel_loop3A_681 : vector<16xf32>
        %parallel_loop3A_683 = arith.index_cast %and3A_99 : i32 to index
        %parallel_loop3A_684 = arith.index_cast %parallel_loop3A_177 : i32 to index
        %parallel_loop3A_685 = arith.constant 384 : index
        %parallel_loop3A_686 = tpu.vector_load %arg14[%parallel_loop3A_683, %parallel_loop3A_684, %parallel_loop3A_685] {strides = array<i32>} : memref<4x32x768xf32, #tpu.memory_space<vmem>>, vector<1x1x16xf32>,
        %parallel_loop3A_687 = vector.shape_cast %parallel_loop3A_686 : vector<1x1x16xf32> to vector<16xf32>
        %parallel_loop3A_688 = arith.index_cast %parallel_loop3A_222 : i32 to index
        %parallel_loop3A_689 = arith.constant 384 : index
        %parallel_loop3A_690 = tpu.vector_load %arg11[%parallel_loop3A_688, %parallel_loop3A_689] {strides = array<i32>} : memref<32x768xf32, #tpu.memory_space<vmem>>, vector<1x16xf32>,
        %parallel_loop3A_691 = vector.shape_cast %parallel_loop3A_690 : vector<1x16xf32> to vector<16xf32>
        %parallel_loop3A_692 = arith.addf %parallel_loop3A_687, %parallel_loop3A_691 : vector<16xf32>
        %parallel_loop3A_693 = arith.index_cast %and3A_99 : i32 to index
        %parallel_loop3A_694 = arith.index_cast %parallel_loop3A_177 : i32 to index
        %parallel_loop3A_695 = arith.constant 384 : index
        %parallel_loop3A_696 = tpu.vector_load %arg14[%parallel_loop3A_693, %parallel_loop3A_694, %parallel_loop3A_695] {strides = array<i32>} : memref<4x32x768xf32, #tpu.memory_space<vmem>>, vector<1x1x16xf32>,
        %parallel_loop3A_697 = vector.shape_cast %parallel_loop3A_696 : vector<1x1x16xf32> to vector<16xf32>
        %parallel_loop3A_698 = vector.shape_cast %parallel_loop3A_692 : vector<16xf32> to vector<1x1x16xf32>
        tpu.vector_store %arg14[%parallel_loop3A_693, %parallel_loop3A_694, %parallel_loop3A_695], %parallel_loop3A_698 {strides = array<i32>} : memref<4x32x768xf32, #tpu.memory_space<vmem>>, vector<1x1x16xf32>,
        %parallel_loop3A_699 = arith.addf %parallel_loop3A_680, %parallel_loop3A_692 : vector<16xf32>
        %parallel_loop3A_700 = arith.mulf %parallel_loop3A_692, %parallel_loop3A_692 : vector<16xf32>
        %parallel_loop3A_701 = arith.addf %parallel_loop3A_682, %parallel_loop3A_700 : vector<16xf32>
        %parallel_loop3A_702 = arith.index_cast %and3A_99 : i32 to index
        %parallel_loop3A_703 = arith.index_cast %parallel_loop3A_177 : i32 to index
        %parallel_loop3A_704 = arith.constant 400 : index
        %parallel_loop3A_705 = tpu.vector_load %arg14[%parallel_loop3A_702, %parallel_loop3A_703, %parallel_loop3A_704] {strides = array<i32>} : memref<4x32x768xf32, #tpu.memory_space<vmem>>, vector<1x1x16xf32>,
        %parallel_loop3A_706 = vector.shape_cast %parallel_loop3A_705 : vector<1x1x16xf32> to vector<16xf32>
        %parallel_loop3A_707 = arith.index_cast %parallel_loop3A_222 : i32 to index
        %parallel_loop3A_708 = arith.constant 400 : index
        %parallel_loop3A_709 = tpu.vector_load %arg11[%parallel_loop3A_707, %parallel_loop3A_708] {strides = array<i32>} : memref<32x768xf32, #tpu.memory_space<vmem>>, vector<1x16xf32>,
        %parallel_loop3A_710 = vector.shape_cast %parallel_loop3A_709 : vector<1x16xf32> to vector<16xf32>
        %parallel_loop3A_711 = arith.addf %parallel_loop3A_706, %parallel_loop3A_710 : vector<16xf32>
        %parallel_loop3A_712 = arith.index_cast %and3A_99 : i32 to index
        %parallel_loop3A_713 = arith.index_cast %parallel_loop3A_177 : i32 to index
        %parallel_loop3A_714 = arith.constant 400 : index
        %parallel_loop3A_715 = tpu.vector_load %arg14[%parallel_loop3A_712, %parallel_loop3A_713, %parallel_loop3A_714] {strides = array<i32>} : memref<4x32x768xf32, #tpu.memory_space<vmem>>, vector<1x1x16xf32>,
        %parallel_loop3A_716 = vector.shape_cast %parallel_loop3A_715 : vector<1x1x16xf32> to vector<16xf32>
        %parallel_loop3A_717 = vector.shape_cast %parallel_loop3A_711 : vector<16xf32> to vector<1x1x16xf32>
        tpu.vector_store %arg14[%parallel_loop3A_712, %parallel_loop3A_713, %parallel_loop3A_714], %parallel_loop3A_717 {strides = array<i32>} : memref<4x32x768xf32, #tpu.memory_space<vmem>>, vector<1x1x16xf32>,
        %parallel_loop3A_718 = arith.addf %parallel_loop3A_699, %parallel_loop3A_711 : vector<16xf32>
        %parallel_loop3A_719 = arith.mulf %parallel_loop3A_711, %parallel_loop3A_711 : vector<16xf32>
        %parallel_loop3A_720 = arith.addf %parallel_loop3A_701, %parallel_loop3A_719 : vector<16xf32>
        %parallel_loop3A_721 = arith.index_cast %and3A_99 : i32 to index
        %parallel_loop3A_722 = arith.index_cast %parallel_loop3A_177 : i32 to index
        %parallel_loop3A_723 = arith.constant 416 : index
        %parallel_loop3A_724 = tpu.vector_load %arg14[%parallel_loop3A_721, %parallel_loop3A_722, %parallel_loop3A_723] {strides = array<i32>} : memref<4x32x768xf32, #tpu.memory_space<vmem>>, vector<1x1x16xf32>,
        %parallel_loop3A_725 = vector.shape_cast %parallel_loop3A_724 : vector<1x1x16xf32> to vector<16xf32>
        %parallel_loop3A_726 = arith.index_cast %parallel_loop3A_222 : i32 to index
        %parallel_loop3A_727 = arith.constant 416 : index
        %parallel_loop3A_728 = tpu.vector_load %arg11[%parallel_loop3A_726, %parallel_loop3A_727] {strides = array<i32>} : memref<32x768xf32, #tpu.memory_space<vmem>>, vector<1x16xf32>,
        %parallel_loop3A_729 = vector.shape_cast %parallel_loop3A_728 : vector<1x16xf32> to vector<16xf32>
        %parallel_loop3A_730 = arith.addf %parallel_loop3A_725, %parallel_loop3A_729 : vector<16xf32>
        %parallel_loop3A_731 = arith.index_cast %and3A_99 : i32 to index
        %parallel_loop3A_732 = arith.index_cast %parallel_loop3A_177 : i32 to index
        %parallel_loop3A_733 = arith.constant 416 : index
        %parallel_loop3A_734 = tpu.vector_load %arg14[%parallel_loop3A_731, %parallel_loop3A_732, %parallel_loop3A_733] {strides = array<i32>} : memref<4x32x768xf32, #tpu.memory_space<vmem>>, vector<1x1x16xf32>,
        %parallel_loop3A_735 = vector.shape_cast %parallel_loop3A_734 : vector<1x1x16xf32> to vector<16xf32>
        %parallel_loop3A_736 = vector.shape_cast %parallel_loop3A_730 : vector<16xf32> to vector<1x1x16xf32>
        tpu.vector_store %arg14[%parallel_loop3A_731, %parallel_loop3A_732, %parallel_loop3A_733], %parallel_loop3A_736 {strides = array<i32>} : memref<4x32x768xf32, #tpu.memory_space<vmem>>, vector<1x1x16xf32>,
        %parallel_loop3A_737 = arith.addf %parallel_loop3A_718, %parallel_loop3A_730 : vector<16xf32>
        %parallel_loop3A_738 = arith.mulf %parallel_loop3A_730, %parallel_loop3A_730 : vector<16xf32>
        %parallel_loop3A_739 = arith.addf %parallel_loop3A_720, %parallel_loop3A_738 : vector<16xf32>
        %parallel_loop3A_740 = arith.index_cast %and3A_99 : i32 to index
        %parallel_loop3A_741 = arith.index_cast %parallel_loop3A_177 : i32 to index
        %parallel_loop3A_742 = arith.constant 432 : index
        %parallel_loop3A_743 = tpu.vector_load %arg14[%parallel_loop3A_740, %parallel_loop3A_741, %parallel_loop3A_742] {strides = array<i32>} : memref<4x32x768xf32, #tpu.memory_space<vmem>>, vector<1x1x16xf32>,
        %parallel_loop3A_744 = vector.shape_cast %parallel_loop3A_743 : vector<1x1x16xf32> to vector<16xf32>
        %parallel_loop3A_745 = arith.index_cast %parallel_loop3A_222 : i32 to index
        %parallel_loop3A_746 = arith.constant 432 : index
        %parallel_loop3A_747 = tpu.vector_load %arg11[%parallel_loop3A_745, %parallel_loop3A_746] {strides = array<i32>} : memref<32x768xf32, #tpu.memory_space<vmem>>, vector<1x16xf32>,
        %parallel_loop3A_748 = vector.shape_cast %parallel_loop3A_747 : vector<1x16xf32> to vector<16xf32>
        %parallel_loop3A_749 = arith.addf %parallel_loop3A_744, %parallel_loop3A_748 : vector<16xf32>
        %parallel_loop3A_750 = arith.index_cast %and3A_99 : i32 to index
        %parallel_loop3A_751 = arith.index_cast %parallel_loop3A_177 : i32 to index
        %parallel_loop3A_752 = arith.constant 432 : index
        %parallel_loop3A_753 = tpu.vector_load %arg14[%parallel_loop3A_750, %parallel_loop3A_751, %parallel_loop3A_752] {strides = array<i32>} : memref<4x32x768xf32, #tpu.memory_space<vmem>>, vector<1x1x16xf32>,
        %parallel_loop3A_754 = vector.shape_cast %parallel_loop3A_753 : vector<1x1x16xf32> to vector<16xf32>
        %parallel_loop3A_755 = vector.shape_cast %parallel_loop3A_749 : vector<16xf32> to vector<1x1x16xf32>
        tpu.vector_store %arg14[%parallel_loop3A_750, %parallel_loop3A_751, %parallel_loop3A_752], %parallel_loop3A_755 {strides = array<i32>} : memref<4x32x768xf32, #tpu.memory_space<vmem>>, vector<1x1x16xf32>,
        %parallel_loop3A_756 = arith.addf %parallel_loop3A_737, %parallel_loop3A_749 : vector<16xf32>
        %parallel_loop3A_757 = arith.mulf %parallel_loop3A_749, %parallel_loop3A_749 : vector<16xf32>
        %parallel_loop3A_758 = arith.addf %parallel_loop3A_739, %parallel_loop3A_757 : vector<16xf32>
        %parallel_loop3A_759 = arith.index_cast %and3A_99 : i32 to index
        %parallel_loop3A_760 = arith.index_cast %parallel_loop3A_177 : i32 to index
        %parallel_loop3A_761 = arith.constant 448 : index
        %parallel_loop3A_762 = tpu.vector_load %arg14[%parallel_loop3A_759, %parallel_loop3A_760, %parallel_loop3A_761] {strides = array<i32>} : memref<4x32x768xf32, #tpu.memory_space<vmem>>, vector<1x1x16xf32>,
        %parallel_loop3A_763 = vector.shape_cast %parallel_loop3A_762 : vector<1x1x16xf32> to vector<16xf32>
        %parallel_loop3A_764 = arith.index_cast %parallel_loop3A_222 : i32 to index
        %parallel_loop3A_765 = arith.constant 448 : index
        %parallel_loop3A_766 = tpu.vector_load %arg11[%parallel_loop3A_764, %parallel_loop3A_765] {strides = array<i32>} : memref<32x768xf32, #tpu.memory_space<vmem>>, vector<1x16xf32>,
        %parallel_loop3A_767 = vector.shape_cast %parallel_loop3A_766 : vector<1x16xf32> to vector<16xf32>
        %parallel_loop3A_768 = arith.addf %parallel_loop3A_763, %parallel_loop3A_767 : vector<16xf32>
        %parallel_loop3A_769 = arith.index_cast %and3A_99 : i32 to index
        %parallel_loop3A_770 = arith.index_cast %parallel_loop3A_177 : i32 to index
        %parallel_loop3A_771 = arith.constant 448 : index
        %parallel_loop3A_772 = tpu.vector_load %arg14[%parallel_loop3A_769, %parallel_loop3A_770, %parallel_loop3A_771] {strides = array<i32>} : memref<4x32x768xf32, #tpu.memory_space<vmem>>, vector<1x1x16xf32>,
        %parallel_loop3A_773 = vector.shape_cast %parallel_loop3A_772 : vector<1x1x16xf32> to vector<16xf32>
        %parallel_loop3A_774 = vector.shape_cast %parallel_loop3A_768 : vector<16xf32> to vector<1x1x16xf32>
        tpu.vector_store %arg14[%parallel_loop3A_769, %parallel_loop3A_770, %parallel_loop3A_771], %parallel_loop3A_774 {strides = array<i32>} : memref<4x32x768xf32, #tpu.memory_space<vmem>>, vector<1x1x16xf32>,
        %parallel_loop3A_775 = arith.addf %parallel_loop3A_756, %parallel_loop3A_768 : vector<16xf32>
        %parallel_loop3A_776 = arith.mulf %parallel_loop3A_768, %parallel_loop3A_768 : vector<16xf32>
        %parallel_loop3A_777 = arith.addf %parallel_loop3A_758, %parallel_loop3A_776 : vector<16xf32>
        %parallel_loop3A_778 = arith.index_cast %and3A_99 : i32 to index
        %parallel_loop3A_779 = arith.index_cast %parallel_loop3A_177 : i32 to index
        %parallel_loop3A_780 = arith.constant 464 : index
        %parallel_loop3A_781 = tpu.vector_load %arg14[%parallel_loop3A_778, %parallel_loop3A_779, %parallel_loop3A_780] {strides = array<i32>} : memref<4x32x768xf32, #tpu.memory_space<vmem>>, vector<1x1x16xf32>,
        %parallel_loop3A_782 = vector.shape_cast %parallel_loop3A_781 : vector<1x1x16xf32> to vector<16xf32>
        %parallel_loop3A_783 = arith.index_cast %parallel_loop3A_222 : i32 to index
        %parallel_loop3A_784 = arith.constant 464 : index
        %parallel_loop3A_785 = tpu.vector_load %arg11[%parallel_loop3A_783, %parallel_loop3A_784] {strides = array<i32>} : memref<32x768xf32, #tpu.memory_space<vmem>>, vector<1x16xf32>,
        %parallel_loop3A_786 = vector.shape_cast %parallel_loop3A_785 : vector<1x16xf32> to vector<16xf32>
        %parallel_loop3A_787 = arith.addf %parallel_loop3A_782, %parallel_loop3A_786 : vector<16xf32>
        %parallel_loop3A_788 = arith.index_cast %and3A_99 : i32 to index
        %parallel_loop3A_789 = arith.index_cast %parallel_loop3A_177 : i32 to index
        %parallel_loop3A_790 = arith.constant 464 : index
        %parallel_loop3A_791 = tpu.vector_load %arg14[%parallel_loop3A_788, %parallel_loop3A_789, %parallel_loop3A_790] {strides = array<i32>} : memref<4x32x768xf32, #tpu.memory_space<vmem>>, vector<1x1x16xf32>,
        %parallel_loop3A_792 = vector.shape_cast %parallel_loop3A_791 : vector<1x1x16xf32> to vector<16xf32>
        %parallel_loop3A_793 = vector.shape_cast %parallel_loop3A_787 : vector<16xf32> to vector<1x1x16xf32>
        tpu.vector_store %arg14[%parallel_loop3A_788, %parallel_loop3A_789, %parallel_loop3A_790], %parallel_loop3A_793 {strides = array<i32>} : memref<4x32x768xf32, #tpu.memory_space<vmem>>, vector<1x1x16xf32>,
        %parallel_loop3A_794 = arith.addf %parallel_loop3A_775, %parallel_loop3A_787 : vector<16xf32>
        %parallel_loop3A_795 = arith.mulf %parallel_loop3A_787, %parallel_loop3A_787 : vector<16xf32>
        %parallel_loop3A_796 = arith.addf %parallel_loop3A_777, %parallel_loop3A_795 : vector<16xf32>
        %parallel_loop3A_797 = arith.index_cast %and3A_99 : i32 to index
        %parallel_loop3A_798 = arith.index_cast %parallel_loop3A_177 : i32 to index
        %parallel_loop3A_799 = arith.constant 480 : index
        %parallel_loop3A_800 = tpu.vector_load %arg14[%parallel_loop3A_797, %parallel_loop3A_798, %parallel_loop3A_799] {strides = array<i32>} : memref<4x32x768xf32, #tpu.memory_space<vmem>>, vector<1x1x16xf32>,
        %parallel_loop3A_801 = vector.shape_cast %parallel_loop3A_800 : vector<1x1x16xf32> to vector<16xf32>
        %parallel_loop3A_802 = arith.index_cast %parallel_loop3A_222 : i32 to index
        %parallel_loop3A_803 = arith.constant 480 : index
        %parallel_loop3A_804 = tpu.vector_load %arg11[%parallel_loop3A_802, %parallel_loop3A_803] {strides = array<i32>} : memref<32x768xf32, #tpu.memory_space<vmem>>, vector<1x16xf32>,
        %parallel_loop3A_805 = vector.shape_cast %parallel_loop3A_804 : vector<1x16xf32> to vector<16xf32>
        %parallel_loop3A_806 = arith.addf %parallel_loop3A_801, %parallel_loop3A_805 : vector<16xf32>
        %parallel_loop3A_807 = arith.index_cast %and3A_99 : i32 to index
        %parallel_loop3A_808 = arith.index_cast %parallel_loop3A_177 : i32 to index
        %parallel_loop3A_809 = arith.constant 480 : index
        %parallel_loop3A_810 = tpu.vector_load %arg14[%parallel_loop3A_807, %parallel_loop3A_808, %parallel_loop3A_809] {strides = array<i32>} : memref<4x32x768xf32, #tpu.memory_space<vmem>>, vector<1x1x16xf32>,
        %parallel_loop3A_811 = vector.shape_cast %parallel_loop3A_810 : vector<1x1x16xf32> to vector<16xf32>
        %parallel_loop3A_812 = vector.shape_cast %parallel_loop3A_806 : vector<16xf32> to vector<1x1x16xf32>
        tpu.vector_store %arg14[%parallel_loop3A_807, %parallel_loop3A_808, %parallel_loop3A_809], %parallel_loop3A_812 {strides = array<i32>} : memref<4x32x768xf32, #tpu.memory_space<vmem>>, vector<1x1x16xf32>,
        %parallel_loop3A_813 = arith.addf %parallel_loop3A_794, %parallel_loop3A_806 : vector<16xf32>
        %parallel_loop3A_814 = arith.mulf %parallel_loop3A_806, %parallel_loop3A_806 : vector<16xf32>
        %parallel_loop3A_815 = arith.addf %parallel_loop3A_796, %parallel_loop3A_814 : vector<16xf32>
        %parallel_loop3A_816 = arith.index_cast %and3A_99 : i32 to index
        %parallel_loop3A_817 = arith.index_cast %parallel_loop3A_177 : i32 to index
        %parallel_loop3A_818 = arith.constant 496 : index
        %parallel_loop3A_819 = tpu.vector_load %arg14[%parallel_loop3A_816, %parallel_loop3A_817, %parallel_loop3A_818] {strides = array<i32>} : memref<4x32x768xf32, #tpu.memory_space<vmem>>, vector<1x1x16xf32>,
        %parallel_loop3A_820 = vector.shape_cast %parallel_loop3A_819 : vector<1x1x16xf32> to vector<16xf32>
        %parallel_loop3A_821 = arith.index_cast %parallel_loop3A_222 : i32 to index
        %parallel_loop3A_822 = arith.constant 496 : index
        %parallel_loop3A_823 = tpu.vector_load %arg11[%parallel_loop3A_821, %parallel_loop3A_822] {strides = array<i32>} : memref<32x768xf32, #tpu.memory_space<vmem>>, vector<1x16xf32>,
        %parallel_loop3A_824 = vector.shape_cast %parallel_loop3A_823 : vector<1x16xf32> to vector<16xf32>
        %parallel_loop3A_825 = arith.addf %parallel_loop3A_820, %parallel_loop3A_824 : vector<16xf32>
        %parallel_loop3A_826 = arith.index_cast %and3A_99 : i32 to index
        %parallel_loop3A_827 = arith.index_cast %parallel_loop3A_177 : i32 to index
        %parallel_loop3A_828 = arith.constant 496 : index
        %parallel_loop3A_829 = tpu.vector_load %arg14[%parallel_loop3A_826, %parallel_loop3A_827, %parallel_loop3A_828] {strides = array<i32>} : memref<4x32x768xf32, #tpu.memory_space<vmem>>, vector<1x1x16xf32>,
        %parallel_loop3A_830 = vector.shape_cast %parallel_loop3A_829 : vector<1x1x16xf32> to vector<16xf32>
        %parallel_loop3A_831 = vector.shape_cast %parallel_loop3A_825 : vector<16xf32> to vector<1x1x16xf32>
        tpu.vector_store %arg14[%parallel_loop3A_826, %parallel_loop3A_827, %parallel_loop3A_828], %parallel_loop3A_831 {strides = array<i32>} : memref<4x32x768xf32, #tpu.memory_space<vmem>>, vector<1x1x16xf32>,
        %parallel_loop3A_832 = arith.addf %parallel_loop3A_813, %parallel_loop3A_825 : vector<16xf32>
        %parallel_loop3A_833 = arith.mulf %parallel_loop3A_825, %parallel_loop3A_825 : vector<16xf32>
        %parallel_loop3A_834 = arith.addf %parallel_loop3A_815, %parallel_loop3A_833 : vector<16xf32>
        %parallel_loop3A_835 = arith.index_cast %and3A_99 : i32 to index
        %parallel_loop3A_836 = arith.index_cast %parallel_loop3A_177 : i32 to index
        %parallel_loop3A_837 = arith.constant 512 : index
        %parallel_loop3A_838 = tpu.vector_load %arg14[%parallel_loop3A_835, %parallel_loop3A_836, %parallel_loop3A_837] {strides = array<i32>} : memref<4x32x768xf32, #tpu.memory_space<vmem>>, vector<1x1x16xf32>,
        %parallel_loop3A_839 = vector.shape_cast %parallel_loop3A_838 : vector<1x1x16xf32> to vector<16xf32>
        %parallel_loop3A_840 = arith.index_cast %parallel_loop3A_222 : i32 to index
        %parallel_loop3A_841 = arith.constant 512 : index
        %parallel_loop3A_842 = tpu.vector_load %arg11[%parallel_loop3A_840, %parallel_loop3A_841] {strides = array<i32>} : memref<32x768xf32, #tpu.memory_space<vmem>>, vector<1x16xf32>,
        %parallel_loop3A_843 = vector.shape_cast %parallel_loop3A_842 : vector<1x16xf32> to vector<16xf32>
        %parallel_loop3A_844 = arith.addf %parallel_loop3A_839, %parallel_loop3A_843 : vector<16xf32>
        %parallel_loop3A_845 = arith.index_cast %and3A_99 : i32 to index
        %parallel_loop3A_846 = arith.index_cast %parallel_loop3A_177 : i32 to index
        %parallel_loop3A_847 = arith.constant 512 : index
        %parallel_loop3A_848 = tpu.vector_load %arg14[%parallel_loop3A_845, %parallel_loop3A_846, %parallel_loop3A_847] {strides = array<i32>} : memref<4x32x768xf32, #tpu.memory_space<vmem>>, vector<1x1x16xf32>,
        %parallel_loop3A_849 = vector.shape_cast %parallel_loop3A_848 : vector<1x1x16xf32> to vector<16xf32>
        %parallel_loop3A_850 = vector.shape_cast %parallel_loop3A_844 : vector<16xf32> to vector<1x1x16xf32>
        tpu.vector_store %arg14[%parallel_loop3A_845, %parallel_loop3A_846, %parallel_loop3A_847], %parallel_loop3A_850 {strides = array<i32>} : memref<4x32x768xf32, #tpu.memory_space<vmem>>, vector<1x1x16xf32>,
        %parallel_loop3A_851 = arith.addf %parallel_loop3A_832, %parallel_loop3A_844 : vector<16xf32>
        %parallel_loop3A_852 = arith.mulf %parallel_loop3A_844, %parallel_loop3A_844 : vector<16xf32>
        %parallel_loop3A_853 = arith.addf %parallel_loop3A_834, %parallel_loop3A_852 : vector<16xf32>
        %parallel_loop3A_854 = arith.index_cast %and3A_99 : i32 to index
        %parallel_loop3A_855 = arith.index_cast %parallel_loop3A_177 : i32 to index
        %parallel_loop3A_856 = arith.constant 528 : index
        %parallel_loop3A_857 = tpu.vector_load %arg14[%parallel_loop3A_854, %parallel_loop3A_855, %parallel_loop3A_856] {strides = array<i32>} : memref<4x32x768xf32, #tpu.memory_space<vmem>>, vector<1x1x16xf32>,
        %parallel_loop3A_858 = vector.shape_cast %parallel_loop3A_857 : vector<1x1x16xf32> to vector<16xf32>
        %parallel_loop3A_859 = arith.index_cast %parallel_loop3A_222 : i32 to index
        %parallel_loop3A_860 = arith.constant 528 : index
        %parallel_loop3A_861 = tpu.vector_load %arg11[%parallel_loop3A_859, %parallel_loop3A_860] {strides = array<i32>} : memref<32x768xf32, #tpu.memory_space<vmem>>, vector<1x16xf32>,
        %parallel_loop3A_862 = vector.shape_cast %parallel_loop3A_861 : vector<1x16xf32> to vector<16xf32>
        %parallel_loop3A_863 = arith.addf %parallel_loop3A_858, %parallel_loop3A_862 : vector<16xf32>
        %parallel_loop3A_864 = arith.index_cast %and3A_99 : i32 to index
        %parallel_loop3A_865 = arith.index_cast %parallel_loop3A_177 : i32 to index
        %parallel_loop3A_866 = arith.constant 528 : index
        %parallel_loop3A_867 = tpu.vector_load %arg14[%parallel_loop3A_864, %parallel_loop3A_865, %parallel_loop3A_866] {strides = array<i32>} : memref<4x32x768xf32, #tpu.memory_space<vmem>>, vector<1x1x16xf32>,
        %parallel_loop3A_868 = vector.shape_cast %parallel_loop3A_867 : vector<1x1x16xf32> to vector<16xf32>
        %parallel_loop3A_869 = vector.shape_cast %parallel_loop3A_863 : vector<16xf32> to vector<1x1x16xf32>
        tpu.vector_store %arg14[%parallel_loop3A_864, %parallel_loop3A_865, %parallel_loop3A_866], %parallel_loop3A_869 {strides = array<i32>} : memref<4x32x768xf32, #tpu.memory_space<vmem>>, vector<1x1x16xf32>,
        %parallel_loop3A_870 = arith.addf %parallel_loop3A_851, %parallel_loop3A_863 : vector<16xf32>
        %parallel_loop3A_871 = arith.mulf %parallel_loop3A_863, %parallel_loop3A_863 : vector<16xf32>
        %parallel_loop3A_872 = arith.addf %parallel_loop3A_853, %parallel_loop3A_871 : vector<16xf32>
        %parallel_loop3A_873 = arith.index_cast %and3A_99 : i32 to index
        %parallel_loop3A_874 = arith.index_cast %parallel_loop3A_177 : i32 to index
        %parallel_loop3A_875 = arith.constant 544 : index
        %parallel_loop3A_876 = tpu.vector_load %arg14[%parallel_loop3A_873, %parallel_loop3A_874, %parallel_loop3A_875] {strides = array<i32>} : memref<4x32x768xf32, #tpu.memory_space<vmem>>, vector<1x1x16xf32>,
        %parallel_loop3A_877 = vector.shape_cast %parallel_loop3A_876 : vector<1x1x16xf32> to vector<16xf32>
        %parallel_loop3A_878 = arith.index_cast %parallel_loop3A_222 : i32 to index
        %parallel_loop3A_879 = arith.constant 544 : index
        %parallel_loop3A_880 = tpu.vector_load %arg11[%parallel_loop3A_878, %parallel_loop3A_879] {strides = array<i32>} : memref<32x768xf32, #tpu.memory_space<vmem>>, vector<1x16xf32>,
        %parallel_loop3A_881 = vector.shape_cast %parallel_loop3A_880 : vector<1x16xf32> to vector<16xf32>
        %parallel_loop3A_882 = arith.addf %parallel_loop3A_877, %parallel_loop3A_881 : vector<16xf32>
        %parallel_loop3A_883 = arith.index_cast %and3A_99 : i32 to index
        %parallel_loop3A_884 = arith.index_cast %parallel_loop3A_177 : i32 to index
        %parallel_loop3A_885 = arith.constant 544 : index
        %parallel_loop3A_886 = tpu.vector_load %arg14[%parallel_loop3A_883, %parallel_loop3A_884, %parallel_loop3A_885] {strides = array<i32>} : memref<4x32x768xf32, #tpu.memory_space<vmem>>, vector<1x1x16xf32>,
        %parallel_loop3A_887 = vector.shape_cast %parallel_loop3A_886 : vector<1x1x16xf32> to vector<16xf32>
        %parallel_loop3A_888 = vector.shape_cast %parallel_loop3A_882 : vector<16xf32> to vector<1x1x16xf32>
        tpu.vector_store %arg14[%parallel_loop3A_883, %parallel_loop3A_884, %parallel_loop3A_885], %parallel_loop3A_888 {strides = array<i32>} : memref<4x32x768xf32, #tpu.memory_space<vmem>>, vector<1x1x16xf32>,
        %parallel_loop3A_889 = arith.addf %parallel_loop3A_870, %parallel_loop3A_882 : vector<16xf32>
        %parallel_loop3A_890 = arith.mulf %parallel_loop3A_882, %parallel_loop3A_882 : vector<16xf32>
        %parallel_loop3A_891 = arith.addf %parallel_loop3A_872, %parallel_loop3A_890 : vector<16xf32>
        %parallel_loop3A_892 = arith.index_cast %and3A_99 : i32 to index
        %parallel_loop3A_893 = arith.index_cast %parallel_loop3A_177 : i32 to index
        %parallel_loop3A_894 = arith.constant 560 : index
        %parallel_loop3A_895 = tpu.vector_load %arg14[%parallel_loop3A_892, %parallel_loop3A_893, %parallel_loop3A_894] {strides = array<i32>} : memref<4x32x768xf32, #tpu.memory_space<vmem>>, vector<1x1x16xf32>,
        %parallel_loop3A_896 = vector.shape_cast %parallel_loop3A_895 : vector<1x1x16xf32> to vector<16xf32>
        %parallel_loop3A_897 = arith.index_cast %parallel_loop3A_222 : i32 to index
        %parallel_loop3A_898 = arith.constant 560 : index
        %parallel_loop3A_899 = tpu.vector_load %arg11[%parallel_loop3A_897, %parallel_loop3A_898] {strides = array<i32>} : memref<32x768xf32, #tpu.memory_space<vmem>>, vector<1x16xf32>,
        %parallel_loop3A_900 = vector.shape_cast %parallel_loop3A_899 : vector<1x16xf32> to vector<16xf32>
        %parallel_loop3A_901 = arith.addf %parallel_loop3A_896, %parallel_loop3A_900 : vector<16xf32>
        %parallel_loop3A_902 = arith.index_cast %and3A_99 : i32 to index
        %parallel_loop3A_903 = arith.index_cast %parallel_loop3A_177 : i32 to index
        %parallel_loop3A_904 = arith.constant 560 : index
        %parallel_loop3A_905 = tpu.vector_load %arg14[%parallel_loop3A_902, %parallel_loop3A_903, %parallel_loop3A_904] {strides = array<i32>} : memref<4x32x768xf32, #tpu.memory_space<vmem>>, vector<1x1x16xf32>,
        %parallel_loop3A_906 = vector.shape_cast %parallel_loop3A_905 : vector<1x1x16xf32> to vector<16xf32>
        %parallel_loop3A_907 = vector.shape_cast %parallel_loop3A_901 : vector<16xf32> to vector<1x1x16xf32>
        tpu.vector_store %arg14[%parallel_loop3A_902, %parallel_loop3A_903, %parallel_loop3A_904], %parallel_loop3A_907 {strides = array<i32>} : memref<4x32x768xf32, #tpu.memory_space<vmem>>, vector<1x1x16xf32>,
        %parallel_loop3A_908 = arith.addf %parallel_loop3A_889, %parallel_loop3A_901 : vector<16xf32>
        %parallel_loop3A_909 = arith.mulf %parallel_loop3A_901, %parallel_loop3A_901 : vector<16xf32>
        %parallel_loop3A_910 = arith.addf %parallel_loop3A_891, %parallel_loop3A_909 : vector<16xf32>
        %parallel_loop3A_911 = arith.index_cast %and3A_99 : i32 to index
        %parallel_loop3A_912 = arith.index_cast %parallel_loop3A_177 : i32 to index
        %parallel_loop3A_913 = arith.constant 576 : index
        %parallel_loop3A_914 = tpu.vector_load %arg14[%parallel_loop3A_911, %parallel_loop3A_912, %parallel_loop3A_913] {strides = array<i32>} : memref<4x32x768xf32, #tpu.memory_space<vmem>>, vector<1x1x16xf32>,
        %parallel_loop3A_915 = vector.shape_cast %parallel_loop3A_914 : vector<1x1x16xf32> to vector<16xf32>
        %parallel_loop3A_916 = arith.index_cast %parallel_loop3A_222 : i32 to index
        %parallel_loop3A_917 = arith.constant 576 : index
        %parallel_loop3A_918 = tpu.vector_load %arg11[%parallel_loop3A_916, %parallel_loop3A_917] {strides = array<i32>} : memref<32x768xf32, #tpu.memory_space<vmem>>, vector<1x16xf32>,
        %parallel_loop3A_919 = vector.shape_cast %parallel_loop3A_918 : vector<1x16xf32> to vector<16xf32>
        %parallel_loop3A_920 = arith.addf %parallel_loop3A_915, %parallel_loop3A_919 : vector<16xf32>
        %parallel_loop3A_921 = arith.index_cast %and3A_99 : i32 to index
        %parallel_loop3A_922 = arith.index_cast %parallel_loop3A_177 : i32 to index
        %parallel_loop3A_923 = arith.constant 576 : index
        %parallel_loop3A_924 = tpu.vector_load %arg14[%parallel_loop3A_921, %parallel_loop3A_922, %parallel_loop3A_923] {strides = array<i32>} : memref<4x32x768xf32, #tpu.memory_space<vmem>>, vector<1x1x16xf32>,
        %parallel_loop3A_925 = vector.shape_cast %parallel_loop3A_924 : vector<1x1x16xf32> to vector<16xf32>
        %parallel_loop3A_926 = vector.shape_cast %parallel_loop3A_920 : vector<16xf32> to vector<1x1x16xf32>
        tpu.vector_store %arg14[%parallel_loop3A_921, %parallel_loop3A_922, %parallel_loop3A_923], %parallel_loop3A_926 {strides = array<i32>} : memref<4x32x768xf32, #tpu.memory_space<vmem>>, vector<1x1x16xf32>,
        %parallel_loop3A_927 = arith.addf %parallel_loop3A_908, %parallel_loop3A_920 : vector<16xf32>
        %parallel_loop3A_928 = arith.mulf %parallel_loop3A_920, %parallel_loop3A_920 : vector<16xf32>
        %parallel_loop3A_929 = arith.addf %parallel_loop3A_910, %parallel_loop3A_928 : vector<16xf32>
        %parallel_loop3A_930 = arith.index_cast %and3A_99 : i32 to index
        %parallel_loop3A_931 = arith.index_cast %parallel_loop3A_177 : i32 to index
        %parallel_loop3A_932 = arith.constant 592 : index
        %parallel_loop3A_933 = tpu.vector_load %arg14[%parallel_loop3A_930, %parallel_loop3A_931, %parallel_loop3A_932] {strides = array<i32>} : memref<4x32x768xf32, #tpu.memory_space<vmem>>, vector<1x1x16xf32>,
        %parallel_loop3A_934 = vector.shape_cast %parallel_loop3A_933 : vector<1x1x16xf32> to vector<16xf32>
        %parallel_loop3A_935 = arith.index_cast %parallel_loop3A_222 : i32 to index
        %parallel_loop3A_936 = arith.constant 592 : index
        %parallel_loop3A_937 = tpu.vector_load %arg11[%parallel_loop3A_935, %parallel_loop3A_936] {strides = array<i32>} : memref<32x768xf32, #tpu.memory_space<vmem>>, vector<1x16xf32>,
        %parallel_loop3A_938 = vector.shape_cast %parallel_loop3A_937 : vector<1x16xf32> to vector<16xf32>
        %parallel_loop3A_939 = arith.addf %parallel_loop3A_934, %parallel_loop3A_938 : vector<16xf32>
        %parallel_loop3A_940 = arith.index_cast %and3A_99 : i32 to index
        %parallel_loop3A_941 = arith.index_cast %parallel_loop3A_177 : i32 to index
        %parallel_loop3A_942 = arith.constant 592 : index
        %parallel_loop3A_943 = tpu.vector_load %arg14[%parallel_loop3A_940, %parallel_loop3A_941, %parallel_loop3A_942] {strides = array<i32>} : memref<4x32x768xf32, #tpu.memory_space<vmem>>, vector<1x1x16xf32>,
        %parallel_loop3A_944 = vector.shape_cast %parallel_loop3A_943 : vector<1x1x16xf32> to vector<16xf32>
        %parallel_loop3A_945 = vector.shape_cast %parallel_loop3A_939 : vector<16xf32> to vector<1x1x16xf32>
        tpu.vector_store %arg14[%parallel_loop3A_940, %parallel_loop3A_941, %parallel_loop3A_942], %parallel_loop3A_945 {strides = array<i32>} : memref<4x32x768xf32, #tpu.memory_space<vmem>>, vector<1x1x16xf32>,
        %parallel_loop3A_946 = arith.addf %parallel_loop3A_927, %parallel_loop3A_939 : vector<16xf32>
        %parallel_loop3A_947 = arith.mulf %parallel_loop3A_939, %parallel_loop3A_939 : vector<16xf32>
        %parallel_loop3A_948 = arith.addf %parallel_loop3A_929, %parallel_loop3A_947 : vector<16xf32>
        %parallel_loop3A_949 = arith.index_cast %and3A_99 : i32 to index
        %parallel_loop3A_950 = arith.index_cast %parallel_loop3A_177 : i32 to index
        %parallel_loop3A_951 = arith.constant 608 : index
        %parallel_loop3A_952 = tpu.vector_load %arg14[%parallel_loop3A_949, %parallel_loop3A_950, %parallel_loop3A_951] {strides = array<i32>} : memref<4x32x768xf32, #tpu.memory_space<vmem>>, vector<1x1x16xf32>,
        %parallel_loop3A_953 = vector.shape_cast %parallel_loop3A_952 : vector<1x1x16xf32> to vector<16xf32>
        %parallel_loop3A_954 = arith.index_cast %parallel_loop3A_222 : i32 to index
        %parallel_loop3A_955 = arith.constant 608 : index
        %parallel_loop3A_956 = tpu.vector_load %arg11[%parallel_loop3A_954, %parallel_loop3A_955] {strides = array<i32>} : memref<32x768xf32, #tpu.memory_space<vmem>>, vector<1x16xf32>,
        %parallel_loop3A_957 = vector.shape_cast %parallel_loop3A_956 : vector<1x16xf32> to vector<16xf32>
        %parallel_loop3A_958 = arith.addf %parallel_loop3A_953, %parallel_loop3A_957 : vector<16xf32>
        %parallel_loop3A_959 = arith.index_cast %and3A_99 : i32 to index
        %parallel_loop3A_960 = arith.index_cast %parallel_loop3A_177 : i32 to index
        %parallel_loop3A_961 = arith.constant 608 : index
        %parallel_loop3A_962 = tpu.vector_load %arg14[%parallel_loop3A_959, %parallel_loop3A_960, %parallel_loop3A_961] {strides = array<i32>} : memref<4x32x768xf32, #tpu.memory_space<vmem>>, vector<1x1x16xf32>,
        %parallel_loop3A_963 = vector.shape_cast %parallel_loop3A_962 : vector<1x1x16xf32> to vector<16xf32>
        %parallel_loop3A_964 = vector.shape_cast %parallel_loop3A_958 : vector<16xf32> to vector<1x1x16xf32>
        tpu.vector_store %arg14[%parallel_loop3A_959, %parallel_loop3A_960, %parallel_loop3A_961], %parallel_loop3A_964 {strides = array<i32>} : memref<4x32x768xf32, #tpu.memory_space<vmem>>, vector<1x1x16xf32>,
        %parallel_loop3A_965 = arith.addf %parallel_loop3A_946, %parallel_loop3A_958 : vector<16xf32>
        %parallel_loop3A_966 = arith.mulf %parallel_loop3A_958, %parallel_loop3A_958 : vector<16xf32>
        %parallel_loop3A_967 = arith.addf %parallel_loop3A_948, %parallel_loop3A_966 : vector<16xf32>
        %parallel_loop3A_968 = arith.index_cast %and3A_99 : i32 to index
        %parallel_loop3A_969 = arith.index_cast %parallel_loop3A_177 : i32 to index
        %parallel_loop3A_970 = arith.constant 624 : index
        %parallel_loop3A_971 = tpu.vector_load %arg14[%parallel_loop3A_968, %parallel_loop3A_969, %parallel_loop3A_970] {strides = array<i32>} : memref<4x32x768xf32, #tpu.memory_space<vmem>>, vector<1x1x16xf32>,
        %parallel_loop3A_972 = vector.shape_cast %parallel_loop3A_971 : vector<1x1x16xf32> to vector<16xf32>
        %parallel_loop3A_973 = arith.index_cast %parallel_loop3A_222 : i32 to index
        %parallel_loop3A_974 = arith.constant 624 : index
        %parallel_loop3A_975 = tpu.vector_load %arg11[%parallel_loop3A_973, %parallel_loop3A_974] {strides = array<i32>} : memref<32x768xf32, #tpu.memory_space<vmem>>, vector<1x16xf32>,
        %parallel_loop3A_976 = vector.shape_cast %parallel_loop3A_975 : vector<1x16xf32> to vector<16xf32>
        %parallel_loop3A_977 = arith.addf %parallel_loop3A_972, %parallel_loop3A_976 : vector<16xf32>
        %parallel_loop3A_978 = arith.index_cast %and3A_99 : i32 to index
        %parallel_loop3A_979 = arith.index_cast %parallel_loop3A_177 : i32 to index
        %parallel_loop3A_980 = arith.constant 624 : index
        %parallel_loop3A_981 = tpu.vector_load %arg14[%parallel_loop3A_978, %parallel_loop3A_979, %parallel_loop3A_980] {strides = array<i32>} : memref<4x32x768xf32, #tpu.memory_space<vmem>>, vector<1x1x16xf32>,
        %parallel_loop3A_982 = vector.shape_cast %parallel_loop3A_981 : vector<1x1x16xf32> to vector<16xf32>
        %parallel_loop3A_983 = vector.shape_cast %parallel_loop3A_977 : vector<16xf32> to vector<1x1x16xf32>
        tpu.vector_store %arg14[%parallel_loop3A_978, %parallel_loop3A_979, %parallel_loop3A_980], %parallel_loop3A_983 {strides = array<i32>} : memref<4x32x768xf32, #tpu.memory_space<vmem>>, vector<1x1x16xf32>,
        %parallel_loop3A_984 = arith.addf %parallel_loop3A_965, %parallel_loop3A_977 : vector<16xf32>
        %parallel_loop3A_985 = arith.mulf %parallel_loop3A_977, %parallel_loop3A_977 : vector<16xf32>
        %parallel_loop3A_986 = arith.addf %parallel_loop3A_967, %parallel_loop3A_985 : vector<16xf32>
        %parallel_loop3A_987 = arith.index_cast %and3A_99 : i32 to index
        %parallel_loop3A_988 = arith.index_cast %parallel_loop3A_177 : i32 to index
        %parallel_loop3A_989 = arith.constant 640 : index
        %parallel_loop3A_990 = tpu.vector_load %arg14[%parallel_loop3A_987, %parallel_loop3A_988, %parallel_loop3A_989] {strides = array<i32>} : memref<4x32x768xf32, #tpu.memory_space<vmem>>, vector<1x1x16xf32>,
        %parallel_loop3A_991 = vector.shape_cast %parallel_loop3A_990 : vector<1x1x16xf32> to vector<16xf32>
        %parallel_loop3A_992 = arith.index_cast %parallel_loop3A_222 : i32 to index
        %parallel_loop3A_993 = arith.constant 640 : index
        %parallel_loop3A_994 = tpu.vector_load %arg11[%parallel_loop3A_992, %parallel_loop3A_993] {strides = array<i32>} : memref<32x768xf32, #tpu.memory_space<vmem>>, vector<1x16xf32>,
        %parallel_loop3A_995 = vector.shape_cast %parallel_loop3A_994 : vector<1x16xf32> to vector<16xf32>
        %parallel_loop3A_996 = arith.addf %parallel_loop3A_991, %parallel_loop3A_995 : vector<16xf32>
        %parallel_loop3A_997 = arith.index_cast %and3A_99 : i32 to index
        %parallel_loop3A_998 = arith.index_cast %parallel_loop3A_177 : i32 to index
        %parallel_loop3A_999 = arith.constant 640 : index
        %parallel_loop3A_1000 = tpu.vector_load %arg14[%parallel_loop3A_997, %parallel_loop3A_998, %parallel_loop3A_999] {strides = array<i32>} : memref<4x32x768xf32, #tpu.memory_space<vmem>>, vector<1x1x16xf32>,
        %parallel_loop3A_1001 = vector.shape_cast %parallel_loop3A_1000 : vector<1x1x16xf32> to vector<16xf32>
        %parallel_loop3A_1002 = vector.shape_cast %parallel_loop3A_996 : vector<16xf32> to vector<1x1x16xf32>
        tpu.vector_store %arg14[%parallel_loop3A_997, %parallel_loop3A_998, %parallel_loop3A_999], %parallel_loop3A_1002 {strides = array<i32>} : memref<4x32x768xf32, #tpu.memory_space<vmem>>, vector<1x1x16xf32>,
        %parallel_loop3A_1003 = arith.addf %parallel_loop3A_984, %parallel_loop3A_996 : vector<16xf32>
        %parallel_loop3A_1004 = arith.mulf %parallel_loop3A_996, %parallel_loop3A_996 : vector<16xf32>
        %parallel_loop3A_1005 = arith.addf %parallel_loop3A_986, %parallel_loop3A_1004 : vector<16xf32>
        %parallel_loop3A_1006 = arith.index_cast %and3A_99 : i32 to index
        %parallel_loop3A_1007 = arith.index_cast %parallel_loop3A_177 : i32 to index
        %parallel_loop3A_1008 = arith.constant 656 : index
        %parallel_loop3A_1009 = tpu.vector_load %arg14[%parallel_loop3A_1006, %parallel_loop3A_1007, %parallel_loop3A_1008] {strides = array<i32>} : memref<4x32x768xf32, #tpu.memory_space<vmem>>, vector<1x1x16xf32>,
        %parallel_loop3A_1010 = vector.shape_cast %parallel_loop3A_1009 : vector<1x1x16xf32> to vector<16xf32>
        %parallel_loop3A_1011 = arith.index_cast %parallel_loop3A_222 : i32 to index
        %parallel_loop3A_1012 = arith.constant 656 : index
        %parallel_loop3A_1013 = tpu.vector_load %arg11[%parallel_loop3A_1011, %parallel_loop3A_1012] {strides = array<i32>} : memref<32x768xf32, #tpu.memory_space<vmem>>, vector<1x16xf32>,
        %parallel_loop3A_1014 = vector.shape_cast %parallel_loop3A_1013 : vector<1x16xf32> to vector<16xf32>
        %parallel_loop3A_1015 = arith.addf %parallel_loop3A_1010, %parallel_loop3A_1014 : vector<16xf32>
        %parallel_loop3A_1016 = arith.index_cast %and3A_99 : i32 to index
        %parallel_loop3A_1017 = arith.index_cast %parallel_loop3A_177 : i32 to index
        %parallel_loop3A_1018 = arith.constant 656 : index
        %parallel_loop3A_1019 = tpu.vector_load %arg14[%parallel_loop3A_1016, %parallel_loop3A_1017, %parallel_loop3A_1018] {strides = array<i32>} : memref<4x32x768xf32, #tpu.memory_space<vmem>>, vector<1x1x16xf32>,
        %parallel_loop3A_1020 = vector.shape_cast %parallel_loop3A_1019 : vector<1x1x16xf32> to vector<16xf32>
        %parallel_loop3A_1021 = vector.shape_cast %parallel_loop3A_1015 : vector<16xf32> to vector<1x1x16xf32>
        tpu.vector_store %arg14[%parallel_loop3A_1016, %parallel_loop3A_1017, %parallel_loop3A_1018], %parallel_loop3A_1021 {strides = array<i32>} : memref<4x32x768xf32, #tpu.memory_space<vmem>>, vector<1x1x16xf32>,
        %parallel_loop3A_1022 = arith.addf %parallel_loop3A_1003, %parallel_loop3A_1015 : vector<16xf32>
        %parallel_loop3A_1023 = arith.mulf %parallel_loop3A_1015, %parallel_loop3A_1015 : vector<16xf32>
        %parallel_loop3A_1024 = arith.addf %parallel_loop3A_1005, %parallel_loop3A_1023 : vector<16xf32>
        %parallel_loop3A_1025 = arith.index_cast %and3A_99 : i32 to index
        %parallel_loop3A_1026 = arith.index_cast %parallel_loop3A_177 : i32 to index
        %parallel_loop3A_1027 = arith.constant 672 : index
        %parallel_loop3A_1028 = tpu.vector_load %arg14[%parallel_loop3A_1025, %parallel_loop3A_1026, %parallel_loop3A_1027] {strides = array<i32>} : memref<4x32x768xf32, #tpu.memory_space<vmem>>, vector<1x1x16xf32>,
        %parallel_loop3A_1029 = vector.shape_cast %parallel_loop3A_1028 : vector<1x1x16xf32> to vector<16xf32>
        %parallel_loop3A_1030 = arith.index_cast %parallel_loop3A_222 : i32 to index
        %parallel_loop3A_1031 = arith.constant 672 : index
        %parallel_loop3A_1032 = tpu.vector_load %arg11[%parallel_loop3A_1030, %parallel_loop3A_1031] {strides = array<i32>} : memref<32x768xf32, #tpu.memory_space<vmem>>, vector<1x16xf32>,
        %parallel_loop3A_1033 = vector.shape_cast %parallel_loop3A_1032 : vector<1x16xf32> to vector<16xf32>
        %parallel_loop3A_1034 = arith.addf %parallel_loop3A_1029, %parallel_loop3A_1033 : vector<16xf32>
        %parallel_loop3A_1035 = arith.index_cast %and3A_99 : i32 to index
        %parallel_loop3A_1036 = arith.index_cast %parallel_loop3A_177 : i32 to index
        %parallel_loop3A_1037 = arith.constant 672 : index
        %parallel_loop3A_1038 = tpu.vector_load %arg14[%parallel_loop3A_1035, %parallel_loop3A_1036, %parallel_loop3A_1037] {strides = array<i32>} : memref<4x32x768xf32, #tpu.memory_space<vmem>>, vector<1x1x16xf32>,
        %parallel_loop3A_1039 = vector.shape_cast %parallel_loop3A_1038 : vector<1x1x16xf32> to vector<16xf32>
        %parallel_loop3A_1040 = vector.shape_cast %parallel_loop3A_1034 : vector<16xf32> to vector<1x1x16xf32>
        tpu.vector_store %arg14[%parallel_loop3A_1035, %parallel_loop3A_1036, %parallel_loop3A_1037], %parallel_loop3A_1040 {strides = array<i32>} : memref<4x32x768xf32, #tpu.memory_space<vmem>>, vector<1x1x16xf32>,
        %parallel_loop3A_1041 = arith.addf %parallel_loop3A_1022, %parallel_loop3A_1034 : vector<16xf32>
        %parallel_loop3A_1042 = arith.mulf %parallel_loop3A_1034, %parallel_loop3A_1034 : vector<16xf32>
        %parallel_loop3A_1043 = arith.addf %parallel_loop3A_1024, %parallel_loop3A_1042 : vector<16xf32>
        %parallel_loop3A_1044 = arith.index_cast %and3A_99 : i32 to index
        %parallel_loop3A_1045 = arith.index_cast %parallel_loop3A_177 : i32 to index
        %parallel_loop3A_1046 = arith.constant 688 : index
        %parallel_loop3A_1047 = tpu.vector_load %arg14[%parallel_loop3A_1044, %parallel_loop3A_1045, %parallel_loop3A_1046] {strides = array<i32>} : memref<4x32x768xf32, #tpu.memory_space<vmem>>, vector<1x1x16xf32>,
        %parallel_loop3A_1048 = vector.shape_cast %parallel_loop3A_1047 : vector<1x1x16xf32> to vector<16xf32>
        %parallel_loop3A_1049 = arith.index_cast %parallel_loop3A_222 : i32 to index
        %parallel_loop3A_1050 = arith.constant 688 : index
        %parallel_loop3A_1051 = tpu.vector_load %arg11[%parallel_loop3A_1049, %parallel_loop3A_1050] {strides = array<i32>} : memref<32x768xf32, #tpu.memory_space<vmem>>, vector<1x16xf32>,
        %parallel_loop3A_1052 = vector.shape_cast %parallel_loop3A_1051 : vector<1x16xf32> to vector<16xf32>
        %parallel_loop3A_1053 = arith.addf %parallel_loop3A_1048, %parallel_loop3A_1052 : vector<16xf32>
        %parallel_loop3A_1054 = arith.index_cast %and3A_99 : i32 to index
        %parallel_loop3A_1055 = arith.index_cast %parallel_loop3A_177 : i32 to index
        %parallel_loop3A_1056 = arith.constant 688 : index
        %parallel_loop3A_1057 = tpu.vector_load %arg14[%parallel_loop3A_1054, %parallel_loop3A_1055, %parallel_loop3A_1056] {strides = array<i32>} : memref<4x32x768xf32, #tpu.memory_space<vmem>>, vector<1x1x16xf32>,
        %parallel_loop3A_1058 = vector.shape_cast %parallel_loop3A_1057 : vector<1x1x16xf32> to vector<16xf32>
        %parallel_loop3A_1059 = vector.shape_cast %parallel_loop3A_1053 : vector<16xf32> to vector<1x1x16xf32>
        tpu.vector_store %arg14[%parallel_loop3A_1054, %parallel_loop3A_1055, %parallel_loop3A_1056], %parallel_loop3A_1059 {strides = array<i32>} : memref<4x32x768xf32, #tpu.memory_space<vmem>>, vector<1x1x16xf32>,
        %parallel_loop3A_1060 = arith.addf %parallel_loop3A_1041, %parallel_loop3A_1053 : vector<16xf32>
        %parallel_loop3A_1061 = arith.mulf %parallel_loop3A_1053, %parallel_loop3A_1053 : vector<16xf32>
        %parallel_loop3A_1062 = arith.addf %parallel_loop3A_1043, %parallel_loop3A_1061 : vector<16xf32>
        %parallel_loop3A_1063 = arith.index_cast %and3A_99 : i32 to index
        %parallel_loop3A_1064 = arith.index_cast %parallel_loop3A_177 : i32 to index
        %parallel_loop3A_1065 = arith.constant 704 : index
        %parallel_loop3A_1066 = tpu.vector_load %arg14[%parallel_loop3A_1063, %parallel_loop3A_1064, %parallel_loop3A_1065] {strides = array<i32>} : memref<4x32x768xf32, #tpu.memory_space<vmem>>, vector<1x1x16xf32>,
        %parallel_loop3A_1067 = vector.shape_cast %parallel_loop3A_1066 : vector<1x1x16xf32> to vector<16xf32>
        %parallel_loop3A_1068 = arith.index_cast %parallel_loop3A_222 : i32 to index
        %parallel_loop3A_1069 = arith.constant 704 : index
        %parallel_loop3A_1070 = tpu.vector_load %arg11[%parallel_loop3A_1068, %parallel_loop3A_1069] {strides = array<i32>} : memref<32x768xf32, #tpu.memory_space<vmem>>, vector<1x16xf32>,
        %parallel_loop3A_1071 = vector.shape_cast %parallel_loop3A_1070 : vector<1x16xf32> to vector<16xf32>
        %parallel_loop3A_1072 = arith.addf %parallel_loop3A_1067, %parallel_loop3A_1071 : vector<16xf32>
        %parallel_loop3A_1073 = arith.index_cast %and3A_99 : i32 to index
        %parallel_loop3A_1074 = arith.index_cast %parallel_loop3A_177 : i32 to index
        %parallel_loop3A_1075 = arith.constant 704 : index
        %parallel_loop3A_1076 = tpu.vector_load %arg14[%parallel_loop3A_1073, %parallel_loop3A_1074, %parallel_loop3A_1075] {strides = array<i32>} : memref<4x32x768xf32, #tpu.memory_space<vmem>>, vector<1x1x16xf32>,
        %parallel_loop3A_1077 = vector.shape_cast %parallel_loop3A_1076 : vector<1x1x16xf32> to vector<16xf32>
        %parallel_loop3A_1078 = vector.shape_cast %parallel_loop3A_1072 : vector<16xf32> to vector<1x1x16xf32>
        tpu.vector_store %arg14[%parallel_loop3A_1073, %parallel_loop3A_1074, %parallel_loop3A_1075], %parallel_loop3A_1078 {strides = array<i32>} : memref<4x32x768xf32, #tpu.memory_space<vmem>>, vector<1x1x16xf32>,
        %parallel_loop3A_1079 = arith.addf %parallel_loop3A_1060, %parallel_loop3A_1072 : vector<16xf32>
        %parallel_loop3A_1080 = arith.mulf %parallel_loop3A_1072, %parallel_loop3A_1072 : vector<16xf32>
        %parallel_loop3A_1081 = arith.addf %parallel_loop3A_1062, %parallel_loop3A_1080 : vector<16xf32>
        %parallel_loop3A_1082 = arith.index_cast %and3A_99 : i32 to index
        %parallel_loop3A_1083 = arith.index_cast %parallel_loop3A_177 : i32 to index
        %parallel_loop3A_1084 = arith.constant 720 : index
        %parallel_loop3A_1085 = tpu.vector_load %arg14[%parallel_loop3A_1082, %parallel_loop3A_1083, %parallel_loop3A_1084] {strides = array<i32>} : memref<4x32x768xf32, #tpu.memory_space<vmem>>, vector<1x1x16xf32>,
        %parallel_loop3A_1086 = vector.shape_cast %parallel_loop3A_1085 : vector<1x1x16xf32> to vector<16xf32>
        %parallel_loop3A_1087 = arith.index_cast %parallel_loop3A_222 : i32 to index
        %parallel_loop3A_1088 = arith.constant 720 : index
        %parallel_loop3A_1089 = tpu.vector_load %arg11[%parallel_loop3A_1087, %parallel_loop3A_1088] {strides = array<i32>} : memref<32x768xf32, #tpu.memory_space<vmem>>, vector<1x16xf32>,
        %parallel_loop3A_1090 = vector.shape_cast %parallel_loop3A_1089 : vector<1x16xf32> to vector<16xf32>
        %parallel_loop3A_1091 = arith.addf %parallel_loop3A_1086, %parallel_loop3A_1090 : vector<16xf32>
        %parallel_loop3A_1092 = arith.index_cast %and3A_99 : i32 to index
        %parallel_loop3A_1093 = arith.index_cast %parallel_loop3A_177 : i32 to index
        %parallel_loop3A_1094 = arith.constant 720 : index
        %parallel_loop3A_1095 = tpu.vector_load %arg14[%parallel_loop3A_1092, %parallel_loop3A_1093, %parallel_loop3A_1094] {strides = array<i32>} : memref<4x32x768xf32, #tpu.memory_space<vmem>>, vector<1x1x16xf32>,
        %parallel_loop3A_1096 = vector.shape_cast %parallel_loop3A_1095 : vector<1x1x16xf32> to vector<16xf32>
        %parallel_loop3A_1097 = vector.shape_cast %parallel_loop3A_1091 : vector<16xf32> to vector<1x1x16xf32>
        tpu.vector_store %arg14[%parallel_loop3A_1092, %parallel_loop3A_1093, %parallel_loop3A_1094], %parallel_loop3A_1097 {strides = array<i32>} : memref<4x32x768xf32, #tpu.memory_space<vmem>>, vector<1x1x16xf32>,
        %parallel_loop3A_1098 = arith.addf %parallel_loop3A_1079, %parallel_loop3A_1091 : vector<16xf32>
        %parallel_loop3A_1099 = arith.mulf %parallel_loop3A_1091, %parallel_loop3A_1091 : vector<16xf32>
        %parallel_loop3A_1100 = arith.addf %parallel_loop3A_1081, %parallel_loop3A_1099 : vector<16xf32>
        %parallel_loop3A_1101 = arith.index_cast %and3A_99 : i32 to index
        %parallel_loop3A_1102 = arith.index_cast %parallel_loop3A_177 : i32 to index
        %parallel_loop3A_1103 = arith.constant 736 : index
        %parallel_loop3A_1104 = tpu.vector_load %arg14[%parallel_loop3A_1101, %parallel_loop3A_1102, %parallel_loop3A_1103] {strides = array<i32>} : memref<4x32x768xf32, #tpu.memory_space<vmem>>, vector<1x1x16xf32>,
        %parallel_loop3A_1105 = vector.shape_cast %parallel_loop3A_1104 : vector<1x1x16xf32> to vector<16xf32>
        %parallel_loop3A_1106 = arith.index_cast %parallel_loop3A_222 : i32 to index
        %parallel_loop3A_1107 = arith.constant 736 : index
        %parallel_loop3A_1108 = tpu.vector_load %arg11[%parallel_loop3A_1106, %parallel_loop3A_1107] {strides = array<i32>} : memref<32x768xf32, #tpu.memory_space<vmem>>, vector<1x16xf32>,
        %parallel_loop3A_1109 = vector.shape_cast %parallel_loop3A_1108 : vector<1x16xf32> to vector<16xf32>
        %parallel_loop3A_1110 = arith.addf %parallel_loop3A_1105, %parallel_loop3A_1109 : vector<16xf32>
        %parallel_loop3A_1111 = arith.index_cast %and3A_99 : i32 to index
        %parallel_loop3A_1112 = arith.index_cast %parallel_loop3A_177 : i32 to index
        %parallel_loop3A_1113 = arith.constant 736 : index
        %parallel_loop3A_1114 = tpu.vector_load %arg14[%parallel_loop3A_1111, %parallel_loop3A_1112, %parallel_loop3A_1113] {strides = array<i32>} : memref<4x32x768xf32, #tpu.memory_space<vmem>>, vector<1x1x16xf32>,
        %parallel_loop3A_1115 = vector.shape_cast %parallel_loop3A_1114 : vector<1x1x16xf32> to vector<16xf32>
        %parallel_loop3A_1116 = vector.shape_cast %parallel_loop3A_1110 : vector<16xf32> to vector<1x1x16xf32>
        tpu.vector_store %arg14[%parallel_loop3A_1111, %parallel_loop3A_1112, %parallel_loop3A_1113], %parallel_loop3A_1116 {strides = array<i32>} : memref<4x32x768xf32, #tpu.memory_space<vmem>>, vector<1x1x16xf32>,
        %parallel_loop3A_1117 = arith.addf %parallel_loop3A_1098, %parallel_loop3A_1110 : vector<16xf32>
        %parallel_loop3A_1118 = arith.mulf %parallel_loop3A_1110, %parallel_loop3A_1110 : vector<16xf32>
        %parallel_loop3A_1119 = arith.addf %parallel_loop3A_1100, %parallel_loop3A_1118 : vector<16xf32>
        %parallel_loop3A_1120 = arith.index_cast %and3A_99 : i32 to index
        %parallel_loop3A_1121 = arith.index_cast %parallel_loop3A_177 : i32 to index
        %parallel_loop3A_1122 = arith.constant 752 : index
        %parallel_loop3A_1123 = tpu.vector_load %arg14[%parallel_loop3A_1120, %parallel_loop3A_1121, %parallel_loop3A_1122] {strides = array<i32>} : memref<4x32x768xf32, #tpu.memory_space<vmem>>, vector<1x1x16xf32>,
        %parallel_loop3A_1124 = vector.shape_cast %parallel_loop3A_1123 : vector<1x1x16xf32> to vector<16xf32>
        %parallel_loop3A_1125 = arith.index_cast %parallel_loop3A_222 : i32 to index
        %parallel_loop3A_1126 = arith.constant 752 : index
        %parallel_loop3A_1127 = tpu.vector_load %arg11[%parallel_loop3A_1125, %parallel_loop3A_1126] {strides = array<i32>} : memref<32x768xf32, #tpu.memory_space<vmem>>, vector<1x16xf32>,
        %parallel_loop3A_1128 = vector.shape_cast %parallel_loop3A_1127 : vector<1x16xf32> to vector<16xf32>
        %parallel_loop3A_1129 = arith.addf %parallel_loop3A_1124, %parallel_loop3A_1128 : vector<16xf32>
        %parallel_loop3A_1130 = arith.index_cast %and3A_99 : i32 to index
        %parallel_loop3A_1131 = arith.index_cast %parallel_loop3A_177 : i32 to index
        %parallel_loop3A_1132 = arith.constant 752 : index
        %parallel_loop3A_1133 = tpu.vector_load %arg14[%parallel_loop3A_1130, %parallel_loop3A_1131, %parallel_loop3A_1132] {strides = array<i32>} : memref<4x32x768xf32, #tpu.memory_space<vmem>>, vector<1x1x16xf32>,
        %parallel_loop3A_1134 = vector.shape_cast %parallel_loop3A_1133 : vector<1x1x16xf32> to vector<16xf32>
        %parallel_loop3A_1135 = vector.shape_cast %parallel_loop3A_1129 : vector<16xf32> to vector<1x1x16xf32>
        tpu.vector_store %arg14[%parallel_loop3A_1130, %parallel_loop3A_1131, %parallel_loop3A_1132], %parallel_loop3A_1135 {strides = array<i32>} : memref<4x32x768xf32, #tpu.memory_space<vmem>>, vector<1x1x16xf32>,
        %parallel_loop3A_1136 = arith.addf %parallel_loop3A_1117, %parallel_loop3A_1129 : vector<16xf32>
        %parallel_loop3A_1137 = arith.mulf %parallel_loop3A_1129, %parallel_loop3A_1129 : vector<16xf32>
        %parallel_loop3A_1138 = arith.addf %parallel_loop3A_1119, %parallel_loop3A_1137 : vector<16xf32>
        %parallel_loop3A_1139 = tpu.iota {dimensions = array<i32: 0>} : vector<16xi32>
        %parallel_loop3A_1140 = arith.constant 1 : i32
        %parallel_loop3A_1141 = vector.broadcast %parallel_loop3A_1140 : i32 to vector<16xi32>
        %parallel_loop3A_1142 = arith.xori %parallel_loop3A_1139, %parallel_loop3A_1141 : vector<16xi32>
        %parallel_loop3A_1143 = vector.shape_cast %parallel_loop3A_1142 : vector<16xi32> to vector<16x1xi32>
        %parallel_loop3A_1144 = vector.shape_cast %parallel_loop3A_1143 : vector<16x1xi32> to vector<16xi32>
        %parallel_loop3A_1145 = tpu.dynamic_gather %parallel_loop3A_1136[%parallel_loop3A_1144] in [0] : vector<16xf32>, vector<16xi32> -> vector<16xf32>
        %parallel_loop3A_1146 = arith.addf %parallel_loop3A_1136, %parallel_loop3A_1145 : vector<16xf32>
        %parallel_loop3A_1147 = arith.constant 2 : i32
        %parallel_loop3A_1148 = vector.broadcast %parallel_loop3A_1147 : i32 to vector<16xi32>
        %parallel_loop3A_1149 = arith.xori %parallel_loop3A_1139, %parallel_loop3A_1148 : vector<16xi32>
        %parallel_loop3A_1150 = vector.shape_cast %parallel_loop3A_1149 : vector<16xi32> to vector<16x1xi32>
        %parallel_loop3A_1151 = vector.shape_cast %parallel_loop3A_1150 : vector<16x1xi32> to vector<16xi32>
        %parallel_loop3A_1152 = tpu.dynamic_gather %parallel_loop3A_1146[%parallel_loop3A_1151] in [0] : vector<16xf32>, vector<16xi32> -> vector<16xf32>
        %parallel_loop3A_1153 = arith.addf %parallel_loop3A_1146, %parallel_loop3A_1152 : vector<16xf32>
        %parallel_loop3A_1154 = arith.constant 4 : i32
        %parallel_loop3A_1155 = vector.broadcast %parallel_loop3A_1154 : i32 to vector<16xi32>
        %parallel_loop3A_1156 = arith.xori %parallel_loop3A_1139, %parallel_loop3A_1155 : vector<16xi32>
        %parallel_loop3A_1157 = vector.shape_cast %parallel_loop3A_1156 : vector<16xi32> to vector<16x1xi32>
        %parallel_loop3A_1158 = vector.shape_cast %parallel_loop3A_1157 : vector<16x1xi32> to vector<16xi32>
        %parallel_loop3A_1159 = tpu.dynamic_gather %parallel_loop3A_1153[%parallel_loop3A_1158] in [0] : vector<16xf32>, vector<16xi32> -> vector<16xf32>
        %parallel_loop3A_1160 = arith.addf %parallel_loop3A_1153, %parallel_loop3A_1159 : vector<16xf32>
        %parallel_loop3A_1161 = arith.constant 8 : i32
        %parallel_loop3A_1162 = vector.broadcast %parallel_loop3A_1161 : i32 to vector<16xi32>
        %parallel_loop3A_1163 = arith.xori %parallel_loop3A_1139, %parallel_loop3A_1162 : vector<16xi32>
        %parallel_loop3A_1164 = vector.shape_cast %parallel_loop3A_1163 : vector<16xi32> to vector<16x1xi32>
        %parallel_loop3A_1165 = vector.shape_cast %parallel_loop3A_1164 : vector<16x1xi32> to vector<16xi32>
        %parallel_loop3A_1166 = tpu.dynamic_gather %parallel_loop3A_1160[%parallel_loop3A_1165] in [0] : vector<16xf32>, vector<16xi32> -> vector<16xf32>
        %parallel_loop3A_1167 = arith.addf %parallel_loop3A_1160, %parallel_loop3A_1166 : vector<16xf32>
        %parallel_loop3A_1168 = vector.extract_strided_slice %parallel_loop3A_1167 {offsets = [0], sizes = [1], strides = [1]} : vector<16xf32> to vector<1xf32>
        %parallel_loop3A_1169 = vector.extract %parallel_loop3A_1168[0] : f32 from vector<1xf32>
        %parallel_loop3A_1170 = arith.constant 0.00130208337 : f32
        %parallel_loop3A_1171 = arith.mulf %parallel_loop3A_1169, %parallel_loop3A_1170 : f32
        %parallel_loop3A_1172 = tpu.iota {dimensions = array<i32: 0>} : vector<16xi32>
        %parallel_loop3A_1173 = arith.constant 1 : i32
        %parallel_loop3A_1174 = vector.broadcast %parallel_loop3A_1173 : i32 to vector<16xi32>
        %parallel_loop3A_1175 = arith.xori %parallel_loop3A_1172, %parallel_loop3A_1174 : vector<16xi32>
        %parallel_loop3A_1176 = vector.shape_cast %parallel_loop3A_1175 : vector<16xi32> to vector<16x1xi32>
        %parallel_loop3A_1177 = vector.shape_cast %parallel_loop3A_1176 : vector<16x1xi32> to vector<16xi32>
        %parallel_loop3A_1178 = tpu.dynamic_gather %parallel_loop3A_1138[%parallel_loop3A_1177] in [0] : vector<16xf32>, vector<16xi32> -> vector<16xf32>
        %parallel_loop3A_1179 = arith.addf %parallel_loop3A_1138, %parallel_loop3A_1178 : vector<16xf32>
        %parallel_loop3A_1180 = arith.constant 2 : i32
        %parallel_loop3A_1181 = vector.broadcast %parallel_loop3A_1180 : i32 to vector<16xi32>
        %parallel_loop3A_1182 = arith.xori %parallel_loop3A_1172, %parallel_loop3A_1181 : vector<16xi32>
        %parallel_loop3A_1183 = vector.shape_cast %parallel_loop3A_1182 : vector<16xi32> to vector<16x1xi32>
        %parallel_loop3A_1184 = vector.shape_cast %parallel_loop3A_1183 : vector<16x1xi32> to vector<16xi32>
        %parallel_loop3A_1185 = tpu.dynamic_gather %parallel_loop3A_1179[%parallel_loop3A_1184] in [0] : vector<16xf32>, vector<16xi32> -> vector<16xf32>
        %parallel_loop3A_1186 = arith.addf %parallel_loop3A_1179, %parallel_loop3A_1185 : vector<16xf32>
        %parallel_loop3A_1187 = arith.constant 4 : i32
        %parallel_loop3A_1188 = vector.broadcast %parallel_loop3A_1187 : i32 to vector<16xi32>
        %parallel_loop3A_1189 = arith.xori %parallel_loop3A_1172, %parallel_loop3A_1188 : vector<16xi32>
        %parallel_loop3A_1190 = vector.shape_cast %parallel_loop3A_1189 : vector<16xi32> to vector<16x1xi32>
        %parallel_loop3A_1191 = vector.shape_cast %parallel_loop3A_1190 : vector<16x1xi32> to vector<16xi32>
        %parallel_loop3A_1192 = tpu.dynamic_gather %parallel_loop3A_1186[%parallel_loop3A_1191] in [0] : vector<16xf32>, vector<16xi32> -> vector<16xf32>
        %parallel_loop3A_1193 = arith.addf %parallel_loop3A_1186, %parallel_loop3A_1192 : vector<16xf32>
        %parallel_loop3A_1194 = arith.constant 8 : i32
        %parallel_loop3A_1195 = vector.broadcast %parallel_loop3A_1194 : i32 to vector<16xi32>
        %parallel_loop3A_1196 = arith.xori %parallel_loop3A_1172, %parallel_loop3A_1195 : vector<16xi32>
        %parallel_loop3A_1197 = vector.shape_cast %parallel_loop3A_1196 : vector<16xi32> to vector<16x1xi32>
        %parallel_loop3A_1198 = vector.shape_cast %parallel_loop3A_1197 : vector<16x1xi32> to vector<16xi32>
        %parallel_loop3A_1199 = tpu.dynamic_gather %parallel_loop3A_1193[%parallel_loop3A_1198] in [0] : vector<16xf32>, vector<16xi32> -> vector<16xf32>
        %parallel_loop3A_1200 = arith.addf %parallel_loop3A_1193, %parallel_loop3A_1199 : vector<16xf32>
        %parallel_loop3A_1201 = vector.extract_strided_slice %parallel_loop3A_1200 {offsets = [0], sizes = [1], strides = [1]} : vector<16xf32> to vector<1xf32>
        %parallel_loop3A_1202 = vector.extract %parallel_loop3A_1201[0] : f32 from vector<1xf32>
        %parallel_loop3A_1203 = arith.constant 0.00130208337 : f32
        %parallel_loop3A_1204 = arith.mulf %parallel_loop3A_1202, %parallel_loop3A_1203 : f32
        %parallel_loop3A_1205 = arith.mulf %parallel_loop3A_1171, %parallel_loop3A_1171 : f32
        %parallel_loop3A_1206 = arith.subf %parallel_loop3A_1204, %parallel_loop3A_1205 : f32
        %parallel_loop3A_1207 = arith.constant 9.99999974E-6 : f32
        %parallel_loop3A_1208 = arith.addf %parallel_loop3A_1206, %parallel_loop3A_1207 : f32
        %parallel_loop3A_1209 = arith.bitcast %parallel_loop3A_1208 : f32 to i32
        %parallel_loop3A_1210 = arith.constant 1 : i32
        %parallel_loop3A_1211 = arith.shrsi %parallel_loop3A_1209, %parallel_loop3A_1210 : i32
        %parallel_loop3A_1212 = arith.constant 1597463007 : i32
        %parallel_loop3A_1213 = arith.subi %parallel_loop3A_1212, %parallel_loop3A_1211 : i32
        %parallel_loop3A_1214 = arith.bitcast %parallel_loop3A_1213 : i32 to f32
        %parallel_loop3A_1215 = arith.constant 5.000000e-01 : f32
        %parallel_loop3A_1216 = arith.mulf %parallel_loop3A_1215, %parallel_loop3A_1208 : f32
        %parallel_loop3A_1217 = arith.mulf %parallel_loop3A_1216, %parallel_loop3A_1214 : f32
        %parallel_loop3A_1218 = arith.mulf %parallel_loop3A_1217, %parallel_loop3A_1214 : f32
        %parallel_loop3A_1219 = arith.constant 1.500000e+00 : f32
        %parallel_loop3A_1220 = arith.subf %parallel_loop3A_1219, %parallel_loop3A_1218 : f32
        %parallel_loop3A_1221 = arith.mulf %parallel_loop3A_1214, %parallel_loop3A_1220 : f32
        %parallel_loop3A_1222 = arith.constant 5.000000e-01 : f32
        %parallel_loop3A_1223 = arith.mulf %parallel_loop3A_1222, %parallel_loop3A_1208 : f32
        %parallel_loop3A_1224 = arith.mulf %parallel_loop3A_1223, %parallel_loop3A_1221 : f32
        %parallel_loop3A_1225 = arith.mulf %parallel_loop3A_1224, %parallel_loop3A_1221 : f32
        %parallel_loop3A_1226 = arith.constant 1.500000e+00 : f32
        %parallel_loop3A_1227 = arith.subf %parallel_loop3A_1226, %parallel_loop3A_1225 : f32
        %parallel_loop3A_1228 = arith.mulf %parallel_loop3A_1221, %parallel_loop3A_1227 : f32
        %parallel_loop3A_1229 = arith.constant 5.000000e-01 : f32
        %parallel_loop3A_1230 = arith.mulf %parallel_loop3A_1229, %parallel_loop3A_1208 : f32
        %parallel_loop3A_1231 = arith.mulf %parallel_loop3A_1230, %parallel_loop3A_1228 : f32
        %parallel_loop3A_1232 = arith.mulf %parallel_loop3A_1231, %parallel_loop3A_1228 : f32
        %parallel_loop3A_1233 = arith.constant 1.500000e+00 : f32
        %parallel_loop3A_1234 = arith.subf %parallel_loop3A_1233, %parallel_loop3A_1232 : f32
        %parallel_loop3A_1235 = arith.mulf %parallel_loop3A_1228, %parallel_loop3A_1234 : f32
        %parallel_loop3A_1236 = arith.index_cast %and3A_99 : i32 to index
        %parallel_loop3A_1237 = arith.index_cast %parallel_loop3A_177 : i32 to index
        %parallel_loop3A_1238 = arith.constant 0 : index
        %parallel_loop3A_1239 = tpu.vector_load %arg14[%parallel_loop3A_1236, %parallel_loop3A_1237, %parallel_loop3A_1238] {strides = array<i32>} : memref<4x32x768xf32, #tpu.memory_space<vmem>>, vector<1x1x16xf32>,
        %parallel_loop3A_1240 = vector.shape_cast %parallel_loop3A_1239 : vector<1x1x16xf32> to vector<16xf32>
        %parallel_loop3A_1241 = vector.broadcast %parallel_loop3A_1171 : f32 to vector<16xf32>
        %parallel_loop3A_1242 = arith.subf %parallel_loop3A_1240, %parallel_loop3A_1241 : vector<16xf32>
        %parallel_loop3A_1243 = vector.broadcast %parallel_loop3A_1235 : f32 to vector<16xf32>
        %parallel_loop3A_1244 = arith.mulf %parallel_loop3A_1242, %parallel_loop3A_1243 : vector<16xf32>
        %parallel_loop3A_1245 = arith.constant 0 : index
        %parallel_loop3A_1246 = tpu.vector_load %arg12[%parallel_loop3A_1245] {strides = array<i32>} : memref<768xf32, #tpu.memory_space<vmem>>, vector<16xf32>,
        %parallel_loop3A_1247 = vector.shape_cast %parallel_loop3A_1246 : vector<16xf32> to vector<16xf32>
        %parallel_loop3A_1248 = arith.mulf %parallel_loop3A_1244, %parallel_loop3A_1247 : vector<16xf32>
        %parallel_loop3A_1249 = arith.constant 0 : index
        %parallel_loop3A_1250 = tpu.vector_load %arg13[%parallel_loop3A_1249] {strides = array<i32>} : memref<768xf32, #tpu.memory_space<vmem>>, vector<16xf32>,
        %parallel_loop3A_1251 = vector.shape_cast %parallel_loop3A_1250 : vector<16xf32> to vector<16xf32>
        %parallel_loop3A_1252 = arith.addf %parallel_loop3A_1248, %parallel_loop3A_1251 : vector<16xf32>
        %parallel_loop3A_1253 = arith.index_cast %and3A_99 : i32 to index
        %parallel_loop3A_1254 = arith.index_cast %parallel_loop3A_177 : i32 to index
        %parallel_loop3A_1255 = arith.constant 0 : index
        %parallel_loop3A_1256 = tpu.vector_load %arg14[%parallel_loop3A_1253, %parallel_loop3A_1254, %parallel_loop3A_1255] {strides = array<i32>} : memref<4x32x768xf32, #tpu.memory_space<vmem>>, vector<1x1x16xf32>,
        %parallel_loop3A_1257 = vector.shape_cast %parallel_loop3A_1256 : vector<1x1x16xf32> to vector<16xf32>
        %parallel_loop3A_1258 = vector.shape_cast %parallel_loop3A_1252 : vector<16xf32> to vector<1x1x16xf32>
        tpu.vector_store %arg14[%parallel_loop3A_1253, %parallel_loop3A_1254, %parallel_loop3A_1255], %parallel_loop3A_1258 {strides = array<i32>} : memref<4x32x768xf32, #tpu.memory_space<vmem>>, vector<1x1x16xf32>,
        %parallel_loop3A_1259 = arith.index_cast %and3A_99 : i32 to index
        %parallel_loop3A_1260 = arith.index_cast %parallel_loop3A_177 : i32 to index
        %parallel_loop3A_1261 = arith.constant 16 : index
        %parallel_loop3A_1262 = tpu.vector_load %arg14[%parallel_loop3A_1259, %parallel_loop3A_1260, %parallel_loop3A_1261] {strides = array<i32>} : memref<4x32x768xf32, #tpu.memory_space<vmem>>, vector<1x1x16xf32>,
        %parallel_loop3A_1263 = vector.shape_cast %parallel_loop3A_1262 : vector<1x1x16xf32> to vector<16xf32>
        %parallel_loop3A_1264 = vector.broadcast %parallel_loop3A_1171 : f32 to vector<16xf32>
        %parallel_loop3A_1265 = arith.subf %parallel_loop3A_1263, %parallel_loop3A_1264 : vector<16xf32>
        %parallel_loop3A_1266 = vector.broadcast %parallel_loop3A_1235 : f32 to vector<16xf32>
        %parallel_loop3A_1267 = arith.mulf %parallel_loop3A_1265, %parallel_loop3A_1266 : vector<16xf32>
        %parallel_loop3A_1268 = arith.constant 16 : index
        %parallel_loop3A_1269 = tpu.vector_load %arg12[%parallel_loop3A_1268] {strides = array<i32>} : memref<768xf32, #tpu.memory_space<vmem>>, vector<16xf32>,
        %parallel_loop3A_1270 = vector.shape_cast %parallel_loop3A_1269 : vector<16xf32> to vector<16xf32>
        %parallel_loop3A_1271 = arith.mulf %parallel_loop3A_1267, %parallel_loop3A_1270 : vector<16xf32>
        %parallel_loop3A_1272 = arith.constant 16 : index
        %parallel_loop3A_1273 = tpu.vector_load %arg13[%parallel_loop3A_1272] {strides = array<i32>} : memref<768xf32, #tpu.memory_space<vmem>>, vector<16xf32>,
        %parallel_loop3A_1274 = vector.shape_cast %parallel_loop3A_1273 : vector<16xf32> to vector<16xf32>
        %parallel_loop3A_1275 = arith.addf %parallel_loop3A_1271, %parallel_loop3A_1274 : vector<16xf32>
        %parallel_loop3A_1276 = arith.index_cast %and3A_99 : i32 to index
        %parallel_loop3A_1277 = arith.index_cast %parallel_loop3A_177 : i32 to index
        %parallel_loop3A_1278 = arith.constant 16 : index
        %parallel_loop3A_1279 = tpu.vector_load %arg14[%parallel_loop3A_1276, %parallel_loop3A_1277, %parallel_loop3A_1278] {strides = array<i32>} : memref<4x32x768xf32, #tpu.memory_space<vmem>>, vector<1x1x16xf32>,
        %parallel_loop3A_1280 = vector.shape_cast %parallel_loop3A_1279 : vector<1x1x16xf32> to vector<16xf32>
        %parallel_loop3A_1281 = vector.shape_cast %parallel_loop3A_1275 : vector<16xf32> to vector<1x1x16xf32>
        tpu.vector_store %arg14[%parallel_loop3A_1276, %parallel_loop3A_1277, %parallel_loop3A_1278], %parallel_loop3A_1281 {strides = array<i32>} : memref<4x32x768xf32, #tpu.memory_space<vmem>>, vector<1x1x16xf32>,
        %parallel_loop3A_1282 = arith.index_cast %and3A_99 : i32 to index
        %parallel_loop3A_1283 = arith.index_cast %parallel_loop3A_177 : i32 to index
        %parallel_loop3A_1284 = arith.constant 32 : index
        %parallel_loop3A_1285 = tpu.vector_load %arg14[%parallel_loop3A_1282, %parallel_loop3A_1283, %parallel_loop3A_1284] {strides = array<i32>} : memref<4x32x768xf32, #tpu.memory_space<vmem>>, vector<1x1x16xf32>,
        %parallel_loop3A_1286 = vector.shape_cast %parallel_loop3A_1285 : vector<1x1x16xf32> to vector<16xf32>
        %parallel_loop3A_1287 = vector.broadcast %parallel_loop3A_1171 : f32 to vector<16xf32>
        %parallel_loop3A_1288 = arith.subf %parallel_loop3A_1286, %parallel_loop3A_1287 : vector<16xf32>
        %parallel_loop3A_1289 = vector.broadcast %parallel_loop3A_1235 : f32 to vector<16xf32>
        %parallel_loop3A_1290 = arith.mulf %parallel_loop3A_1288, %parallel_loop3A_1289 : vector<16xf32>
        %parallel_loop3A_1291 = arith.constant 32 : index
        %parallel_loop3A_1292 = tpu.vector_load %arg12[%parallel_loop3A_1291] {strides = array<i32>} : memref<768xf32, #tpu.memory_space<vmem>>, vector<16xf32>,
        %parallel_loop3A_1293 = vector.shape_cast %parallel_loop3A_1292 : vector<16xf32> to vector<16xf32>
        %parallel_loop3A_1294 = arith.mulf %parallel_loop3A_1290, %parallel_loop3A_1293 : vector<16xf32>
        %parallel_loop3A_1295 = arith.constant 32 : index
        %parallel_loop3A_1296 = tpu.vector_load %arg13[%parallel_loop3A_1295] {strides = array<i32>} : memref<768xf32, #tpu.memory_space<vmem>>, vector<16xf32>,
        %parallel_loop3A_1297 = vector.shape_cast %parallel_loop3A_1296 : vector<16xf32> to vector<16xf32>
        %parallel_loop3A_1298 = arith.addf %parallel_loop3A_1294, %parallel_loop3A_1297 : vector<16xf32>
        %parallel_loop3A_1299 = arith.index_cast %and3A_99 : i32 to index
        %parallel_loop3A_1300 = arith.index_cast %parallel_loop3A_177 : i32 to index
        %parallel_loop3A_1301 = arith.constant 32 : index
        %parallel_loop3A_1302 = tpu.vector_load %arg14[%parallel_loop3A_1299, %parallel_loop3A_1300, %parallel_loop3A_1301] {strides = array<i32>} : memref<4x32x768xf32, #tpu.memory_space<vmem>>, vector<1x1x16xf32>,
        %parallel_loop3A_1303 = vector.shape_cast %parallel_loop3A_1302 : vector<1x1x16xf32> to vector<16xf32>
        %parallel_loop3A_1304 = vector.shape_cast %parallel_loop3A_1298 : vector<16xf32> to vector<1x1x16xf32>
        tpu.vector_store %arg14[%parallel_loop3A_1299, %parallel_loop3A_1300, %parallel_loop3A_1301], %parallel_loop3A_1304 {strides = array<i32>} : memref<4x32x768xf32, #tpu.memory_space<vmem>>, vector<1x1x16xf32>,
        %parallel_loop3A_1305 = arith.index_cast %and3A_99 : i32 to index
        %parallel_loop3A_1306 = arith.index_cast %parallel_loop3A_177 : i32 to index
        %parallel_loop3A_1307 = arith.constant 48 : index
        %parallel_loop3A_1308 = tpu.vector_load %arg14[%parallel_loop3A_1305, %parallel_loop3A_1306, %parallel_loop3A_1307] {strides = array<i32>} : memref<4x32x768xf32, #tpu.memory_space<vmem>>, vector<1x1x16xf32>,
        %parallel_loop3A_1309 = vector.shape_cast %parallel_loop3A_1308 : vector<1x1x16xf32> to vector<16xf32>
        %parallel_loop3A_1310 = vector.broadcast %parallel_loop3A_1171 : f32 to vector<16xf32>
        %parallel_loop3A_1311 = arith.subf %parallel_loop3A_1309, %parallel_loop3A_1310 : vector<16xf32>
        %parallel_loop3A_1312 = vector.broadcast %parallel_loop3A_1235 : f32 to vector<16xf32>
        %parallel_loop3A_1313 = arith.mulf %parallel_loop3A_1311, %parallel_loop3A_1312 : vector<16xf32>
        %parallel_loop3A_1314 = arith.constant 48 : index
        %parallel_loop3A_1315 = tpu.vector_load %arg12[%parallel_loop3A_1314] {strides = array<i32>} : memref<768xf32, #tpu.memory_space<vmem>>, vector<16xf32>,
        %parallel_loop3A_1316 = vector.shape_cast %parallel_loop3A_1315 : vector<16xf32> to vector<16xf32>
        %parallel_loop3A_1317 = arith.mulf %parallel_loop3A_1313, %parallel_loop3A_1316 : vector<16xf32>
        %parallel_loop3A_1318 = arith.constant 48 : index
        %parallel_loop3A_1319 = tpu.vector_load %arg13[%parallel_loop3A_1318] {strides = array<i32>} : memref<768xf32, #tpu.memory_space<vmem>>, vector<16xf32>,
        %parallel_loop3A_1320 = vector.shape_cast %parallel_loop3A_1319 : vector<16xf32> to vector<16xf32>
        %parallel_loop3A_1321 = arith.addf %parallel_loop3A_1317, %parallel_loop3A_1320 : vector<16xf32>
        %parallel_loop3A_1322 = arith.index_cast %and3A_99 : i32 to index
        %parallel_loop3A_1323 = arith.index_cast %parallel_loop3A_177 : i32 to index
        %parallel_loop3A_1324 = arith.constant 48 : index
        %parallel_loop3A_1325 = tpu.vector_load %arg14[%parallel_loop3A_1322, %parallel_loop3A_1323, %parallel_loop3A_1324] {strides = array<i32>} : memref<4x32x768xf32, #tpu.memory_space<vmem>>, vector<1x1x16xf32>,
        %parallel_loop3A_1326 = vector.shape_cast %parallel_loop3A_1325 : vector<1x1x16xf32> to vector<16xf32>
        %parallel_loop3A_1327 = vector.shape_cast %parallel_loop3A_1321 : vector<16xf32> to vector<1x1x16xf32>
        tpu.vector_store %arg14[%parallel_loop3A_1322, %parallel_loop3A_1323, %parallel_loop3A_1324], %parallel_loop3A_1327 {strides = array<i32>} : memref<4x32x768xf32, #tpu.memory_space<vmem>>, vector<1x1x16xf32>,
        %parallel_loop3A_1328 = arith.index_cast %and3A_99 : i32 to index
        %parallel_loop3A_1329 = arith.index_cast %parallel_loop3A_177 : i32 to index
        %parallel_loop3A_1330 = arith.constant 64 : index
        %parallel_loop3A_1331 = tpu.vector_load %arg14[%parallel_loop3A_1328, %parallel_loop3A_1329, %parallel_loop3A_1330] {strides = array<i32>} : memref<4x32x768xf32, #tpu.memory_space<vmem>>, vector<1x1x16xf32>,
        %parallel_loop3A_1332 = vector.shape_cast %parallel_loop3A_1331 : vector<1x1x16xf32> to vector<16xf32>
        %parallel_loop3A_1333 = vector.broadcast %parallel_loop3A_1171 : f32 to vector<16xf32>
        %parallel_loop3A_1334 = arith.subf %parallel_loop3A_1332, %parallel_loop3A_1333 : vector<16xf32>
        %parallel_loop3A_1335 = vector.broadcast %parallel_loop3A_1235 : f32 to vector<16xf32>
        %parallel_loop3A_1336 = arith.mulf %parallel_loop3A_1334, %parallel_loop3A_1335 : vector<16xf32>
        %parallel_loop3A_1337 = arith.constant 64 : index
        %parallel_loop3A_1338 = tpu.vector_load %arg12[%parallel_loop3A_1337] {strides = array<i32>} : memref<768xf32, #tpu.memory_space<vmem>>, vector<16xf32>,
        %parallel_loop3A_1339 = vector.shape_cast %parallel_loop3A_1338 : vector<16xf32> to vector<16xf32>
        %parallel_loop3A_1340 = arith.mulf %parallel_loop3A_1336, %parallel_loop3A_1339 : vector<16xf32>
        %parallel_loop3A_1341 = arith.constant 64 : index
        %parallel_loop3A_1342 = tpu.vector_load %arg13[%parallel_loop3A_1341] {strides = array<i32>} : memref<768xf32, #tpu.memory_space<vmem>>, vector<16xf32>,
        %parallel_loop3A_1343 = vector.shape_cast %parallel_loop3A_1342 : vector<16xf32> to vector<16xf32>
        %parallel_loop3A_1344 = arith.addf %parallel_loop3A_1340, %parallel_loop3A_1343 : vector<16xf32>
        %parallel_loop3A_1345 = arith.index_cast %and3A_99 : i32 to index
        %parallel_loop3A_1346 = arith.index_cast %parallel_loop3A_177 : i32 to index
        %parallel_loop3A_1347 = arith.constant 64 : index
        %parallel_loop3A_1348 = tpu.vector_load %arg14[%parallel_loop3A_1345, %parallel_loop3A_1346, %parallel_loop3A_1347] {strides = array<i32>} : memref<4x32x768xf32, #tpu.memory_space<vmem>>, vector<1x1x16xf32>,
        %parallel_loop3A_1349 = vector.shape_cast %parallel_loop3A_1348 : vector<1x1x16xf32> to vector<16xf32>
        %parallel_loop3A_1350 = vector.shape_cast %parallel_loop3A_1344 : vector<16xf32> to vector<1x1x16xf32>
        tpu.vector_store %arg14[%parallel_loop3A_1345, %parallel_loop3A_1346, %parallel_loop3A_1347], %parallel_loop3A_1350 {strides = array<i32>} : memref<4x32x768xf32, #tpu.memory_space<vmem>>, vector<1x1x16xf32>,
        %parallel_loop3A_1351 = arith.index_cast %and3A_99 : i32 to index
        %parallel_loop3A_1352 = arith.index_cast %parallel_loop3A_177 : i32 to index
        %parallel_loop3A_1353 = arith.constant 80 : index
        %parallel_loop3A_1354 = tpu.vector_load %arg14[%parallel_loop3A_1351, %parallel_loop3A_1352, %parallel_loop3A_1353] {strides = array<i32>} : memref<4x32x768xf32, #tpu.memory_space<vmem>>, vector<1x1x16xf32>,
        %parallel_loop3A_1355 = vector.shape_cast %parallel_loop3A_1354 : vector<1x1x16xf32> to vector<16xf32>
        %parallel_loop3A_1356 = vector.broadcast %parallel_loop3A_1171 : f32 to vector<16xf32>
        %parallel_loop3A_1357 = arith.subf %parallel_loop3A_1355, %parallel_loop3A_1356 : vector<16xf32>
        %parallel_loop3A_1358 = vector.broadcast %parallel_loop3A_1235 : f32 to vector<16xf32>
        %parallel_loop3A_1359 = arith.mulf %parallel_loop3A_1357, %parallel_loop3A_1358 : vector<16xf32>
        %parallel_loop3A_1360 = arith.constant 80 : index
        %parallel_loop3A_1361 = tpu.vector_load %arg12[%parallel_loop3A_1360] {strides = array<i32>} : memref<768xf32, #tpu.memory_space<vmem>>, vector<16xf32>,
        %parallel_loop3A_1362 = vector.shape_cast %parallel_loop3A_1361 : vector<16xf32> to vector<16xf32>
        %parallel_loop3A_1363 = arith.mulf %parallel_loop3A_1359, %parallel_loop3A_1362 : vector<16xf32>
        %parallel_loop3A_1364 = arith.constant 80 : index
        %parallel_loop3A_1365 = tpu.vector_load %arg13[%parallel_loop3A_1364] {strides = array<i32>} : memref<768xf32, #tpu.memory_space<vmem>>, vector<16xf32>,
        %parallel_loop3A_1366 = vector.shape_cast %parallel_loop3A_1365 : vector<16xf32> to vector<16xf32>
        %parallel_loop3A_1367 = arith.addf %parallel_loop3A_1363, %parallel_loop3A_1366 : vector<16xf32>
        %parallel_loop3A_1368 = arith.index_cast %and3A_99 : i32 to index
        %parallel_loop3A_1369 = arith.index_cast %parallel_loop3A_177 : i32 to index
        %parallel_loop3A_1370 = arith.constant 80 : index
        %parallel_loop3A_1371 = tpu.vector_load %arg14[%parallel_loop3A_1368, %parallel_loop3A_1369, %parallel_loop3A_1370] {strides = array<i32>} : memref<4x32x768xf32, #tpu.memory_space<vmem>>, vector<1x1x16xf32>,
        %parallel_loop3A_1372 = vector.shape_cast %parallel_loop3A_1371 : vector<1x1x16xf32> to vector<16xf32>
        %parallel_loop3A_1373 = vector.shape_cast %parallel_loop3A_1367 : vector<16xf32> to vector<1x1x16xf32>
        tpu.vector_store %arg14[%parallel_loop3A_1368, %parallel_loop3A_1369, %parallel_loop3A_1370], %parallel_loop3A_1373 {strides = array<i32>} : memref<4x32x768xf32, #tpu.memory_space<vmem>>, vector<1x1x16xf32>,
        %parallel_loop3A_1374 = arith.index_cast %and3A_99 : i32 to index
        %parallel_loop3A_1375 = arith.index_cast %parallel_loop3A_177 : i32 to index
        %parallel_loop3A_1376 = arith.constant 96 : index
        %parallel_loop3A_1377 = tpu.vector_load %arg14[%parallel_loop3A_1374, %parallel_loop3A_1375, %parallel_loop3A_1376] {strides = array<i32>} : memref<4x32x768xf32, #tpu.memory_space<vmem>>, vector<1x1x16xf32>,
        %parallel_loop3A_1378 = vector.shape_cast %parallel_loop3A_1377 : vector<1x1x16xf32> to vector<16xf32>
        %parallel_loop3A_1379 = vector.broadcast %parallel_loop3A_1171 : f32 to vector<16xf32>
        %parallel_loop3A_1380 = arith.subf %parallel_loop3A_1378, %parallel_loop3A_1379 : vector<16xf32>
        %parallel_loop3A_1381 = vector.broadcast %parallel_loop3A_1235 : f32 to vector<16xf32>
        %parallel_loop3A_1382 = arith.mulf %parallel_loop3A_1380, %parallel_loop3A_1381 : vector<16xf32>
        %parallel_loop3A_1383 = arith.constant 96 : index
        %parallel_loop3A_1384 = tpu.vector_load %arg12[%parallel_loop3A_1383] {strides = array<i32>} : memref<768xf32, #tpu.memory_space<vmem>>, vector<16xf32>,
        %parallel_loop3A_1385 = vector.shape_cast %parallel_loop3A_1384 : vector<16xf32> to vector<16xf32>
        %parallel_loop3A_1386 = arith.mulf %parallel_loop3A_1382, %parallel_loop3A_1385 : vector<16xf32>
        %parallel_loop3A_1387 = arith.constant 96 : index
        %parallel_loop3A_1388 = tpu.vector_load %arg13[%parallel_loop3A_1387] {strides = array<i32>} : memref<768xf32, #tpu.memory_space<vmem>>, vector<16xf32>,
        %parallel_loop3A_1389 = vector.shape_cast %parallel_loop3A_1388 : vector<16xf32> to vector<16xf32>
        %parallel_loop3A_1390 = arith.addf %parallel_loop3A_1386, %parallel_loop3A_1389 : vector<16xf32>
        %parallel_loop3A_1391 = arith.index_cast %and3A_99 : i32 to index
        %parallel_loop3A_1392 = arith.index_cast %parallel_loop3A_177 : i32 to index
        %parallel_loop3A_1393 = arith.constant 96 : index
        %parallel_loop3A_1394 = tpu.vector_load %arg14[%parallel_loop3A_1391, %parallel_loop3A_1392, %parallel_loop3A_1393] {strides = array<i32>} : memref<4x32x768xf32, #tpu.memory_space<vmem>>, vector<1x1x16xf32>,
        %parallel_loop3A_1395 = vector.shape_cast %parallel_loop3A_1394 : vector<1x1x16xf32> to vector<16xf32>
        %parallel_loop3A_1396 = vector.shape_cast %parallel_loop3A_1390 : vector<16xf32> to vector<1x1x16xf32>
        tpu.vector_store %arg14[%parallel_loop3A_1391, %parallel_loop3A_1392, %parallel_loop3A_1393], %parallel_loop3A_1396 {strides = array<i32>} : memref<4x32x768xf32, #tpu.memory_space<vmem>>, vector<1x1x16xf32>,
        %parallel_loop3A_1397 = arith.index_cast %and3A_99 : i32 to index
        %parallel_loop3A_1398 = arith.index_cast %parallel_loop3A_177 : i32 to index
        %parallel_loop3A_1399 = arith.constant 112 : index
        %parallel_loop3A_1400 = tpu.vector_load %arg14[%parallel_loop3A_1397, %parallel_loop3A_1398, %parallel_loop3A_1399] {strides = array<i32>} : memref<4x32x768xf32, #tpu.memory_space<vmem>>, vector<1x1x16xf32>,
        %parallel_loop3A_1401 = vector.shape_cast %parallel_loop3A_1400 : vector<1x1x16xf32> to vector<16xf32>
        %parallel_loop3A_1402 = vector.broadcast %parallel_loop3A_1171 : f32 to vector<16xf32>
        %parallel_loop3A_1403 = arith.subf %parallel_loop3A_1401, %parallel_loop3A_1402 : vector<16xf32>
        %parallel_loop3A_1404 = vector.broadcast %parallel_loop3A_1235 : f32 to vector<16xf32>
        %parallel_loop3A_1405 = arith.mulf %parallel_loop3A_1403, %parallel_loop3A_1404 : vector<16xf32>
        %parallel_loop3A_1406 = arith.constant 112 : index
        %parallel_loop3A_1407 = tpu.vector_load %arg12[%parallel_loop3A_1406] {strides = array<i32>} : memref<768xf32, #tpu.memory_space<vmem>>, vector<16xf32>,
        %parallel_loop3A_1408 = vector.shape_cast %parallel_loop3A_1407 : vector<16xf32> to vector<16xf32>
        %parallel_loop3A_1409 = arith.mulf %parallel_loop3A_1405, %parallel_loop3A_1408 : vector<16xf32>
        %parallel_loop3A_1410 = arith.constant 112 : index
        %parallel_loop3A_1411 = tpu.vector_load %arg13[%parallel_loop3A_1410] {strides = array<i32>} : memref<768xf32, #tpu.memory_space<vmem>>, vector<16xf32>,
        %parallel_loop3A_1412 = vector.shape_cast %parallel_loop3A_1411 : vector<16xf32> to vector<16xf32>
        %parallel_loop3A_1413 = arith.addf %parallel_loop3A_1409, %parallel_loop3A_1412 : vector<16xf32>
        %parallel_loop3A_1414 = arith.index_cast %and3A_99 : i32 to index
        %parallel_loop3A_1415 = arith.index_cast %parallel_loop3A_177 : i32 to index
        %parallel_loop3A_1416 = arith.constant 112 : index
        %parallel_loop3A_1417 = tpu.vector_load %arg14[%parallel_loop3A_1414, %parallel_loop3A_1415, %parallel_loop3A_1416] {strides = array<i32>} : memref<4x32x768xf32, #tpu.memory_space<vmem>>, vector<1x1x16xf32>,
        %parallel_loop3A_1418 = vector.shape_cast %parallel_loop3A_1417 : vector<1x1x16xf32> to vector<16xf32>
        %parallel_loop3A_1419 = vector.shape_cast %parallel_loop3A_1413 : vector<16xf32> to vector<1x1x16xf32>
        tpu.vector_store %arg14[%parallel_loop3A_1414, %parallel_loop3A_1415, %parallel_loop3A_1416], %parallel_loop3A_1419 {strides = array<i32>} : memref<4x32x768xf32, #tpu.memory_space<vmem>>, vector<1x1x16xf32>,
        %parallel_loop3A_1420 = arith.index_cast %and3A_99 : i32 to index
        %parallel_loop3A_1421 = arith.index_cast %parallel_loop3A_177 : i32 to index
        %parallel_loop3A_1422 = arith.constant 128 : index
        %parallel_loop3A_1423 = tpu.vector_load %arg14[%parallel_loop3A_1420, %parallel_loop3A_1421, %parallel_loop3A_1422] {strides = array<i32>} : memref<4x32x768xf32, #tpu.memory_space<vmem>>, vector<1x1x16xf32>,
        %parallel_loop3A_1424 = vector.shape_cast %parallel_loop3A_1423 : vector<1x1x16xf32> to vector<16xf32>
        %parallel_loop3A_1425 = vector.broadcast %parallel_loop3A_1171 : f32 to vector<16xf32>
        %parallel_loop3A_1426 = arith.subf %parallel_loop3A_1424, %parallel_loop3A_1425 : vector<16xf32>
        %parallel_loop3A_1427 = vector.broadcast %parallel_loop3A_1235 : f32 to vector<16xf32>
        %parallel_loop3A_1428 = arith.mulf %parallel_loop3A_1426, %parallel_loop3A_1427 : vector<16xf32>
        %parallel_loop3A_1429 = arith.constant 128 : index
        %parallel_loop3A_1430 = tpu.vector_load %arg12[%parallel_loop3A_1429] {strides = array<i32>} : memref<768xf32, #tpu.memory_space<vmem>>, vector<16xf32>,
        %parallel_loop3A_1431 = vector.shape_cast %parallel_loop3A_1430 : vector<16xf32> to vector<16xf32>
        %parallel_loop3A_1432 = arith.mulf %parallel_loop3A_1428, %parallel_loop3A_1431 : vector<16xf32>
        %parallel_loop3A_1433 = arith.constant 128 : index
        %parallel_loop3A_1434 = tpu.vector_load %arg13[%parallel_loop3A_1433] {strides = array<i32>} : memref<768xf32, #tpu.memory_space<vmem>>, vector<16xf32>,
        %parallel_loop3A_1435 = vector.shape_cast %parallel_loop3A_1434 : vector<16xf32> to vector<16xf32>
        %parallel_loop3A_1436 = arith.addf %parallel_loop3A_1432, %parallel_loop3A_1435 : vector<16xf32>
        %parallel_loop3A_1437 = arith.index_cast %and3A_99 : i32 to index
        %parallel_loop3A_1438 = arith.index_cast %parallel_loop3A_177 : i32 to index
        %parallel_loop3A_1439 = arith.constant 128 : index
        %parallel_loop3A_1440 = tpu.vector_load %arg14[%parallel_loop3A_1437, %parallel_loop3A_1438, %parallel_loop3A_1439] {strides = array<i32>} : memref<4x32x768xf32, #tpu.memory_space<vmem>>, vector<1x1x16xf32>,
        %parallel_loop3A_1441 = vector.shape_cast %parallel_loop3A_1440 : vector<1x1x16xf32> to vector<16xf32>
        %parallel_loop3A_1442 = vector.shape_cast %parallel_loop3A_1436 : vector<16xf32> to vector<1x1x16xf32>
        tpu.vector_store %arg14[%parallel_loop3A_1437, %parallel_loop3A_1438, %parallel_loop3A_1439], %parallel_loop3A_1442 {strides = array<i32>} : memref<4x32x768xf32, #tpu.memory_space<vmem>>, vector<1x1x16xf32>,
        %parallel_loop3A_1443 = arith.index_cast %and3A_99 : i32 to index
        %parallel_loop3A_1444 = arith.index_cast %parallel_loop3A_177 : i32 to index
        %parallel_loop3A_1445 = arith.constant 144 : index
        %parallel_loop3A_1446 = tpu.vector_load %arg14[%parallel_loop3A_1443, %parallel_loop3A_1444, %parallel_loop3A_1445] {strides = array<i32>} : memref<4x32x768xf32, #tpu.memory_space<vmem>>, vector<1x1x16xf32>,
        %parallel_loop3A_1447 = vector.shape_cast %parallel_loop3A_1446 : vector<1x1x16xf32> to vector<16xf32>
        %parallel_loop3A_1448 = vector.broadcast %parallel_loop3A_1171 : f32 to vector<16xf32>
        %parallel_loop3A_1449 = arith.subf %parallel_loop3A_1447, %parallel_loop3A_1448 : vector<16xf32>
        %parallel_loop3A_1450 = vector.broadcast %parallel_loop3A_1235 : f32 to vector<16xf32>
        %parallel_loop3A_1451 = arith.mulf %parallel_loop3A_1449, %parallel_loop3A_1450 : vector<16xf32>
        %parallel_loop3A_1452 = arith.constant 144 : index
        %parallel_loop3A_1453 = tpu.vector_load %arg12[%parallel_loop3A_1452] {strides = array<i32>} : memref<768xf32, #tpu.memory_space<vmem>>, vector<16xf32>,
        %parallel_loop3A_1454 = vector.shape_cast %parallel_loop3A_1453 : vector<16xf32> to vector<16xf32>
        %parallel_loop3A_1455 = arith.mulf %parallel_loop3A_1451, %parallel_loop3A_1454 : vector<16xf32>
        %parallel_loop3A_1456 = arith.constant 144 : index
        %parallel_loop3A_1457 = tpu.vector_load %arg13[%parallel_loop3A_1456] {strides = array<i32>} : memref<768xf32, #tpu.memory_space<vmem>>, vector<16xf32>,
        %parallel_loop3A_1458 = vector.shape_cast %parallel_loop3A_1457 : vector<16xf32> to vector<16xf32>
        %parallel_loop3A_1459 = arith.addf %parallel_loop3A_1455, %parallel_loop3A_1458 : vector<16xf32>
        %parallel_loop3A_1460 = arith.index_cast %and3A_99 : i32 to index
        %parallel_loop3A_1461 = arith.index_cast %parallel_loop3A_177 : i32 to index
        %parallel_loop3A_1462 = arith.constant 144 : index
        %parallel_loop3A_1463 = tpu.vector_load %arg14[%parallel_loop3A_1460, %parallel_loop3A_1461, %parallel_loop3A_1462] {strides = array<i32>} : memref<4x32x768xf32, #tpu.memory_space<vmem>>, vector<1x1x16xf32>,
        %parallel_loop3A_1464 = vector.shape_cast %parallel_loop3A_1463 : vector<1x1x16xf32> to vector<16xf32>
        %parallel_loop3A_1465 = vector.shape_cast %parallel_loop3A_1459 : vector<16xf32> to vector<1x1x16xf32>
        tpu.vector_store %arg14[%parallel_loop3A_1460, %parallel_loop3A_1461, %parallel_loop3A_1462], %parallel_loop3A_1465 {strides = array<i32>} : memref<4x32x768xf32, #tpu.memory_space<vmem>>, vector<1x1x16xf32>,
        %parallel_loop3A_1466 = arith.index_cast %and3A_99 : i32 to index
        %parallel_loop3A_1467 = arith.index_cast %parallel_loop3A_177 : i32 to index
        %parallel_loop3A_1468 = arith.constant 160 : index
        %parallel_loop3A_1469 = tpu.vector_load %arg14[%parallel_loop3A_1466, %parallel_loop3A_1467, %parallel_loop3A_1468] {strides = array<i32>} : memref<4x32x768xf32, #tpu.memory_space<vmem>>, vector<1x1x16xf32>,
        %parallel_loop3A_1470 = vector.shape_cast %parallel_loop3A_1469 : vector<1x1x16xf32> to vector<16xf32>
        %parallel_loop3A_1471 = vector.broadcast %parallel_loop3A_1171 : f32 to vector<16xf32>
        %parallel_loop3A_1472 = arith.subf %parallel_loop3A_1470, %parallel_loop3A_1471 : vector<16xf32>
        %parallel_loop3A_1473 = vector.broadcast %parallel_loop3A_1235 : f32 to vector<16xf32>
        %parallel_loop3A_1474 = arith.mulf %parallel_loop3A_1472, %parallel_loop3A_1473 : vector<16xf32>
        %parallel_loop3A_1475 = arith.constant 160 : index
        %parallel_loop3A_1476 = tpu.vector_load %arg12[%parallel_loop3A_1475] {strides = array<i32>} : memref<768xf32, #tpu.memory_space<vmem>>, vector<16xf32>,
        %parallel_loop3A_1477 = vector.shape_cast %parallel_loop3A_1476 : vector<16xf32> to vector<16xf32>
        %parallel_loop3A_1478 = arith.mulf %parallel_loop3A_1474, %parallel_loop3A_1477 : vector<16xf32>
        %parallel_loop3A_1479 = arith.constant 160 : index
        %parallel_loop3A_1480 = tpu.vector_load %arg13[%parallel_loop3A_1479] {strides = array<i32>} : memref<768xf32, #tpu.memory_space<vmem>>, vector<16xf32>,
        %parallel_loop3A_1481 = vector.shape_cast %parallel_loop3A_1480 : vector<16xf32> to vector<16xf32>
        %parallel_loop3A_1482 = arith.addf %parallel_loop3A_1478, %parallel_loop3A_1481 : vector<16xf32>
        %parallel_loop3A_1483 = arith.index_cast %and3A_99 : i32 to index
        %parallel_loop3A_1484 = arith.index_cast %parallel_loop3A_177 : i32 to index
        %parallel_loop3A_1485 = arith.constant 160 : index
        %parallel_loop3A_1486 = tpu.vector_load %arg14[%parallel_loop3A_1483, %parallel_loop3A_1484, %parallel_loop3A_1485] {strides = array<i32>} : memref<4x32x768xf32, #tpu.memory_space<vmem>>, vector<1x1x16xf32>,
        %parallel_loop3A_1487 = vector.shape_cast %parallel_loop3A_1486 : vector<1x1x16xf32> to vector<16xf32>
        %parallel_loop3A_1488 = vector.shape_cast %parallel_loop3A_1482 : vector<16xf32> to vector<1x1x16xf32>
        tpu.vector_store %arg14[%parallel_loop3A_1483, %parallel_loop3A_1484, %parallel_loop3A_1485], %parallel_loop3A_1488 {strides = array<i32>} : memref<4x32x768xf32, #tpu.memory_space<vmem>>, vector<1x1x16xf32>,
        %parallel_loop3A_1489 = arith.index_cast %and3A_99 : i32 to index
        %parallel_loop3A_1490 = arith.index_cast %parallel_loop3A_177 : i32 to index
        %parallel_loop3A_1491 = arith.constant 176 : index
        %parallel_loop3A_1492 = tpu.vector_load %arg14[%parallel_loop3A_1489, %parallel_loop3A_1490, %parallel_loop3A_1491] {strides = array<i32>} : memref<4x32x768xf32, #tpu.memory_space<vmem>>, vector<1x1x16xf32>,
        %parallel_loop3A_1493 = vector.shape_cast %parallel_loop3A_1492 : vector<1x1x16xf32> to vector<16xf32>
        %parallel_loop3A_1494 = vector.broadcast %parallel_loop3A_1171 : f32 to vector<16xf32>
        %parallel_loop3A_1495 = arith.subf %parallel_loop3A_1493, %parallel_loop3A_1494 : vector<16xf32>
        %parallel_loop3A_1496 = vector.broadcast %parallel_loop3A_1235 : f32 to vector<16xf32>
        %parallel_loop3A_1497 = arith.mulf %parallel_loop3A_1495, %parallel_loop3A_1496 : vector<16xf32>
        %parallel_loop3A_1498 = arith.constant 176 : index
        %parallel_loop3A_1499 = tpu.vector_load %arg12[%parallel_loop3A_1498] {strides = array<i32>} : memref<768xf32, #tpu.memory_space<vmem>>, vector<16xf32>,
        %parallel_loop3A_1500 = vector.shape_cast %parallel_loop3A_1499 : vector<16xf32> to vector<16xf32>
        %parallel_loop3A_1501 = arith.mulf %parallel_loop3A_1497, %parallel_loop3A_1500 : vector<16xf32>
        %parallel_loop3A_1502 = arith.constant 176 : index
        %parallel_loop3A_1503 = tpu.vector_load %arg13[%parallel_loop3A_1502] {strides = array<i32>} : memref<768xf32, #tpu.memory_space<vmem>>, vector<16xf32>,
        %parallel_loop3A_1504 = vector.shape_cast %parallel_loop3A_1503 : vector<16xf32> to vector<16xf32>
        %parallel_loop3A_1505 = arith.addf %parallel_loop3A_1501, %parallel_loop3A_1504 : vector<16xf32>
        %parallel_loop3A_1506 = arith.index_cast %and3A_99 : i32 to index
        %parallel_loop3A_1507 = arith.index_cast %parallel_loop3A_177 : i32 to index
        %parallel_loop3A_1508 = arith.constant 176 : index
        %parallel_loop3A_1509 = tpu.vector_load %arg14[%parallel_loop3A_1506, %parallel_loop3A_1507, %parallel_loop3A_1508] {strides = array<i32>} : memref<4x32x768xf32, #tpu.memory_space<vmem>>, vector<1x1x16xf32>,
        %parallel_loop3A_1510 = vector.shape_cast %parallel_loop3A_1509 : vector<1x1x16xf32> to vector<16xf32>
        %parallel_loop3A_1511 = vector.shape_cast %parallel_loop3A_1505 : vector<16xf32> to vector<1x1x16xf32>
        tpu.vector_store %arg14[%parallel_loop3A_1506, %parallel_loop3A_1507, %parallel_loop3A_1508], %parallel_loop3A_1511 {strides = array<i32>} : memref<4x32x768xf32, #tpu.memory_space<vmem>>, vector<1x1x16xf32>,
        %parallel_loop3A_1512 = arith.index_cast %and3A_99 : i32 to index
        %parallel_loop3A_1513 = arith.index_cast %parallel_loop3A_177 : i32 to index
        %parallel_loop3A_1514 = arith.constant 192 : index
        %parallel_loop3A_1515 = tpu.vector_load %arg14[%parallel_loop3A_1512, %parallel_loop3A_1513, %parallel_loop3A_1514] {strides = array<i32>} : memref<4x32x768xf32, #tpu.memory_space<vmem>>, vector<1x1x16xf32>,
        %parallel_loop3A_1516 = vector.shape_cast %parallel_loop3A_1515 : vector<1x1x16xf32> to vector<16xf32>
        %parallel_loop3A_1517 = vector.broadcast %parallel_loop3A_1171 : f32 to vector<16xf32>
        %parallel_loop3A_1518 = arith.subf %parallel_loop3A_1516, %parallel_loop3A_1517 : vector<16xf32>
        %parallel_loop3A_1519 = vector.broadcast %parallel_loop3A_1235 : f32 to vector<16xf32>
        %parallel_loop3A_1520 = arith.mulf %parallel_loop3A_1518, %parallel_loop3A_1519 : vector<16xf32>
        %parallel_loop3A_1521 = arith.constant 192 : index
        %parallel_loop3A_1522 = tpu.vector_load %arg12[%parallel_loop3A_1521] {strides = array<i32>} : memref<768xf32, #tpu.memory_space<vmem>>, vector<16xf32>,
        %parallel_loop3A_1523 = vector.shape_cast %parallel_loop3A_1522 : vector<16xf32> to vector<16xf32>
        %parallel_loop3A_1524 = arith.mulf %parallel_loop3A_1520, %parallel_loop3A_1523 : vector<16xf32>
        %parallel_loop3A_1525 = arith.constant 192 : index
        %parallel_loop3A_1526 = tpu.vector_load %arg13[%parallel_loop3A_1525] {strides = array<i32>} : memref<768xf32, #tpu.memory_space<vmem>>, vector<16xf32>,
        %parallel_loop3A_1527 = vector.shape_cast %parallel_loop3A_1526 : vector<16xf32> to vector<16xf32>
        %parallel_loop3A_1528 = arith.addf %parallel_loop3A_1524, %parallel_loop3A_1527 : vector<16xf32>
        %parallel_loop3A_1529 = arith.index_cast %and3A_99 : i32 to index
        %parallel_loop3A_1530 = arith.index_cast %parallel_loop3A_177 : i32 to index
        %parallel_loop3A_1531 = arith.constant 192 : index
        %parallel_loop3A_1532 = tpu.vector_load %arg14[%parallel_loop3A_1529, %parallel_loop3A_1530, %parallel_loop3A_1531] {strides = array<i32>} : memref<4x32x768xf32, #tpu.memory_space<vmem>>, vector<1x1x16xf32>,
        %parallel_loop3A_1533 = vector.shape_cast %parallel_loop3A_1532 : vector<1x1x16xf32> to vector<16xf32>
        %parallel_loop3A_1534 = vector.shape_cast %parallel_loop3A_1528 : vector<16xf32> to vector<1x1x16xf32>
        tpu.vector_store %arg14[%parallel_loop3A_1529, %parallel_loop3A_1530, %parallel_loop3A_1531], %parallel_loop3A_1534 {strides = array<i32>} : memref<4x32x768xf32, #tpu.memory_space<vmem>>, vector<1x1x16xf32>,
        %parallel_loop3A_1535 = arith.index_cast %and3A_99 : i32 to index
        %parallel_loop3A_1536 = arith.index_cast %parallel_loop3A_177 : i32 to index
        %parallel_loop3A_1537 = arith.constant 208 : index
        %parallel_loop3A_1538 = tpu.vector_load %arg14[%parallel_loop3A_1535, %parallel_loop3A_1536, %parallel_loop3A_1537] {strides = array<i32>} : memref<4x32x768xf32, #tpu.memory_space<vmem>>, vector<1x1x16xf32>,
        %parallel_loop3A_1539 = vector.shape_cast %parallel_loop3A_1538 : vector<1x1x16xf32> to vector<16xf32>
        %parallel_loop3A_1540 = vector.broadcast %parallel_loop3A_1171 : f32 to vector<16xf32>
        %parallel_loop3A_1541 = arith.subf %parallel_loop3A_1539, %parallel_loop3A_1540 : vector<16xf32>
        %parallel_loop3A_1542 = vector.broadcast %parallel_loop3A_1235 : f32 to vector<16xf32>
        %parallel_loop3A_1543 = arith.mulf %parallel_loop3A_1541, %parallel_loop3A_1542 : vector<16xf32>
        %parallel_loop3A_1544 = arith.constant 208 : index
        %parallel_loop3A_1545 = tpu.vector_load %arg12[%parallel_loop3A_1544] {strides = array<i32>} : memref<768xf32, #tpu.memory_space<vmem>>, vector<16xf32>,
        %parallel_loop3A_1546 = vector.shape_cast %parallel_loop3A_1545 : vector<16xf32> to vector<16xf32>
        %parallel_loop3A_1547 = arith.mulf %parallel_loop3A_1543, %parallel_loop3A_1546 : vector<16xf32>
        %parallel_loop3A_1548 = arith.constant 208 : index
        %parallel_loop3A_1549 = tpu.vector_load %arg13[%parallel_loop3A_1548] {strides = array<i32>} : memref<768xf32, #tpu.memory_space<vmem>>, vector<16xf32>,
        %parallel_loop3A_1550 = vector.shape_cast %parallel_loop3A_1549 : vector<16xf32> to vector<16xf32>
        %parallel_loop3A_1551 = arith.addf %parallel_loop3A_1547, %parallel_loop3A_1550 : vector<16xf32>
        %parallel_loop3A_1552 = arith.index_cast %and3A_99 : i32 to index
        %parallel_loop3A_1553 = arith.index_cast %parallel_loop3A_177 : i32 to index
        %parallel_loop3A_1554 = arith.constant 208 : index
        %parallel_loop3A_1555 = tpu.vector_load %arg14[%parallel_loop3A_1552, %parallel_loop3A_1553, %parallel_loop3A_1554] {strides = array<i32>} : memref<4x32x768xf32, #tpu.memory_space<vmem>>, vector<1x1x16xf32>,
        %parallel_loop3A_1556 = vector.shape_cast %parallel_loop3A_1555 : vector<1x1x16xf32> to vector<16xf32>
        %parallel_loop3A_1557 = vector.shape_cast %parallel_loop3A_1551 : vector<16xf32> to vector<1x1x16xf32>
        tpu.vector_store %arg14[%parallel_loop3A_1552, %parallel_loop3A_1553, %parallel_loop3A_1554], %parallel_loop3A_1557 {strides = array<i32>} : memref<4x32x768xf32, #tpu.memory_space<vmem>>, vector<1x1x16xf32>,
        %parallel_loop3A_1558 = arith.index_cast %and3A_99 : i32 to index
        %parallel_loop3A_1559 = arith.index_cast %parallel_loop3A_177 : i32 to index
        %parallel_loop3A_1560 = arith.constant 224 : index
        %parallel_loop3A_1561 = tpu.vector_load %arg14[%parallel_loop3A_1558, %parallel_loop3A_1559, %parallel_loop3A_1560] {strides = array<i32>} : memref<4x32x768xf32, #tpu.memory_space<vmem>>, vector<1x1x16xf32>,
        %parallel_loop3A_1562 = vector.shape_cast %parallel_loop3A_1561 : vector<1x1x16xf32> to vector<16xf32>
        %parallel_loop3A_1563 = vector.broadcast %parallel_loop3A_1171 : f32 to vector<16xf32>
        %parallel_loop3A_1564 = arith.subf %parallel_loop3A_1562, %parallel_loop3A_1563 : vector<16xf32>
        %parallel_loop3A_1565 = vector.broadcast %parallel_loop3A_1235 : f32 to vector<16xf32>
        %parallel_loop3A_1566 = arith.mulf %parallel_loop3A_1564, %parallel_loop3A_1565 : vector<16xf32>
        %parallel_loop3A_1567 = arith.constant 224 : index
        %parallel_loop3A_1568 = tpu.vector_load %arg12[%parallel_loop3A_1567] {strides = array<i32>} : memref<768xf32, #tpu.memory_space<vmem>>, vector<16xf32>,
        %parallel_loop3A_1569 = vector.shape_cast %parallel_loop3A_1568 : vector<16xf32> to vector<16xf32>
        %parallel_loop3A_1570 = arith.mulf %parallel_loop3A_1566, %parallel_loop3A_1569 : vector<16xf32>
        %parallel_loop3A_1571 = arith.constant 224 : index
        %parallel_loop3A_1572 = tpu.vector_load %arg13[%parallel_loop3A_1571] {strides = array<i32>} : memref<768xf32, #tpu.memory_space<vmem>>, vector<16xf32>,
        %parallel_loop3A_1573 = vector.shape_cast %parallel_loop3A_1572 : vector<16xf32> to vector<16xf32>
        %parallel_loop3A_1574 = arith.addf %parallel_loop3A_1570, %parallel_loop3A_1573 : vector<16xf32>
        %parallel_loop3A_1575 = arith.index_cast %and3A_99 : i32 to index
        %parallel_loop3A_1576 = arith.index_cast %parallel_loop3A_177 : i32 to index
        %parallel_loop3A_1577 = arith.constant 224 : index
        %parallel_loop3A_1578 = tpu.vector_load %arg14[%parallel_loop3A_1575, %parallel_loop3A_1576, %parallel_loop3A_1577] {strides = array<i32>} : memref<4x32x768xf32, #tpu.memory_space<vmem>>, vector<1x1x16xf32>,
        %parallel_loop3A_1579 = vector.shape_cast %parallel_loop3A_1578 : vector<1x1x16xf32> to vector<16xf32>
        %parallel_loop3A_1580 = vector.shape_cast %parallel_loop3A_1574 : vector<16xf32> to vector<1x1x16xf32>
        tpu.vector_store %arg14[%parallel_loop3A_1575, %parallel_loop3A_1576, %parallel_loop3A_1577], %parallel_loop3A_1580 {strides = array<i32>} : memref<4x32x768xf32, #tpu.memory_space<vmem>>, vector<1x1x16xf32>,
        %parallel_loop3A_1581 = arith.index_cast %and3A_99 : i32 to index
        %parallel_loop3A_1582 = arith.index_cast %parallel_loop3A_177 : i32 to index
        %parallel_loop3A_1583 = arith.constant 240 : index
        %parallel_loop3A_1584 = tpu.vector_load %arg14[%parallel_loop3A_1581, %parallel_loop3A_1582, %parallel_loop3A_1583] {strides = array<i32>} : memref<4x32x768xf32, #tpu.memory_space<vmem>>, vector<1x1x16xf32>,
        %parallel_loop3A_1585 = vector.shape_cast %parallel_loop3A_1584 : vector<1x1x16xf32> to vector<16xf32>
        %parallel_loop3A_1586 = vector.broadcast %parallel_loop3A_1171 : f32 to vector<16xf32>
        %parallel_loop3A_1587 = arith.subf %parallel_loop3A_1585, %parallel_loop3A_1586 : vector<16xf32>
        %parallel_loop3A_1588 = vector.broadcast %parallel_loop3A_1235 : f32 to vector<16xf32>
        %parallel_loop3A_1589 = arith.mulf %parallel_loop3A_1587, %parallel_loop3A_1588 : vector<16xf32>
        %parallel_loop3A_1590 = arith.constant 240 : index
        %parallel_loop3A_1591 = tpu.vector_load %arg12[%parallel_loop3A_1590] {strides = array<i32>} : memref<768xf32, #tpu.memory_space<vmem>>, vector<16xf32>,
        %parallel_loop3A_1592 = vector.shape_cast %parallel_loop3A_1591 : vector<16xf32> to vector<16xf32>
        %parallel_loop3A_1593 = arith.mulf %parallel_loop3A_1589, %parallel_loop3A_1592 : vector<16xf32>
        %parallel_loop3A_1594 = arith.constant 240 : index
        %parallel_loop3A_1595 = tpu.vector_load %arg13[%parallel_loop3A_1594] {strides = array<i32>} : memref<768xf32, #tpu.memory_space<vmem>>, vector<16xf32>,
        %parallel_loop3A_1596 = vector.shape_cast %parallel_loop3A_1595 : vector<16xf32> to vector<16xf32>
        %parallel_loop3A_1597 = arith.addf %parallel_loop3A_1593, %parallel_loop3A_1596 : vector<16xf32>
        %parallel_loop3A_1598 = arith.index_cast %and3A_99 : i32 to index
        %parallel_loop3A_1599 = arith.index_cast %parallel_loop3A_177 : i32 to index
        %parallel_loop3A_1600 = arith.constant 240 : index
        %parallel_loop3A_1601 = tpu.vector_load %arg14[%parallel_loop3A_1598, %parallel_loop3A_1599, %parallel_loop3A_1600] {strides = array<i32>} : memref<4x32x768xf32, #tpu.memory_space<vmem>>, vector<1x1x16xf32>,
        %parallel_loop3A_1602 = vector.shape_cast %parallel_loop3A_1601 : vector<1x1x16xf32> to vector<16xf32>
        %parallel_loop3A_1603 = vector.shape_cast %parallel_loop3A_1597 : vector<16xf32> to vector<1x1x16xf32>
        tpu.vector_store %arg14[%parallel_loop3A_1598, %parallel_loop3A_1599, %parallel_loop3A_1600], %parallel_loop3A_1603 {strides = array<i32>} : memref<4x32x768xf32, #tpu.memory_space<vmem>>, vector<1x1x16xf32>,
        %parallel_loop3A_1604 = arith.index_cast %and3A_99 : i32 to index
        %parallel_loop3A_1605 = arith.index_cast %parallel_loop3A_177 : i32 to index
        %parallel_loop3A_1606 = arith.constant 256 : index
        %parallel_loop3A_1607 = tpu.vector_load %arg14[%parallel_loop3A_1604, %parallel_loop3A_1605, %parallel_loop3A_1606] {strides = array<i32>} : memref<4x32x768xf32, #tpu.memory_space<vmem>>, vector<1x1x16xf32>,
        %parallel_loop3A_1608 = vector.shape_cast %parallel_loop3A_1607 : vector<1x1x16xf32> to vector<16xf32>
        %parallel_loop3A_1609 = vector.broadcast %parallel_loop3A_1171 : f32 to vector<16xf32>
        %parallel_loop3A_1610 = arith.subf %parallel_loop3A_1608, %parallel_loop3A_1609 : vector<16xf32>
        %parallel_loop3A_1611 = vector.broadcast %parallel_loop3A_1235 : f32 to vector<16xf32>
        %parallel_loop3A_1612 = arith.mulf %parallel_loop3A_1610, %parallel_loop3A_1611 : vector<16xf32>
        %parallel_loop3A_1613 = arith.constant 256 : index
        %parallel_loop3A_1614 = tpu.vector_load %arg12[%parallel_loop3A_1613] {strides = array<i32>} : memref<768xf32, #tpu.memory_space<vmem>>, vector<16xf32>,
        %parallel_loop3A_1615 = vector.shape_cast %parallel_loop3A_1614 : vector<16xf32> to vector<16xf32>
        %parallel_loop3A_1616 = arith.mulf %parallel_loop3A_1612, %parallel_loop3A_1615 : vector<16xf32>
        %parallel_loop3A_1617 = arith.constant 256 : index
        %parallel_loop3A_1618 = tpu.vector_load %arg13[%parallel_loop3A_1617] {strides = array<i32>} : memref<768xf32, #tpu.memory_space<vmem>>, vector<16xf32>,
        %parallel_loop3A_1619 = vector.shape_cast %parallel_loop3A_1618 : vector<16xf32> to vector<16xf32>
        %parallel_loop3A_1620 = arith.addf %parallel_loop3A_1616, %parallel_loop3A_1619 : vector<16xf32>
        %parallel_loop3A_1621 = arith.index_cast %and3A_99 : i32 to index
        %parallel_loop3A_1622 = arith.index_cast %parallel_loop3A_177 : i32 to index
        %parallel_loop3A_1623 = arith.constant 256 : index
        %parallel_loop3A_1624 = tpu.vector_load %arg14[%parallel_loop3A_1621, %parallel_loop3A_1622, %parallel_loop3A_1623] {strides = array<i32>} : memref<4x32x768xf32, #tpu.memory_space<vmem>>, vector<1x1x16xf32>,
        %parallel_loop3A_1625 = vector.shape_cast %parallel_loop3A_1624 : vector<1x1x16xf32> to vector<16xf32>
        %parallel_loop3A_1626 = vector.shape_cast %parallel_loop3A_1620 : vector<16xf32> to vector<1x1x16xf32>
        tpu.vector_store %arg14[%parallel_loop3A_1621, %parallel_loop3A_1622, %parallel_loop3A_1623], %parallel_loop3A_1626 {strides = array<i32>} : memref<4x32x768xf32, #tpu.memory_space<vmem>>, vector<1x1x16xf32>,
        %parallel_loop3A_1627 = arith.index_cast %and3A_99 : i32 to index
        %parallel_loop3A_1628 = arith.index_cast %parallel_loop3A_177 : i32 to index
        %parallel_loop3A_1629 = arith.constant 272 : index
        %parallel_loop3A_1630 = tpu.vector_load %arg14[%parallel_loop3A_1627, %parallel_loop3A_1628, %parallel_loop3A_1629] {strides = array<i32>} : memref<4x32x768xf32, #tpu.memory_space<vmem>>, vector<1x1x16xf32>,
        %parallel_loop3A_1631 = vector.shape_cast %parallel_loop3A_1630 : vector<1x1x16xf32> to vector<16xf32>
        %parallel_loop3A_1632 = vector.broadcast %parallel_loop3A_1171 : f32 to vector<16xf32>
        %parallel_loop3A_1633 = arith.subf %parallel_loop3A_1631, %parallel_loop3A_1632 : vector<16xf32>
        %parallel_loop3A_1634 = vector.broadcast %parallel_loop3A_1235 : f32 to vector<16xf32>
        %parallel_loop3A_1635 = arith.mulf %parallel_loop3A_1633, %parallel_loop3A_1634 : vector<16xf32>
        %parallel_loop3A_1636 = arith.constant 272 : index
        %parallel_loop3A_1637 = tpu.vector_load %arg12[%parallel_loop3A_1636] {strides = array<i32>} : memref<768xf32, #tpu.memory_space<vmem>>, vector<16xf32>,
        %parallel_loop3A_1638 = vector.shape_cast %parallel_loop3A_1637 : vector<16xf32> to vector<16xf32>
        %parallel_loop3A_1639 = arith.mulf %parallel_loop3A_1635, %parallel_loop3A_1638 : vector<16xf32>
        %parallel_loop3A_1640 = arith.constant 272 : index
        %parallel_loop3A_1641 = tpu.vector_load %arg13[%parallel_loop3A_1640] {strides = array<i32>} : memref<768xf32, #tpu.memory_space<vmem>>, vector<16xf32>,
        %parallel_loop3A_1642 = vector.shape_cast %parallel_loop3A_1641 : vector<16xf32> to vector<16xf32>
        %parallel_loop3A_1643 = arith.addf %parallel_loop3A_1639, %parallel_loop3A_1642 : vector<16xf32>
        %parallel_loop3A_1644 = arith.index_cast %and3A_99 : i32 to index
        %parallel_loop3A_1645 = arith.index_cast %parallel_loop3A_177 : i32 to index
        %parallel_loop3A_1646 = arith.constant 272 : index
        %parallel_loop3A_1647 = tpu.vector_load %arg14[%parallel_loop3A_1644, %parallel_loop3A_1645, %parallel_loop3A_1646] {strides = array<i32>} : memref<4x32x768xf32, #tpu.memory_space<vmem>>, vector<1x1x16xf32>,
        %parallel_loop3A_1648 = vector.shape_cast %parallel_loop3A_1647 : vector<1x1x16xf32> to vector<16xf32>
        %parallel_loop3A_1649 = vector.shape_cast %parallel_loop3A_1643 : vector<16xf32> to vector<1x1x16xf32>
        tpu.vector_store %arg14[%parallel_loop3A_1644, %parallel_loop3A_1645, %parallel_loop3A_1646], %parallel_loop3A_1649 {strides = array<i32>} : memref<4x32x768xf32, #tpu.memory_space<vmem>>, vector<1x1x16xf32>,
        %parallel_loop3A_1650 = arith.index_cast %and3A_99 : i32 to index
        %parallel_loop3A_1651 = arith.index_cast %parallel_loop3A_177 : i32 to index
        %parallel_loop3A_1652 = arith.constant 288 : index
        %parallel_loop3A_1653 = tpu.vector_load %arg14[%parallel_loop3A_1650, %parallel_loop3A_1651, %parallel_loop3A_1652] {strides = array<i32>} : memref<4x32x768xf32, #tpu.memory_space<vmem>>, vector<1x1x16xf32>,
        %parallel_loop3A_1654 = vector.shape_cast %parallel_loop3A_1653 : vector<1x1x16xf32> to vector<16xf32>
        %parallel_loop3A_1655 = vector.broadcast %parallel_loop3A_1171 : f32 to vector<16xf32>
        %parallel_loop3A_1656 = arith.subf %parallel_loop3A_1654, %parallel_loop3A_1655 : vector<16xf32>
        %parallel_loop3A_1657 = vector.broadcast %parallel_loop3A_1235 : f32 to vector<16xf32>
        %parallel_loop3A_1658 = arith.mulf %parallel_loop3A_1656, %parallel_loop3A_1657 : vector<16xf32>
        %parallel_loop3A_1659 = arith.constant 288 : index
        %parallel_loop3A_1660 = tpu.vector_load %arg12[%parallel_loop3A_1659] {strides = array<i32>} : memref<768xf32, #tpu.memory_space<vmem>>, vector<16xf32>,
        %parallel_loop3A_1661 = vector.shape_cast %parallel_loop3A_1660 : vector<16xf32> to vector<16xf32>
        %parallel_loop3A_1662 = arith.mulf %parallel_loop3A_1658, %parallel_loop3A_1661 : vector<16xf32>
        %parallel_loop3A_1663 = arith.constant 288 : index
        %parallel_loop3A_1664 = tpu.vector_load %arg13[%parallel_loop3A_1663] {strides = array<i32>} : memref<768xf32, #tpu.memory_space<vmem>>, vector<16xf32>,
        %parallel_loop3A_1665 = vector.shape_cast %parallel_loop3A_1664 : vector<16xf32> to vector<16xf32>
        %parallel_loop3A_1666 = arith.addf %parallel_loop3A_1662, %parallel_loop3A_1665 : vector<16xf32>
        %parallel_loop3A_1667 = arith.index_cast %and3A_99 : i32 to index
        %parallel_loop3A_1668 = arith.index_cast %parallel_loop3A_177 : i32 to index
        %parallel_loop3A_1669 = arith.constant 288 : index
        %parallel_loop3A_1670 = tpu.vector_load %arg14[%parallel_loop3A_1667, %parallel_loop3A_1668, %parallel_loop3A_1669] {strides = array<i32>} : memref<4x32x768xf32, #tpu.memory_space<vmem>>, vector<1x1x16xf32>,
        %parallel_loop3A_1671 = vector.shape_cast %parallel_loop3A_1670 : vector<1x1x16xf32> to vector<16xf32>
        %parallel_loop3A_1672 = vector.shape_cast %parallel_loop3A_1666 : vector<16xf32> to vector<1x1x16xf32>
        tpu.vector_store %arg14[%parallel_loop3A_1667, %parallel_loop3A_1668, %parallel_loop3A_1669], %parallel_loop3A_1672 {strides = array<i32>} : memref<4x32x768xf32, #tpu.memory_space<vmem>>, vector<1x1x16xf32>,
        %parallel_loop3A_1673 = arith.index_cast %and3A_99 : i32 to index
        %parallel_loop3A_1674 = arith.index_cast %parallel_loop3A_177 : i32 to index
        %parallel_loop3A_1675 = arith.constant 304 : index
        %parallel_loop3A_1676 = tpu.vector_load %arg14[%parallel_loop3A_1673, %parallel_loop3A_1674, %parallel_loop3A_1675] {strides = array<i32>} : memref<4x32x768xf32, #tpu.memory_space<vmem>>, vector<1x1x16xf32>,
        %parallel_loop3A_1677 = vector.shape_cast %parallel_loop3A_1676 : vector<1x1x16xf32> to vector<16xf32>
        %parallel_loop3A_1678 = vector.broadcast %parallel_loop3A_1171 : f32 to vector<16xf32>
        %parallel_loop3A_1679 = arith.subf %parallel_loop3A_1677, %parallel_loop3A_1678 : vector<16xf32>
        %parallel_loop3A_1680 = vector.broadcast %parallel_loop3A_1235 : f32 to vector<16xf32>
        %parallel_loop3A_1681 = arith.mulf %parallel_loop3A_1679, %parallel_loop3A_1680 : vector<16xf32>
        %parallel_loop3A_1682 = arith.constant 304 : index
        %parallel_loop3A_1683 = tpu.vector_load %arg12[%parallel_loop3A_1682] {strides = array<i32>} : memref<768xf32, #tpu.memory_space<vmem>>, vector<16xf32>,
        %parallel_loop3A_1684 = vector.shape_cast %parallel_loop3A_1683 : vector<16xf32> to vector<16xf32>
        %parallel_loop3A_1685 = arith.mulf %parallel_loop3A_1681, %parallel_loop3A_1684 : vector<16xf32>
        %parallel_loop3A_1686 = arith.constant 304 : index
        %parallel_loop3A_1687 = tpu.vector_load %arg13[%parallel_loop3A_1686] {strides = array<i32>} : memref<768xf32, #tpu.memory_space<vmem>>, vector<16xf32>,
        %parallel_loop3A_1688 = vector.shape_cast %parallel_loop3A_1687 : vector<16xf32> to vector<16xf32>
        %parallel_loop3A_1689 = arith.addf %parallel_loop3A_1685, %parallel_loop3A_1688 : vector<16xf32>
        %parallel_loop3A_1690 = arith.index_cast %and3A_99 : i32 to index
        %parallel_loop3A_1691 = arith.index_cast %parallel_loop3A_177 : i32 to index
        %parallel_loop3A_1692 = arith.constant 304 : index
        %parallel_loop3A_1693 = tpu.vector_load %arg14[%parallel_loop3A_1690, %parallel_loop3A_1691, %parallel_loop3A_1692] {strides = array<i32>} : memref<4x32x768xf32, #tpu.memory_space<vmem>>, vector<1x1x16xf32>,
        %parallel_loop3A_1694 = vector.shape_cast %parallel_loop3A_1693 : vector<1x1x16xf32> to vector<16xf32>
        %parallel_loop3A_1695 = vector.shape_cast %parallel_loop3A_1689 : vector<16xf32> to vector<1x1x16xf32>
        tpu.vector_store %arg14[%parallel_loop3A_1690, %parallel_loop3A_1691, %parallel_loop3A_1692], %parallel_loop3A_1695 {strides = array<i32>} : memref<4x32x768xf32, #tpu.memory_space<vmem>>, vector<1x1x16xf32>,
        %parallel_loop3A_1696 = arith.index_cast %and3A_99 : i32 to index
        %parallel_loop3A_1697 = arith.index_cast %parallel_loop3A_177 : i32 to index
        %parallel_loop3A_1698 = arith.constant 320 : index
        %parallel_loop3A_1699 = tpu.vector_load %arg14[%parallel_loop3A_1696, %parallel_loop3A_1697, %parallel_loop3A_1698] {strides = array<i32>} : memref<4x32x768xf32, #tpu.memory_space<vmem>>, vector<1x1x16xf32>,
        %parallel_loop3A_1700 = vector.shape_cast %parallel_loop3A_1699 : vector<1x1x16xf32> to vector<16xf32>
        %parallel_loop3A_1701 = vector.broadcast %parallel_loop3A_1171 : f32 to vector<16xf32>
        %parallel_loop3A_1702 = arith.subf %parallel_loop3A_1700, %parallel_loop3A_1701 : vector<16xf32>
        %parallel_loop3A_1703 = vector.broadcast %parallel_loop3A_1235 : f32 to vector<16xf32>
        %parallel_loop3A_1704 = arith.mulf %parallel_loop3A_1702, %parallel_loop3A_1703 : vector<16xf32>
        %parallel_loop3A_1705 = arith.constant 320 : index
        %parallel_loop3A_1706 = tpu.vector_load %arg12[%parallel_loop3A_1705] {strides = array<i32>} : memref<768xf32, #tpu.memory_space<vmem>>, vector<16xf32>,
        %parallel_loop3A_1707 = vector.shape_cast %parallel_loop3A_1706 : vector<16xf32> to vector<16xf32>
        %parallel_loop3A_1708 = arith.mulf %parallel_loop3A_1704, %parallel_loop3A_1707 : vector<16xf32>
        %parallel_loop3A_1709 = arith.constant 320 : index
        %parallel_loop3A_1710 = tpu.vector_load %arg13[%parallel_loop3A_1709] {strides = array<i32>} : memref<768xf32, #tpu.memory_space<vmem>>, vector<16xf32>,
        %parallel_loop3A_1711 = vector.shape_cast %parallel_loop3A_1710 : vector<16xf32> to vector<16xf32>
        %parallel_loop3A_1712 = arith.addf %parallel_loop3A_1708, %parallel_loop3A_1711 : vector<16xf32>
        %parallel_loop3A_1713 = arith.index_cast %and3A_99 : i32 to index
        %parallel_loop3A_1714 = arith.index_cast %parallel_loop3A_177 : i32 to index
        %parallel_loop3A_1715 = arith.constant 320 : index
        %parallel_loop3A_1716 = tpu.vector_load %arg14[%parallel_loop3A_1713, %parallel_loop3A_1714, %parallel_loop3A_1715] {strides = array<i32>} : memref<4x32x768xf32, #tpu.memory_space<vmem>>, vector<1x1x16xf32>,
        %parallel_loop3A_1717 = vector.shape_cast %parallel_loop3A_1716 : vector<1x1x16xf32> to vector<16xf32>
        %parallel_loop3A_1718 = vector.shape_cast %parallel_loop3A_1712 : vector<16xf32> to vector<1x1x16xf32>
        tpu.vector_store %arg14[%parallel_loop3A_1713, %parallel_loop3A_1714, %parallel_loop3A_1715], %parallel_loop3A_1718 {strides = array<i32>} : memref<4x32x768xf32, #tpu.memory_space<vmem>>, vector<1x1x16xf32>,
        %parallel_loop3A_1719 = arith.index_cast %and3A_99 : i32 to index
        %parallel_loop3A_1720 = arith.index_cast %parallel_loop3A_177 : i32 to index
        %parallel_loop3A_1721 = arith.constant 336 : index
        %parallel_loop3A_1722 = tpu.vector_load %arg14[%parallel_loop3A_1719, %parallel_loop3A_1720, %parallel_loop3A_1721] {strides = array<i32>} : memref<4x32x768xf32, #tpu.memory_space<vmem>>, vector<1x1x16xf32>,
        %parallel_loop3A_1723 = vector.shape_cast %parallel_loop3A_1722 : vector<1x1x16xf32> to vector<16xf32>
        %parallel_loop3A_1724 = vector.broadcast %parallel_loop3A_1171 : f32 to vector<16xf32>
        %parallel_loop3A_1725 = arith.subf %parallel_loop3A_1723, %parallel_loop3A_1724 : vector<16xf32>
        %parallel_loop3A_1726 = vector.broadcast %parallel_loop3A_1235 : f32 to vector<16xf32>
        %parallel_loop3A_1727 = arith.mulf %parallel_loop3A_1725, %parallel_loop3A_1726 : vector<16xf32>
        %parallel_loop3A_1728 = arith.constant 336 : index
        %parallel_loop3A_1729 = tpu.vector_load %arg12[%parallel_loop3A_1728] {strides = array<i32>} : memref<768xf32, #tpu.memory_space<vmem>>, vector<16xf32>,
        %parallel_loop3A_1730 = vector.shape_cast %parallel_loop3A_1729 : vector<16xf32> to vector<16xf32>
        %parallel_loop3A_1731 = arith.mulf %parallel_loop3A_1727, %parallel_loop3A_1730 : vector<16xf32>
        %parallel_loop3A_1732 = arith.constant 336 : index
        %parallel_loop3A_1733 = tpu.vector_load %arg13[%parallel_loop3A_1732] {strides = array<i32>} : memref<768xf32, #tpu.memory_space<vmem>>, vector<16xf32>,
        %parallel_loop3A_1734 = vector.shape_cast %parallel_loop3A_1733 : vector<16xf32> to vector<16xf32>
        %parallel_loop3A_1735 = arith.addf %parallel_loop3A_1731, %parallel_loop3A_1734 : vector<16xf32>
        %parallel_loop3A_1736 = arith.index_cast %and3A_99 : i32 to index
        %parallel_loop3A_1737 = arith.index_cast %parallel_loop3A_177 : i32 to index
        %parallel_loop3A_1738 = arith.constant 336 : index
        %parallel_loop3A_1739 = tpu.vector_load %arg14[%parallel_loop3A_1736, %parallel_loop3A_1737, %parallel_loop3A_1738] {strides = array<i32>} : memref<4x32x768xf32, #tpu.memory_space<vmem>>, vector<1x1x16xf32>,
        %parallel_loop3A_1740 = vector.shape_cast %parallel_loop3A_1739 : vector<1x1x16xf32> to vector<16xf32>
        %parallel_loop3A_1741 = vector.shape_cast %parallel_loop3A_1735 : vector<16xf32> to vector<1x1x16xf32>
        tpu.vector_store %arg14[%parallel_loop3A_1736, %parallel_loop3A_1737, %parallel_loop3A_1738], %parallel_loop3A_1741 {strides = array<i32>} : memref<4x32x768xf32, #tpu.memory_space<vmem>>, vector<1x1x16xf32>,
        %parallel_loop3A_1742 = arith.index_cast %and3A_99 : i32 to index
        %parallel_loop3A_1743 = arith.index_cast %parallel_loop3A_177 : i32 to index
        %parallel_loop3A_1744 = arith.constant 352 : index
        %parallel_loop3A_1745 = tpu.vector_load %arg14[%parallel_loop3A_1742, %parallel_loop3A_1743, %parallel_loop3A_1744] {strides = array<i32>} : memref<4x32x768xf32, #tpu.memory_space<vmem>>, vector<1x1x16xf32>,
        %parallel_loop3A_1746 = vector.shape_cast %parallel_loop3A_1745 : vector<1x1x16xf32> to vector<16xf32>
        %parallel_loop3A_1747 = vector.broadcast %parallel_loop3A_1171 : f32 to vector<16xf32>
        %parallel_loop3A_1748 = arith.subf %parallel_loop3A_1746, %parallel_loop3A_1747 : vector<16xf32>
        %parallel_loop3A_1749 = vector.broadcast %parallel_loop3A_1235 : f32 to vector<16xf32>
        %parallel_loop3A_1750 = arith.mulf %parallel_loop3A_1748, %parallel_loop3A_1749 : vector<16xf32>
        %parallel_loop3A_1751 = arith.constant 352 : index
        %parallel_loop3A_1752 = tpu.vector_load %arg12[%parallel_loop3A_1751] {strides = array<i32>} : memref<768xf32, #tpu.memory_space<vmem>>, vector<16xf32>,
        %parallel_loop3A_1753 = vector.shape_cast %parallel_loop3A_1752 : vector<16xf32> to vector<16xf32>
        %parallel_loop3A_1754 = arith.mulf %parallel_loop3A_1750, %parallel_loop3A_1753 : vector<16xf32>
        %parallel_loop3A_1755 = arith.constant 352 : index
        %parallel_loop3A_1756 = tpu.vector_load %arg13[%parallel_loop3A_1755] {strides = array<i32>} : memref<768xf32, #tpu.memory_space<vmem>>, vector<16xf32>,
        %parallel_loop3A_1757 = vector.shape_cast %parallel_loop3A_1756 : vector<16xf32> to vector<16xf32>
        %parallel_loop3A_1758 = arith.addf %parallel_loop3A_1754, %parallel_loop3A_1757 : vector<16xf32>
        %parallel_loop3A_1759 = arith.index_cast %and3A_99 : i32 to index
        %parallel_loop3A_1760 = arith.index_cast %parallel_loop3A_177 : i32 to index
        %parallel_loop3A_1761 = arith.constant 352 : index
        %parallel_loop3A_1762 = tpu.vector_load %arg14[%parallel_loop3A_1759, %parallel_loop3A_1760, %parallel_loop3A_1761] {strides = array<i32>} : memref<4x32x768xf32, #tpu.memory_space<vmem>>, vector<1x1x16xf32>,
        %parallel_loop3A_1763 = vector.shape_cast %parallel_loop3A_1762 : vector<1x1x16xf32> to vector<16xf32>
        %parallel_loop3A_1764 = vector.shape_cast %parallel_loop3A_1758 : vector<16xf32> to vector<1x1x16xf32>
        tpu.vector_store %arg14[%parallel_loop3A_1759, %parallel_loop3A_1760, %parallel_loop3A_1761], %parallel_loop3A_1764 {strides = array<i32>} : memref<4x32x768xf32, #tpu.memory_space<vmem>>, vector<1x1x16xf32>,
        %parallel_loop3A_1765 = arith.index_cast %and3A_99 : i32 to index
        %parallel_loop3A_1766 = arith.index_cast %parallel_loop3A_177 : i32 to index
        %parallel_loop3A_1767 = arith.constant 368 : index
        %parallel_loop3A_1768 = tpu.vector_load %arg14[%parallel_loop3A_1765, %parallel_loop3A_1766, %parallel_loop3A_1767] {strides = array<i32>} : memref<4x32x768xf32, #tpu.memory_space<vmem>>, vector<1x1x16xf32>,
        %parallel_loop3A_1769 = vector.shape_cast %parallel_loop3A_1768 : vector<1x1x16xf32> to vector<16xf32>
        %parallel_loop3A_1770 = vector.broadcast %parallel_loop3A_1171 : f32 to vector<16xf32>
        %parallel_loop3A_1771 = arith.subf %parallel_loop3A_1769, %parallel_loop3A_1770 : vector<16xf32>
        %parallel_loop3A_1772 = vector.broadcast %parallel_loop3A_1235 : f32 to vector<16xf32>
        %parallel_loop3A_1773 = arith.mulf %parallel_loop3A_1771, %parallel_loop3A_1772 : vector<16xf32>
        %parallel_loop3A_1774 = arith.constant 368 : index
        %parallel_loop3A_1775 = tpu.vector_load %arg12[%parallel_loop3A_1774] {strides = array<i32>} : memref<768xf32, #tpu.memory_space<vmem>>, vector<16xf32>,
        %parallel_loop3A_1776 = vector.shape_cast %parallel_loop3A_1775 : vector<16xf32> to vector<16xf32>
        %parallel_loop3A_1777 = arith.mulf %parallel_loop3A_1773, %parallel_loop3A_1776 : vector<16xf32>
        %parallel_loop3A_1778 = arith.constant 368 : index
        %parallel_loop3A_1779 = tpu.vector_load %arg13[%parallel_loop3A_1778] {strides = array<i32>} : memref<768xf32, #tpu.memory_space<vmem>>, vector<16xf32>,
        %parallel_loop3A_1780 = vector.shape_cast %parallel_loop3A_1779 : vector<16xf32> to vector<16xf32>
        %parallel_loop3A_1781 = arith.addf %parallel_loop3A_1777, %parallel_loop3A_1780 : vector<16xf32>
        %parallel_loop3A_1782 = arith.index_cast %and3A_99 : i32 to index
        %parallel_loop3A_1783 = arith.index_cast %parallel_loop3A_177 : i32 to index
        %parallel_loop3A_1784 = arith.constant 368 : index
        %parallel_loop3A_1785 = tpu.vector_load %arg14[%parallel_loop3A_1782, %parallel_loop3A_1783, %parallel_loop3A_1784] {strides = array<i32>} : memref<4x32x768xf32, #tpu.memory_space<vmem>>, vector<1x1x16xf32>,
        %parallel_loop3A_1786 = vector.shape_cast %parallel_loop3A_1785 : vector<1x1x16xf32> to vector<16xf32>
        %parallel_loop3A_1787 = vector.shape_cast %parallel_loop3A_1781 : vector<16xf32> to vector<1x1x16xf32>
        tpu.vector_store %arg14[%parallel_loop3A_1782, %parallel_loop3A_1783, %parallel_loop3A_1784], %parallel_loop3A_1787 {strides = array<i32>} : memref<4x32x768xf32, #tpu.memory_space<vmem>>, vector<1x1x16xf32>,
        %parallel_loop3A_1788 = arith.index_cast %and3A_99 : i32 to index
        %parallel_loop3A_1789 = arith.index_cast %parallel_loop3A_177 : i32 to index
        %parallel_loop3A_1790 = arith.constant 384 : index
        %parallel_loop3A_1791 = tpu.vector_load %arg14[%parallel_loop3A_1788, %parallel_loop3A_1789, %parallel_loop3A_1790] {strides = array<i32>} : memref<4x32x768xf32, #tpu.memory_space<vmem>>, vector<1x1x16xf32>,
        %parallel_loop3A_1792 = vector.shape_cast %parallel_loop3A_1791 : vector<1x1x16xf32> to vector<16xf32>
        %parallel_loop3A_1793 = vector.broadcast %parallel_loop3A_1171 : f32 to vector<16xf32>
        %parallel_loop3A_1794 = arith.subf %parallel_loop3A_1792, %parallel_loop3A_1793 : vector<16xf32>
        %parallel_loop3A_1795 = vector.broadcast %parallel_loop3A_1235 : f32 to vector<16xf32>
        %parallel_loop3A_1796 = arith.mulf %parallel_loop3A_1794, %parallel_loop3A_1795 : vector<16xf32>
        %parallel_loop3A_1797 = arith.constant 384 : index
        %parallel_loop3A_1798 = tpu.vector_load %arg12[%parallel_loop3A_1797] {strides = array<i32>} : memref<768xf32, #tpu.memory_space<vmem>>, vector<16xf32>,
        %parallel_loop3A_1799 = vector.shape_cast %parallel_loop3A_1798 : vector<16xf32> to vector<16xf32>
        %parallel_loop3A_1800 = arith.mulf %parallel_loop3A_1796, %parallel_loop3A_1799 : vector<16xf32>
        %parallel_loop3A_1801 = arith.constant 384 : index
        %parallel_loop3A_1802 = tpu.vector_load %arg13[%parallel_loop3A_1801] {strides = array<i32>} : memref<768xf32, #tpu.memory_space<vmem>>, vector<16xf32>,
        %parallel_loop3A_1803 = vector.shape_cast %parallel_loop3A_1802 : vector<16xf32> to vector<16xf32>
        %parallel_loop3A_1804 = arith.addf %parallel_loop3A_1800, %parallel_loop3A_1803 : vector<16xf32>
        %parallel_loop3A_1805 = arith.index_cast %and3A_99 : i32 to index
        %parallel_loop3A_1806 = arith.index_cast %parallel_loop3A_177 : i32 to index
        %parallel_loop3A_1807 = arith.constant 384 : index
        %parallel_loop3A_1808 = tpu.vector_load %arg14[%parallel_loop3A_1805, %parallel_loop3A_1806, %parallel_loop3A_1807] {strides = array<i32>} : memref<4x32x768xf32, #tpu.memory_space<vmem>>, vector<1x1x16xf32>,
        %parallel_loop3A_1809 = vector.shape_cast %parallel_loop3A_1808 : vector<1x1x16xf32> to vector<16xf32>
        %parallel_loop3A_1810 = vector.shape_cast %parallel_loop3A_1804 : vector<16xf32> to vector<1x1x16xf32>
        tpu.vector_store %arg14[%parallel_loop3A_1805, %parallel_loop3A_1806, %parallel_loop3A_1807], %parallel_loop3A_1810 {strides = array<i32>} : memref<4x32x768xf32, #tpu.memory_space<vmem>>, vector<1x1x16xf32>,
        %parallel_loop3A_1811 = arith.index_cast %and3A_99 : i32 to index
        %parallel_loop3A_1812 = arith.index_cast %parallel_loop3A_177 : i32 to index
        %parallel_loop3A_1813 = arith.constant 400 : index
        %parallel_loop3A_1814 = tpu.vector_load %arg14[%parallel_loop3A_1811, %parallel_loop3A_1812, %parallel_loop3A_1813] {strides = array<i32>} : memref<4x32x768xf32, #tpu.memory_space<vmem>>, vector<1x1x16xf32>,
        %parallel_loop3A_1815 = vector.shape_cast %parallel_loop3A_1814 : vector<1x1x16xf32> to vector<16xf32>
        %parallel_loop3A_1816 = vector.broadcast %parallel_loop3A_1171 : f32 to vector<16xf32>
        %parallel_loop3A_1817 = arith.subf %parallel_loop3A_1815, %parallel_loop3A_1816 : vector<16xf32>
        %parallel_loop3A_1818 = vector.broadcast %parallel_loop3A_1235 : f32 to vector<16xf32>
        %parallel_loop3A_1819 = arith.mulf %parallel_loop3A_1817, %parallel_loop3A_1818 : vector<16xf32>
        %parallel_loop3A_1820 = arith.constant 400 : index
        %parallel_loop3A_1821 = tpu.vector_load %arg12[%parallel_loop3A_1820] {strides = array<i32>} : memref<768xf32, #tpu.memory_space<vmem>>, vector<16xf32>,
        %parallel_loop3A_1822 = vector.shape_cast %parallel_loop3A_1821 : vector<16xf32> to vector<16xf32>
        %parallel_loop3A_1823 = arith.mulf %parallel_loop3A_1819, %parallel_loop3A_1822 : vector<16xf32>
        %parallel_loop3A_1824 = arith.constant 400 : index
        %parallel_loop3A_1825 = tpu.vector_load %arg13[%parallel_loop3A_1824] {strides = array<i32>} : memref<768xf32, #tpu.memory_space<vmem>>, vector<16xf32>,
        %parallel_loop3A_1826 = vector.shape_cast %parallel_loop3A_1825 : vector<16xf32> to vector<16xf32>
        %parallel_loop3A_1827 = arith.addf %parallel_loop3A_1823, %parallel_loop3A_1826 : vector<16xf32>
        %parallel_loop3A_1828 = arith.index_cast %and3A_99 : i32 to index
        %parallel_loop3A_1829 = arith.index_cast %parallel_loop3A_177 : i32 to index
        %parallel_loop3A_1830 = arith.constant 400 : index
        %parallel_loop3A_1831 = tpu.vector_load %arg14[%parallel_loop3A_1828, %parallel_loop3A_1829, %parallel_loop3A_1830] {strides = array<i32>} : memref<4x32x768xf32, #tpu.memory_space<vmem>>, vector<1x1x16xf32>,
        %parallel_loop3A_1832 = vector.shape_cast %parallel_loop3A_1831 : vector<1x1x16xf32> to vector<16xf32>
        %parallel_loop3A_1833 = vector.shape_cast %parallel_loop3A_1827 : vector<16xf32> to vector<1x1x16xf32>
        tpu.vector_store %arg14[%parallel_loop3A_1828, %parallel_loop3A_1829, %parallel_loop3A_1830], %parallel_loop3A_1833 {strides = array<i32>} : memref<4x32x768xf32, #tpu.memory_space<vmem>>, vector<1x1x16xf32>,
        %parallel_loop3A_1834 = arith.index_cast %and3A_99 : i32 to index
        %parallel_loop3A_1835 = arith.index_cast %parallel_loop3A_177 : i32 to index
        %parallel_loop3A_1836 = arith.constant 416 : index
        %parallel_loop3A_1837 = tpu.vector_load %arg14[%parallel_loop3A_1834, %parallel_loop3A_1835, %parallel_loop3A_1836] {strides = array<i32>} : memref<4x32x768xf32, #tpu.memory_space<vmem>>, vector<1x1x16xf32>,
        %parallel_loop3A_1838 = vector.shape_cast %parallel_loop3A_1837 : vector<1x1x16xf32> to vector<16xf32>
        %parallel_loop3A_1839 = vector.broadcast %parallel_loop3A_1171 : f32 to vector<16xf32>
        %parallel_loop3A_1840 = arith.subf %parallel_loop3A_1838, %parallel_loop3A_1839 : vector<16xf32>
        %parallel_loop3A_1841 = vector.broadcast %parallel_loop3A_1235 : f32 to vector<16xf32>
        %parallel_loop3A_1842 = arith.mulf %parallel_loop3A_1840, %parallel_loop3A_1841 : vector<16xf32>
        %parallel_loop3A_1843 = arith.constant 416 : index
        %parallel_loop3A_1844 = tpu.vector_load %arg12[%parallel_loop3A_1843] {strides = array<i32>} : memref<768xf32, #tpu.memory_space<vmem>>, vector<16xf32>,
        %parallel_loop3A_1845 = vector.shape_cast %parallel_loop3A_1844 : vector<16xf32> to vector<16xf32>
        %parallel_loop3A_1846 = arith.mulf %parallel_loop3A_1842, %parallel_loop3A_1845 : vector<16xf32>
        %parallel_loop3A_1847 = arith.constant 416 : index
        %parallel_loop3A_1848 = tpu.vector_load %arg13[%parallel_loop3A_1847] {strides = array<i32>} : memref<768xf32, #tpu.memory_space<vmem>>, vector<16xf32>,
        %parallel_loop3A_1849 = vector.shape_cast %parallel_loop3A_1848 : vector<16xf32> to vector<16xf32>
        %parallel_loop3A_1850 = arith.addf %parallel_loop3A_1846, %parallel_loop3A_1849 : vector<16xf32>
        %parallel_loop3A_1851 = arith.index_cast %and3A_99 : i32 to index
        %parallel_loop3A_1852 = arith.index_cast %parallel_loop3A_177 : i32 to index
        %parallel_loop3A_1853 = arith.constant 416 : index
        %parallel_loop3A_1854 = tpu.vector_load %arg14[%parallel_loop3A_1851, %parallel_loop3A_1852, %parallel_loop3A_1853] {strides = array<i32>} : memref<4x32x768xf32, #tpu.memory_space<vmem>>, vector<1x1x16xf32>,
        %parallel_loop3A_1855 = vector.shape_cast %parallel_loop3A_1854 : vector<1x1x16xf32> to vector<16xf32>
        %parallel_loop3A_1856 = vector.shape_cast %parallel_loop3A_1850 : vector<16xf32> to vector<1x1x16xf32>
        tpu.vector_store %arg14[%parallel_loop3A_1851, %parallel_loop3A_1852, %parallel_loop3A_1853], %parallel_loop3A_1856 {strides = array<i32>} : memref<4x32x768xf32, #tpu.memory_space<vmem>>, vector<1x1x16xf32>,
        %parallel_loop3A_1857 = arith.index_cast %and3A_99 : i32 to index
        %parallel_loop3A_1858 = arith.index_cast %parallel_loop3A_177 : i32 to index
        %parallel_loop3A_1859 = arith.constant 432 : index
        %parallel_loop3A_1860 = tpu.vector_load %arg14[%parallel_loop3A_1857, %parallel_loop3A_1858, %parallel_loop3A_1859] {strides = array<i32>} : memref<4x32x768xf32, #tpu.memory_space<vmem>>, vector<1x1x16xf32>,
        %parallel_loop3A_1861 = vector.shape_cast %parallel_loop3A_1860 : vector<1x1x16xf32> to vector<16xf32>
        %parallel_loop3A_1862 = vector.broadcast %parallel_loop3A_1171 : f32 to vector<16xf32>
        %parallel_loop3A_1863 = arith.subf %parallel_loop3A_1861, %parallel_loop3A_1862 : vector<16xf32>
        %parallel_loop3A_1864 = vector.broadcast %parallel_loop3A_1235 : f32 to vector<16xf32>
        %parallel_loop3A_1865 = arith.mulf %parallel_loop3A_1863, %parallel_loop3A_1864 : vector<16xf32>
        %parallel_loop3A_1866 = arith.constant 432 : index
        %parallel_loop3A_1867 = tpu.vector_load %arg12[%parallel_loop3A_1866] {strides = array<i32>} : memref<768xf32, #tpu.memory_space<vmem>>, vector<16xf32>,
        %parallel_loop3A_1868 = vector.shape_cast %parallel_loop3A_1867 : vector<16xf32> to vector<16xf32>
        %parallel_loop3A_1869 = arith.mulf %parallel_loop3A_1865, %parallel_loop3A_1868 : vector<16xf32>
        %parallel_loop3A_1870 = arith.constant 432 : index
        %parallel_loop3A_1871 = tpu.vector_load %arg13[%parallel_loop3A_1870] {strides = array<i32>} : memref<768xf32, #tpu.memory_space<vmem>>, vector<16xf32>,
        %parallel_loop3A_1872 = vector.shape_cast %parallel_loop3A_1871 : vector<16xf32> to vector<16xf32>
        %parallel_loop3A_1873 = arith.addf %parallel_loop3A_1869, %parallel_loop3A_1872 : vector<16xf32>
        %parallel_loop3A_1874 = arith.index_cast %and3A_99 : i32 to index
        %parallel_loop3A_1875 = arith.index_cast %parallel_loop3A_177 : i32 to index
        %parallel_loop3A_1876 = arith.constant 432 : index
        %parallel_loop3A_1877 = tpu.vector_load %arg14[%parallel_loop3A_1874, %parallel_loop3A_1875, %parallel_loop3A_1876] {strides = array<i32>} : memref<4x32x768xf32, #tpu.memory_space<vmem>>, vector<1x1x16xf32>,
        %parallel_loop3A_1878 = vector.shape_cast %parallel_loop3A_1877 : vector<1x1x16xf32> to vector<16xf32>
        %parallel_loop3A_1879 = vector.shape_cast %parallel_loop3A_1873 : vector<16xf32> to vector<1x1x16xf32>
        tpu.vector_store %arg14[%parallel_loop3A_1874, %parallel_loop3A_1875, %parallel_loop3A_1876], %parallel_loop3A_1879 {strides = array<i32>} : memref<4x32x768xf32, #tpu.memory_space<vmem>>, vector<1x1x16xf32>,
        %parallel_loop3A_1880 = arith.index_cast %and3A_99 : i32 to index
        %parallel_loop3A_1881 = arith.index_cast %parallel_loop3A_177 : i32 to index
        %parallel_loop3A_1882 = arith.constant 448 : index
        %parallel_loop3A_1883 = tpu.vector_load %arg14[%parallel_loop3A_1880, %parallel_loop3A_1881, %parallel_loop3A_1882] {strides = array<i32>} : memref<4x32x768xf32, #tpu.memory_space<vmem>>, vector<1x1x16xf32>,
        %parallel_loop3A_1884 = vector.shape_cast %parallel_loop3A_1883 : vector<1x1x16xf32> to vector<16xf32>
        %parallel_loop3A_1885 = vector.broadcast %parallel_loop3A_1171 : f32 to vector<16xf32>
        %parallel_loop3A_1886 = arith.subf %parallel_loop3A_1884, %parallel_loop3A_1885 : vector<16xf32>
        %parallel_loop3A_1887 = vector.broadcast %parallel_loop3A_1235 : f32 to vector<16xf32>
        %parallel_loop3A_1888 = arith.mulf %parallel_loop3A_1886, %parallel_loop3A_1887 : vector<16xf32>
        %parallel_loop3A_1889 = arith.constant 448 : index
        %parallel_loop3A_1890 = tpu.vector_load %arg12[%parallel_loop3A_1889] {strides = array<i32>} : memref<768xf32, #tpu.memory_space<vmem>>, vector<16xf32>,
        %parallel_loop3A_1891 = vector.shape_cast %parallel_loop3A_1890 : vector<16xf32> to vector<16xf32>
        %parallel_loop3A_1892 = arith.mulf %parallel_loop3A_1888, %parallel_loop3A_1891 : vector<16xf32>
        %parallel_loop3A_1893 = arith.constant 448 : index
        %parallel_loop3A_1894 = tpu.vector_load %arg13[%parallel_loop3A_1893] {strides = array<i32>} : memref<768xf32, #tpu.memory_space<vmem>>, vector<16xf32>,
        %parallel_loop3A_1895 = vector.shape_cast %parallel_loop3A_1894 : vector<16xf32> to vector<16xf32>
        %parallel_loop3A_1896 = arith.addf %parallel_loop3A_1892, %parallel_loop3A_1895 : vector<16xf32>
        %parallel_loop3A_1897 = arith.index_cast %and3A_99 : i32 to index
        %parallel_loop3A_1898 = arith.index_cast %parallel_loop3A_177 : i32 to index
        %parallel_loop3A_1899 = arith.constant 448 : index
        %parallel_loop3A_1900 = tpu.vector_load %arg14[%parallel_loop3A_1897, %parallel_loop3A_1898, %parallel_loop3A_1899] {strides = array<i32>} : memref<4x32x768xf32, #tpu.memory_space<vmem>>, vector<1x1x16xf32>,
        %parallel_loop3A_1901 = vector.shape_cast %parallel_loop3A_1900 : vector<1x1x16xf32> to vector<16xf32>
        %parallel_loop3A_1902 = vector.shape_cast %parallel_loop3A_1896 : vector<16xf32> to vector<1x1x16xf32>
        tpu.vector_store %arg14[%parallel_loop3A_1897, %parallel_loop3A_1898, %parallel_loop3A_1899], %parallel_loop3A_1902 {strides = array<i32>} : memref<4x32x768xf32, #tpu.memory_space<vmem>>, vector<1x1x16xf32>,
        %parallel_loop3A_1903 = arith.index_cast %and3A_99 : i32 to index
        %parallel_loop3A_1904 = arith.index_cast %parallel_loop3A_177 : i32 to index
        %parallel_loop3A_1905 = arith.constant 464 : index
        %parallel_loop3A_1906 = tpu.vector_load %arg14[%parallel_loop3A_1903, %parallel_loop3A_1904, %parallel_loop3A_1905] {strides = array<i32>} : memref<4x32x768xf32, #tpu.memory_space<vmem>>, vector<1x1x16xf32>,
        %parallel_loop3A_1907 = vector.shape_cast %parallel_loop3A_1906 : vector<1x1x16xf32> to vector<16xf32>
        %parallel_loop3A_1908 = vector.broadcast %parallel_loop3A_1171 : f32 to vector<16xf32>
        %parallel_loop3A_1909 = arith.subf %parallel_loop3A_1907, %parallel_loop3A_1908 : vector<16xf32>
        %parallel_loop3A_1910 = vector.broadcast %parallel_loop3A_1235 : f32 to vector<16xf32>
        %parallel_loop3A_1911 = arith.mulf %parallel_loop3A_1909, %parallel_loop3A_1910 : vector<16xf32>
        %parallel_loop3A_1912 = arith.constant 464 : index
        %parallel_loop3A_1913 = tpu.vector_load %arg12[%parallel_loop3A_1912] {strides = array<i32>} : memref<768xf32, #tpu.memory_space<vmem>>, vector<16xf32>,
        %parallel_loop3A_1914 = vector.shape_cast %parallel_loop3A_1913 : vector<16xf32> to vector<16xf32>
        %parallel_loop3A_1915 = arith.mulf %parallel_loop3A_1911, %parallel_loop3A_1914 : vector<16xf32>
        %parallel_loop3A_1916 = arith.constant 464 : index
        %parallel_loop3A_1917 = tpu.vector_load %arg13[%parallel_loop3A_1916] {strides = array<i32>} : memref<768xf32, #tpu.memory_space<vmem>>, vector<16xf32>,
        %parallel_loop3A_1918 = vector.shape_cast %parallel_loop3A_1917 : vector<16xf32> to vector<16xf32>
        %parallel_loop3A_1919 = arith.addf %parallel_loop3A_1915, %parallel_loop3A_1918 : vector<16xf32>
        %parallel_loop3A_1920 = arith.index_cast %and3A_99 : i32 to index
        %parallel_loop3A_1921 = arith.index_cast %parallel_loop3A_177 : i32 to index
        %parallel_loop3A_1922 = arith.constant 464 : index
        %parallel_loop3A_1923 = tpu.vector_load %arg14[%parallel_loop3A_1920, %parallel_loop3A_1921, %parallel_loop3A_1922] {strides = array<i32>} : memref<4x32x768xf32, #tpu.memory_space<vmem>>, vector<1x1x16xf32>,
        %parallel_loop3A_1924 = vector.shape_cast %parallel_loop3A_1923 : vector<1x1x16xf32> to vector<16xf32>
        %parallel_loop3A_1925 = vector.shape_cast %parallel_loop3A_1919 : vector<16xf32> to vector<1x1x16xf32>
        tpu.vector_store %arg14[%parallel_loop3A_1920, %parallel_loop3A_1921, %parallel_loop3A_1922], %parallel_loop3A_1925 {strides = array<i32>} : memref<4x32x768xf32, #tpu.memory_space<vmem>>, vector<1x1x16xf32>,
        %parallel_loop3A_1926 = arith.index_cast %and3A_99 : i32 to index
        %parallel_loop3A_1927 = arith.index_cast %parallel_loop3A_177 : i32 to index
        %parallel_loop3A_1928 = arith.constant 480 : index
        %parallel_loop3A_1929 = tpu.vector_load %arg14[%parallel_loop3A_1926, %parallel_loop3A_1927, %parallel_loop3A_1928] {strides = array<i32>} : memref<4x32x768xf32, #tpu.memory_space<vmem>>, vector<1x1x16xf32>,
        %parallel_loop3A_1930 = vector.shape_cast %parallel_loop3A_1929 : vector<1x1x16xf32> to vector<16xf32>
        %parallel_loop3A_1931 = vector.broadcast %parallel_loop3A_1171 : f32 to vector<16xf32>
        %parallel_loop3A_1932 = arith.subf %parallel_loop3A_1930, %parallel_loop3A_1931 : vector<16xf32>
        %parallel_loop3A_1933 = vector.broadcast %parallel_loop3A_1235 : f32 to vector<16xf32>
        %parallel_loop3A_1934 = arith.mulf %parallel_loop3A_1932, %parallel_loop3A_1933 : vector<16xf32>
        %parallel_loop3A_1935 = arith.constant 480 : index
        %parallel_loop3A_1936 = tpu.vector_load %arg12[%parallel_loop3A_1935] {strides = array<i32>} : memref<768xf32, #tpu.memory_space<vmem>>, vector<16xf32>,
        %parallel_loop3A_1937 = vector.shape_cast %parallel_loop3A_1936 : vector<16xf32> to vector<16xf32>
        %parallel_loop3A_1938 = arith.mulf %parallel_loop3A_1934, %parallel_loop3A_1937 : vector<16xf32>
        %parallel_loop3A_1939 = arith.constant 480 : index
        %parallel_loop3A_1940 = tpu.vector_load %arg13[%parallel_loop3A_1939] {strides = array<i32>} : memref<768xf32, #tpu.memory_space<vmem>>, vector<16xf32>,
        %parallel_loop3A_1941 = vector.shape_cast %parallel_loop3A_1940 : vector<16xf32> to vector<16xf32>
        %parallel_loop3A_1942 = arith.addf %parallel_loop3A_1938, %parallel_loop3A_1941 : vector<16xf32>
        %parallel_loop3A_1943 = arith.index_cast %and3A_99 : i32 to index
        %parallel_loop3A_1944 = arith.index_cast %parallel_loop3A_177 : i32 to index
        %parallel_loop3A_1945 = arith.constant 480 : index
        %parallel_loop3A_1946 = tpu.vector_load %arg14[%parallel_loop3A_1943, %parallel_loop3A_1944, %parallel_loop3A_1945] {strides = array<i32>} : memref<4x32x768xf32, #tpu.memory_space<vmem>>, vector<1x1x16xf32>,
        %parallel_loop3A_1947 = vector.shape_cast %parallel_loop3A_1946 : vector<1x1x16xf32> to vector<16xf32>
        %parallel_loop3A_1948 = vector.shape_cast %parallel_loop3A_1942 : vector<16xf32> to vector<1x1x16xf32>
        tpu.vector_store %arg14[%parallel_loop3A_1943, %parallel_loop3A_1944, %parallel_loop3A_1945], %parallel_loop3A_1948 {strides = array<i32>} : memref<4x32x768xf32, #tpu.memory_space<vmem>>, vector<1x1x16xf32>,
        %parallel_loop3A_1949 = arith.index_cast %and3A_99 : i32 to index
        %parallel_loop3A_1950 = arith.index_cast %parallel_loop3A_177 : i32 to index
        %parallel_loop3A_1951 = arith.constant 496 : index
        %parallel_loop3A_1952 = tpu.vector_load %arg14[%parallel_loop3A_1949, %parallel_loop3A_1950, %parallel_loop3A_1951] {strides = array<i32>} : memref<4x32x768xf32, #tpu.memory_space<vmem>>, vector<1x1x16xf32>,
        %parallel_loop3A_1953 = vector.shape_cast %parallel_loop3A_1952 : vector<1x1x16xf32> to vector<16xf32>
        %parallel_loop3A_1954 = vector.broadcast %parallel_loop3A_1171 : f32 to vector<16xf32>
        %parallel_loop3A_1955 = arith.subf %parallel_loop3A_1953, %parallel_loop3A_1954 : vector<16xf32>
        %parallel_loop3A_1956 = vector.broadcast %parallel_loop3A_1235 : f32 to vector<16xf32>
        %parallel_loop3A_1957 = arith.mulf %parallel_loop3A_1955, %parallel_loop3A_1956 : vector<16xf32>
        %parallel_loop3A_1958 = arith.constant 496 : index
        %parallel_loop3A_1959 = tpu.vector_load %arg12[%parallel_loop3A_1958] {strides = array<i32>} : memref<768xf32, #tpu.memory_space<vmem>>, vector<16xf32>,
        %parallel_loop3A_1960 = vector.shape_cast %parallel_loop3A_1959 : vector<16xf32> to vector<16xf32>
        %parallel_loop3A_1961 = arith.mulf %parallel_loop3A_1957, %parallel_loop3A_1960 : vector<16xf32>
        %parallel_loop3A_1962 = arith.constant 496 : index
        %parallel_loop3A_1963 = tpu.vector_load %arg13[%parallel_loop3A_1962] {strides = array<i32>} : memref<768xf32, #tpu.memory_space<vmem>>, vector<16xf32>,
        %parallel_loop3A_1964 = vector.shape_cast %parallel_loop3A_1963 : vector<16xf32> to vector<16xf32>
        %parallel_loop3A_1965 = arith.addf %parallel_loop3A_1961, %parallel_loop3A_1964 : vector<16xf32>
        %parallel_loop3A_1966 = arith.index_cast %and3A_99 : i32 to index
        %parallel_loop3A_1967 = arith.index_cast %parallel_loop3A_177 : i32 to index
        %parallel_loop3A_1968 = arith.constant 496 : index
        %parallel_loop3A_1969 = tpu.vector_load %arg14[%parallel_loop3A_1966, %parallel_loop3A_1967, %parallel_loop3A_1968] {strides = array<i32>} : memref<4x32x768xf32, #tpu.memory_space<vmem>>, vector<1x1x16xf32>,
        %parallel_loop3A_1970 = vector.shape_cast %parallel_loop3A_1969 : vector<1x1x16xf32> to vector<16xf32>
        %parallel_loop3A_1971 = vector.shape_cast %parallel_loop3A_1965 : vector<16xf32> to vector<1x1x16xf32>
        tpu.vector_store %arg14[%parallel_loop3A_1966, %parallel_loop3A_1967, %parallel_loop3A_1968], %parallel_loop3A_1971 {strides = array<i32>} : memref<4x32x768xf32, #tpu.memory_space<vmem>>, vector<1x1x16xf32>,
        %parallel_loop3A_1972 = arith.index_cast %and3A_99 : i32 to index
        %parallel_loop3A_1973 = arith.index_cast %parallel_loop3A_177 : i32 to index
        %parallel_loop3A_1974 = arith.constant 512 : index
        %parallel_loop3A_1975 = tpu.vector_load %arg14[%parallel_loop3A_1972, %parallel_loop3A_1973, %parallel_loop3A_1974] {strides = array<i32>} : memref<4x32x768xf32, #tpu.memory_space<vmem>>, vector<1x1x16xf32>,
        %parallel_loop3A_1976 = vector.shape_cast %parallel_loop3A_1975 : vector<1x1x16xf32> to vector<16xf32>
        %parallel_loop3A_1977 = vector.broadcast %parallel_loop3A_1171 : f32 to vector<16xf32>
        %parallel_loop3A_1978 = arith.subf %parallel_loop3A_1976, %parallel_loop3A_1977 : vector<16xf32>
        %parallel_loop3A_1979 = vector.broadcast %parallel_loop3A_1235 : f32 to vector<16xf32>
        %parallel_loop3A_1980 = arith.mulf %parallel_loop3A_1978, %parallel_loop3A_1979 : vector<16xf32>
        %parallel_loop3A_1981 = arith.constant 512 : index
        %parallel_loop3A_1982 = tpu.vector_load %arg12[%parallel_loop3A_1981] {strides = array<i32>} : memref<768xf32, #tpu.memory_space<vmem>>, vector<16xf32>,
        %parallel_loop3A_1983 = vector.shape_cast %parallel_loop3A_1982 : vector<16xf32> to vector<16xf32>
        %parallel_loop3A_1984 = arith.mulf %parallel_loop3A_1980, %parallel_loop3A_1983 : vector<16xf32>
        %parallel_loop3A_1985 = arith.constant 512 : index
        %parallel_loop3A_1986 = tpu.vector_load %arg13[%parallel_loop3A_1985] {strides = array<i32>} : memref<768xf32, #tpu.memory_space<vmem>>, vector<16xf32>,
        %parallel_loop3A_1987 = vector.shape_cast %parallel_loop3A_1986 : vector<16xf32> to vector<16xf32>
        %parallel_loop3A_1988 = arith.addf %parallel_loop3A_1984, %parallel_loop3A_1987 : vector<16xf32>
        %parallel_loop3A_1989 = arith.index_cast %and3A_99 : i32 to index
        %parallel_loop3A_1990 = arith.index_cast %parallel_loop3A_177 : i32 to index
        %parallel_loop3A_1991 = arith.constant 512 : index
        %parallel_loop3A_1992 = tpu.vector_load %arg14[%parallel_loop3A_1989, %parallel_loop3A_1990, %parallel_loop3A_1991] {strides = array<i32>} : memref<4x32x768xf32, #tpu.memory_space<vmem>>, vector<1x1x16xf32>,
        %parallel_loop3A_1993 = vector.shape_cast %parallel_loop3A_1992 : vector<1x1x16xf32> to vector<16xf32>
        %parallel_loop3A_1994 = vector.shape_cast %parallel_loop3A_1988 : vector<16xf32> to vector<1x1x16xf32>
        tpu.vector_store %arg14[%parallel_loop3A_1989, %parallel_loop3A_1990, %parallel_loop3A_1991], %parallel_loop3A_1994 {strides = array<i32>} : memref<4x32x768xf32, #tpu.memory_space<vmem>>, vector<1x1x16xf32>,
        %parallel_loop3A_1995 = arith.index_cast %and3A_99 : i32 to index
        %parallel_loop3A_1996 = arith.index_cast %parallel_loop3A_177 : i32 to index
        %parallel_loop3A_1997 = arith.constant 528 : index
        %parallel_loop3A_1998 = tpu.vector_load %arg14[%parallel_loop3A_1995, %parallel_loop3A_1996, %parallel_loop3A_1997] {strides = array<i32>} : memref<4x32x768xf32, #tpu.memory_space<vmem>>, vector<1x1x16xf32>,
        %parallel_loop3A_1999 = vector.shape_cast %parallel_loop3A_1998 : vector<1x1x16xf32> to vector<16xf32>
        %parallel_loop3A_2000 = vector.broadcast %parallel_loop3A_1171 : f32 to vector<16xf32>
        %parallel_loop3A_2001 = arith.subf %parallel_loop3A_1999, %parallel_loop3A_2000 : vector<16xf32>
        %parallel_loop3A_2002 = vector.broadcast %parallel_loop3A_1235 : f32 to vector<16xf32>
        %parallel_loop3A_2003 = arith.mulf %parallel_loop3A_2001, %parallel_loop3A_2002 : vector<16xf32>
        %parallel_loop3A_2004 = arith.constant 528 : index
        %parallel_loop3A_2005 = tpu.vector_load %arg12[%parallel_loop3A_2004] {strides = array<i32>} : memref<768xf32, #tpu.memory_space<vmem>>, vector<16xf32>,
        %parallel_loop3A_2006 = vector.shape_cast %parallel_loop3A_2005 : vector<16xf32> to vector<16xf32>
        %parallel_loop3A_2007 = arith.mulf %parallel_loop3A_2003, %parallel_loop3A_2006 : vector<16xf32>
        %parallel_loop3A_2008 = arith.constant 528 : index
        %parallel_loop3A_2009 = tpu.vector_load %arg13[%parallel_loop3A_2008] {strides = array<i32>} : memref<768xf32, #tpu.memory_space<vmem>>, vector<16xf32>,
        %parallel_loop3A_2010 = vector.shape_cast %parallel_loop3A_2009 : vector<16xf32> to vector<16xf32>
        %parallel_loop3A_2011 = arith.addf %parallel_loop3A_2007, %parallel_loop3A_2010 : vector<16xf32>
        %parallel_loop3A_2012 = arith.index_cast %and3A_99 : i32 to index
        %parallel_loop3A_2013 = arith.index_cast %parallel_loop3A_177 : i32 to index
        %parallel_loop3A_2014 = arith.constant 528 : index
        %parallel_loop3A_2015 = tpu.vector_load %arg14[%parallel_loop3A_2012, %parallel_loop3A_2013, %parallel_loop3A_2014] {strides = array<i32>} : memref<4x32x768xf32, #tpu.memory_space<vmem>>, vector<1x1x16xf32>,
        %parallel_loop3A_2016 = vector.shape_cast %parallel_loop3A_2015 : vector<1x1x16xf32> to vector<16xf32>
        %parallel_loop3A_2017 = vector.shape_cast %parallel_loop3A_2011 : vector<16xf32> to vector<1x1x16xf32>
        tpu.vector_store %arg14[%parallel_loop3A_2012, %parallel_loop3A_2013, %parallel_loop3A_2014], %parallel_loop3A_2017 {strides = array<i32>} : memref<4x32x768xf32, #tpu.memory_space<vmem>>, vector<1x1x16xf32>,
        %parallel_loop3A_2018 = arith.index_cast %and3A_99 : i32 to index
        %parallel_loop3A_2019 = arith.index_cast %parallel_loop3A_177 : i32 to index
        %parallel_loop3A_2020 = arith.constant 544 : index
        %parallel_loop3A_2021 = tpu.vector_load %arg14[%parallel_loop3A_2018, %parallel_loop3A_2019, %parallel_loop3A_2020] {strides = array<i32>} : memref<4x32x768xf32, #tpu.memory_space<vmem>>, vector<1x1x16xf32>,
        %parallel_loop3A_2022 = vector.shape_cast %parallel_loop3A_2021 : vector<1x1x16xf32> to vector<16xf32>
        %parallel_loop3A_2023 = vector.broadcast %parallel_loop3A_1171 : f32 to vector<16xf32>
        %parallel_loop3A_2024 = arith.subf %parallel_loop3A_2022, %parallel_loop3A_2023 : vector<16xf32>
        %parallel_loop3A_2025 = vector.broadcast %parallel_loop3A_1235 : f32 to vector<16xf32>
        %parallel_loop3A_2026 = arith.mulf %parallel_loop3A_2024, %parallel_loop3A_2025 : vector<16xf32>
        %parallel_loop3A_2027 = arith.constant 544 : index
        %parallel_loop3A_2028 = tpu.vector_load %arg12[%parallel_loop3A_2027] {strides = array<i32>} : memref<768xf32, #tpu.memory_space<vmem>>, vector<16xf32>,
        %parallel_loop3A_2029 = vector.shape_cast %parallel_loop3A_2028 : vector<16xf32> to vector<16xf32>
        %parallel_loop3A_2030 = arith.mulf %parallel_loop3A_2026, %parallel_loop3A_2029 : vector<16xf32>
        %parallel_loop3A_2031 = arith.constant 544 : index
        %parallel_loop3A_2032 = tpu.vector_load %arg13[%parallel_loop3A_2031] {strides = array<i32>} : memref<768xf32, #tpu.memory_space<vmem>>, vector<16xf32>,
        %parallel_loop3A_2033 = vector.shape_cast %parallel_loop3A_2032 : vector<16xf32> to vector<16xf32>
        %parallel_loop3A_2034 = arith.addf %parallel_loop3A_2030, %parallel_loop3A_2033 : vector<16xf32>
        %parallel_loop3A_2035 = arith.index_cast %and3A_99 : i32 to index
        %parallel_loop3A_2036 = arith.index_cast %parallel_loop3A_177 : i32 to index
        %parallel_loop3A_2037 = arith.constant 544 : index
        %parallel_loop3A_2038 = tpu.vector_load %arg14[%parallel_loop3A_2035, %parallel_loop3A_2036, %parallel_loop3A_2037] {strides = array<i32>} : memref<4x32x768xf32, #tpu.memory_space<vmem>>, vector<1x1x16xf32>,
        %parallel_loop3A_2039 = vector.shape_cast %parallel_loop3A_2038 : vector<1x1x16xf32> to vector<16xf32>
        %parallel_loop3A_2040 = vector.shape_cast %parallel_loop3A_2034 : vector<16xf32> to vector<1x1x16xf32>
        tpu.vector_store %arg14[%parallel_loop3A_2035, %parallel_loop3A_2036, %parallel_loop3A_2037], %parallel_loop3A_2040 {strides = array<i32>} : memref<4x32x768xf32, #tpu.memory_space<vmem>>, vector<1x1x16xf32>,
        %parallel_loop3A_2041 = arith.index_cast %and3A_99 : i32 to index
        %parallel_loop3A_2042 = arith.index_cast %parallel_loop3A_177 : i32 to index
        %parallel_loop3A_2043 = arith.constant 560 : index
        %parallel_loop3A_2044 = tpu.vector_load %arg14[%parallel_loop3A_2041, %parallel_loop3A_2042, %parallel_loop3A_2043] {strides = array<i32>} : memref<4x32x768xf32, #tpu.memory_space<vmem>>, vector<1x1x16xf32>,
        %parallel_loop3A_2045 = vector.shape_cast %parallel_loop3A_2044 : vector<1x1x16xf32> to vector<16xf32>
        %parallel_loop3A_2046 = vector.broadcast %parallel_loop3A_1171 : f32 to vector<16xf32>
        %parallel_loop3A_2047 = arith.subf %parallel_loop3A_2045, %parallel_loop3A_2046 : vector<16xf32>
        %parallel_loop3A_2048 = vector.broadcast %parallel_loop3A_1235 : f32 to vector<16xf32>
        %parallel_loop3A_2049 = arith.mulf %parallel_loop3A_2047, %parallel_loop3A_2048 : vector<16xf32>
        %parallel_loop3A_2050 = arith.constant 560 : index
        %parallel_loop3A_2051 = tpu.vector_load %arg12[%parallel_loop3A_2050] {strides = array<i32>} : memref<768xf32, #tpu.memory_space<vmem>>, vector<16xf32>,
        %parallel_loop3A_2052 = vector.shape_cast %parallel_loop3A_2051 : vector<16xf32> to vector<16xf32>
        %parallel_loop3A_2053 = arith.mulf %parallel_loop3A_2049, %parallel_loop3A_2052 : vector<16xf32>
        %parallel_loop3A_2054 = arith.constant 560 : index
        %parallel_loop3A_2055 = tpu.vector_load %arg13[%parallel_loop3A_2054] {strides = array<i32>} : memref<768xf32, #tpu.memory_space<vmem>>, vector<16xf32>,
        %parallel_loop3A_2056 = vector.shape_cast %parallel_loop3A_2055 : vector<16xf32> to vector<16xf32>
        %parallel_loop3A_2057 = arith.addf %parallel_loop3A_2053, %parallel_loop3A_2056 : vector<16xf32>
        %parallel_loop3A_2058 = arith.index_cast %and3A_99 : i32 to index
        %parallel_loop3A_2059 = arith.index_cast %parallel_loop3A_177 : i32 to index
        %parallel_loop3A_2060 = arith.constant 560 : index
        %parallel_loop3A_2061 = tpu.vector_load %arg14[%parallel_loop3A_2058, %parallel_loop3A_2059, %parallel_loop3A_2060] {strides = array<i32>} : memref<4x32x768xf32, #tpu.memory_space<vmem>>, vector<1x1x16xf32>,
        %parallel_loop3A_2062 = vector.shape_cast %parallel_loop3A_2061 : vector<1x1x16xf32> to vector<16xf32>
        %parallel_loop3A_2063 = vector.shape_cast %parallel_loop3A_2057 : vector<16xf32> to vector<1x1x16xf32>
        tpu.vector_store %arg14[%parallel_loop3A_2058, %parallel_loop3A_2059, %parallel_loop3A_2060], %parallel_loop3A_2063 {strides = array<i32>} : memref<4x32x768xf32, #tpu.memory_space<vmem>>, vector<1x1x16xf32>,
        %parallel_loop3A_2064 = arith.index_cast %and3A_99 : i32 to index
        %parallel_loop3A_2065 = arith.index_cast %parallel_loop3A_177 : i32 to index
        %parallel_loop3A_2066 = arith.constant 576 : index
        %parallel_loop3A_2067 = tpu.vector_load %arg14[%parallel_loop3A_2064, %parallel_loop3A_2065, %parallel_loop3A_2066] {strides = array<i32>} : memref<4x32x768xf32, #tpu.memory_space<vmem>>, vector<1x1x16xf32>,
        %parallel_loop3A_2068 = vector.shape_cast %parallel_loop3A_2067 : vector<1x1x16xf32> to vector<16xf32>
        %parallel_loop3A_2069 = vector.broadcast %parallel_loop3A_1171 : f32 to vector<16xf32>
        %parallel_loop3A_2070 = arith.subf %parallel_loop3A_2068, %parallel_loop3A_2069 : vector<16xf32>
        %parallel_loop3A_2071 = vector.broadcast %parallel_loop3A_1235 : f32 to vector<16xf32>
        %parallel_loop3A_2072 = arith.mulf %parallel_loop3A_2070, %parallel_loop3A_2071 : vector<16xf32>
        %parallel_loop3A_2073 = arith.constant 576 : index
        %parallel_loop3A_2074 = tpu.vector_load %arg12[%parallel_loop3A_2073] {strides = array<i32>} : memref<768xf32, #tpu.memory_space<vmem>>, vector<16xf32>,
        %parallel_loop3A_2075 = vector.shape_cast %parallel_loop3A_2074 : vector<16xf32> to vector<16xf32>
        %parallel_loop3A_2076 = arith.mulf %parallel_loop3A_2072, %parallel_loop3A_2075 : vector<16xf32>
        %parallel_loop3A_2077 = arith.constant 576 : index
        %parallel_loop3A_2078 = tpu.vector_load %arg13[%parallel_loop3A_2077] {strides = array<i32>} : memref<768xf32, #tpu.memory_space<vmem>>, vector<16xf32>,
        %parallel_loop3A_2079 = vector.shape_cast %parallel_loop3A_2078 : vector<16xf32> to vector<16xf32>
        %parallel_loop3A_2080 = arith.addf %parallel_loop3A_2076, %parallel_loop3A_2079 : vector<16xf32>
        %parallel_loop3A_2081 = arith.index_cast %and3A_99 : i32 to index
        %parallel_loop3A_2082 = arith.index_cast %parallel_loop3A_177 : i32 to index
        %parallel_loop3A_2083 = arith.constant 576 : index
        %parallel_loop3A_2084 = tpu.vector_load %arg14[%parallel_loop3A_2081, %parallel_loop3A_2082, %parallel_loop3A_2083] {strides = array<i32>} : memref<4x32x768xf32, #tpu.memory_space<vmem>>, vector<1x1x16xf32>,
        %parallel_loop3A_2085 = vector.shape_cast %parallel_loop3A_2084 : vector<1x1x16xf32> to vector<16xf32>
        %parallel_loop3A_2086 = vector.shape_cast %parallel_loop3A_2080 : vector<16xf32> to vector<1x1x16xf32>
        tpu.vector_store %arg14[%parallel_loop3A_2081, %parallel_loop3A_2082, %parallel_loop3A_2083], %parallel_loop3A_2086 {strides = array<i32>} : memref<4x32x768xf32, #tpu.memory_space<vmem>>, vector<1x1x16xf32>,
        %parallel_loop3A_2087 = arith.index_cast %and3A_99 : i32 to index
        %parallel_loop3A_2088 = arith.index_cast %parallel_loop3A_177 : i32 to index
        %parallel_loop3A_2089 = arith.constant 592 : index
        %parallel_loop3A_2090 = tpu.vector_load %arg14[%parallel_loop3A_2087, %parallel_loop3A_2088, %parallel_loop3A_2089] {strides = array<i32>} : memref<4x32x768xf32, #tpu.memory_space<vmem>>, vector<1x1x16xf32>,
        %parallel_loop3A_2091 = vector.shape_cast %parallel_loop3A_2090 : vector<1x1x16xf32> to vector<16xf32>
        %parallel_loop3A_2092 = vector.broadcast %parallel_loop3A_1171 : f32 to vector<16xf32>
        %parallel_loop3A_2093 = arith.subf %parallel_loop3A_2091, %parallel_loop3A_2092 : vector<16xf32>
        %parallel_loop3A_2094 = vector.broadcast %parallel_loop3A_1235 : f32 to vector<16xf32>
        %parallel_loop3A_2095 = arith.mulf %parallel_loop3A_2093, %parallel_loop3A_2094 : vector<16xf32>
        %parallel_loop3A_2096 = arith.constant 592 : index
        %parallel_loop3A_2097 = tpu.vector_load %arg12[%parallel_loop3A_2096] {strides = array<i32>} : memref<768xf32, #tpu.memory_space<vmem>>, vector<16xf32>,
        %parallel_loop3A_2098 = vector.shape_cast %parallel_loop3A_2097 : vector<16xf32> to vector<16xf32>
        %parallel_loop3A_2099 = arith.mulf %parallel_loop3A_2095, %parallel_loop3A_2098 : vector<16xf32>
        %parallel_loop3A_2100 = arith.constant 592 : index
        %parallel_loop3A_2101 = tpu.vector_load %arg13[%parallel_loop3A_2100] {strides = array<i32>} : memref<768xf32, #tpu.memory_space<vmem>>, vector<16xf32>,
        %parallel_loop3A_2102 = vector.shape_cast %parallel_loop3A_2101 : vector<16xf32> to vector<16xf32>
        %parallel_loop3A_2103 = arith.addf %parallel_loop3A_2099, %parallel_loop3A_2102 : vector<16xf32>
        %parallel_loop3A_2104 = arith.index_cast %and3A_99 : i32 to index
        %parallel_loop3A_2105 = arith.index_cast %parallel_loop3A_177 : i32 to index
        %parallel_loop3A_2106 = arith.constant 592 : index
        %parallel_loop3A_2107 = tpu.vector_load %arg14[%parallel_loop3A_2104, %parallel_loop3A_2105, %parallel_loop3A_2106] {strides = array<i32>} : memref<4x32x768xf32, #tpu.memory_space<vmem>>, vector<1x1x16xf32>,
        %parallel_loop3A_2108 = vector.shape_cast %parallel_loop3A_2107 : vector<1x1x16xf32> to vector<16xf32>
        %parallel_loop3A_2109 = vector.shape_cast %parallel_loop3A_2103 : vector<16xf32> to vector<1x1x16xf32>
        tpu.vector_store %arg14[%parallel_loop3A_2104, %parallel_loop3A_2105, %parallel_loop3A_2106], %parallel_loop3A_2109 {strides = array<i32>} : memref<4x32x768xf32, #tpu.memory_space<vmem>>, vector<1x1x16xf32>,
        %parallel_loop3A_2110 = arith.index_cast %and3A_99 : i32 to index
        %parallel_loop3A_2111 = arith.index_cast %parallel_loop3A_177 : i32 to index
        %parallel_loop3A_2112 = arith.constant 608 : index
        %parallel_loop3A_2113 = tpu.vector_load %arg14[%parallel_loop3A_2110, %parallel_loop3A_2111, %parallel_loop3A_2112] {strides = array<i32>} : memref<4x32x768xf32, #tpu.memory_space<vmem>>, vector<1x1x16xf32>,
        %parallel_loop3A_2114 = vector.shape_cast %parallel_loop3A_2113 : vector<1x1x16xf32> to vector<16xf32>
        %parallel_loop3A_2115 = vector.broadcast %parallel_loop3A_1171 : f32 to vector<16xf32>
        %parallel_loop3A_2116 = arith.subf %parallel_loop3A_2114, %parallel_loop3A_2115 : vector<16xf32>
        %parallel_loop3A_2117 = vector.broadcast %parallel_loop3A_1235 : f32 to vector<16xf32>
        %parallel_loop3A_2118 = arith.mulf %parallel_loop3A_2116, %parallel_loop3A_2117 : vector<16xf32>
        %parallel_loop3A_2119 = arith.constant 608 : index
        %parallel_loop3A_2120 = tpu.vector_load %arg12[%parallel_loop3A_2119] {strides = array<i32>} : memref<768xf32, #tpu.memory_space<vmem>>, vector<16xf32>,
        %parallel_loop3A_2121 = vector.shape_cast %parallel_loop3A_2120 : vector<16xf32> to vector<16xf32>
        %parallel_loop3A_2122 = arith.mulf %parallel_loop3A_2118, %parallel_loop3A_2121 : vector<16xf32>
        %parallel_loop3A_2123 = arith.constant 608 : index
        %parallel_loop3A_2124 = tpu.vector_load %arg13[%parallel_loop3A_2123] {strides = array<i32>} : memref<768xf32, #tpu.memory_space<vmem>>, vector<16xf32>,
        %parallel_loop3A_2125 = vector.shape_cast %parallel_loop3A_2124 : vector<16xf32> to vector<16xf32>
        %parallel_loop3A_2126 = arith.addf %parallel_loop3A_2122, %parallel_loop3A_2125 : vector<16xf32>
        %parallel_loop3A_2127 = arith.index_cast %and3A_99 : i32 to index
        %parallel_loop3A_2128 = arith.index_cast %parallel_loop3A_177 : i32 to index
        %parallel_loop3A_2129 = arith.constant 608 : index
        %parallel_loop3A_2130 = tpu.vector_load %arg14[%parallel_loop3A_2127, %parallel_loop3A_2128, %parallel_loop3A_2129] {strides = array<i32>} : memref<4x32x768xf32, #tpu.memory_space<vmem>>, vector<1x1x16xf32>,
        %parallel_loop3A_2131 = vector.shape_cast %parallel_loop3A_2130 : vector<1x1x16xf32> to vector<16xf32>
        %parallel_loop3A_2132 = vector.shape_cast %parallel_loop3A_2126 : vector<16xf32> to vector<1x1x16xf32>
        tpu.vector_store %arg14[%parallel_loop3A_2127, %parallel_loop3A_2128, %parallel_loop3A_2129], %parallel_loop3A_2132 {strides = array<i32>} : memref<4x32x768xf32, #tpu.memory_space<vmem>>, vector<1x1x16xf32>,
        %parallel_loop3A_2133 = arith.index_cast %and3A_99 : i32 to index
        %parallel_loop3A_2134 = arith.index_cast %parallel_loop3A_177 : i32 to index
        %parallel_loop3A_2135 = arith.constant 624 : index
        %parallel_loop3A_2136 = tpu.vector_load %arg14[%parallel_loop3A_2133, %parallel_loop3A_2134, %parallel_loop3A_2135] {strides = array<i32>} : memref<4x32x768xf32, #tpu.memory_space<vmem>>, vector<1x1x16xf32>,
        %parallel_loop3A_2137 = vector.shape_cast %parallel_loop3A_2136 : vector<1x1x16xf32> to vector<16xf32>
        %parallel_loop3A_2138 = vector.broadcast %parallel_loop3A_1171 : f32 to vector<16xf32>
        %parallel_loop3A_2139 = arith.subf %parallel_loop3A_2137, %parallel_loop3A_2138 : vector<16xf32>
        %parallel_loop3A_2140 = vector.broadcast %parallel_loop3A_1235 : f32 to vector<16xf32>
        %parallel_loop3A_2141 = arith.mulf %parallel_loop3A_2139, %parallel_loop3A_2140 : vector<16xf32>
        %parallel_loop3A_2142 = arith.constant 624 : index
        %parallel_loop3A_2143 = tpu.vector_load %arg12[%parallel_loop3A_2142] {strides = array<i32>} : memref<768xf32, #tpu.memory_space<vmem>>, vector<16xf32>,
        %parallel_loop3A_2144 = vector.shape_cast %parallel_loop3A_2143 : vector<16xf32> to vector<16xf32>
        %parallel_loop3A_2145 = arith.mulf %parallel_loop3A_2141, %parallel_loop3A_2144 : vector<16xf32>
        %parallel_loop3A_2146 = arith.constant 624 : index
        %parallel_loop3A_2147 = tpu.vector_load %arg13[%parallel_loop3A_2146] {strides = array<i32>} : memref<768xf32, #tpu.memory_space<vmem>>, vector<16xf32>,
        %parallel_loop3A_2148 = vector.shape_cast %parallel_loop3A_2147 : vector<16xf32> to vector<16xf32>
        %parallel_loop3A_2149 = arith.addf %parallel_loop3A_2145, %parallel_loop3A_2148 : vector<16xf32>
        %parallel_loop3A_2150 = arith.index_cast %and3A_99 : i32 to index
        %parallel_loop3A_2151 = arith.index_cast %parallel_loop3A_177 : i32 to index
        %parallel_loop3A_2152 = arith.constant 624 : index
        %parallel_loop3A_2153 = tpu.vector_load %arg14[%parallel_loop3A_2150, %parallel_loop3A_2151, %parallel_loop3A_2152] {strides = array<i32>} : memref<4x32x768xf32, #tpu.memory_space<vmem>>, vector<1x1x16xf32>,
        %parallel_loop3A_2154 = vector.shape_cast %parallel_loop3A_2153 : vector<1x1x16xf32> to vector<16xf32>
        %parallel_loop3A_2155 = vector.shape_cast %parallel_loop3A_2149 : vector<16xf32> to vector<1x1x16xf32>
        tpu.vector_store %arg14[%parallel_loop3A_2150, %parallel_loop3A_2151, %parallel_loop3A_2152], %parallel_loop3A_2155 {strides = array<i32>} : memref<4x32x768xf32, #tpu.memory_space<vmem>>, vector<1x1x16xf32>,
        %parallel_loop3A_2156 = arith.index_cast %and3A_99 : i32 to index
        %parallel_loop3A_2157 = arith.index_cast %parallel_loop3A_177 : i32 to index
        %parallel_loop3A_2158 = arith.constant 640 : index
        %parallel_loop3A_2159 = tpu.vector_load %arg14[%parallel_loop3A_2156, %parallel_loop3A_2157, %parallel_loop3A_2158] {strides = array<i32>} : memref<4x32x768xf32, #tpu.memory_space<vmem>>, vector<1x1x16xf32>,
        %parallel_loop3A_2160 = vector.shape_cast %parallel_loop3A_2159 : vector<1x1x16xf32> to vector<16xf32>
        %parallel_loop3A_2161 = vector.broadcast %parallel_loop3A_1171 : f32 to vector<16xf32>
        %parallel_loop3A_2162 = arith.subf %parallel_loop3A_2160, %parallel_loop3A_2161 : vector<16xf32>
        %parallel_loop3A_2163 = vector.broadcast %parallel_loop3A_1235 : f32 to vector<16xf32>
        %parallel_loop3A_2164 = arith.mulf %parallel_loop3A_2162, %parallel_loop3A_2163 : vector<16xf32>
        %parallel_loop3A_2165 = arith.constant 640 : index
        %parallel_loop3A_2166 = tpu.vector_load %arg12[%parallel_loop3A_2165] {strides = array<i32>} : memref<768xf32, #tpu.memory_space<vmem>>, vector<16xf32>,
        %parallel_loop3A_2167 = vector.shape_cast %parallel_loop3A_2166 : vector<16xf32> to vector<16xf32>
        %parallel_loop3A_2168 = arith.mulf %parallel_loop3A_2164, %parallel_loop3A_2167 : vector<16xf32>
        %parallel_loop3A_2169 = arith.constant 640 : index
        %parallel_loop3A_2170 = tpu.vector_load %arg13[%parallel_loop3A_2169] {strides = array<i32>} : memref<768xf32, #tpu.memory_space<vmem>>, vector<16xf32>,
        %parallel_loop3A_2171 = vector.shape_cast %parallel_loop3A_2170 : vector<16xf32> to vector<16xf32>
        %parallel_loop3A_2172 = arith.addf %parallel_loop3A_2168, %parallel_loop3A_2171 : vector<16xf32>
        %parallel_loop3A_2173 = arith.index_cast %and3A_99 : i32 to index
        %parallel_loop3A_2174 = arith.index_cast %parallel_loop3A_177 : i32 to index
        %parallel_loop3A_2175 = arith.constant 640 : index
        %parallel_loop3A_2176 = tpu.vector_load %arg14[%parallel_loop3A_2173, %parallel_loop3A_2174, %parallel_loop3A_2175] {strides = array<i32>} : memref<4x32x768xf32, #tpu.memory_space<vmem>>, vector<1x1x16xf32>,
        %parallel_loop3A_2177 = vector.shape_cast %parallel_loop3A_2176 : vector<1x1x16xf32> to vector<16xf32>
        %parallel_loop3A_2178 = vector.shape_cast %parallel_loop3A_2172 : vector<16xf32> to vector<1x1x16xf32>
        tpu.vector_store %arg14[%parallel_loop3A_2173, %parallel_loop3A_2174, %parallel_loop3A_2175], %parallel_loop3A_2178 {strides = array<i32>} : memref<4x32x768xf32, #tpu.memory_space<vmem>>, vector<1x1x16xf32>,
        %parallel_loop3A_2179 = arith.index_cast %and3A_99 : i32 to index
        %parallel_loop3A_2180 = arith.index_cast %parallel_loop3A_177 : i32 to index
        %parallel_loop3A_2181 = arith.constant 656 : index
        %parallel_loop3A_2182 = tpu.vector_load %arg14[%parallel_loop3A_2179, %parallel_loop3A_2180, %parallel_loop3A_2181] {strides = array<i32>} : memref<4x32x768xf32, #tpu.memory_space<vmem>>, vector<1x1x16xf32>,
        %parallel_loop3A_2183 = vector.shape_cast %parallel_loop3A_2182 : vector<1x1x16xf32> to vector<16xf32>
        %parallel_loop3A_2184 = vector.broadcast %parallel_loop3A_1171 : f32 to vector<16xf32>
        %parallel_loop3A_2185 = arith.subf %parallel_loop3A_2183, %parallel_loop3A_2184 : vector<16xf32>
        %parallel_loop3A_2186 = vector.broadcast %parallel_loop3A_1235 : f32 to vector<16xf32>
        %parallel_loop3A_2187 = arith.mulf %parallel_loop3A_2185, %parallel_loop3A_2186 : vector<16xf32>
        %parallel_loop3A_2188 = arith.constant 656 : index
        %parallel_loop3A_2189 = tpu.vector_load %arg12[%parallel_loop3A_2188] {strides = array<i32>} : memref<768xf32, #tpu.memory_space<vmem>>, vector<16xf32>,
        %parallel_loop3A_2190 = vector.shape_cast %parallel_loop3A_2189 : vector<16xf32> to vector<16xf32>
        %parallel_loop3A_2191 = arith.mulf %parallel_loop3A_2187, %parallel_loop3A_2190 : vector<16xf32>
        %parallel_loop3A_2192 = arith.constant 656 : index
        %parallel_loop3A_2193 = tpu.vector_load %arg13[%parallel_loop3A_2192] {strides = array<i32>} : memref<768xf32, #tpu.memory_space<vmem>>, vector<16xf32>,
        %parallel_loop3A_2194 = vector.shape_cast %parallel_loop3A_2193 : vector<16xf32> to vector<16xf32>
        %parallel_loop3A_2195 = arith.addf %parallel_loop3A_2191, %parallel_loop3A_2194 : vector<16xf32>
        %parallel_loop3A_2196 = arith.index_cast %and3A_99 : i32 to index
        %parallel_loop3A_2197 = arith.index_cast %parallel_loop3A_177 : i32 to index
        %parallel_loop3A_2198 = arith.constant 656 : index
        %parallel_loop3A_2199 = tpu.vector_load %arg14[%parallel_loop3A_2196, %parallel_loop3A_2197, %parallel_loop3A_2198] {strides = array<i32>} : memref<4x32x768xf32, #tpu.memory_space<vmem>>, vector<1x1x16xf32>,
        %parallel_loop3A_2200 = vector.shape_cast %parallel_loop3A_2199 : vector<1x1x16xf32> to vector<16xf32>
        %parallel_loop3A_2201 = vector.shape_cast %parallel_loop3A_2195 : vector<16xf32> to vector<1x1x16xf32>
        tpu.vector_store %arg14[%parallel_loop3A_2196, %parallel_loop3A_2197, %parallel_loop3A_2198], %parallel_loop3A_2201 {strides = array<i32>} : memref<4x32x768xf32, #tpu.memory_space<vmem>>, vector<1x1x16xf32>,
        %parallel_loop3A_2202 = arith.index_cast %and3A_99 : i32 to index
        %parallel_loop3A_2203 = arith.index_cast %parallel_loop3A_177 : i32 to index
        %parallel_loop3A_2204 = arith.constant 672 : index
        %parallel_loop3A_2205 = tpu.vector_load %arg14[%parallel_loop3A_2202, %parallel_loop3A_2203, %parallel_loop3A_2204] {strides = array<i32>} : memref<4x32x768xf32, #tpu.memory_space<vmem>>, vector<1x1x16xf32>,
        %parallel_loop3A_2206 = vector.shape_cast %parallel_loop3A_2205 : vector<1x1x16xf32> to vector<16xf32>
        %parallel_loop3A_2207 = vector.broadcast %parallel_loop3A_1171 : f32 to vector<16xf32>
        %parallel_loop3A_2208 = arith.subf %parallel_loop3A_2206, %parallel_loop3A_2207 : vector<16xf32>
        %parallel_loop3A_2209 = vector.broadcast %parallel_loop3A_1235 : f32 to vector<16xf32>
        %parallel_loop3A_2210 = arith.mulf %parallel_loop3A_2208, %parallel_loop3A_2209 : vector<16xf32>
        %parallel_loop3A_2211 = arith.constant 672 : index
        %parallel_loop3A_2212 = tpu.vector_load %arg12[%parallel_loop3A_2211] {strides = array<i32>} : memref<768xf32, #tpu.memory_space<vmem>>, vector<16xf32>,
        %parallel_loop3A_2213 = vector.shape_cast %parallel_loop3A_2212 : vector<16xf32> to vector<16xf32>
        %parallel_loop3A_2214 = arith.mulf %parallel_loop3A_2210, %parallel_loop3A_2213 : vector<16xf32>
        %parallel_loop3A_2215 = arith.constant 672 : index
        %parallel_loop3A_2216 = tpu.vector_load %arg13[%parallel_loop3A_2215] {strides = array<i32>} : memref<768xf32, #tpu.memory_space<vmem>>, vector<16xf32>,
        %parallel_loop3A_2217 = vector.shape_cast %parallel_loop3A_2216 : vector<16xf32> to vector<16xf32>
        %parallel_loop3A_2218 = arith.addf %parallel_loop3A_2214, %parallel_loop3A_2217 : vector<16xf32>
        %parallel_loop3A_2219 = arith.index_cast %and3A_99 : i32 to index
        %parallel_loop3A_2220 = arith.index_cast %parallel_loop3A_177 : i32 to index
        %parallel_loop3A_2221 = arith.constant 672 : index
        %parallel_loop3A_2222 = tpu.vector_load %arg14[%parallel_loop3A_2219, %parallel_loop3A_2220, %parallel_loop3A_2221] {strides = array<i32>} : memref<4x32x768xf32, #tpu.memory_space<vmem>>, vector<1x1x16xf32>,
        %parallel_loop3A_2223 = vector.shape_cast %parallel_loop3A_2222 : vector<1x1x16xf32> to vector<16xf32>
        %parallel_loop3A_2224 = vector.shape_cast %parallel_loop3A_2218 : vector<16xf32> to vector<1x1x16xf32>
        tpu.vector_store %arg14[%parallel_loop3A_2219, %parallel_loop3A_2220, %parallel_loop3A_2221], %parallel_loop3A_2224 {strides = array<i32>} : memref<4x32x768xf32, #tpu.memory_space<vmem>>, vector<1x1x16xf32>,
        %parallel_loop3A_2225 = arith.index_cast %and3A_99 : i32 to index
        %parallel_loop3A_2226 = arith.index_cast %parallel_loop3A_177 : i32 to index
        %parallel_loop3A_2227 = arith.constant 688 : index
        %parallel_loop3A_2228 = tpu.vector_load %arg14[%parallel_loop3A_2225, %parallel_loop3A_2226, %parallel_loop3A_2227] {strides = array<i32>} : memref<4x32x768xf32, #tpu.memory_space<vmem>>, vector<1x1x16xf32>,
        %parallel_loop3A_2229 = vector.shape_cast %parallel_loop3A_2228 : vector<1x1x16xf32> to vector<16xf32>
        %parallel_loop3A_2230 = vector.broadcast %parallel_loop3A_1171 : f32 to vector<16xf32>
        %parallel_loop3A_2231 = arith.subf %parallel_loop3A_2229, %parallel_loop3A_2230 : vector<16xf32>
        %parallel_loop3A_2232 = vector.broadcast %parallel_loop3A_1235 : f32 to vector<16xf32>
        %parallel_loop3A_2233 = arith.mulf %parallel_loop3A_2231, %parallel_loop3A_2232 : vector<16xf32>
        %parallel_loop3A_2234 = arith.constant 688 : index
        %parallel_loop3A_2235 = tpu.vector_load %arg12[%parallel_loop3A_2234] {strides = array<i32>} : memref<768xf32, #tpu.memory_space<vmem>>, vector<16xf32>,
        %parallel_loop3A_2236 = vector.shape_cast %parallel_loop3A_2235 : vector<16xf32> to vector<16xf32>
        %parallel_loop3A_2237 = arith.mulf %parallel_loop3A_2233, %parallel_loop3A_2236 : vector<16xf32>
        %parallel_loop3A_2238 = arith.constant 688 : index
        %parallel_loop3A_2239 = tpu.vector_load %arg13[%parallel_loop3A_2238] {strides = array<i32>} : memref<768xf32, #tpu.memory_space<vmem>>, vector<16xf32>,
        %parallel_loop3A_2240 = vector.shape_cast %parallel_loop3A_2239 : vector<16xf32> to vector<16xf32>
        %parallel_loop3A_2241 = arith.addf %parallel_loop3A_2237, %parallel_loop3A_2240 : vector<16xf32>
        %parallel_loop3A_2242 = arith.index_cast %and3A_99 : i32 to index
        %parallel_loop3A_2243 = arith.index_cast %parallel_loop3A_177 : i32 to index
        %parallel_loop3A_2244 = arith.constant 688 : index
        %parallel_loop3A_2245 = tpu.vector_load %arg14[%parallel_loop3A_2242, %parallel_loop3A_2243, %parallel_loop3A_2244] {strides = array<i32>} : memref<4x32x768xf32, #tpu.memory_space<vmem>>, vector<1x1x16xf32>,
        %parallel_loop3A_2246 = vector.shape_cast %parallel_loop3A_2245 : vector<1x1x16xf32> to vector<16xf32>
        %parallel_loop3A_2247 = vector.shape_cast %parallel_loop3A_2241 : vector<16xf32> to vector<1x1x16xf32>
        tpu.vector_store %arg14[%parallel_loop3A_2242, %parallel_loop3A_2243, %parallel_loop3A_2244], %parallel_loop3A_2247 {strides = array<i32>} : memref<4x32x768xf32, #tpu.memory_space<vmem>>, vector<1x1x16xf32>,
        %parallel_loop3A_2248 = arith.index_cast %and3A_99 : i32 to index
        %parallel_loop3A_2249 = arith.index_cast %parallel_loop3A_177 : i32 to index
        %parallel_loop3A_2250 = arith.constant 704 : index
        %parallel_loop3A_2251 = tpu.vector_load %arg14[%parallel_loop3A_2248, %parallel_loop3A_2249, %parallel_loop3A_2250] {strides = array<i32>} : memref<4x32x768xf32, #tpu.memory_space<vmem>>, vector<1x1x16xf32>,
        %parallel_loop3A_2252 = vector.shape_cast %parallel_loop3A_2251 : vector<1x1x16xf32> to vector<16xf32>
        %parallel_loop3A_2253 = vector.broadcast %parallel_loop3A_1171 : f32 to vector<16xf32>
        %parallel_loop3A_2254 = arith.subf %parallel_loop3A_2252, %parallel_loop3A_2253 : vector<16xf32>
        %parallel_loop3A_2255 = vector.broadcast %parallel_loop3A_1235 : f32 to vector<16xf32>
        %parallel_loop3A_2256 = arith.mulf %parallel_loop3A_2254, %parallel_loop3A_2255 : vector<16xf32>
        %parallel_loop3A_2257 = arith.constant 704 : index
        %parallel_loop3A_2258 = tpu.vector_load %arg12[%parallel_loop3A_2257] {strides = array<i32>} : memref<768xf32, #tpu.memory_space<vmem>>, vector<16xf32>,
        %parallel_loop3A_2259 = vector.shape_cast %parallel_loop3A_2258 : vector<16xf32> to vector<16xf32>
        %parallel_loop3A_2260 = arith.mulf %parallel_loop3A_2256, %parallel_loop3A_2259 : vector<16xf32>
        %parallel_loop3A_2261 = arith.constant 704 : index
        %parallel_loop3A_2262 = tpu.vector_load %arg13[%parallel_loop3A_2261] {strides = array<i32>} : memref<768xf32, #tpu.memory_space<vmem>>, vector<16xf32>,
        %parallel_loop3A_2263 = vector.shape_cast %parallel_loop3A_2262 : vector<16xf32> to vector<16xf32>
        %parallel_loop3A_2264 = arith.addf %parallel_loop3A_2260, %parallel_loop3A_2263 : vector<16xf32>
        %parallel_loop3A_2265 = arith.index_cast %and3A_99 : i32 to index
        %parallel_loop3A_2266 = arith.index_cast %parallel_loop3A_177 : i32 to index
        %parallel_loop3A_2267 = arith.constant 704 : index
        %parallel_loop3A_2268 = tpu.vector_load %arg14[%parallel_loop3A_2265, %parallel_loop3A_2266, %parallel_loop3A_2267] {strides = array<i32>} : memref<4x32x768xf32, #tpu.memory_space<vmem>>, vector<1x1x16xf32>,
        %parallel_loop3A_2269 = vector.shape_cast %parallel_loop3A_2268 : vector<1x1x16xf32> to vector<16xf32>
        %parallel_loop3A_2270 = vector.shape_cast %parallel_loop3A_2264 : vector<16xf32> to vector<1x1x16xf32>
        tpu.vector_store %arg14[%parallel_loop3A_2265, %parallel_loop3A_2266, %parallel_loop3A_2267], %parallel_loop3A_2270 {strides = array<i32>} : memref<4x32x768xf32, #tpu.memory_space<vmem>>, vector<1x1x16xf32>,
        %parallel_loop3A_2271 = arith.index_cast %and3A_99 : i32 to index
        %parallel_loop3A_2272 = arith.index_cast %parallel_loop3A_177 : i32 to index
        %parallel_loop3A_2273 = arith.constant 720 : index
        %parallel_loop3A_2274 = tpu.vector_load %arg14[%parallel_loop3A_2271, %parallel_loop3A_2272, %parallel_loop3A_2273] {strides = array<i32>} : memref<4x32x768xf32, #tpu.memory_space<vmem>>, vector<1x1x16xf32>,
        %parallel_loop3A_2275 = vector.shape_cast %parallel_loop3A_2274 : vector<1x1x16xf32> to vector<16xf32>
        %parallel_loop3A_2276 = vector.broadcast %parallel_loop3A_1171 : f32 to vector<16xf32>
        %parallel_loop3A_2277 = arith.subf %parallel_loop3A_2275, %parallel_loop3A_2276 : vector<16xf32>
        %parallel_loop3A_2278 = vector.broadcast %parallel_loop3A_1235 : f32 to vector<16xf32>
        %parallel_loop3A_2279 = arith.mulf %parallel_loop3A_2277, %parallel_loop3A_2278 : vector<16xf32>
        %parallel_loop3A_2280 = arith.constant 720 : index
        %parallel_loop3A_2281 = tpu.vector_load %arg12[%parallel_loop3A_2280] {strides = array<i32>} : memref<768xf32, #tpu.memory_space<vmem>>, vector<16xf32>,
        %parallel_loop3A_2282 = vector.shape_cast %parallel_loop3A_2281 : vector<16xf32> to vector<16xf32>
        %parallel_loop3A_2283 = arith.mulf %parallel_loop3A_2279, %parallel_loop3A_2282 : vector<16xf32>
        %parallel_loop3A_2284 = arith.constant 720 : index
        %parallel_loop3A_2285 = tpu.vector_load %arg13[%parallel_loop3A_2284] {strides = array<i32>} : memref<768xf32, #tpu.memory_space<vmem>>, vector<16xf32>,
        %parallel_loop3A_2286 = vector.shape_cast %parallel_loop3A_2285 : vector<16xf32> to vector<16xf32>
        %parallel_loop3A_2287 = arith.addf %parallel_loop3A_2283, %parallel_loop3A_2286 : vector<16xf32>
        %parallel_loop3A_2288 = arith.index_cast %and3A_99 : i32 to index
        %parallel_loop3A_2289 = arith.index_cast %parallel_loop3A_177 : i32 to index
        %parallel_loop3A_2290 = arith.constant 720 : index
        %parallel_loop3A_2291 = tpu.vector_load %arg14[%parallel_loop3A_2288, %parallel_loop3A_2289, %parallel_loop3A_2290] {strides = array<i32>} : memref<4x32x768xf32, #tpu.memory_space<vmem>>, vector<1x1x16xf32>,
        %parallel_loop3A_2292 = vector.shape_cast %parallel_loop3A_2291 : vector<1x1x16xf32> to vector<16xf32>
        %parallel_loop3A_2293 = vector.shape_cast %parallel_loop3A_2287 : vector<16xf32> to vector<1x1x16xf32>
        tpu.vector_store %arg14[%parallel_loop3A_2288, %parallel_loop3A_2289, %parallel_loop3A_2290], %parallel_loop3A_2293 {strides = array<i32>} : memref<4x32x768xf32, #tpu.memory_space<vmem>>, vector<1x1x16xf32>,
        %parallel_loop3A_2294 = arith.index_cast %and3A_99 : i32 to index
        %parallel_loop3A_2295 = arith.index_cast %parallel_loop3A_177 : i32 to index
        %parallel_loop3A_2296 = arith.constant 736 : index
        %parallel_loop3A_2297 = tpu.vector_load %arg14[%parallel_loop3A_2294, %parallel_loop3A_2295, %parallel_loop3A_2296] {strides = array<i32>} : memref<4x32x768xf32, #tpu.memory_space<vmem>>, vector<1x1x16xf32>,
        %parallel_loop3A_2298 = vector.shape_cast %parallel_loop3A_2297 : vector<1x1x16xf32> to vector<16xf32>
        %parallel_loop3A_2299 = vector.broadcast %parallel_loop3A_1171 : f32 to vector<16xf32>
        %parallel_loop3A_2300 = arith.subf %parallel_loop3A_2298, %parallel_loop3A_2299 : vector<16xf32>
        %parallel_loop3A_2301 = vector.broadcast %parallel_loop3A_1235 : f32 to vector<16xf32>
        %parallel_loop3A_2302 = arith.mulf %parallel_loop3A_2300, %parallel_loop3A_2301 : vector<16xf32>
        %parallel_loop3A_2303 = arith.constant 736 : index
        %parallel_loop3A_2304 = tpu.vector_load %arg12[%parallel_loop3A_2303] {strides = array<i32>} : memref<768xf32, #tpu.memory_space<vmem>>, vector<16xf32>,
        %parallel_loop3A_2305 = vector.shape_cast %parallel_loop3A_2304 : vector<16xf32> to vector<16xf32>
        %parallel_loop3A_2306 = arith.mulf %parallel_loop3A_2302, %parallel_loop3A_2305 : vector<16xf32>
        %parallel_loop3A_2307 = arith.constant 736 : index
        %parallel_loop3A_2308 = tpu.vector_load %arg13[%parallel_loop3A_2307] {strides = array<i32>} : memref<768xf32, #tpu.memory_space<vmem>>, vector<16xf32>,
        %parallel_loop3A_2309 = vector.shape_cast %parallel_loop3A_2308 : vector<16xf32> to vector<16xf32>
        %parallel_loop3A_2310 = arith.addf %parallel_loop3A_2306, %parallel_loop3A_2309 : vector<16xf32>
        %parallel_loop3A_2311 = arith.index_cast %and3A_99 : i32 to index
        %parallel_loop3A_2312 = arith.index_cast %parallel_loop3A_177 : i32 to index
        %parallel_loop3A_2313 = arith.constant 736 : index
        %parallel_loop3A_2314 = tpu.vector_load %arg14[%parallel_loop3A_2311, %parallel_loop3A_2312, %parallel_loop3A_2313] {strides = array<i32>} : memref<4x32x768xf32, #tpu.memory_space<vmem>>, vector<1x1x16xf32>,
        %parallel_loop3A_2315 = vector.shape_cast %parallel_loop3A_2314 : vector<1x1x16xf32> to vector<16xf32>
        %parallel_loop3A_2316 = vector.shape_cast %parallel_loop3A_2310 : vector<16xf32> to vector<1x1x16xf32>
        tpu.vector_store %arg14[%parallel_loop3A_2311, %parallel_loop3A_2312, %parallel_loop3A_2313], %parallel_loop3A_2316 {strides = array<i32>} : memref<4x32x768xf32, #tpu.memory_space<vmem>>, vector<1x1x16xf32>,
        %parallel_loop3A_2317 = arith.index_cast %and3A_99 : i32 to index
        %parallel_loop3A_2318 = arith.index_cast %parallel_loop3A_177 : i32 to index
        %parallel_loop3A_2319 = arith.constant 752 : index
        %parallel_loop3A_2320 = tpu.vector_load %arg14[%parallel_loop3A_2317, %parallel_loop3A_2318, %parallel_loop3A_2319] {strides = array<i32>} : memref<4x32x768xf32, #tpu.memory_space<vmem>>, vector<1x1x16xf32>,
        %parallel_loop3A_2321 = vector.shape_cast %parallel_loop3A_2320 : vector<1x1x16xf32> to vector<16xf32>
        %parallel_loop3A_2322 = vector.broadcast %parallel_loop3A_1171 : f32 to vector<16xf32>
        %parallel_loop3A_2323 = arith.subf %parallel_loop3A_2321, %parallel_loop3A_2322 : vector<16xf32>
        %parallel_loop3A_2324 = vector.broadcast %parallel_loop3A_1235 : f32 to vector<16xf32>
        %parallel_loop3A_2325 = arith.mulf %parallel_loop3A_2323, %parallel_loop3A_2324 : vector<16xf32>
        %parallel_loop3A_2326 = arith.constant 752 : index
        %parallel_loop3A_2327 = tpu.vector_load %arg12[%parallel_loop3A_2326] {strides = array<i32>} : memref<768xf32, #tpu.memory_space<vmem>>, vector<16xf32>,
        %parallel_loop3A_2328 = vector.shape_cast %parallel_loop3A_2327 : vector<16xf32> to vector<16xf32>
        %parallel_loop3A_2329 = arith.mulf %parallel_loop3A_2325, %parallel_loop3A_2328 : vector<16xf32>
        %parallel_loop3A_2330 = arith.constant 752 : index
        %parallel_loop3A_2331 = tpu.vector_load %arg13[%parallel_loop3A_2330] {strides = array<i32>} : memref<768xf32, #tpu.memory_space<vmem>>, vector<16xf32>,
        %parallel_loop3A_2332 = vector.shape_cast %parallel_loop3A_2331 : vector<16xf32> to vector<16xf32>
        %parallel_loop3A_2333 = arith.addf %parallel_loop3A_2329, %parallel_loop3A_2332 : vector<16xf32>
        %parallel_loop3A_2334 = arith.index_cast %and3A_99 : i32 to index
        %parallel_loop3A_2335 = arith.index_cast %parallel_loop3A_177 : i32 to index
        %parallel_loop3A_2336 = arith.constant 752 : index
        %parallel_loop3A_2337 = tpu.vector_load %arg14[%parallel_loop3A_2334, %parallel_loop3A_2335, %parallel_loop3A_2336] {strides = array<i32>} : memref<4x32x768xf32, #tpu.memory_space<vmem>>, vector<1x1x16xf32>,
        %parallel_loop3A_2338 = vector.shape_cast %parallel_loop3A_2337 : vector<1x1x16xf32> to vector<16xf32>
        %parallel_loop3A_2339 = vector.shape_cast %parallel_loop3A_2333 : vector<16xf32> to vector<1x1x16xf32>
        tpu.vector_store %arg14[%parallel_loop3A_2334, %parallel_loop3A_2335, %parallel_loop3A_2336], %parallel_loop3A_2339 {strides = array<i32>} : memref<4x32x768xf32, #tpu.memory_space<vmem>>, vector<1x1x16xf32>,
      } {sc.loop_unroll_factor = 1 : i64, sc.parallel_access}
      %mul3A_115 = arith.constant 2 : i32
      %mul3A_116 = arith.muli %mul3A_115, %scan3A_98 : i32
      %add3A_117 = arith.constant 0 : i32
      %add3A_118 = arith.addi %mul3A_116, %add3A_117 : i32
      %mul3A_119 = arith.constant 512 : i32
      %mul3A_120 = arith.muli %add3A_118, %mul3A_119 : i32
      %mul3A_121 = arith.constant 16 : i32
      %mul3A_122 = arith.muli %add3A, %mul3A_121 : i32
      %add3A_123 = arith.addi %mul3A_120, %mul3A_122 : i32
      %dma_start3A_124 = arith.constant 0 : i32
      %dma_start3A_125 = arith.constant 0 : i32
      %dma_start3A_126 = tpu.memref_slice %arg14[%and3A_99, %dma_start3A_124, %dma_start3A_125] : memref<4x32x768xf32, #tpu.memory_space<vmem>> -> memref<1x16x768xf32, #tpu.memory_space<vmem>>
      %dma_start3A_127 = tpu.memref_squeeze %dma_start3A_126 : memref<1x16x768xf32, #tpu.memory_space<vmem>> -> memref<16x768xf32, #tpu.memory_space<vmem>>
      %dma_start3A_128 = arith.constant 0 : i32
      %dma_start3A_129 = tpu.memref_slice %arg8[%add3A_123, %dma_start3A_128] : memref<32768x768xf32, #tpu.memory_space<hbm>> -> memref<16x768xf32, #tpu.memory_space<hbm>>
      %dma_start3A_130 = tpu.memref_slice %arg16[%and3A_99] : memref<4x!tpu.dma_semaphore, #tpu.memory_space<semaphore_mem>> -> memref<1x!tpu.dma_semaphore, #tpu.memory_space<semaphore_mem>>
      %dma_start3A_131 = tpu.memref_squeeze %dma_start3A_130 : memref<1x!tpu.dma_semaphore, #tpu.memory_space<semaphore_mem>> -> memref<!tpu.dma_semaphore, #tpu.memory_space<semaphore_mem>>
      %dma_start3A_132 = arith.constant 0 : i32
      %dma_start3A_133 = tpu.memref_slice %arg8[%add3A_123, %dma_start3A_132] : memref<32768x768xf32, #tpu.memory_space<hbm>> -> memref<16x768xf32, #tpu.memory_space<hbm>>
      %dma_start3A_134 = arith.constant 0 : i32
      %dma_start3A_135 = arith.constant 0 : i32
      %dma_start3A_136 = tpu.memref_slice %arg14[%and3A_99, %dma_start3A_134, %dma_start3A_135] : memref<4x32x768xf32, #tpu.memory_space<vmem>> -> memref<1x16x768xf32, #tpu.memory_space<vmem>>
      %dma_start3A_137 = tpu.memref_squeeze %dma_start3A_136 : memref<1x16x768xf32, #tpu.memory_space<vmem>> -> memref<16x768xf32, #tpu.memory_space<vmem>>
      tpu.enqueue_dma source(%dma_start3A_137 : memref<16x768xf32, #tpu.memory_space<vmem>>) target(%dma_start3A_133 : memref<16x768xf32, #tpu.memory_space<hbm>>) target_semaphore(%dma_start3A_131 : memref<!tpu.dma_semaphore, #tpu.memory_space<semaphore_mem>>)
      %mul3A_138 = arith.constant 2 : i32
      %mul3A_139 = arith.muli %mul3A_138, %scan3A_98 : i32
      %add3A_140 = arith.constant 1 : i32
      %add3A_141 = arith.addi %mul3A_139, %add3A_140 : i32
      %mul3A_142 = arith.constant 512 : i32
      %mul3A_143 = arith.muli %add3A_141, %mul3A_142 : i32
      %mul3A_144 = arith.constant 16 : i32
      %mul3A_145 = arith.muli %add3A, %mul3A_144 : i32
      %add3A_146 = arith.addi %mul3A_143, %mul3A_145 : i32
      %dma_start3A_147 = arith.constant 16 : i32
      %dma_start3A_148 = arith.constant 0 : i32
      %dma_start3A_149 = tpu.memref_slice %arg14[%and3A_99, %dma_start3A_147, %dma_start3A_148] : memref<4x32x768xf32, #tpu.memory_space<vmem>> -> memref<1x16x768xf32, #tpu.memory_space<vmem>>
      %dma_start3A_150 = tpu.memref_squeeze %dma_start3A_149 : memref<1x16x768xf32, #tpu.memory_space<vmem>> -> memref<16x768xf32, #tpu.memory_space<vmem>>
      %dma_start3A_151 = arith.constant 0 : i32
      %dma_start3A_152 = tpu.memref_slice %arg8[%add3A_146, %dma_start3A_151] : memref<32768x768xf32, #tpu.memory_space<hbm>> -> memref<16x768xf32, #tpu.memory_space<hbm>>
      %dma_start3A_153 = tpu.memref_slice %arg16[%and3A_99] : memref<4x!tpu.dma_semaphore, #tpu.memory_space<semaphore_mem>> -> memref<1x!tpu.dma_semaphore, #tpu.memory_space<semaphore_mem>>
      %dma_start3A_154 = tpu.memref_squeeze %dma_start3A_153 : memref<1x!tpu.dma_semaphore, #tpu.memory_space<semaphore_mem>> -> memref<!tpu.dma_semaphore, #tpu.memory_space<semaphore_mem>>
      %dma_start3A_155 = arith.constant 0 : i32
      %dma_start3A_156 = tpu.memref_slice %arg8[%add3A_146, %dma_start3A_155] : memref<32768x768xf32, #tpu.memory_space<hbm>> -> memref<16x768xf32, #tpu.memory_space<hbm>>
      %dma_start3A_157 = arith.constant 16 : i32
      %dma_start3A_158 = arith.constant 0 : i32
      %dma_start3A_159 = tpu.memref_slice %arg14[%and3A_99, %dma_start3A_157, %dma_start3A_158] : memref<4x32x768xf32, #tpu.memory_space<vmem>> -> memref<1x16x768xf32, #tpu.memory_space<vmem>>
      %dma_start3A_160 = tpu.memref_squeeze %dma_start3A_159 : memref<1x16x768xf32, #tpu.memory_space<vmem>> -> memref<16x768xf32, #tpu.memory_space<vmem>>
      tpu.enqueue_dma source(%dma_start3A_160 : memref<16x768xf32, #tpu.memory_space<vmem>>) target(%dma_start3A_156 : memref<16x768xf32, #tpu.memory_space<hbm>>) target_semaphore(%dma_start3A_154 : memref<!tpu.dma_semaphore, #tpu.memory_space<semaphore_mem>>)
      %sub3A = arith.constant 1 : i32
      %sub3A_161 = arith.subi %scan3A_98, %sub3A : i32
      %and3A_162 = arith.constant 3 : i32
      %and3A_163 = arith.andi %sub3A_161, %and3A_162 : i32
      %ge3A = arith.constant 1 : i32
      %ge3A_164 = arith.cmpi sge, %scan3A_98, %ge3A : i32
      %convert_element_type3A = arith.extui %ge3A_164 : i1 to i32
      %cond3A = arith.constant 0 : i32
      %cond3A_165 = arith.cmpi ne, %convert_element_type3A, %cond3A : i32
      scf.if %cond3A_165 {
        %dma_wait3A_177 = arith.constant 0 : i32
        %dma_wait3A_178 = arith.constant 0 : i32
        %dma_wait3A_179 = tpu.memref_slice %arg14[%and3A_163, %dma_wait3A_177, %dma_wait3A_178] : memref<4x32x768xf32, #tpu.memory_space<vmem>> -> memref<1x16x768xf32, #tpu.memory_space<vmem>>
        %dma_wait3A_180 = tpu.memref_squeeze %dma_wait3A_179 : memref<1x16x768xf32, #tpu.memory_space<vmem>> -> memref<16x768xf32, #tpu.memory_space<vmem>>
        %dma_wait3A_181 = arith.constant 0 : i32
        %dma_wait3A_182 = arith.constant 0 : i32
        %dma_wait3A_183 = tpu.memref_slice %arg8[%dma_wait3A_181, %dma_wait3A_182] : memref<32768x768xf32, #tpu.memory_space<hbm>> -> memref<16x768xf32, #tpu.memory_space<hbm>>
        %dma_wait3A_184 = tpu.memref_slice %arg16[%and3A_163] : memref<4x!tpu.dma_semaphore, #tpu.memory_space<semaphore_mem>> -> memref<1x!tpu.dma_semaphore, #tpu.memory_space<semaphore_mem>>
        %dma_wait3A_185 = tpu.memref_squeeze %dma_wait3A_184 : memref<1x!tpu.dma_semaphore, #tpu.memory_space<semaphore_mem>> -> memref<!tpu.dma_semaphore, #tpu.memory_space<semaphore_mem>>
        %dma_wait3A_186 = arith.constant 0 : i32
        %dma_wait3A_187 = arith.constant 0 : i32
        %dma_wait3A_188 = tpu.memref_slice %arg8[%dma_wait3A_186, %dma_wait3A_187] : memref<32768x768xf32, #tpu.memory_space<hbm>> -> memref<16x768xf32, #tpu.memory_space<hbm>>
        %dma_wait3A_189 = arith.constant 0 : i32
        %dma_wait3A_190 = arith.constant 0 : i32
        %dma_wait3A_191 = tpu.memref_slice %arg14[%and3A_163, %dma_wait3A_189, %dma_wait3A_190] : memref<4x32x768xf32, #tpu.memory_space<vmem>> -> memref<1x16x768xf32, #tpu.memory_space<vmem>>
        %dma_wait3A_192 = tpu.memref_squeeze %dma_wait3A_191 : memref<1x16x768xf32, #tpu.memory_space<vmem>> -> memref<16x768xf32, #tpu.memory_space<vmem>>
        tpu.wait_dma2 semaphore(%dma_wait3A_185 : memref<!tpu.dma_semaphore, #tpu.memory_space<semaphore_mem>>) src(%dma_wait3A_192 : memref<16x768xf32, #tpu.memory_space<vmem>>) dst(%dma_wait3A_188 : memref<16x768xf32, #tpu.memory_space<hbm>>)
        %dma_wait3A_193 = arith.constant 16 : i32
        %dma_wait3A_194 = arith.constant 0 : i32
        %dma_wait3A_195 = tpu.memref_slice %arg14[%and3A_163, %dma_wait3A_193, %dma_wait3A_194] : memref<4x32x768xf32, #tpu.memory_space<vmem>> -> memref<1x16x768xf32, #tpu.memory_space<vmem>>
        %dma_wait3A_196 = tpu.memref_squeeze %dma_wait3A_195 : memref<1x16x768xf32, #tpu.memory_space<vmem>> -> memref<16x768xf32, #tpu.memory_space<vmem>>
        %dma_wait3A_197 = arith.constant 0 : i32
        %dma_wait3A_198 = arith.constant 0 : i32
        %dma_wait3A_199 = tpu.memref_slice %arg8[%dma_wait3A_197, %dma_wait3A_198] : memref<32768x768xf32, #tpu.memory_space<hbm>> -> memref<16x768xf32, #tpu.memory_space<hbm>>
        %dma_wait3A_200 = tpu.memref_slice %arg16[%and3A_163] : memref<4x!tpu.dma_semaphore, #tpu.memory_space<semaphore_mem>> -> memref<1x!tpu.dma_semaphore, #tpu.memory_space<semaphore_mem>>
        %dma_wait3A_201 = tpu.memref_squeeze %dma_wait3A_200 : memref<1x!tpu.dma_semaphore, #tpu.memory_space<semaphore_mem>> -> memref<!tpu.dma_semaphore, #tpu.memory_space<semaphore_mem>>
        %dma_wait3A_202 = arith.constant 0 : i32
        %dma_wait3A_203 = arith.constant 0 : i32
        %dma_wait3A_204 = tpu.memref_slice %arg8[%dma_wait3A_202, %dma_wait3A_203] : memref<32768x768xf32, #tpu.memory_space<hbm>> -> memref<16x768xf32, #tpu.memory_space<hbm>>
        %dma_wait3A_205 = arith.constant 16 : i32
        %dma_wait3A_206 = arith.constant 0 : i32
        %dma_wait3A_207 = tpu.memref_slice %arg14[%and3A_163, %dma_wait3A_205, %dma_wait3A_206] : memref<4x32x768xf32, #tpu.memory_space<vmem>> -> memref<1x16x768xf32, #tpu.memory_space<vmem>>
        %dma_wait3A_208 = tpu.memref_squeeze %dma_wait3A_207 : memref<1x16x768xf32, #tpu.memory_space<vmem>> -> memref<16x768xf32, #tpu.memory_space<vmem>>
        tpu.wait_dma2 semaphore(%dma_wait3A_201 : memref<!tpu.dma_semaphore, #tpu.memory_space<semaphore_mem>>) src(%dma_wait3A_208 : memref<16x768xf32, #tpu.memory_space<vmem>>) dst(%dma_wait3A_204 : memref<16x768xf32, #tpu.memory_space<hbm>>)
      } else {
      }
      %ge3A_166 = arith.constant 1 : i32
      %ge3A_167 = arith.cmpi sge, %scan3A_98, %ge3A_166 : i32
      %add3A_168 = arith.constant 4 : i32
      %add3A_169 = arith.addi %scan3A_98, %add3A_168 : i32
      %sub3A_170 = arith.constant 1 : i32
      %sub3A_171 = arith.subi %add3A_169, %sub3A_170 : i32
      %lt3A = arith.constant 32 : i32
      %lt3A_172 = arith.cmpi slt, %sub3A_171, %lt3A : i32
      %and3A_173 = arith.andi %ge3A_167, %lt3A_172 : i1
      %convert_element_type3A_174 = arith.extui %and3A_173 : i1 to i32
      %cond3A_175 = arith.constant 0 : i32
      %cond3A_176 = arith.cmpi ne, %convert_element_type3A_174, %cond3A_175 : i32
      scf.if %cond3A_176 {
        %add3A_177 = arith.constant 4 : i32
        %add3A_178 = arith.addi %scan3A_98, %add3A_177 : i32
        %sub3A_179 = arith.constant 1 : i32
        %sub3A_180 = arith.subi %add3A_178, %sub3A_179 : i32
        %mul3A_181 = arith.constant 32 : i32
        %mul3A_182 = arith.muli %sub3A_180, %mul3A_181 : i32
        %dma_start3A_183 = arith.constant 0 : i32
        %dma_start3A_184 = arith.constant 0 : i32
        %dma_start3A_185 = tpu.memref_slice %arg14[%and3A_163, %dma_start3A_183, %dma_start3A_184] : memref<4x32x768xf32, #tpu.memory_space<vmem>> -> memref<1x32x768xf32, #tpu.memory_space<vmem>>
        %dma_start3A_186 = tpu.memref_squeeze %dma_start3A_185 : memref<1x32x768xf32, #tpu.memory_space<vmem>> -> memref<32x768xf32, #tpu.memory_space<vmem>>
        %dma_start3A_187 = tpu.memref_slice %arg9[%mul3A_182] : memref<1024xi32, #tpu.memory_space<vmem>> -> memref<32xi32, #tpu.memory_space<vmem>>
        %dma_start3A_188 = arith.constant 0 : i32
        %dma_start3A_189 = arith.constant 0 : i32
        %dma_start3A_190 = tpu.memref_slice %arg4[%dma_start3A_188, %dma_start3A_189] : memref<100000x768xf32, #tpu.memory_space<hbm>> -> memref<100000x768xf32, #tpu.memory_space<hbm>>
        %dma_start3A_191 = tpu.memref_slice %arg15[%and3A_163] : memref<4x!tpu.dma_semaphore, #tpu.memory_space<semaphore_mem>> -> memref<1x!tpu.dma_semaphore, #tpu.memory_space<semaphore_mem>>
        %dma_start3A_192 = tpu.memref_squeeze %dma_start3A_191 : memref<1x!tpu.dma_semaphore, #tpu.memory_space<semaphore_mem>> -> memref<!tpu.dma_semaphore, #tpu.memory_space<semaphore_mem>>
        tpu.enqueue_indirect_dma source(%dma_start3A_190 : memref<100000x768xf32, #tpu.memory_space<hbm>>) target(%dma_start3A_186 : memref<32x768xf32, #tpu.memory_space<vmem>>) offsets(%dma_start3A_187 : memref<32xi32, #tpu.memory_space<vmem>>) semaphore(%dma_start3A_192 : memref<!tpu.dma_semaphore, #tpu.memory_space<semaphore_mem>>)
      } else {
      }
    }
    %scan3A_62 = arith.constant 32 : i32
    %dma_wait3A = arith.constant 3 : i32
    %dma_wait3A_63 = arith.constant 3 : i32
    %dma_wait3A_64 = arith.constant 0 : i32
    %dma_wait3A_65 = arith.constant 0 : i32
    %dma_wait3A_66 = tpu.memref_slice %arg14[%dma_wait3A, %dma_wait3A_64, %dma_wait3A_65] : memref<4x32x768xf32, #tpu.memory_space<vmem>> -> memref<1x16x768xf32, #tpu.memory_space<vmem>>
    %dma_wait3A_67 = tpu.memref_squeeze %dma_wait3A_66 : memref<1x16x768xf32, #tpu.memory_space<vmem>> -> memref<16x768xf32, #tpu.memory_space<vmem>>
    %dma_wait3A_68 = arith.constant 0 : i32
    %dma_wait3A_69 = arith.constant 0 : i32
    %dma_wait3A_70 = tpu.memref_slice %arg8[%dma_wait3A_68, %dma_wait3A_69] : memref<32768x768xf32, #tpu.memory_space<hbm>> -> memref<16x768xf32, #tpu.memory_space<hbm>>
    %dma_wait3A_71 = tpu.memref_slice %arg16[%dma_wait3A_63] : memref<4x!tpu.dma_semaphore, #tpu.memory_space<semaphore_mem>> -> memref<1x!tpu.dma_semaphore, #tpu.memory_space<semaphore_mem>>
    %dma_wait3A_72 = tpu.memref_squeeze %dma_wait3A_71 : memref<1x!tpu.dma_semaphore, #tpu.memory_space<semaphore_mem>> -> memref<!tpu.dma_semaphore, #tpu.memory_space<semaphore_mem>>
    %dma_wait3A_73 = arith.constant 0 : i32
    %dma_wait3A_74 = arith.constant 0 : i32
    %dma_wait3A_75 = tpu.memref_slice %arg8[%dma_wait3A_73, %dma_wait3A_74] : memref<32768x768xf32, #tpu.memory_space<hbm>> -> memref<16x768xf32, #tpu.memory_space<hbm>>
    %dma_wait3A_76 = arith.constant 0 : i32
    %dma_wait3A_77 = arith.constant 0 : i32
    %dma_wait3A_78 = tpu.memref_slice %arg14[%dma_wait3A, %dma_wait3A_76, %dma_wait3A_77] : memref<4x32x768xf32, #tpu.memory_space<vmem>> -> memref<1x16x768xf32, #tpu.memory_space<vmem>>
    %dma_wait3A_79 = tpu.memref_squeeze %dma_wait3A_78 : memref<1x16x768xf32, #tpu.memory_space<vmem>> -> memref<16x768xf32, #tpu.memory_space<vmem>>
    tpu.wait_dma2 semaphore(%dma_wait3A_72 : memref<!tpu.dma_semaphore, #tpu.memory_space<semaphore_mem>>) src(%dma_wait3A_79 : memref<16x768xf32, #tpu.memory_space<vmem>>) dst(%dma_wait3A_75 : memref<16x768xf32, #tpu.memory_space<hbm>>)
    %dma_wait3A_80 = arith.constant 3 : i32
    %dma_wait3A_81 = arith.constant 3 : i32
    %dma_wait3A_82 = arith.constant 16 : i32
    %dma_wait3A_83 = arith.constant 0 : i32
    %dma_wait3A_84 = tpu.memref_slice %arg14[%dma_wait3A_80, %dma_wait3A_82, %dma_wait3A_83] : memref<4x32x768xf32, #tpu.memory_space<vmem>> -> memref<1x16x768xf32, #tpu.memory_space<vmem>>
    %dma_wait3A_85 = tpu.memref_squeeze %dma_wait3A_84 : memref<1x16x768xf32, #tpu.memory_space<vmem>> -> memref<16x768xf32, #tpu.memory_space<vmem>>
    %dma_wait3A_86 = arith.constant 0 : i32
    %dma_wait3A_87 = arith.constant 0 : i32
    %dma_wait3A_88 = tpu.memref_slice %arg8[%dma_wait3A_86, %dma_wait3A_87] : memref<32768x768xf32, #tpu.memory_space<hbm>> -> memref<16x768xf32, #tpu.memory_space<hbm>>
    %dma_wait3A_89 = tpu.memref_slice %arg16[%dma_wait3A_81] : memref<4x!tpu.dma_semaphore, #tpu.memory_space<semaphore_mem>> -> memref<1x!tpu.dma_semaphore, #tpu.memory_space<semaphore_mem>>
    %dma_wait3A_90 = tpu.memref_squeeze %dma_wait3A_89 : memref<1x!tpu.dma_semaphore, #tpu.memory_space<semaphore_mem>> -> memref<!tpu.dma_semaphore, #tpu.memory_space<semaphore_mem>>
    %dma_wait3A_91 = arith.constant 0 : i32
    %dma_wait3A_92 = arith.constant 0 : i32
    %dma_wait3A_93 = tpu.memref_slice %arg8[%dma_wait3A_91, %dma_wait3A_92] : memref<32768x768xf32, #tpu.memory_space<hbm>> -> memref<16x768xf32, #tpu.memory_space<hbm>>
    %dma_wait3A_94 = arith.constant 16 : i32
    %dma_wait3A_95 = arith.constant 0 : i32
    %dma_wait3A_96 = tpu.memref_slice %arg14[%dma_wait3A_80, %dma_wait3A_94, %dma_wait3A_95] : memref<4x32x768xf32, #tpu.memory_space<vmem>> -> memref<1x16x768xf32, #tpu.memory_space<vmem>>
    %dma_wait3A_97 = tpu.memref_squeeze %dma_wait3A_96 : memref<1x16x768xf32, #tpu.memory_space<vmem>> -> memref<16x768xf32, #tpu.memory_space<vmem>>
    tpu.wait_dma2 semaphore(%dma_wait3A_90 : memref<!tpu.dma_semaphore, #tpu.memory_space<semaphore_mem>>) src(%dma_wait3A_97 : memref<16x768xf32, #tpu.memory_space<vmem>>) dst(%dma_wait3A_93 : memref<16x768xf32, #tpu.memory_space<hbm>>)
    return
  }
}

</mosaic_0001>

<sc_bundles>
// kernel: kernel.3.cloned.1.call-start
scs
__scs_entry_jumppad:
0x0: {  	(pc) =	sbr.rel $0x88, $3  }
0x1: {  	(tag) =	ssettag $0x0;
	lr =	simm.s32 $0x1  }
0x2: {  	[smem:$0x3F9A] =	sst lr;
	_ =	strace $0xD0000000  }
0x3: {  	_ = 	snop  }
0x4: {  	_ = 	snop  }
0x5: {  	_ = 	snop  }
0x6: {  	_ = 	snop  }
0x7: {  	_ = 	snop  }
__scs_overlays_trampoline_lowered:
0x8: {  	[smem:$0x3FA9] =	sst s0  }
0x9: {  	[smem:$0x3FAA] =	sst s1  }
0xa: {  	[smem:$0x3FAB] =	sst s2  }
0xb: {  	[smem:$0x3FAC] =	sst s3  }
0xc: {  	[smem:$0x3FAD] =	sst s4  }
0xd: {  	[smem:$0x3FAE] =	sst s5  }
0xe: {  	[smem:$0x3FAF] =	sst s6  }
0xf: {  	[smem:$0x3FB0] =	sst s7  }
0x10: {  	[smem:$0x3FB1] =	sst s8  }
0x11: {  	[smem:$0x3FB2] =	sst s9;
	s0 =	simm.s32 @!p0 $0x0  }
0x12: {  	s1 =	sld [smem:$0x3F98];
	s0 =	simm.s32 @p0 $0x1  }
0x13: {  	[smem:$0x3FB3] =	sst s0;
	s0 =	simm.s32 @!p1 $0x0  }
0x14: {  	s2 =	sld [smem:$0x3F97];
	s0 =	simm.s32 @p1 $0x1  }
0x15: {  	[smem:$0x3FB4] =	sst s0;
	s0 =	simm.s32 @!p2 $0x0  }
0x16: {  	s3 =	sld [smem:$0x3FDB];
	s0 =	simm.s32 @p2 $0x1  }
0x17: {  	s4 =	simm.s32 $0x1BF5;
	[smem:$0x3FB6] =	sst s0  }
0x18: {  	s0 =	sld [smem:$0x3F99];
	_ =	swait.ge [sflag:s4], $0x0  }
0x19: {  	s7 =	sld [smem:$0x3F9A]  }
0x1a: {  	s8 =	sadd.s32 $0xFFFFE003, lr  }
0x1b: {  	s9 =	sadd.s32 $0xFFFFFEF7, lr;
	s5 =	simm.s32 $0xFFFFFFFF;
	p2 =	slt.u32 s8, $0xFFFFF086  }
0x1c: {  	p1 =	slt.u32 s9, $0xF7A;
	s5 =	simm.s32 @!p2 $0x0  }
0x1d: {  	s5 =	simm.s32 @p1 $0x1;
	p0 =	seq.s32 s7, s2  }
0x1e: {  	s7 =	smul.u32 @!p0 $0xF7A, s2;
	p2 =	seq.s32 @!p0 s5, $0x0  }
0x1f: {  	s9 =	smul.u32 $0xF7A, s1;
	s8 =	simm.s32 @!p0 $0x1BF5;
	p2 =	por !p2, p0  }
0x20: {  	[sflag:s8] =	ssyncset.s32 @!p0 $0xFFFFF086;
	s6 =	sadd.s32 @!p0 s3, s7;
	s7 =	simm.s32 @!p0 $0x108  }
0x21: {  	s3 =	sadd.s32 s3, s9;
	s6 =	sadd.s32 @!p0 $0x88, s6;
	s7 =	simm.s32 @p2 $0x1082  }
0x22: {  	[simem:s7], [sflag:s8] =	dma.local @!p0 [hbm:s6], $0xF7A  }
0x23: {  	s9 =	sor.u32 $0xD0000000, s2;
	s6 =	simm.s32 $0x108;
	_ =	swait.ge @!p0 [sflag:s8], $0x0  }
0x24: {  	s3 =	sadd.s32 $0x88, s3;
	s6 =	simm.s32 @!p1 $0x1082;
	[sflag:s4] =	ssyncset.s32 $0xFFFFF086  }
0x25: {  	[simem:s6], [sflag:s4] =	dma.local [hbm:s3], $0xF7A  }
0x26: {  	[smem:$0x3F9A] =	sst s1;
	(tag) =	ssettag s2;
	_ =	strace s9  }
0x27: {  	s1 =	sld [smem:$0x3FAA]  }
0x28: {  	s2 =	sld [smem:$0x3FAB]  }
0x29: {  	s4 =	sld [smem:$0x3FAD]  }
0x2a: {  	p0 =	seq.s32 s5, $0x0;
	s5 =	sld [smem:$0x3FAE]  }
0x2b: {  	s6 =	sld [smem:$0x3FAF]  }
0x2c: {  	s7 =	sld [smem:$0x3FB0]  }
0x2d: {  	s3 =	simm.s32 $0x108;
	s8 =	sld [smem:$0x3FB1]  }
0x2e: {  	s3 =	simm.s32 @!p0 $0x1082;
	s9 =	sld [smem:$0x3FB2]  }
0x2f: {  	lr =	sadd.s32 s0, s3;
	s0 =	sld [smem:$0x3FA9]  }
0x30: {  	s3 =	sld [smem:$0x3FAC]  }
0x31: {  	[smem:$0x3FB5] =	sst s10  }
0x32: {  	s10 =	sld [smem:$0x3FB3];
	_ =	sdelay $0x3  }
0x33: {  	p0 =	seq.s32 s10, $0x1;
	s10 =	sld [smem:$0x3FB5];
	_ =	sdelay $0x3  }
0x34: {  	[smem:$0x3FB5] =	sst s10  }
0x35: {  	s10 =	sld [smem:$0x3FB4];
	_ =	sdelay $0x3  }
0x36: {  	p1 =	seq.s32 s10, $0x1;
	s10 =	sld [smem:$0x3FB5];
	_ =	sdelay $0x3  }
0x37: {  	[smem:$0x3FB5] =	sst s10  }
0x38: {  	s10 =	sld [smem:$0x3FB6]  }
0x39: {  	_ = 	snop;
	(pc) =	sbr.ind lr, $3  }
0x3a: {  	_ = 	snop  }
0x3b: {  	_ = 	snop  }
0x3c: {  	p2 =	seq.s32 s10, $0x1;
	s10 =	sld [smem:$0x3FB5]  }
0x3d: {  	_ =	shalt  }
0x3e: {  	_ =	shalt  }
0x3f: {  	_ =	shalt  }
0x40: {  	_ =	shalt  }
0x41: {  	_ =	shalt  }
0x42: {  	_ =	shalt  }
0x43: {  	_ =	shalt  }
0x44: {  	_ =	shalt  }
0x45: {  	_ =	shalt  }
0x46: {  	_ =	shalt  }
0x47: {  	_ =	shalt  }
0x48: {  	_ =	shalt  }
0x49: {  	_ =	shalt  }
0x4a: {  	_ =	shalt  }
0x4b: {  	_ =	shalt  }
0x4c: {  	_ =	shalt  }
0x4d: {  	_ =	shalt  }
0x4e: {  	_ =	shalt  }
0x4f: {  	_ =	shalt  }
0x50: {  	_ =	shalt  }
0x51: {  	_ =	shalt  }
0x52: {  	_ =	shalt  }
0x53: {  	_ =	shalt  }
0x54: {  	_ =	shalt  }
0x55: {  	_ =	shalt  }
0x56: {  	_ =	shalt  }
0x57: {  	_ =	shalt  }
0x58: {  	_ =	shalt  }
0x59: {  	_ =	shalt  }
0x5a: {  	_ =	shalt  }
0x5b: {  	_ =	shalt  }
0x5c: {  	_ =	shalt  }
0x5d: {  	_ =	shalt  }
0x5e: {  	_ =	shalt  }
0x5f: {  	_ =	shalt  }
0x60: {  	_ =	shalt  }
0x61: {  	_ =	shalt  }
0x62: {  	_ =	shalt  }
0x63: {  	_ =	shalt  }
0x64: {  	_ =	shalt  }
0x65: {  	_ =	shalt  }
0x66: {  	_ =	shalt  }
0x67: {  	_ =	shalt  }
0x68: {  	_ =	shalt  }
0x69: {  	_ =	shalt  }
0x6a: {  	_ =	shalt  }
0x6b: {  	_ =	shalt  }
0x6c: {  	_ =	shalt  }
0x6d: {  	_ =	shalt  }
0x6e: {  	_ =	shalt  }
0x6f: {  	_ =	shalt  }
0x70: {  	_ =	shalt  }
0x71: {  	_ =	shalt  }
0x72: {  	_ =	shalt  }
0x73: {  	_ =	shalt  }
0x74: {  	_ =	shalt  }
0x75: {  	_ =	shalt  }
0x76: {  	_ =	shalt  }
0x77: {  	_ =	shalt  }
0x78: {  	_ =	shalt  }
0x79: {  	_ =	shalt  }
0x7a: {  	_ =	shalt  }
0x7b: {  	_ =	shalt  }
0x7c: {  	_ =	shalt  }
0x7d: {  	_ =	shalt  }
0x7e: {  	_ =	shalt  }
0x7f: {  	_ =	shalt  }
0x80: {  	_ =	shalt  }
0x81: {  	_ =	shalt  }
0x82: {  	_ =	shalt  }
0x83: {  	_ =	shalt  }
0x84: {  	_ =	shalt  }
0x85: {  	_ =	shalt  }
0x86: {  	_ =	shalt  }
0x87: {  	_ =	shalt  }
.Lfunc_end0:
.L_simem_size_0:
called_computation_lowered:
.L_overlay_start_0:
0x88: {  	s2 =	sld [smem:$0x3FD9]  }
0x89: {  	s3 =	sld [smem:$0x3FFE];
	_ =	sdelay $0x1  }
0x8a: {  	s1 =	srdreg.scid  }
0x8b: {  	s0 =	sand.u32 $0x1, s1  }
0x8c: {  	s17 =	sshll.u32 s0, $0xA;
	s2 =	sadd.s32 s3, s2  }
0x8d: {  	s2 =	sadd.s32 s2, s17  }
0x8e: {  	[smem:$0x3FC1] =	sst s2  }
0x8f: {  	_ = 	snop  }
0x90: {  	s2 =	sld [smem:$0x3FC7]  }
0x91: {  	s18 =	sld [smem:$0x3FC4]  }
0x92: {  	s4 =	sld [smem:$0x3FC3]  }
0x93: {  	s5 =	sld [smem:$0x3FD0];
	(tm) =	ssettm $0x1  }
0x94: {  	s6 =	sld [smem:$0x3FFB];
	_ =	sdelay $0x3  }
0x95: {  	_ =	strace s6  }
0x96: {  	s6 =	sld [smem:$0x3FFC];
	_ =	sdelay $0x3  }
0x97: {  	_ =	strace s6  }
0x98: {  	s6 =	sld [smem:$0x3FFD];
	_ =	sdelay $0x3  }
0x99: {  	_ =	strace s6  }
0x9a: {  	_ =	strace $0x8FFFFFFF  }
0x9b: {  	s19 =	sld [smem:$0x3FDB];
	_ =	sdelay $0x1  }
0x9c: {  	s7 =	simm.s32 $_scs_section_size  }
0x9d: {  	s8 =	simm.s32 $_size__tile_overlayer_lowered;
	s9 =	simm.s32 $_tile_overlayer_lowered  }
0x9e: {  	s22 =	simm.s32 $0x1BFF;
	s21 =	sshll.u32 s9, $0x1;
	s6 =	sadd.s32 s7, s19  }
0x9f: {  	s10 =	simm.s32 $0x0;
	s20 =	sshll.u32 s8, $0x1;
	s8 =	sadd.s32 s21, s6  }
0xa0: {  	[timem:s10], [sflag:s22] =	dma.local [hbm:s8], s20  }
0xa1: {  	_ =	swait.ge [sflag:s22], s20  }
0xa2: {  	s7 =	ssub.s32 $0x0, s20;
	[sflag:s22] =	ssyncset.done $0x0  }
0xa3: {  	[sflag:s22] =	ssyncadd.s32 s7;
	_ =	sdelay $0x1  }
0xa4: {  	s23 =	simm.s32 $0x1B8B  }
0xa5: {  	_ =	swait.ge [sflag:s23], $0x1  }
0xa6: {  	[sflag:s23] =	ssyncset.done $0x0  }
0xa7: {  	s25 =	simm.s32 $0x1B8E;
	s24 =	sld [smem:$0x3FFE];
	[sflag:s23] =	ssyncadd.s32 $0xFFFFFFFF  }
0xa8: {  	s26 =	simm.s32 $execute0_lowered;
	[smem:$0x3FD2] =	sst s25  }
0xa9: {  	s8 =	sshll.u32 s26, $0x1;
	_ =	strace $0x80000046;
	[dreg:$0x1] =	wrdreg $0xFFFFFFFF  }
0xaa: {  	s28 =	simm.s32 $_size_execute0_lowered;
	s6 =	sadd.s32 s6, s8;
	[dreg:$0x0] =	wrdreg $0x0  }
0xab: {  	s8 =	sshll.u32 s28, $0x1;
	[dreg:$0x2] =	wrdreg s6  }
0xac: {  	[dreg:$0x3] =	wrdreg s8  }
0xad: {  	[dreg:$0x4] =	wrdreg $0xC0  }
0xae: {  	_ =	task [dreg:s10], $0x5FFFF  }
0xaf: {  	[dreg:$0x1] =	wrdreg $0xFFFFFFFF  }
0xb0: {  	[dreg:$0x0] =	wrdreg $0x60  }
0xb1: {  	[dreg:$0x2] =	wrdreg s24  }
0xb2: {  	[dreg:$0x3] =	wrdreg s2  }
0xb3: {  	[dreg:$0x4] =	wrdreg s18  }
0xb4: {  	[dreg:$0x5] =	wrdreg s4  }
0xb5: {  	[dreg:$0x6] =	wrdreg s5  }
0xb6: {  	[dreg:$0x7] =	wrdreg $0x9  }
0xb7: {  	_ =	task.clear_ibuf [dreg:s10], $0x8FFFF;
	_ =	strace $0x90000046  }
0xb8: {  	s29 =	simm.s32 $0x9;
	_ =	strace $0x80000048  }
0xb9: {  	_ =	swait.ge [sflag:s29], $0x1  }
0xba: {  	[sflag:s29] =	ssyncadd.s32 $0xFFFFFFFF  }
0xbb: {  	_ =	strace $0x90000048  }
0xbc: {  	_ =	sfence  }
0xbd: {  	s30 =	sld [smem:$0x0];
	_ =	sdelay $0x2  }
0xbe: {  	s31 =	sshll.u32 s1, $0xD;
	s1 =	sshrl.u32 s1, $0x2  }
0xbf: {  	s3 =	sand.u32 $0x4000, s31;
	s1 =	sadd.s32 s1, s30  }
0xc0: {  	s0 =	sor.u32 s3, s0;
	s1 =	sshll.u32 s1, $0x11  }
0xc1: {  	s0 =	sor.u32 s1, s0  }
0xc2: {  	s0 =	sadd.s32 $0x8F2B, s0  }
0xc3: {  	[sflag:s0] =	ssyncadd.remote.s32 $0x1  }
0xc4: {  	_ =	sfence.sel $0xFFFF  }
0xc5: {  	[dreg:$0x0] =	wrdreg $0xFFFFFFFF;
	(pc) =	sbr.abs _section_cstart, $3  }
0xc6: {  	[dreg:$0x1] =	wrdreg $0xFFFFFFFF  }
0xc7: {  	_ =	task.clear_ibuf [dreg:s10], $0x2FFFF;
	_ =	strace $0x9FFFFFFF  }
0xc8: {  	(tm) =	ssettm $0x7FFFFFFF  }
0xc9: {  	_ =	shalt  }
tec
execute0_lowered:
.L_overlay_start_1:
0x0: {  	(tag) =	ssettag $0x1  }
0x1: {  	v0 =	vimm.s32 $0xEFCDAB89  }
0x2: {  	v1 =	vimm.s32 $0x67452301;
	v2 =	vimm.s32 $0xDCFE98BA;
	v3 =	vimm.s32 $0x54761032  }
0x3: {  	s0 =	rddreg [dreg:$0x0];
	v8 =	vlaneseq.u32;
	v55 =	vimm.s32 $0xBA98FEDC;
	v5 =	vimm.s32 $0x32107654  }
0x4: {  	s1 =	rddreg [dreg:$0x1];
	v6 =	vimm.s32 $0xFEDCBA98;
	v0 =	vunpack.c.l.s4.s8 v0;
	v1 =	vunpack.c.l.s4.s8 v1  }
0x5: {  	s2 =	srdreg.scid;
	s4 =	stileid.u32;
	v56 =	vimm.s32 $0x76543210;
	v2 =	vunpack.c.l.s4.s8 v2;
	v3 =	vunpack.c.l.s4.s8 v3  }
0x6: {  	s5 =	rddreg [dreg:$0x4];
	s2 =	sand.u32 $0x1, s2;
	s3 =	sshll.u32 s4, $0x1;
	v4 =	vshrl.u32 v8, $0x3;
	v0 =	vunpack.c.0.s8.s32 v0;
	v1 =	vunpack.c.0.s8.s32 v1  }
0x7: {  	s6 =	simm.s32 $0x0;
	s17 =	simm.s32 $0x9;
	v5 =	vunpack.c.l.s4.s8 v5;
	s3 =	sor.u32 s2, s3;
	v2 =	vunpack.c.0.s8.s32 v2;
	v3 =	vunpack.c.0.s8.s32 v3  }
0x8: {  	s4 =	sshll.u32 s4, $0x8;
	v6 =	vunpack.c.l.s4.s8 v6;
	v7 =	vand.u32 $0x7, v8;
	s2 =	ssub.s32 $0x2, s2;
	s7 =	sshll.u32 s3, $0x4;
	v0 =	vcombine.low v1, v0  }
0x9: {  	[smem:$0x7FF] =	sst s6;
	s28 =	sshrl.u32 s2, $0x1;
	s4 =	sor.u32 s4, s7;
	v1 =	vunpack.c.l.s4.s8 v55;
	v2 =	vcombine.low v3, v2;
	v3 =	vunpack.c.l.s4.s8 v56  }
0xa: {  	v58 =	vor.u32 $0x8, v8;
	_ =	strace $0x80000047;
	[tilespmem:$0x1FF90] =	vst v7;
	v4 =	vmul.u32 $0x8, v4;
	v57 =	vunpack.c.0.s8.s32 v6;
	s2 =	ssub.s32 s2, s28;
	s4 =	sand.u32 $0xC70, s4  }
0xb: {  	[tilespmem:$0x1FFB0] =	vst v58;
	s26 =	smul.u32 $0x600, s3;
	v5 =	vunpack.c.0.s8.s32 v5;
	s31 =	smax.u32 s2, $0x1;
	s4 =	sadd.s32 s4, s0;
	v1 =	vunpack.c.0.s8.s32 v1;
	v3 =	vunpack.c.0.s8.s32 v3  }
0xc: {  	s20 =	simm.s32 $0x0;
	[tilespmem:$0x1FFA0] =	vst v4;
	v59 =	vand.u32 $0xF, v57;
	[dreg:$0xa] =	wrdreg s31;
	s29 =	sadd.s32 $0x800, s4;
	v62 =	vand.u32 $0xF, v0  }
0xd: {  	s0 =	sadd.s32 s26, s0;
	s4 =	sadd.s32 $0x1800, s4;
	v63 =	vand.u32 $0xF, v2;
	[dreg:$0x6] =	wrdreg s29;
	[tilespmem:$0x1FFD0] =	vst v62;
	v1 =	vcombine.low v5, v1;
	v13 =	vcombine.low v59, v3  }
0xe: {  	s12 =	sadd.s32 $0x100, s1;
	s30 =	sadd.s32 $0x2800, s0;
	[dreg:$0x7] =	wrdreg s4;
	[tilespmem:$0x1FFE0] =	vst v63  }
0xf: {  	s13 =	sadd.s32 $0x200, s1;
	s0 =	sadd.s32 $0xE800, s0;
	[dreg:$0x8] =	wrdreg s30;
	v43 =	vand.u32 $0xF, v1;
	[tilespmem:$0x1FFC0] =	vst v13  }
0x10: {  	vm0 =	vmmov $0xffff;
	s14 =	sadd.s32 $0xC000, s5;
	s9 =	sshll.u32 s3, $0x1;
	[dreg:$0x9] =	wrdreg s0;
	[tilespmem:$0x1FFF0] =	vst v43  }
.LBB2_1:
0x11: {  	s21 =	simm.s32 $0x400;
	s0 =	rddreg [dreg:$0x6];
	s2 =	simm.s32 $0x80  }
0x12: {  	[tilespmem:s6], [sflag:$0x9] =	stream.strided.gather [hbm4b:s0+s2], $0x400, s21, s2, $0x38;
	[tilespmem:$0x1EE00] =	vst v63  }
0x13: {  	_ =	swait.ge [sflag:s17], $0x400  }
0x14: {  	[sflag:s17] =	ssyncset.done $0x0  }
0x15: {  	s7 =	rddreg [dreg:$0x7];
	[sflag:s17] =	ssyncadd.s32 $0xFFFFFC00  }
0x16: {  	[tilespmem:s21], [sflag:$0x9] =	stream.strided.gather [hbm4b:s7+s2], $0x400, s21, s2, $0x38;
	[tilespmem:$0x1EE00] =	vst v63  }
0x17: {  	_ =	swait.ge [sflag:s17], $0x400  }
0x18: {  	[sflag:s17] =	ssyncset.done $0x0  }
0x19: {  	s10 =	simm.s32 $0x800;
	s8 =	rddreg [dreg:$0x8];
	[sflag:s17] =	ssyncadd.s32 $0xFFFFFC00  }
0x1a: {  	[tilespmem:s10], [sflag:$0x9] =	stream.linear.gather [hbm4b:s8+s6], $0x3000, $0x38;
	[tilespmem:$0x1EE00] =	vst v63  }
0x1b: {  	_ =	swait.ge [sflag:s17], $0x3000  }
0x1c: {  	[sflag:s17] =	ssyncset.done $0x0  }
0x1d: {  	s15 =	simm.s32 $0x3800;
	s11 =	rddreg [dreg:$0x9];
	[sflag:s17] =	ssyncadd.s32 $0xFFFFD000  }
0x1e: {  	[tilespmem:s15], [sflag:$0x9] =	stream.linear.gather [hbm4b:s11+s6], $0x3000, $0x38;
	[tilespmem:$0x1EE00] =	vst v63  }
0x1f: {  	_ =	swait.ge [sflag:s17], $0x3000  }
0x20: {  	[sflag:s17] =	ssyncset.done $0x0  }
0x21: {  	[sflag:s17] =	ssyncadd.s32 $0xFFFFD000  }
0x22: {  	s18 =	simm.s32 $0x6800;
	s16 =	rddreg [dreg:$0x2]  }
0x23: {  	[tilespmem:s18], [sflag:$0x9] =	stream.linear.gather [hbm4b:s16+s6], $0x300, $0x38;
	[tilespmem:$0x1EE00] =	vst v63  }
0x24: {  	_ =	swait.ge [sflag:s17], $0x300  }
0x25: {  	[sflag:s17] =	ssyncset.done $0x0  }
0x26: {  	[sflag:s17] =	ssyncadd.s32 $0xFFFFFD00  }
0x27: {  	s22 =	simm.s32 $0x6B00;
	s19 =	rddreg [dreg:$0x3]  }
0x28: {  	[tilespmem:s22], [sflag:$0x9] =	stream.linear.gather [hbm4b:s19+s6], $0x300, $0x38;
	[tilespmem:$0x1EE00] =	vst v63  }
0x29: {  	_ =	swait.ge [sflag:s17], $0x300  }
0x2a: {  	[sflag:s17] =	ssyncset.done $0x0  }
0x2b: {  	[sflag:s17] =	ssyncadd.s32 $0xFFFFFD00  }
0x2c: {  	v0 =	vld [tilespmem:$0x0];
	_ =	sdelay $0x3  }
0x2d: {  	v2 =	vld [tilespmem:$0x1FF90]  }
0x2e: {  	v1 =	vshrl.u32 v0, $0x3  }
0x2f: {  	v3 =	vld [tilespmem:$0x1FFA0];
	v1 =	vmul.u32 $0x30, v1  }
0x30: {  	v0 =	vand.u32 $0x7, v0  }
0x31: {  	v0 =	vor.u32 v0, v1  }
0x32: {  	v1 =	vperm.xlane v0, v2  }
0x33: {  	v4 =	vld [tilespmem:$0x1FFB0]  }
0x34: {  	v1 =	vadd.s32 v3, v1;
	_ =	sdelay $0x3  }
0x35: {  	s23 =	simm.s32 $0x6E00;
	v0 =	vperm.xlane v0, v4  }
0x36: {  	[tilespmem:s23], [sflag:$0x1] =	stream.indirect_vreg.gather [hbm4b:s1+s6], $0x80, v1, vm0, $0xb8;
	[tilespmem:$0x1EE00] =	vst v63  }
0x37: {  	s24 =	simm.s32 $0x7600;
	v0 =	vadd.s32 v3, v0  }
0x38: {  	[tilespmem:s24], [sflag:$0x1] =	stream.indirect_vreg.gather [hbm4b:s12+s6], $0x80, v1, vm0, $0xb8;
	[tilespmem:$0x1EE00] =	vst v63  }
0x39: {  	s25 =	simm.s32 $0x7E00  }
0x3a: {  	[tilespmem:s25], [sflag:$0x1] =	stream.indirect_vreg.gather [hbm4b:s13+s6], $0x80, v1, vm0, $0xb8;
	[tilespmem:$0x1EE00] =	vst v63  }
0x3b: {  	s26 =	simm.s32 $0x8600  }
0x3c: {  	[tilespmem:s26], [sflag:$0x1] =	stream.indirect_vreg.gather [hbm4b:s1+s6], $0x80, v0, vm0, $0xb8;
	[tilespmem:$0x1EE00] =	vst v63  }
0x3d: {  	s28 =	simm.s32 $0x8E00  }
0x3e: {  	[tilespmem:s28], [sflag:$0x1] =	stream.indirect_vreg.gather [hbm4b:s12+s6], $0x80, v0, vm0, $0xb8;
	[tilespmem:$0x1EE00] =	vst v63  }
0x3f: {  	s29 =	simm.s32 $0x9600  }
0x40: {  	[tilespmem:s29], [sflag:$0x1] =	stream.indirect_vreg.gather [hbm4b:s13+s6], $0x80, v0, vm0, $0xb8;
	[tilespmem:$0x1EE00] =	vst v63  }
0x41: {  	v0 =	vld [tilespmem:$0x10];
	_ =	sdelay $0x4  }
0x42: {  	v55 =	vshrl.u32 v0, $0x3  }
0x43: {  	v1 =	vmul.u32 $0x30, v55  }
0x44: {  	v0 =	vand.u32 $0x7, v0  }
0x45: {  	v0 =	vor.u32 v0, v1  }
0x46: {  	v1 =	vperm.xlane v0, v2;
	_ =	sdelay $0x1  }
0x47: {  	v1 =	vadd.s32 v3, v1;
	_ =	sdelay $0x3  }
0x48: {  	s30 =	simm.s32 $0x9E00;
	v0 =	vperm.xlane v0, v4  }
0x49: {  	[tilespmem:s30], [sflag:$0x1] =	stream.indirect_vreg.gather [hbm4b:s1+s6], $0x80, v1, vm0, $0xb8;
	[tilespmem:$0x1EE00] =	vst v63  }
0x4a: {  	s31 =	simm.s32 $0xA600;
	v0 =	vadd.s32 v3, v0  }
0x4b: {  	[tilespmem:s31], [sflag:$0x1] =	stream.indirect_vreg.gather [hbm4b:s12+s6], $0x80, v1, vm0, $0xb8;
	[tilespmem:$0x1EE00] =	vst v63  }
0x4c: {  	s2 =	simm.s32 $0xAE00  }
0x4d: {  	[tilespmem:s2], [sflag:$0x1] =	stream.indirect_vreg.gather [hbm4b:s13+s6], $0x80, v1, vm0, $0xb8;
	[tilespmem:$0x1EE00] =	vst v63  }
0x4e: {  	s3 =	simm.s32 $0xB600  }
0x4f: {  	[tilespmem:s3], [sflag:$0x1] =	stream.indirect_vreg.gather [hbm4b:s1+s6], $0x80, v0, vm0, $0xb8;
	[tilespmem:$0x1EE00] =	vst v63  }
0x50: {  	s4 =	simm.s32 $0xBE00  }
0x51: {  	[tilespmem:s4], [sflag:$0x1] =	stream.indirect_vreg.gather [hbm4b:s12+s6], $0x80, v0, vm0, $0xb8;
	[tilespmem:$0x1EE00] =	vst v63  }
0x52: {  	s7 =	simm.s32 $0xC600  }
0x53: {  	[tilespmem:s7], [sflag:$0x1] =	stream.indirect_vreg.gather [hbm4b:s13+s6], $0x80, v0, vm0, $0xb8;
	[tilespmem:$0x1EE00] =	vst v63  }
0x54: {  	v0 =	vld [tilespmem:$0x20];
	_ =	sdelay $0x4  }
0x55: {  	v56 =	vshrl.u32 v0, $0x3  }
0x56: {  	v1 =	vmul.u32 $0x30, v56  }
0x57: {  	v0 =	vand.u32 $0x7, v0  }
0x58: {  	v0 =	vor.u32 v0, v1  }
0x59: {  	v1 =	vperm.xlane v0, v2;
	_ =	sdelay $0x1  }
0x5a: {  	v1 =	vadd.s32 v3, v1;
	_ =	sdelay $0x3  }
0x5b: {  	s8 =	simm.s32 $0xCE00;
	v0 =	vperm.xlane v0, v4  }
0x5c: {  	[tilespmem:s8], [sflag:$0x2] =	stream.indirect_vreg.gather [hbm4b:s1+s6], $0x80, v1, vm0, $0xb8;
	[tilespmem:$0x1EE00] =	vst v63  }
0x5d: {  	s10 =	simm.s32 $0xD600;
	v0 =	vadd.s32 v3, v0  }
0x5e: {  	[tilespmem:s10], [sflag:$0x2] =	stream.indirect_vreg.gather [hbm4b:s12+s6], $0x80, v1, vm0, $0xb8;
	[tilespmem:$0x1EE00] =	vst v63  }
0x5f: {  	s11 =	simm.s32 $0xDE00  }
0x60: {  	[tilespmem:s11], [sflag:$0x2] =	stream.indirect_vreg.gather [hbm4b:s13+s6], $0x80, v1, vm0, $0xb8;
	[tilespmem:$0x1EE00] =	vst v63  }
0x61: {  	s15 =	simm.s32 $0xE600  }
0x62: {  	[tilespmem:s15], [sflag:$0x2] =	stream.indirect_vreg.gather [hbm4b:s1+s6], $0x80, v0, vm0, $0xb8;
	[tilespmem:$0x1EE00] =	vst v63  }
0x63: {  	s16 =	simm.s32 $0xEE00  }
0x64: {  	[tilespmem:s16], [sflag:$0x2] =	stream.indirect_vreg.gather [hbm4b:s12+s6], $0x80, v0, vm0, $0xb8;
	[tilespmem:$0x1EE00] =	vst v63  }
0x65: {  	s18 =	simm.s32 $0xF600  }
0x66: {  	[tilespmem:s18], [sflag:$0x2] =	stream.indirect_vreg.gather [hbm4b:s13+s6], $0x80, v0, vm0, $0xb8;
	[tilespmem:$0x1EE00] =	vst v63  }
0x67: {  	v0 =	vld [tilespmem:$0x30];
	_ =	sdelay $0x4  }
0x68: {  	v57 =	vshrl.u32 v0, $0x3  }
0x69: {  	v1 =	vmul.u32 $0x30, v57  }
0x6a: {  	v0 =	vand.u32 $0x7, v0  }
0x6b: {  	v0 =	vor.u32 v0, v1  }
0x6c: {  	v1 =	vperm.xlane v0, v2;
	_ =	sdelay $0x1  }
0x6d: {  	v1 =	vadd.s32 v3, v1;
	_ =	sdelay $0x3  }
0x6e: {  	s19 =	simm.s32 $0xFE00;
	v0 =	vperm.xlane v0, v4  }
0x6f: {  	[tilespmem:s19], [sflag:$0x2] =	stream.indirect_vreg.gather [hbm4b:s1+s6], $0x80, v1, vm0, $0xb8;
	[tilespmem:$0x1EE00] =	vst v63  }
0x70: {  	s22 =	simm.s32 $0x10600;
	v0 =	vadd.s32 v3, v0  }
0x71: {  	[tilespmem:s22], [sflag:$0x2] =	stream.indirect_vreg.gather [hbm4b:s12+s6], $0x80, v1, vm0, $0xb8;
	[tilespmem:$0x1EE00] =	vst v63  }
0x72: {  	s23 =	simm.s32 $0x10E00  }
0x73: {  	[tilespmem:s23], [sflag:$0x2] =	stream.indirect_vreg.gather [hbm4b:s13+s6], $0x80, v1, vm0, $0xb8;
	[tilespmem:$0x1EE00] =	vst v63  }
0x74: {  	s24 =	simm.s32 $0x11600  }
0x75: {  	[tilespmem:s24], [sflag:$0x2] =	stream.indirect_vreg.gather [hbm4b:s1+s6], $0x80, v0, vm0, $0xb8;
	[tilespmem:$0x1EE00] =	vst v63  }
0x76: {  	s25 =	simm.s32 $0x11E00  }
0x77: {  	[tilespmem:s25], [sflag:$0x2] =	stream.indirect_vreg.gather [hbm4b:s12+s6], $0x80, v0, vm0, $0xb8;
	[tilespmem:$0x1EE00] =	vst v63  }
0x78: {  	s26 =	simm.s32 $0x12600  }
0x79: {  	[tilespmem:s26], [sflag:$0x2] =	stream.indirect_vreg.gather [hbm4b:s13+s6], $0x80, v0, vm0, $0xb8;
	[tilespmem:$0x1EE00] =	vst v63  }
0x7a: {  	v0 =	vld [tilespmem:$0x40];
	_ =	sdelay $0x4  }
0x7b: {  	v58 =	vshrl.u32 v0, $0x3  }
0x7c: {  	v1 =	vmul.u32 $0x30, v58  }
0x7d: {  	v0 =	vand.u32 $0x7, v0  }
0x7e: {  	v0 =	vor.u32 v0, v1  }
0x7f: {  	v1 =	vperm.xlane v0, v2;
	_ =	sdelay $0x1  }
0x80: {  	v1 =	vadd.s32 v3, v1;
	_ =	sdelay $0x3  }
0x81: {  	s28 =	simm.s32 $0x12E00;
	v0 =	vperm.xlane v0, v4  }
0x82: {  	[tilespmem:s28], [sflag:$0x3] =	stream.indirect_vreg.gather [hbm4b:s1+s6], $0x80, v1, vm0, $0xb8;
	[tilespmem:$0x1EE00] =	vst v63  }
0x83: {  	s29 =	simm.s32 $0x13600;
	v0 =	vadd.s32 v3, v0  }
0x84: {  	[tilespmem:s29], [sflag:$0x3] =	stream.indirect_vreg.gather [hbm4b:s12+s6], $0x80, v1, vm0, $0xb8;
	[tilespmem:$0x1EE00] =	vst v63  }
0x85: {  	s30 =	simm.s32 $0x13E00  }
0x86: {  	[tilespmem:s30], [sflag:$0x3] =	stream.indirect_vreg.gather [hbm4b:s13+s6], $0x80, v1, vm0, $0xb8;
	[tilespmem:$0x1EE00] =	vst v63  }
0x87: {  	s31 =	simm.s32 $0x14600  }
0x88: {  	[tilespmem:s31], [sflag:$0x3] =	stream.indirect_vreg.gather [hbm4b:s1+s6], $0x80, v0, vm0, $0xb8;
	[tilespmem:$0x1EE00] =	vst v63  }
0x89: {  	s2 =	simm.s32 $0x14E00  }
0x8a: {  	[tilespmem:s2], [sflag:$0x3] =	stream.indirect_vreg.gather [hbm4b:s12+s6], $0x80, v0, vm0, $0xb8;
	[tilespmem:$0x1EE00] =	vst v63  }
0x8b: {  	s3 =	simm.s32 $0x15600  }
0x8c: {  	[tilespmem:s3], [sflag:$0x3] =	stream.indirect_vreg.gather [hbm4b:s13+s6], $0x80, v0, vm0, $0xb8;
	[tilespmem:$0x1EE00] =	vst v63  }
0x8d: {  	v0 =	vld [tilespmem:$0x50];
	_ =	sdelay $0x4  }
0x8e: {  	v59 =	vshrl.u32 v0, $0x3  }
0x8f: {  	v1 =	vmul.u32 $0x30, v59  }
0x90: {  	v0 =	vand.u32 $0x7, v0  }
0x91: {  	v0 =	vor.u32 v0, v1  }
0x92: {  	v1 =	vperm.xlane v0, v2;
	_ =	sdelay $0x1  }
0x93: {  	v1 =	vadd.s32 v3, v1;
	_ =	sdelay $0x3  }
0x94: {  	s4 =	simm.s32 $0x15E00;
	v0 =	vperm.xlane v0, v4  }
0x95: {  	[tilespmem:s4], [sflag:$0x3] =	stream.indirect_vreg.gather [hbm4b:s1+s6], $0x80, v1, vm0, $0xb8;
	[tilespmem:$0x1EE00] =	vst v63  }
0x96: {  	s7 =	simm.s32 $0x16600;
	v0 =	vadd.s32 v3, v0  }
0x97: {  	[tilespmem:s7], [sflag:$0x3] =	stream.indirect_vreg.gather [hbm4b:s12+s6], $0x80, v1, vm0, $0xb8;
	[tilespmem:$0x1EE00] =	vst v63  }
0x98: {  	s8 =	simm.s32 $0x16E00  }
0x99: {  	[tilespmem:s8], [sflag:$0x3] =	stream.indirect_vreg.gather [hbm4b:s13+s6], $0x80, v1, vm0, $0xb8;
	[tilespmem:$0x1EE00] =	vst v63  }
0x9a: {  	s10 =	simm.s32 $0x17600  }
0x9b: {  	[tilespmem:s10], [sflag:$0x3] =	stream.indirect_vreg.gather [hbm4b:s1+s6], $0x80, v0, vm0, $0xb8;
	[tilespmem:$0x1EE00] =	vst v63  }
0x9c: {  	s11 =	simm.s32 $0x17E00  }
0x9d: {  	[tilespmem:s11], [sflag:$0x3] =	stream.indirect_vreg.gather [hbm4b:s12+s6], $0x80, v0, vm0, $0xb8;
	[tilespmem:$0x1EE00] =	vst v63  }
0x9e: {  	s15 =	simm.s32 $0x18600  }
0x9f: {  	[tilespmem:s15], [sflag:$0x3] =	stream.indirect_vreg.gather [hbm4b:s13+s6], $0x80, v0, vm0, $0xb8;
	[tilespmem:$0x1EE00] =	vst v63  }
0xa0: {  	v0 =	vld [tilespmem:$0x60];
	_ =	sdelay $0x4  }
0xa1: {  	v60 =	vshrl.u32 v0, $0x3  }
0xa2: {  	v1 =	vmul.u32 $0x30, v60  }
0xa3: {  	v0 =	vand.u32 $0x7, v0  }
0xa4: {  	v0 =	vor.u32 v0, v1  }
0xa5: {  	v1 =	vperm.xlane v0, v2;
	_ =	sdelay $0x1  }
0xa6: {  	v1 =	vadd.s32 v3, v1;
	_ =	sdelay $0x3  }
0xa7: {  	s16 =	simm.s32 $0x18E00;
	v0 =	vperm.xlane v0, v4  }
0xa8: {  	[tilespmem:s16], [sflag:$0x4] =	stream.indirect_vreg.gather [hbm4b:s1+s6], $0x80, v1, vm0, $0xb8;
	[tilespmem:$0x1EE00] =	vst v63  }
0xa9: {  	s18 =	simm.s32 $0x19600;
	v0 =	vadd.s32 v3, v0  }
0xaa: {  	[tilespmem:s18], [sflag:$0x4] =	stream.indirect_vreg.gather [hbm4b:s12+s6], $0x80, v1, vm0, $0xb8;
	[tilespmem:$0x1EE00] =	vst v63  }
0xab: {  	s19 =	simm.s32 $0x19E00  }
0xac: {  	[tilespmem:s19], [sflag:$0x4] =	stream.indirect_vreg.gather [hbm4b:s13+s6], $0x80, v1, vm0, $0xb8;
	[tilespmem:$0x1EE00] =	vst v63  }
0xad: {  	s22 =	simm.s32 $0x1A600  }
0xae: {  	[tilespmem:s22], [sflag:$0x4] =	stream.indirect_vreg.gather [hbm4b:s1+s6], $0x80, v0, vm0, $0xb8;
	[tilespmem:$0x1EE00] =	vst v63  }
0xaf: {  	s23 =	simm.s32 $0x1AE00  }
0xb0: {  	[tilespmem:s23], [sflag:$0x4] =	stream.indirect_vreg.gather [hbm4b:s12+s6], $0x80, v0, vm0, $0xb8;
	[tilespmem:$0x1EE00] =	vst v63  }
0xb1: {  	s24 =	simm.s32 $0x1B600  }
0xb2: {  	[tilespmem:s24], [sflag:$0x4] =	stream.indirect_vreg.gather [hbm4b:s13+s6], $0x80, v0, vm0, $0xb8;
	[tilespmem:$0x1EE00] =	vst v63  }
0xb3: {  	v0 =	vld [tilespmem:$0x70];
	_ =	sdelay $0x4  }
0xb4: {  	v61 =	vshrl.u32 v0, $0x3  }
0xb5: {  	v1 =	vmul.u32 $0x30, v61  }
0xb6: {  	v0 =	vand.u32 $0x7, v0  }
0xb7: {  	v0 =	vor.u32 v0, v1  }
0xb8: {  	v1 =	vperm.xlane v0, v2;
	_ =	sdelay $0x1  }
0xb9: {  	v1 =	vadd.s32 v3, v1;
	_ =	sdelay $0x3  }
0xba: {  	s25 =	simm.s32 $0x1BE00;
	v0 =	vperm.xlane v0, v4  }
0xbb: {  	[tilespmem:s25], [sflag:$0x4] =	stream.indirect_vreg.gather [hbm4b:s1+s6], $0x80, v1, vm0, $0xb8;
	[tilespmem:$0x1EE00] =	vst v63  }
0xbc: {  	s26 =	simm.s32 $0x1C600;
	v0 =	vadd.s32 v3, v0  }
0xbd: {  	[tilespmem:s26], [sflag:$0x4] =	stream.indirect_vreg.gather [hbm4b:s12+s6], $0x80, v1, vm0, $0xb8;
	[tilespmem:$0x1EE00] =	vst v63  }
0xbe: {  	s28 =	simm.s32 $0x1CE00  }
0xbf: {  	[tilespmem:s28], [sflag:$0x4] =	stream.indirect_vreg.gather [hbm4b:s13+s6], $0x80, v1, vm0, $0xb8;
	[tilespmem:$0x1EE00] =	vst v63  }
0xc0: {  	s29 =	simm.s32 $0x1D600  }
0xc1: {  	[tilespmem:s29], [sflag:$0x4] =	stream.indirect_vreg.gather [hbm4b:s1+s6], $0x80, v0, vm0, $0xb8;
	[tilespmem:$0x1EE00] =	vst v63  }
0xc2: {  	s30 =	simm.s32 $0x1DE00  }
0xc3: {  	[tilespmem:s30], [sflag:$0x4] =	stream.indirect_vreg.gather [hbm4b:s12+s6], $0x80, v0, vm0, $0xb8;
	[tilespmem:$0x1EE00] =	vst v63  }
0xc4: {  	s31 =	simm.s32 $0x1E600;
	s22 =	simm.s32 $0x0  }
0xc5: {  	[tilespmem:s31], [sflag:$0x4] =	stream.indirect_vreg.gather [hbm4b:s13+s6], $0x80, v0, vm0, $0xb8;
	[tilespmem:$0x1EE00] =	vst v63  }
.LBB2_2:
0xc6: {  	s0 =	simm.s32 $0x0  }
0xc7: {  	s23 =	sand.u32 $0x3, s22;
	s2 =	sand.u32 $0xF, s0  }
0xc8: {  	s3 =	sadd.s32 $0x1, s23;
	s4 =	sshll.u32 s2, $0x2  }
0xc9: {  	_ =	swait.ge [sflag:s3], $0x6000;
	s4 =	ssub.s32 $0x0, s4  }
0xca: {  	[sflag:s3] =	ssyncset.done $0x0;
	s4 =	sshra.s32 s4, $0x2  }
0xcb: {  	[sflag:s3] =	ssyncadd.s32 $0xFFFFA000;
	s24 =	sadd.s32 s4, s21  }
0xcc: {  	v0 =	vld [tilespmem:s24+$0x0];
	_ =	sdelay $0x2  }
0xcd: {  	v1 =	vmov s2  }
0xce: {  	vm1 =	veq.s32 v1, v8  }
0xcf: {  	v0 =	vnsel vm1, $0x0, v0  }
0xd0: {  	v1 =	vperm.xlane v0, v62;
	_ =	sdelay $0x1  }
0xd1: {  	v0 =	vadd.s32 v1, v0  }
0xd2: {  	v1 =	vperm.xlane v0, v63;
	_ =	sdelay $0x1  }
0xd3: {  	v0 =	vadd.s32 v1, v0  }
0xd4: {  	v1 =	vperm.xlane v0, v43;
	_ =	sdelay $0x1  }
0xd5: {  	v0 =	vadd.s32 v1, v0  }
0xd6: {  	v1 =	vperm.xlane v0, v13;
	_ =	sdelay $0x1  }
0xd7: {  	v0 =	vadd.s32 v1, v0  }
0xd8: {  	(v2sf) =	vpush v0, $0x0;
	_ =	sdelay $0xe  }
0xd9: {  	s7 =	simm.s32 $0x0;
	s25 =	smul.u32 $0x18000, s23;
	s26 =	spop (v2sf)  }
0xda: {  	s7 =	smul.u32 $0x6000, s7;
	s2 =	sadd.s32 s2, s26  }
0xdb: {  	s24 =	sshrl.u32 s25, $0x2;
	s8 =	sshrl.u32 s2, $0x3  }
0xdc: {  	s10 =	sshra.s32 s7, $0x2;
	s25 =	sadd.s32 $0x6E00, s24;
	s3 =	smul.u32 $0x6000, s8  }
0xdd: {  	s0 =	sand.u32 $0x380, s0;
	s4 =	sadd.s32 s10, s25;
	s2 =	sshll.u32 s2, $0x7  }
0xde: {  	s29 =	sadd.s32 s0, s4;
	s11 =	sand.u32 $0x380, s2;
	s15 =	sshra.s32 s3, $0x2  }
0xdf: {  	v0 =	vld [tilespmem:s29+$0x0];
	s2 =	sor.u32 s11, s15  }
0xe0: {  	v1 =	vld [tilespmem:s2+$0x800];
	_ =	sdelay $0x4  }
0xe1: {  	v16 =	vadd.f32 v1, v0;
	_ =	sdelay $0x1  }
0xe2: {  	v0 =	vld [tilespmem:s29+$0x10];
	[tilespmem:s29+$0x0] =	vst v16  }
0xe3: {  	v1 =	vld [tilespmem:s2+$0x810];
	_ =	sdelay $0x4  }
0xe4: {  	v34 =	vadd.f32 v1, v0;
	_ =	sdelay $0x1  }
0xe5: {  	v0 =	vld [tilespmem:s29+$0x20];
	[tilespmem:s29+$0x10] =	vst v34  }
0xe6: {  	v1 =	vld [tilespmem:s2+$0x820];
	_ =	sdelay $0x4  }
0xe7: {  	v32 =	vadd.f32 v1, v0;
	_ =	sdelay $0x1  }
0xe8: {  	v0 =	vld [tilespmem:s29+$0x30];
	[tilespmem:s29+$0x20] =	vst v32  }
0xe9: {  	v1 =	vld [tilespmem:s2+$0x830];
	_ =	sdelay $0x4  }
0xea: {  	v18 =	vadd.f32 v1, v0;
	_ =	sdelay $0x1  }
0xeb: {  	v0 =	vld [tilespmem:s29+$0x40];
	[tilespmem:s29+$0x30] =	vst v18  }
0xec: {  	v1 =	vld [tilespmem:s2+$0x840];
	_ =	sdelay $0x4  }
0xed: {  	v30 =	vadd.f32 v1, v0;
	_ =	sdelay $0x1  }
0xee: {  	v0 =	vld [tilespmem:s29+$0x50];
	[tilespmem:s29+$0x40] =	vst v30  }
0xef: {  	v1 =	vld [tilespmem:s2+$0x850];
	_ =	sdelay $0x4  }
0xf0: {  	v31 =	vadd.f32 v1, v0;
	_ =	sdelay $0x1  }
0xf1: {  	v0 =	vld [tilespmem:s29+$0x60];
	[tilespmem:s29+$0x50] =	vst v31  }
0xf2: {  	v1 =	vld [tilespmem:s2+$0x860];
	_ =	sdelay $0x4  }
0xf3: {  	v27 =	vadd.f32 v1, v0;
	_ =	sdelay $0x1  }
0xf4: {  	v0 =	vld [tilespmem:s29+$0x70];
	[tilespmem:s29+$0x60] =	vst v27  }
0xf5: {  	v1 =	vld [tilespmem:s2+$0x870];
	_ =	sdelay $0x4  }
0xf6: {  	v19 =	vadd.f32 v1, v0;
	_ =	sdelay $0x1  }
0xf7: {  	v0 =	vld [tilespmem:s29+$0x400];
	[tilespmem:s29+$0x70] =	vst v19  }
0xf8: {  	v1 =	vld [tilespmem:s2+$0xC00];
	_ =	sdelay $0x4  }
0xf9: {  	v25 =	vadd.f32 v1, v0;
	_ =	sdelay $0x1  }
0xfa: {  	v0 =	vld [tilespmem:s29+$0x410];
	[tilespmem:s29+$0x400] =	vst v25  }
0xfb: {  	v1 =	vld [tilespmem:s2+$0xC10];
	_ =	sdelay $0x4  }
0xfc: {  	v26 =	vadd.f32 v1, v0;
	_ =	sdelay $0x1  }
0xfd: {  	v0 =	vld [tilespmem:s29+$0x420];
	[tilespmem:s29+$0x410] =	vst v26  }
0xfe: {  	v1 =	vld [tilespmem:s2+$0xC20];
	_ =	sdelay $0x4  }
0xff: {  	v24 =	vadd.f32 v1, v0;
	_ =	sdelay $0x1  }
0x100: {  	v0 =	vld [tilespmem:s29+$0x430];
	[tilespmem:s29+$0x420] =	vst v24  }
0x101: {  	v1 =	vld [tilespmem:s2+$0xC30];
	_ =	sdelay $0x4  }
0x102: {  	v20 =	vadd.f32 v1, v0;
	_ =	sdelay $0x1  }
0x103: {  	v0 =	vld [tilespmem:s29+$0x440];
	[tilespmem:s29+$0x430] =	vst v20  }
0x104: {  	v1 =	vld [tilespmem:s2+$0xC40];
	_ =	sdelay $0x4  }
0x105: {  	v21 =	vadd.f32 v1, v0;
	_ =	sdelay $0x1  }
0x106: {  	v0 =	vld [tilespmem:s29+$0x450];
	[tilespmem:s29+$0x440] =	vst v21  }
0x107: {  	v1 =	vld [tilespmem:s2+$0xC50];
	_ =	sdelay $0x4  }
0x108: {  	v22 =	vadd.f32 v1, v0;
	_ =	sdelay $0x1  }
0x109: {  	v0 =	vld [tilespmem:s29+$0x460];
	[tilespmem:s29+$0x450] =	vst v22  }
0x10a: {  	v1 =	vld [tilespmem:s2+$0xC60];
	_ =	sdelay $0x4  }
0x10b: {  	v17 =	vadd.f32 v1, v0;
	_ =	sdelay $0x1  }
0x10c: {  	v0 =	vld [tilespmem:s29+$0x470];
	[tilespmem:s29+$0x460] =	vst v17  }
0x10d: {  	v1 =	vld [tilespmem:s2+$0xC70];
	_ =	sdelay $0x4  }
0x10e: {  	v0 =	vadd.f32 v1, v0;
	_ =	sdelay $0x1  }
0x10f: {  	v1 =	vld [tilespmem:s29+$0x800];
	[tilespmem:s29+$0x470] =	vst v0  }
0x110: {  	v2 =	vld [tilespmem:s2+$0x1000];
	_ =	sdelay $0x4  }
0x111: {  	v5 =	vadd.f32 v2, v1;
	_ =	sdelay $0x1  }
0x112: {  	v1 =	vld [tilespmem:s29+$0x810];
	[tilespmem:s29+$0x800] =	vst v5  }
0x113: {  	v2 =	vld [tilespmem:s2+$0x1010];
	_ =	sdelay $0x4  }
0x114: {  	v6 =	vadd.f32 v2, v1;
	_ =	sdelay $0x1  }
0x115: {  	v1 =	vld [tilespmem:s29+$0x820];
	[tilespmem:s29+$0x810] =	vst v6  }
0x116: {  	v2 =	vld [tilespmem:s2+$0x1020];
	_ =	sdelay $0x4  }
0x117: {  	v4 =	vadd.f32 v2, v1;
	_ =	sdelay $0x1  }
0x118: {  	v1 =	vld [tilespmem:s29+$0x830];
	[tilespmem:s29+$0x820] =	vst v4  }
0x119: {  	v2 =	vld [tilespmem:s2+$0x1030];
	_ =	sdelay $0x4  }
0x11a: {  	v1 =	vadd.f32 v2, v1;
	_ =	sdelay $0x1  }
0x11b: {  	v2 =	vld [tilespmem:s29+$0x840];
	[tilespmem:s29+$0x830] =	vst v1  }
0x11c: {  	v3 =	vld [tilespmem:s2+$0x1040];
	_ =	sdelay $0x4  }
0x11d: {  	v2 =	vadd.f32 v3, v2;
	_ =	sdelay $0x1  }
0x11e: {  	v3 =	vld [tilespmem:s29+$0x850];
	[tilespmem:s29+$0x840] =	vst v2  }
0x11f: {  	v7 =	vld [tilespmem:s2+$0x1050];
	_ =	sdelay $0x4  }
0x120: {  	v3 =	vadd.f32 v7, v3;
	_ =	sdelay $0x1  }
0x121: {  	v7 =	vld [tilespmem:s29+$0x860];
	[tilespmem:s29+$0x850] =	vst v3  }
0x122: {  	s16 =	simm.s32 $0x1;
	v8 =	vld [tilespmem:s2+$0x1060]  }
0x123: {  	s0 =	sand.u32 $0xF, s16  }
0x124: {  	s18 =	sshll.u32 s0, $0x2  }
0x125: {  	s3 =	ssub.s32 $0x0, s18  }
0x126: {  	s26 =	sadd.s32 $0x1, s21;
	s19 =	sshra.s32 s3, $0x2  }
0x127: {  	s4 =	sadd.s32 s19, s26;
	v7 =	vadd.f32 v8, v7  }
0x128: {  	v9 =	vld [tilespmem:s4+$0x0]  }
0x129: {  	v8 =	vld [tilespmem:s29+$0x870];
	[tilespmem:s29+$0x860] =	vst v7  }
0x12a: {  	v10 =	vld [tilespmem:s2+$0x1070];
	_ =	sdelay $0x1  }
0x12b: {  	v12 =	vlaneseq.u32;
	v11 =	vmov s0  }
0x12c: {  	vm1 =	veq.s32 v11, v12  }
0x12d: {  	v9 =	vnsel vm1, $0x0, v9  }
0x12e: {  	v11 =	vperm.xlane v9, v62;
	v23 =	vadd.f32 v10, v8;
	_ =	sdelay $0x1  }
0x12f: {  	v9 =	vadd.s32 v11, v9;
	v8 =	vld [tilespmem:s29+$0xC00];
	[tilespmem:s29+$0x870] =	vst v23  }
0x130: {  	v10 =	vperm.xlane v9, v63;
	v11 =	vld [tilespmem:s2+$0x1400];
	_ =	sdelay $0x1  }
0x131: {  	v9 =	vadd.s32 v10, v9  }
0x132: {  	v10 =	vperm.xlane v9, v43;
	_ =	sdelay $0x1  }
0x133: {  	v9 =	vadd.s32 v10, v9;
	v28 =	vadd.f32 v11, v8  }
0x134: {  	v8 =	vperm.xlane v9, v13  }
0x135: {  	v10 =	vld [tilespmem:s29+$0xC10];
	[tilespmem:s29+$0xC00] =	vst v28  }
0x136: {  	v8 =	vadd.s32 v8, v9;
	v9 =	vld [tilespmem:s2+$0x1410]  }
0x137: {  	(v2sf) =	vpush v8, $0x0;
	_ =	sdelay $0x3  }
0x138: {  	v33 =	vadd.f32 v9, v10;
	_ =	sdelay $0x1  }
0x139: {  	v8 =	vld [tilespmem:s29+$0xC20];
	[tilespmem:s29+$0xC10] =	vst v33  }
0x13a: {  	v9 =	vld [tilespmem:s2+$0x1420];
	_ =	sdelay $0x4  }
0x13b: {  	v29 =	vadd.f32 v9, v8;
	_ =	sdelay $0x1  }
0x13c: {  	s7 =	simm.s32 $0x0;
	v8 =	vld [tilespmem:s29+$0xC30];
	[tilespmem:s29+$0xC20] =	vst v29  }
0x13d: {  	s4 =	smul.u32 $0x6000, s7;
	s8 =	spop (v2sf);
	v9 =	vld [tilespmem:s2+$0x1430]  }
0x13e: {  	s0 =	sadd.s32 s0, s8  }
0x13f: {  	s10 =	simm.s32 $0x80;
	s4 =	sshra.s32 s4, $0x2;
	s8 =	sshrl.u32 s0, $0x3  }
0x140: {  	s7 =	sand.u32 $0x380, s10;
	s4 =	sadd.s32 s4, s25;
	s8 =	smul.u32 $0x6000, s8  }
0x141: {  	s30 =	sadd.s32 s7, s4;
	s0 =	sshll.u32 s0, $0x7  }
0x142: {  	v10 =	vld [tilespmem:s30+$0x0];
	s0 =	sand.u32 $0x380, s0;
	s11 =	sshra.s32 s8, $0x2;
	v35 =	vadd.f32 v9, v8  }
0x143: {  	s0 =	sor.u32 s0, s11;
	v9 =	vld [tilespmem:s29+$0xC40]  }
0x144: {  	v8 =	vld [tilespmem:s0+$0x800];
	[tilespmem:s29+$0xC30] =	vst v35  }
0x145: {  	v11 =	vld [tilespmem:s2+$0x1440];
	_ =	sdelay $0x3  }
0x146: {  	v8 =	vadd.f32 v8, v10  }
0x147: {  	v10 =	vld [tilespmem:s30+$0x10];
	v36 =	vadd.f32 v11, v9  }
0x148: {  	[tilespmem:s30+$0x0] =	vst v8;
	v11 =	vld [tilespmem:s29+$0xC50]  }
0x149: {  	v9 =	vld [tilespmem:s0+$0x810];
	[tilespmem:s29+$0xC40] =	vst v36  }
0x14a: {  	v41 =	vld [tilespmem:s2+$0x1450];
	_ =	sdelay $0x3  }
0x14b: {  	v9 =	vadd.f32 v9, v10  }
0x14c: {  	v10 =	vld [tilespmem:s30+$0x20];
	v37 =	vadd.f32 v41, v11  }
0x14d: {  	[tilespmem:s30+$0x10] =	vst v9;
	v11 =	vld [tilespmem:s29+$0xC60]  }
0x14e: {  	v46 =	vld [tilespmem:s0+$0x820];
	[tilespmem:s29+$0xC50] =	vst v37  }
0x14f: {  	v47 =	vld [tilespmem:s2+$0x1460];
	_ =	sdelay $0x3  }
0x150: {  	v10 =	vadd.f32 v46, v10  }
0x151: {  	v49 =	vld [tilespmem:s29+$0xC70];
	v38 =	vadd.f32 v47, v11  }
0x152: {  	v48 =	vld [tilespmem:s30+$0x30];
	[tilespmem:s30+$0x20] =	vst v10  }
0x153: {  	v11 =	vld [tilespmem:s0+$0x830];
	[tilespmem:s29+$0xC60] =	vst v38  }
0x154: {  	v14 =	vld [tilespmem:s2+$0x1470];
	_ =	sdelay $0x3  }
0x155: {  	v11 =	vadd.f32 v11, v48  }
0x156: {  	v51 =	vld [tilespmem:s29+$0x1000];
	v39 =	vadd.f32 v14, v49  }
0x157: {  	v50 =	vld [tilespmem:s30+$0x40];
	[tilespmem:s30+$0x30] =	vst v11  }
0x158: {  	v54 =	vld [tilespmem:s0+$0x840];
	[tilespmem:s29+$0xC70] =	vst v39  }
0x159: {  	v15 =	vld [tilespmem:s2+$0x1800];
	_ =	sdelay $0x3  }
0x15a: {  	v12 =	vadd.f32 v54, v50  }
0x15b: {  	v55 =	vld [tilespmem:s30+$0x50];
	v40 =	vadd.f32 v15, v51  }
0x15c: {  	[tilespmem:s30+$0x40] =	vst v12;
	v15 =	vld [tilespmem:s29+$0x1010]  }
0x15d: {  	v56 =	vld [tilespmem:s0+$0x850];
	[tilespmem:s29+$0x1000] =	vst v40  }
0x15e: {  	v41 =	vld [tilespmem:s2+$0x1810];
	_ =	sdelay $0x3  }
0x15f: {  	v53 =	vmov v13;
	v13 =	vadd.f32 v56, v55  }
0x160: {  	v57 =	vld [tilespmem:s30+$0x60];
	v41 =	vadd.f32 v41, v15  }
0x161: {  	[tilespmem:s30+$0x50] =	vst v13;
	v15 =	vld [tilespmem:s29+$0x1020]  }
0x162: {  	v42 =	vld [tilespmem:s0+$0x860];
	[tilespmem:s29+$0x1010] =	vst v41  }
0x163: {  	v58 =	vld [tilespmem:s2+$0x1820];
	_ =	sdelay $0x3  }
0x164: {  	v14 =	vadd.f32 v42, v57  }
0x165: {  	v59 =	vld [tilespmem:s29+$0x1030];
	v42 =	vadd.f32 v58, v15  }
0x166: {  	v45 =	vld [tilespmem:s30+$0x70];
	[tilespmem:s30+$0x60] =	vst v14  }
0x167: {  	v15 =	vld [tilespmem:s0+$0x870];
	[tilespmem:s29+$0x1020] =	vst v42  }
0x168: {  	v46 =	vld [tilespmem:s2+$0x1830];
	_ =	sdelay $0x3  }
0x169: {  	v15 =	vadd.f32 v15, v45  }
0x16a: {  	v61 =	vld [tilespmem:s29+$0x1040];
	v54 =	vmov v43;
	v43 =	vadd.f32 v46, v59  }
0x16b: {  	v60 =	vld [tilespmem:s30+$0x400];
	[tilespmem:s30+$0x70] =	vst v15  }
0x16c: {  	v47 =	vld [tilespmem:s0+$0xC00];
	[tilespmem:s29+$0x1030] =	vst v43  }
0x16d: {  	v48 =	vld [tilespmem:s2+$0x1840];
	_ =	sdelay $0x1  }
0x16e: {  	v49 =	vadd.f32 $0.0e+00, v16  }
0x16f: {  	v50 =	vmul.f32 v16, v16;
	v51 =	vmul.f32 v34, v34  }
0x170: {  	v55 =	vadd.f32 v34, v49;
	v16 =	vadd.f32 v47, v60  }
0x171: {  	v56 =	vadd.f32 v51, v50;
	v57 =	vmul.f32 v32, v32;
	v58 =	vld [tilespmem:s29+$0x1050];
	v34 =	vadd.f32 v48, v61  }
0x172: {  	v32 =	vadd.f32 v32, v55;
	v47 =	vld [tilespmem:s30+$0x410];
	[tilespmem:s30+$0x400] =	vst v16  }
0x173: {  	v46 =	vadd.f32 v57, v56;
	v60 =	vmul.f32 v18, v18;
	v59 =	vld [tilespmem:s0+$0xC10];
	[tilespmem:s29+$0x1040] =	vst v34  }
0x174: {  	v18 =	vadd.f32 v18, v32;
	v61 =	vld [tilespmem:s2+$0x1850]  }
0x175: {  	v55 =	vmul.f32 v30, v30;
	v51 =	vadd.f32 v60, v46  }
0x176: {  	v30 =	vadd.f32 v30, v18  }
0x177: {  	v56 =	vmul.f32 v31, v31;
	v32 =	vadd.f32 v55, v51  }
0x178: {  	v31 =	vadd.f32 v31, v30;
	v18 =	vadd.f32 v59, v47  }
0x179: {  	v57 =	vld [tilespmem:s30+$0x420];
	v32 =	vadd.f32 v56, v32;
	v30 =	vadd.f32 v61, v58;
	v58 =	vmul.f32 v27, v27  }
0x17a: {  	v59 =	vld [tilespmem:s29+$0x1060];
	[tilespmem:s30+$0x410] =	vst v18;
	v27 =	vadd.f32 v27, v31  }
0x17b: {  	v60 =	vmul.f32 v19, v19;
	v31 =	vld [tilespmem:s0+$0xC20];
	[tilespmem:s29+$0x1050] =	vst v30;
	v32 =	vadd.f32 v58, v32  }
0x17c: {  	v19 =	vadd.f32 v19, v27;
	v61 =	vld [tilespmem:s2+$0x1860]  }
0x17d: {  	v51 =	vmul.f32 v25, v25;
	v27 =	vadd.f32 v60, v32  }
0x17e: {  	v25 =	vadd.f32 v25, v19  }
0x17f: {  	v55 =	vmul.f32 v26, v26;
	v27 =	vadd.f32 v51, v27  }
0x180: {  	v19 =	vadd.f32 v31, v57;
	v26 =	vadd.f32 v26, v25  }
0x181: {  	v56 =	vmul.f32 v24, v24;
	v31 =	vld [tilespmem:s30+$0x430];
	v25 =	vadd.f32 v61, v59;
	v27 =	vadd.f32 v55, v27  }
0x182: {  	v57 =	vld [tilespmem:s29+$0x1070];
	[tilespmem:s30+$0x420] =	vst v19;
	v24 =	vadd.f32 v24, v26  }
0x183: {  	v58 =	vmul.f32 v20, v20;
	v26 =	vld [tilespmem:s0+$0xC30];
	[tilespmem:s29+$0x1060] =	vst v25;
	v27 =	vadd.f32 v56, v27  }
0x184: {  	v20 =	vadd.f32 v20, v24;
	v59 =	vld [tilespmem:s2+$0x1870]  }
0x185: {  	v24 =	vadd.f32 v58, v27;
	v27 =	vmul.f32 v21, v21  }
0x186: {  	v20 =	vadd.f32 v21, v20  }
0x187: {  	v24 =	vadd.f32 v27, v24;
	v27 =	vmul.f32 v22, v22  }
0x188: {  	v21 =	vadd.f32 v26, v31;
	v22 =	vadd.f32 v22, v20  }
0x189: {  	v26 =	vld [tilespmem:s30+$0x440];
	v20 =	vadd.f32 v59, v57;
	v24 =	vadd.f32 v27, v24;
	v27 =	vmul.f32 v17, v17  }
0x18a: {  	v31 =	vld [tilespmem:s29+$0x1400];
	[tilespmem:s30+$0x430] =	vst v21;
	v17 =	vadd.f32 v17, v22  }
0x18b: {  	v22 =	vld [tilespmem:s0+$0xC40];
	[tilespmem:s29+$0x1070] =	vst v20;
	v24 =	vadd.f32 v27, v24;
	v27 =	vmul.f32 v0, v0  }
0x18c: {  	v0 =	vadd.f32 v0, v17;
	v60 =	vld [tilespmem:s2+$0x1C00]  }
0x18d: {  	v17 =	vadd.f32 v27, v24;
	v24 =	vmul.f32 v5, v5  }
0x18e: {  	v5 =	vadd.f32 v5, v0  }
0x18f: {  	v17 =	vadd.f32 v24, v17;
	v24 =	vmul.f32 v6, v6  }
0x190: {  	v0 =	vadd.f32 v22, v26;
	v5 =	vadd.f32 v6, v5  }
0x191: {  	v6 =	vld [tilespmem:s30+$0x450];
	v22 =	vadd.f32 v60, v31;
	v17 =	vadd.f32 v24, v17;
	v24 =	vmul.f32 v4, v4  }
0x192: {  	v26 =	vld [tilespmem:s29+$0x1410];
	[tilespmem:s30+$0x440] =	vst v0;
	v4 =	vadd.f32 v4, v5  }
0x193: {  	v5 =	vld [tilespmem:s0+$0xC50];
	[tilespmem:s29+$0x1400] =	vst v22;
	v17 =	vadd.f32 v24, v17;
	v24 =	vmul.f32 v1, v1  }
0x194: {  	v1 =	vadd.f32 v1, v4;
	v27 =	vld [tilespmem:s2+$0x1C10]  }
0x195: {  	v4 =	vadd.f32 v24, v17;
	v17 =	vmul.f32 v2, v2  }
0x196: {  	v1 =	vadd.f32 v2, v1  }
0x197: {  	v2 =	vadd.f32 v17, v4;
	v17 =	vmul.f32 v3, v3  }
0x198: {  	v4 =	vadd.f32 v5, v6;
	v1 =	vadd.f32 v3, v1  }
0x199: {  	v44 =	vld [tilespmem:s29+$0x1420];
	v5 =	vmul.f32 v7, v7;
	v24 =	vadd.f32 v27, v26;
	v2 =	vadd.f32 v17, v2  }
0x19a: {  	v3 =	vld [tilespmem:s30+$0x460];
	[tilespmem:s30+$0x450] =	vst v4;
	v1 =	vadd.f32 v7, v1  }
0x19b: {  	v6 =	vld [tilespmem:s0+$0xC60];
	[tilespmem:s29+$0x1410] =	vst v24;
	v2 =	vadd.f32 v5, v2;
	v5 =	vmul.f32 v23, v23  }
0x19c: {  	v1 =	vadd.f32 v23, v1;
	v7 =	vld [tilespmem:s2+$0x1C20]  }
0x19d: {  	v2 =	vadd.f32 v5, v2;
	v5 =	vmul.f32 v28, v28  }
0x19e: {  	v1 =	vadd.f32 v28, v1  }
0x19f: {  	v17 =	vmul.f32 v33, v33;
	v2 =	vadd.f32 v5, v2  }
0x1a0: {  	v5 =	vadd.f32 v6, v3;
	v1 =	vadd.f32 v33, v1  }
0x1a1: {  	v3 =	vld [tilespmem:s30+$0x470];
	v6 =	vmul.f32 v29, v29;
	v26 =	vadd.f32 v7, v44;
	v2 =	vadd.f32 v17, v2  }
0x1a2: {  	[tilespmem:s30+$0x460] =	vst v5;
	v7 =	vld [tilespmem:s29+$0x1430];
	v1 =	vadd.f32 v29, v1  }
0x1a3: {  	v17 =	vld [tilespmem:s0+$0xC70];
	[tilespmem:s29+$0x1420] =	vst v26;
	v2 =	vadd.f32 v6, v2;
	v6 =	vmul.f32 v35, v35  }
0x1a4: {  	v1 =	vadd.f32 v35, v1;
	v23 =	vld [tilespmem:s2+$0x1C30]  }
0x1a5: {  	v2 =	vadd.f32 v6, v2;
	v6 =	vmul.f32 v36, v36  }
0x1a6: {  	v1 =	vadd.f32 v36, v1  }
0x1a7: {  	v27 =	vmul.f32 v37, v37;
	v2 =	vadd.f32 v6, v2  }
0x1a8: {  	v6 =	vadd.f32 v17, v3;
	v1 =	vadd.f32 v37, v1  }
0x1a9: {  	v3 =	vld [tilespmem:s30+$0x800];
	v17 =	vadd.f32 v23, v7;
	v2 =	vadd.f32 v27, v2;
	v7 =	vmul.f32 v38, v38  }
0x1aa: {  	[tilespmem:s30+$0x470] =	vst v6;
	v23 =	vld [tilespmem:s29+$0x1440];
	v1 =	vadd.f32 v38, v1  }
0x1ab: {  	v27 =	vld [tilespmem:s0+$0x1000];
	[tilespmem:s29+$0x1430] =	vst v17;
	v2 =	vadd.f32 v7, v2;
	v7 =	vmul.f32 v39, v39  }
0x1ac: {  	v1 =	vadd.f32 v39, v1;
	v28 =	vld [tilespmem:s2+$0x1C40]  }
0x1ad: {  	v2 =	vadd.f32 v7, v2;
	v7 =	vmul.f32 v40, v40  }
0x1ae: {  	v1 =	vadd.f32 v40, v1  }
0x1af: {  	v29 =	vmul.f32 v41, v41;
	v2 =	vadd.f32 v7, v2  }
0x1b0: {  	v7 =	vadd.f32 v27, v3;
	v1 =	vadd.f32 v41, v1  }
0x1b1: {  	v3 =	vld [tilespmem:s30+$0x810];
	v27 =	vadd.f32 v28, v23;
	v2 =	vadd.f32 v29, v2;
	v23 =	vmul.f32 v42, v42  }
0x1b2: {  	[tilespmem:s30+$0x800] =	vst v7;
	v28 =	vld [tilespmem:s29+$0x1450];
	v1 =	vadd.f32 v42, v1  }
0x1b3: {  	v29 =	vld [tilespmem:s0+$0x1010];
	[tilespmem:s29+$0x1440] =	vst v27;
	v2 =	vadd.f32 v23, v2;
	v23 =	vmul.f32 v43, v43  }
0x1b4: {  	v1 =	vadd.f32 v43, v1;
	v31 =	vld [tilespmem:s2+$0x1C50]  }
0x1b5: {  	v2 =	vadd.f32 v23, v2;
	v23 =	vmul.f32 v34, v34  }
0x1b6: {  	v1 =	vadd.f32 v34, v1  }
0x1b7: {  	v61 =	vmul.f32 v30, v30;
	v2 =	vadd.f32 v23, v2  }
0x1b8: {  	v23 =	vadd.f32 v29, v3;
	v1 =	vadd.f32 v30, v1  }
0x1b9: {  	v3 =	vld [tilespmem:s30+$0x820];
	v29 =	vmul.f32 v25, v25;
	v28 =	vadd.f32 v31, v28;
	v2 =	vadd.f32 v61, v2  }
0x1ba: {  	s15 =	simm.s32 $0x2;
	v30 =	vld [tilespmem:s29+$0x1460];
	[tilespmem:s30+$0x810] =	vst v23;
	v1 =	vadd.f32 v25, v1  }
0x1bb: {  	s4 =	sand.u32 $0xF, s15;
	v25 =	vld [tilespmem:s0+$0x1020];
	[tilespmem:s29+$0x1450] =	vst v28;
	v2 =	vadd.f32 v29, v2;
	v29 =	vmul.f32 v20, v20  }
0x1bc: {  	s16 =	sshll.u32 s4, $0x2;
	v1 =	vadd.f32 v20, v1;
	v31 =	vld [tilespmem:s2+$0x1C60]  }
0x1bd: {  	s7 =	ssub.s32 $0x0, s16;
	v20 =	vmul.f32 v22, v22;
	v2 =	vadd.f32 v29, v2  }
0x1be: {  	s3 =	sadd.s32 $0x1, s26;
	s7 =	sshra.s32 s7, $0x2;
	v1 =	vadd.f32 v22, v1  }
0x1bf: {  	s7 =	sadd.s32 s7, s3;
	v2 =	vadd.f32 v20, v2;
	v20 =	vmul.f32 v24, v24  }
0x1c0: {  	v22 =	vld [tilespmem:s7+$0x0];
	v25 =	vadd.f32 v25, v3;
	v1 =	vadd.f32 v24, v1  }
0x1c1: {  	v29 =	vld [tilespmem:s29+$0x1470];
	v2 =	vadd.f32 v20, v2;
	v20 =	vmul.f32 v26, v26;
	v24 =	vadd.f32 v31, v30  }
0x1c2: {  	v3 =	vld [tilespmem:s30+$0x830];
	[tilespmem:s30+$0x820] =	vst v25;
	v1 =	vadd.f32 v26, v1  }
0x1c3: {  	v26 =	vld [tilespmem:s0+$0x1030];
	v2 =	vadd.f32 v20, v2;
	v20 =	vmul.f32 v17, v17;
	[tilespmem:s29+$0x1460] =	vst v24  }
0x1c4: {  	v52 =	vlaneseq.u32;
	v1 =	vadd.f32 v17, v1;
	v17 =	vld [tilespmem:s2+$0x1C70]  }
0x1c5: {  	v30 =	vmov s4;
	v2 =	vadd.f32 v20, v2;
	v20 =	vmul.f32 v27, v27  }
0x1c6: {  	vm1 =	veq.s32 v30, v52;
	v1 =	vadd.f32 v27, v1  }
0x1c7: {  	v22 =	vnsel vm1, $0x0, v22;
	v2 =	vadd.f32 v20, v2;
	v20 =	vmul.f32 v28, v28  }
0x1c8: {  	v27 =	vperm.xlane v22, v62;
	v26 =	vadd.f32 v26, v3;
	v1 =	vadd.f32 v28, v1  }
0x1c9: {  	v3 =	vmul.f32 v24, v24;
	v2 =	vadd.f32 v20, v2;
	v17 =	vadd.f32 v17, v29  }
0x1ca: {  	v20 =	vadd.s32 v27, v22;
	v1 =	vadd.f32 v24, v1  }
0x1cb: {  	v22 =	vld [tilespmem:s30+$0x840];
	[tilespmem:s30+$0x830] =	vst v26;
	v24 =	vperm.xlane v20, v63;
	v2 =	vadd.f32 v3, v2;
	v3 =	vmul.f32 v17, v17  }
0x1cc: {  	v27 =	vld [tilespmem:s0+$0x1040];
	v1 =	vadd.f32 v17, v1  }
0x1cd: {  	v20 =	vadd.s32 v24, v20;
	v2 =	vadd.f32 v3, v2  }
0x1ce: {  	v3 =	vperm.xlane v20, v54;
	v24 =	vperm.xlane v1, v62  }
0x1cf: {  	v29 =	vperm.xlane v2, v62  }
0x1d0: {  	v3 =	vadd.s32 v3, v20;
	v1 =	vadd.f32 v24, v1  }
0x1d1: {  	v28 =	vadd.f32 v27, v22;
	v20 =	vperm.xlane v3, v53;
	v2 =	vadd.f32 v29, v2  }
0x1d2: {  	v24 =	vperm.xlane v1, v63  }
0x1d3: {  	v22 =	vld [tilespmem:s30+$0x850];
	[tilespmem:s30+$0x840] =	vst v28;
	v3 =	vadd.s32 v20, v3;
	v20 =	vperm.xlane v2, v63  }
0x1d4: {  	v27 =	vld [tilespmem:s0+$0x1050];
	(v2sf) =	vpush v3, $0x0;
	v1 =	vadd.f32 v24, v1  }
0x1d5: {  	v2 =	vadd.f32 v20, v2  }
0x1d6: {  	v3 =	vperm.xlane v1, v54  }
0x1d7: {  	v20 =	vperm.xlane v2, v54  }
0x1d8: {  	v1 =	vadd.f32 v3, v1  }
0x1d9: {  	v38 =	vadd.f32 v27, v22;
	v2 =	vadd.f32 v20, v2  }
0x1da: {  	v20 =	vperm.xlane v1, v53  }
0x1db: {  	v3 =	vld [tilespmem:s30+$0x860];
	[tilespmem:s30+$0x850] =	vst v38;
	v22 =	vperm.xlane v2, v53  }
0x1dc: {  	v24 =	vld [tilespmem:s0+$0x1060];
	v1 =	vadd.f32 v20, v1  }
0x1dd: {  	v2 =	vadd.f32 v22, v2  }
0x1de: {  	(v2sf) =	vpush v1, $0x0  }
0x1df: {  	(v2sf) =	vpush v2, $0x0;
	_ =	sdelay $0x1  }
0x1e0: {  	v39 =	vadd.f32 v24, v3;
	_ =	sdelay $0x1  }
0x1e1: {  	s19 =	simm.s32 $0x0;
	v1 =	vld [tilespmem:s30+$0x870];
	[tilespmem:s30+$0x860] =	vst v39;
	s18 =	spop (v2sf)  }
0x1e2: {  	s7 =	smul.u32 $0x6000, s19;
	v2 =	vld [tilespmem:s0+$0x1070];
	s2 =	sadd.s32 s4, s18  }
0x1e3: {  	s4 =	sshrl.u32 s2, $0x3  }
0x1e4: {  	s26 =	simm.s32 $0x100;
	s7 =	sshra.s32 s7, $0x2;
	s4 =	smul.u32 $0x6000, s4  }
0x1e5: {  	s8 =	sand.u32 $0x380, s26;
	s7 =	sadd.s32 s7, s25;
	s2 =	sshll.u32 s2, $0x7  }
0x1e6: {  	s26 =	sadd.s32 s8, s7;
	s2 =	sand.u32 $0x380, s2;
	s4 =	sshra.s32 s4, $0x2  }
0x1e7: {  	v20 =	vld [tilespmem:s26+$0x0];
	v40 =	vadd.f32 v2, v1;
	s2 =	sor.u32 s2, s4  }
0x1e8: {  	v1 =	vld [tilespmem:s2+$0x800]  }
0x1e9: {  	v3 =	vld [tilespmem:s30+$0xC00];
	[tilespmem:s30+$0x870] =	vst v40  }
0x1ea: {  	v2 =	vld [tilespmem:s0+$0x1400]  }
0x1eb: {  	s8 =	spop (v2sf)  }
0x1ec: {  	s4 =	smul.f32 $1.302083370e-03, s8;
	s10 =	spop (v2sf)  }
0x1ed: {  	v20 =	vadd.f32 v1, v20;
	s7 =	smul.f32 $1.302083370e-03, s10  }
0x1ee: {  	s11 =	smul.f32 s4, s4  }
0x1ef: {  	v1 =	vld [tilespmem:s26+$0x10];
	v41 =	vadd.f32 v2, v3;
	[tilespmem:s26+$0x0] =	vst v20  }
0x1f0: {  	v2 =	vld [tilespmem:s2+$0x810];
	s7 =	ssub.f32 s7, s11  }
0x1f1: {  	v24 =	vld [tilespmem:s30+$0xC10];
	[tilespmem:s30+$0xC00] =	vst v41  }
0x1f2: {  	v3 =	vld [tilespmem:s0+$0x1410];
	s7 =	sadd.f32 $9.999999740e-06, s7;
	_ =	sdelay $0x1  }
0x1f3: {  	s15 =	sshra.s32 s7, $0x1;
	s7 =	smul.f32 $5.000000000e-01, s7  }
0x1f4: {  	v22 =	vadd.f32 v2, v1;
	s8 =	ssub.s32 $0x5F3759DF, s15  }
0x1f5: {  	s10 =	smul.f32 s8, s7  }
0x1f6: {  	v1 =	vld [tilespmem:s26+$0x20];
	v42 =	vadd.f32 v3, v24;
	[tilespmem:s26+$0x10] =	vst v22  }
0x1f7: {  	v3 =	vld [tilespmem:s2+$0x820];
	s10 =	smul.f32 s8, s10  }
0x1f8: {  	v2 =	vld [tilespmem:s30+$0xC20];
	[tilespmem:s30+$0xC10] =	vst v42  }
0x1f9: {  	v27 =	vld [tilespmem:s0+$0x1420];
	s10 =	ssub.f32 $1.500000000e+00, s10;
	_ =	sdelay $0x1  }
0x1fa: {  	s8 =	smul.f32 s8, s10  }
0x1fb: {  	v24 =	vadd.f32 v3, v1  }
0x1fc: {  	s10 =	smul.f32 s8, s7  }
0x1fd: {  	v1 =	vld [tilespmem:s26+$0x30];
	v43 =	vadd.f32 v27, v2;
	[tilespmem:s26+$0x20] =	vst v24  }
0x1fe: {  	v2 =	vld [tilespmem:s2+$0x830];
	s10 =	smul.f32 s10, s8  }
0x1ff: {  	v3 =	vld [tilespmem:s30+$0xC30];
	[tilespmem:s30+$0xC20] =	vst v43  }
0x200: {  	v29 =	vld [tilespmem:s0+$0x1430];
	s10 =	ssub.f32 $1.500000000e+00, s10;
	_ =	sdelay $0x1  }
0x201: {  	s8 =	smul.f32 s10, s8  }
0x202: {  	v27 =	vadd.f32 v2, v1  }
0x203: {  	v1 =	vld [tilespmem:s26+$0x40];
	s7 =	smul.f32 s8, s7  }
0x204: {  	v2 =	vld [tilespmem:s29+$0x0];
	v44 =	vadd.f32 v29, v3;
	[tilespmem:s26+$0x30] =	vst v27  }
0x205: {  	v3 =	vld [tilespmem:s2+$0x840];
	s7 =	smul.f32 s7, s8  }
0x206: {  	v30 =	vld [tilespmem:s30+$0xC40];
	[tilespmem:s30+$0xC30] =	vst v44  }
0x207: {  	[tilespmem:s29+$0x1470] =	vst v17;
	v31 =	vld [tilespmem:s0+$0x1440];
	s7 =	ssub.f32 $1.500000000e+00, s7  }
0x208: {  	v36 =	vld [tilespmem:$0x6800];
	v17 =	vmov s4  }
0x209: {  	v2 =	vsub.f32 v2, v17;
	s31 =	smul.f32 s7, s8  }
0x20a: {  	v29 =	vadd.f32 v3, v1;
	v1 =	vld [tilespmem:$0x6B00]  }
0x20b: {  	v37 =	vld [tilespmem:s30+$0xC50];
	v2 =	vmul.f32 s31, v2  }
0x20c: {  	v3 =	vld [tilespmem:s26+$0x50];
	v45 =	vadd.f32 v31, v30;
	[tilespmem:s26+$0x40] =	vst v29  }
0x20d: {  	v30 =	vld [tilespmem:s2+$0x850];
	v2 =	vmul.f32 v2, v36  }
0x20e: {  	v31 =	vld [tilespmem:s29+$0x10];
	[tilespmem:s30+$0xC40] =	vst v45  }
0x20f: {  	v47 =	vld [tilespmem:s0+$0x1450];
	v1 =	vadd.f32 v2, v1;
	_ =	sdelay $0x1  }
0x210: {  	[tilespmem:s29+$0x0] =	vst v1  }
0x211: {  	v1 =	vadd.f32 v30, v3;
	v3 =	vld [tilespmem:$0x6810]  }
0x212: {  	v31 =	vsub.f32 v31, v17;
	v30 =	vld [tilespmem:s26+$0x60]  }
0x213: {  	v49 =	vld [tilespmem:$0x6B10];
	v46 =	vadd.f32 v47, v37;
	[tilespmem:s26+$0x50] =	vst v1  }
0x214: {  	v31 =	vmul.f32 s31, v31;
	v51 =	vld [tilespmem:s2+$0x860]  }
0x215: {  	v2 =	vld [tilespmem:s30+$0xC60];
	[tilespmem:s30+$0xC50] =	vst v46  }
0x216: {  	v52 =	vld [tilespmem:s0+$0x1460];
	v3 =	vmul.f32 v31, v3  }
0x217: {  	v31 =	vld [tilespmem:s29+$0x20]  }
0x218: {  	v3 =	vadd.f32 v3, v49  }
0x219: {  	v54 =	vld [tilespmem:s26+$0x70];
	v30 =	vadd.f32 v51, v30  }
0x21a: {  	v53 =	vld [tilespmem:s30+$0xC70];
	[tilespmem:s29+$0x10] =	vst v3  }
0x21b: {  	v47 =	vadd.f32 v52, v2;
	[tilespmem:s26+$0x60] =	vst v30;
	v2 =	vld [tilespmem:$0x6820]  }
0x21c: {  	v31 =	vsub.f32 v31, v17;
	v3 =	vld [tilespmem:s2+$0x870]  }
0x21d: {  	v55 =	vld [tilespmem:$0x6B20];
	[tilespmem:s30+$0xC60] =	vst v47  }
0x21e: {  	v56 =	vld [tilespmem:s0+$0x1470];
	v31 =	vmul.f32 s31, v31;
	_ =	sdelay $0x1  }
0x21f: {  	v2 =	vmul.f32 v31, v2  }
0x220: {  	v31 =	vadd.f32 v3, v54;
	v3 =	vld [tilespmem:s29+$0x30]  }
0x221: {  	v58 =	vld [tilespmem:s30+$0x1000];
	v2 =	vadd.f32 v2, v55  }
0x222: {  	v57 =	vld [tilespmem:s26+$0x400];
	v48 =	vadd.f32 v56, v53;
	[tilespmem:s26+$0x70] =	vst v31  }
0x223: {  	v59 =	vld [tilespmem:s2+$0xC00];
	[tilespmem:s29+$0x20] =	vst v2  }
0x224: {  	[tilespmem:s30+$0xC70] =	vst v48;
	v2 =	vld [tilespmem:$0x6830]  }
0x225: {  	v60 =	vld [tilespmem:s0+$0x1800];
	v3 =	vsub.f32 v3, v17  }
0x226: {  	v61 =	vld [tilespmem:$0x6B30]  }
0x227: {  	v54 =	vmul.f32 s31, v3  }
0x228: {  	v3 =	vadd.f32 v59, v57  }
0x229: {  	v56 =	vld [tilespmem:s26+$0x410];
	v2 =	vmul.f32 v54, v2  }
0x22a: {  	v57 =	vld [tilespmem:s29+$0x40];
	v49 =	vadd.f32 v60, v58;
	[tilespmem:s26+$0x400] =	vst v3  }
0x22b: {  	v58 =	vld [tilespmem:s2+$0xC10];
	v2 =	vadd.f32 v2, v61  }
0x22c: {  	v55 =	vld [tilespmem:s30+$0x1010];
	[tilespmem:s30+$0x1000] =	vst v49  }
0x22d: {  	v59 =	vld [tilespmem:s0+$0x1810];
	[tilespmem:s29+$0x30] =	vst v2  }
0x22e: {  	v2 =	vld [tilespmem:$0x6840]  }
0x22f: {  	v33 =	vsub.f32 v57, v17  }
0x230: {  	v60 =	vld [tilespmem:$0x6B40];
	v32 =	vadd.f32 v58, v56  }
0x231: {  	v61 =	vld [tilespmem:s26+$0x420];
	v33 =	vmul.f32 s31, v33  }
0x232: {  	v56 =	vld [tilespmem:s30+$0x1020];
	v51 =	vadd.f32 v59, v55;
	[tilespmem:s26+$0x410] =	vst v32  }
0x233: {  	v57 =	vld [tilespmem:s2+$0xC20];
	v2 =	vmul.f32 v33, v2  }
0x234: {  	v58 =	vld [tilespmem:s29+$0x50];
	[tilespmem:s30+$0x1010] =	vst v51  }
0x235: {  	v59 =	vld [tilespmem:s0+$0x1820];
	v2 =	vadd.f32 v2, v60;
	_ =	sdelay $0x1  }
0x236: {  	[tilespmem:s29+$0x40] =	vst v2  }
0x237: {  	v33 =	vadd.f32 v57, v61;
	v2 =	vld [tilespmem:$0x6850]  }
0x238: {  	v35 =	vld [tilespmem:s26+$0x430];
	v60 =	vsub.f32 v58, v17  }
0x239: {  	v61 =	vld [tilespmem:$0x6B50];
	v52 =	vadd.f32 v59, v56;
	[tilespmem:s26+$0x420] =	vst v33  }
0x23a: {  	v36 =	vmul.f32 s31, v60;
	v57 =	vld [tilespmem:s2+$0xC30]  }
0x23b: {  	v34 =	vld [tilespmem:s30+$0x1030];
	[tilespmem:s30+$0x1020] =	vst v52  }
0x23c: {  	v58 =	vld [tilespmem:s0+$0x1830];
	v2 =	vmul.f32 v36, v2;
	_ =	sdelay $0x1  }
0x23d: {  	v59 =	vld [tilespmem:s29+$0x60];
	v37 =	vadd.f32 v2, v61  }
0x23e: {  	v2 =	vadd.f32 v57, v35  }
0x23f: {  	v35 =	vld [tilespmem:s26+$0x440];
	[tilespmem:s29+$0x50] =	vst v37  }
0x240: {  	v53 =	vadd.f32 v58, v34;
	[tilespmem:s26+$0x430] =	vst v2;
	v34 =	vld [tilespmem:$0x6860]  }
0x241: {  	v60 =	vld [tilespmem:s2+$0xC40]  }
0x242: {  	v55 =	vld [tilespmem:s30+$0x1040];
	v36 =	vsub.f32 v59, v17  }
0x243: {  	v61 =	vld [tilespmem:$0x6B60];
	[tilespmem:s30+$0x1030] =	vst v53  }
0x244: {  	v36 =	vmul.f32 s31, v36;
	v56 =	vld [tilespmem:s0+$0x1840];
	_ =	sdelay $0x1  }
0x245: {  	v36 =	vmul.f32 v36, v34;
	v34 =	vadd.f32 v60, v35  }
0x246: {  	v60 =	vld [tilespmem:s29+$0x70]  }
0x247: {  	v37 =	vld [tilespmem:s26+$0x450];
	v36 =	vadd.f32 v36, v61;
	[tilespmem:s26+$0x440] =	vst v34  }
0x248: {  	v54 =	vadd.f32 v56, v55;
	v55 =	vld [tilespmem:s2+$0xC50]  }
0x249: {  	[tilespmem:s29+$0x60] =	vst v36  }
0x24a: {  	v36 =	vld [tilespmem:$0x6870]  }
0x24b: {  	v50 =	vld [tilespmem:s30+$0x1420];
	v35 =	vsub.f32 v60, v17  }
0x24c: {  	v58 =	vld [tilespmem:$0x6B70]  }
0x24d: {  	v57 =	vld [tilespmem:s30+$0x1050];
	[tilespmem:s30+$0x1040] =	vst v54;
	v59 =	vmul.f32 s31, v35;
	v61 =	vadd.f32 v55, v37  }
0x24e: {  	v56 =	vld [tilespmem:s0+$0x1850]  }
0x24f: {  	v60 =	vld [tilespmem:s30+$0x1060];
	v36 =	vmul.f32 v59, v36;
	[tilespmem:$0x1FE60] =	vst v61  }
0x250: {  	[tilespmem:s26+$0x450] =	vst v61;
	v61 =	vld [tilespmem:s29+$0x400]  }
0x251: {  	v36 =	vadd.f32 v36, v58;
	_ =	sdelay $0x1  }
0x252: {  	[tilespmem:s29+$0x70] =	vst v36  }
0x253: {  	v35 =	vmul.f32 v9, v9;
	v58 =	vadd.f32 $0.0e+00, v8;
	v36 =	vld [tilespmem:$0x6880]  }
0x254: {  	v55 =	vadd.f32 v56, v57;
	v8 =	vmul.f32 v8, v8;
	v56 =	vsub.f32 v61, v17  }
0x255: {  	v9 =	vadd.f32 v9, v58;
	v61 =	vld [tilespmem:$0x6B80]  }
0x256: {  	v8 =	vadd.f32 v35, v8;
	v35 =	vmul.f32 v10, v10;
	v56 =	vmul.f32 s31, v56  }
0x257: {  	v9 =	vadd.f32 v10, v9  }
0x258: {  	v8 =	vadd.f32 v35, v8;
	v10 =	vmul.f32 v56, v36;
	v36 =	vmul.f32 v11, v11  }
0x259: {  	v35 =	vld [tilespmem:s29+$0x410];
	v9 =	vadd.f32 v11, v9  }
0x25a: {  	v11 =	vmul.f32 v12, v12;
	v10 =	vadd.f32 v10, v61;
	v8 =	vadd.f32 v36, v8  }
0x25b: {  	v9 =	vadd.f32 v12, v9  }
0x25c: {  	[tilespmem:s29+$0x400] =	vst v10;
	v8 =	vadd.f32 v11, v8;
	v10 =	vmul.f32 v13, v13  }
0x25d: {  	v9 =	vadd.f32 v13, v9;
	v11 =	vld [tilespmem:$0x6890]  }
0x25e: {  	v35 =	vsub.f32 v35, v17;
	v8 =	vadd.f32 v10, v8;
	v10 =	vmul.f32 v14, v14  }
0x25f: {  	[tilespmem:s30+$0x1050] =	vst v55;
	v9 =	vadd.f32 v14, v9;
	v36 =	vld [tilespmem:$0x6B90]  }
0x260: {  	v56 =	vld [tilespmem:s0+$0x1860];
	v12 =	vmul.f32 s31, v35;
	v8 =	vadd.f32 v10, v8;
	v10 =	vmul.f32 v15, v15  }
0x261: {  	v9 =	vadd.f32 v15, v9  }
0x262: {  	v11 =	vmul.f32 v12, v11;
	v8 =	vadd.f32 v10, v8;
	v10 =	vmul.f32 v16, v16  }
0x263: {  	v58 =	vld [tilespmem:s29+$0x420];
	v9 =	vadd.f32 v16, v9  }
0x264: {  	v59 =	vmul.f32 v18, v18;
	v11 =	vadd.f32 v11, v36;
	v10 =	vadd.f32 v10, v8  }
0x265: {  	v9 =	vadd.f32 v18, v9;
	v8 =	vadd.f32 v56, v60  }
0x266: {  	v35 =	vld [tilespmem:s30+$0x1070];
	[tilespmem:s29+$0x410] =	vst v11;
	v10 =	vadd.f32 v59, v10;
	v11 =	vmul.f32 v19, v19  }
0x267: {  	v9 =	vadd.f32 v19, v9;
	[tilespmem:s30+$0x1060] =	vst v8;
	v61 =	vld [tilespmem:$0x68A0]  }
0x268: {  	v12 =	vsub.f32 v58, v17;
	v16 =	vld [tilespmem:s0+$0x1870];
	v10 =	vadd.f32 v11, v10;
	v11 =	vmul.f32 v21, v21  }
0x269: {  	v9 =	vadd.f32 v21, v9;
	v15 =	vld [tilespmem:$0x6BA0]  }
0x26a: {  	v12 =	vmul.f32 s31, v12;
	v10 =	vadd.f32 v11, v10;
	v11 =	vmul.f32 v0, v0  }
0x26b: {  	v37 =	vld [tilespmem:s26+$0x460];
	v0 =	vadd.f32 v0, v9  }
0x26c: {  	v36 =	vld [tilespmem:s29+$0x430];
	v9 =	vmul.f32 v12, v61;
	v10 =	vadd.f32 v11, v10;
	v11 =	vmul.f32 v4, v4  }
0x26d: {  	v57 =	vld [tilespmem:s2+$0xC60];
	v4 =	vadd.f32 v4, v0;
	v0 =	vadd.f32 v16, v35  }
0x26e: {  	v9 =	vadd.f32 v9, v15;
	v10 =	vadd.f32 v11, v10;
	v11 =	vmul.f32 v5, v5  }
0x26f: {  	v56 =	vld [tilespmem:s30+$0x1400];
	v4 =	vadd.f32 v5, v4;
	[tilespmem:s30+$0x1070] =	vst v0  }
0x270: {  	[tilespmem:s29+$0x420] =	vst v9;
	v5 =	vadd.f32 v11, v10;
	v9 =	vmul.f32 v6, v6;
	v11 =	vld [tilespmem:s0+$0x1C00]  }
0x271: {  	v4 =	vadd.f32 v6, v4;
	v6 =	vsub.f32 v36, v17;
	v10 =	vld [tilespmem:$0x68B0]  }
0x272: {  	v36 =	vadd.f32 v57, v37;
	v5 =	vadd.f32 v9, v5;
	v9 =	vmul.f32 v7, v7  }
0x273: {  	v58 =	vld [tilespmem:$0x6BB0];
	v4 =	vadd.f32 v7, v4  }
0x274: {  	v59 =	vld [tilespmem:s26+$0x470];
	v6 =	vmul.f32 s31, v6;
	[tilespmem:s26+$0x460] =	vst v36;
	v7 =	vadd.f32 v9, v5;
	v9 =	vmul.f32 v23, v23  }
0x275: {  	v15 =	vld [tilespmem:s2+$0xC70];
	v4 =	vadd.f32 v23, v4;
	v5 =	vadd.f32 v11, v56  }
0x276: {  	v6 =	vmul.f32 v6, v10;
	v7 =	vadd.f32 v9, v7;
	v9 =	vmul.f32 v25, v25;
	v10 =	vld [tilespmem:s29+$0x440]  }
0x277: {  	v4 =	vadd.f32 v25, v4  }
0x278: {  	v11 =	vld [tilespmem:s30+$0x1410];
	[tilespmem:s30+$0x1400] =	vst v5;
	v6 =	vadd.f32 v6, v58;
	v7 =	vadd.f32 v9, v7;
	v9 =	vmul.f32 v26, v26  }
0x279: {  	v60 =	vld [tilespmem:s0+$0x1C10];
	v4 =	vadd.f32 v26, v4  }
0x27a: {  	v35 =	vadd.f32 v15, v59;
	[tilespmem:s29+$0x430] =	vst v6;
	v6 =	vadd.f32 v9, v7;
	v7 =	vmul.f32 v28, v28  }
0x27b: {  	v4 =	vadd.f32 v28, v4;
	v9 =	vld [tilespmem:$0x68C0];
	v10 =	vsub.f32 v10, v17  }
0x27c: {  	v37 =	vmul.f32 v38, v38;
	v61 =	vld [tilespmem:s26+$0x800];
	v7 =	vadd.f32 v7, v6  }
0x27d: {  	[tilespmem:s26+$0x470] =	vst v35;
	v15 =	vld [tilespmem:$0x6BC0];
	v4 =	vadd.f32 v38, v4;
	v10 =	vmul.f32 s31, v10  }
0x27e: {  	v16 =	vld [tilespmem:s2+$0x1000];
	v6 =	vadd.f32 v60, v11;
	v11 =	vmul.f32 v39, v39;
	v7 =	vadd.f32 v37, v7;
	_ =	sdelay $0x1  }
0x27f: {  	v4 =	vadd.f32 v39, v4;
	[tilespmem:s30+$0x1410] =	vst v6;
	v9 =	vmul.f32 v10, v9;
	v7 =	vadd.f32 v11, v7;
	v11 =	vld [tilespmem:s29+$0x450]  }
0x280: {  	v10 =	vmul.f32 v40, v40;
	v38 =	vld [tilespmem:s0+$0x1C20]  }
0x281: {  	v39 =	vadd.f32 v40, v4;
	v9 =	vadd.f32 v9, v15  }
0x282: {  	v4 =	vadd.f32 v16, v61;
	v7 =	vadd.f32 v10, v7;
	v10 =	vmul.f32 v41, v41  }
0x283: {  	v40 =	vld [tilespmem:s26+$0x810];
	[tilespmem:s29+$0x440] =	vst v9  }
0x284: {  	v14 =	vadd.f32 v41, v39;
	[tilespmem:s26+$0x800] =	vst v4;
	v9 =	vadd.f32 v10, v7;
	v15 =	vld [tilespmem:$0x68D0]  }
0x285: {  	v16 =	vld [tilespmem:s2+$0x1010];
	v11 =	vsub.f32 v11, v17;
	v7 =	vadd.f32 v38, v50  }
0x286: {  	v10 =	vmul.f32 v42, v42;
	v14 =	vadd.f32 v42, v14;
	v42 =	vld [tilespmem:$0x6BD0]  }
0x287: {  	v18 =	vld [tilespmem:s30+$0x1430];
	v11 =	vmul.f32 s31, v11;
	[tilespmem:s30+$0x1420] =	vst v7  }
0x288: {  	v9 =	vadd.f32 v10, v9;
	v10 =	vmul.f32 v43, v43;
	v19 =	vld [tilespmem:s0+$0x1C30]  }
0x289: {  	v14 =	vadd.f32 v43, v14;
	v11 =	vmul.f32 v11, v15  }
0x28a: {  	v9 =	vadd.f32 v10, v9;
	v10 =	vmul.f32 v44, v44;
	v60 =	vadd.f32 v16, v40  }
0x28b: {  	v14 =	vadd.f32 v44, v14;
	v44 =	vld [tilespmem:s29+$0x460];
	v11 =	vadd.f32 v11, v42  }
0x28c: {  	v9 =	vadd.f32 v10, v9;
	v10 =	vmul.f32 v45, v45;
	v15 =	vld [tilespmem:s26+$0x820];
	[tilespmem:s26+$0x810] =	vst v60  }
0x28d: {  	s16 =	simm.s32 $0x3;
	v14 =	vadd.f32 v45, v14;
	v45 =	vld [tilespmem:s2+$0x1020];
	[tilespmem:s29+$0x450] =	vst v11;
	v11 =	vadd.f32 v19, v18  }
0x28e: {  	s18 =	sand.u32 $0xF, s16;
	v9 =	vadd.f32 v10, v9;
	v10 =	vmul.f32 v46, v46;
	v18 =	vld [tilespmem:s30+$0x1440]  }
0x28f: {  	s4 =	sshll.u32 s18, $0x2;
	v14 =	vadd.f32 v46, v14;
	v16 =	vld [tilespmem:$0x68E0];
	[tilespmem:s30+$0x1430] =	vst v11  }
0x290: {  	s4 =	ssub.s32 $0x0, s4;
	v13 =	vsub.f32 v44, v17;
	v9 =	vadd.f32 v10, v9;
	v10 =	vmul.f32 v47, v47;
	v21 =	vld [tilespmem:s0+$0x1C40]  }
0x291: {  	s19 =	sshra.s32 s4, $0x2;
	s4 =	sadd.s32 $0x1, s3;
	v14 =	vadd.f32 v47, v14;
	v19 =	vld [tilespmem:$0x6BE0]  }
0x292: {  	s3 =	sadd.s32 s19, s4;
	v13 =	vmul.f32 s31, v13;
	v9 =	vadd.f32 v10, v9;
	v10 =	vmul.f32 v48, v48  }
0x293: {  	v23 =	vld [tilespmem:s3+$0x0];
	v14 =	vadd.f32 v48, v14;
	v40 =	vadd.f32 v45, v15  }
0x294: {  	v48 =	vld [tilespmem:s26+$0x830];
	v9 =	vadd.f32 v10, v9;
	v13 =	vmul.f32 v13, v16  }
0x295: {  	v15 =	vld [tilespmem:s29+$0x470];
	v10 =	vmul.f32 v49, v49;
	v14 =	vadd.f32 v49, v14;
	[tilespmem:s26+$0x820] =	vst v40;
	v18 =	vadd.f32 v21, v18  }
0x296: {  	v25 =	vld [tilespmem:s2+$0x1030];
	v16 =	vmov s18;
	v13 =	vadd.f32 v13, v19;
	v19 =	vlaneseq.u32  }
0x297: {  	v9 =	vadd.f32 v10, v9;
	v10 =	vmul.f32 v51, v51;
	vm1 =	veq.s32 v16, v19;
	v16 =	vld [tilespmem:s30+$0x1450];
	[tilespmem:s30+$0x1440] =	vst v18  }
0x298: {  	v14 =	vadd.f32 v51, v14;
	[tilespmem:s29+$0x460] =	vst v13;
	v50 =	vnsel vm1, $0x0, v23;
	v23 =	vld [tilespmem:s0+$0x1C50]  }
0x299: {  	v9 =	vadd.f32 v10, v9;
	v10 =	vmul.f32 v52, v52;
	v19 =	vld [tilespmem:$0x68F0]  }
0x29a: {  	v15 =	vsub.f32 v15, v17;
	v14 =	vadd.f32 v52, v14  }
0x29b: {  	v9 =	vadd.f32 v10, v9;
	v10 =	vmul.f32 v53, v53;
	v39 =	vadd.f32 v25, v48;
	v51 =	vld [tilespmem:$0x6BF0]  }
0x29c: {  	v15 =	vmul.f32 s31, v15;
	v14 =	vadd.f32 v53, v14;
	v21 =	vperm.xlane v50, v62  }
0x29d: {  	v25 =	vld [tilespmem:s26+$0x840];
	v9 =	vadd.f32 v10, v9;
	v10 =	vmul.f32 v54, v54;
	[tilespmem:s26+$0x830] =	vst v39;
	v16 =	vadd.f32 v23, v16  }
0x29e: {  	v14 =	vadd.f32 v54, v14;
	v26 =	vld [tilespmem:s2+$0x1040];
	v15 =	vmul.f32 v15, v19  }
0x29f: {  	v13 =	vadd.s32 v21, v50;
	v9 =	vadd.f32 v10, v9;
	v10 =	vmul.f32 v55, v55;
	[tilespmem:s30+$0x1450] =	vst v16  }
0x2a0: {  	v21 =	vperm.xlane v13, v63;
	v14 =	vadd.f32 v55, v14;
	v12 =	vadd.f32 v15, v51;
	v28 =	vld [tilespmem:$0x1FFF0]  }
0x2a1: {  	v9 =	vadd.f32 v10, v9;
	v10 =	vmul.f32 v8, v8;
	v19 =	vld [tilespmem:s29+$0x800]  }
0x2a2: {  	v13 =	vadd.s32 v21, v13;
	v21 =	vld [tilespmem:s30+$0x1460];
	v8 =	vadd.f32 v8, v14;
	[tilespmem:s29+$0x470] =	vst v12  }
0x2a3: {  	v9 =	vadd.f32 v10, v9;
	v10 =	vmul.f32 v0, v0;
	v37 =	vadd.f32 v26, v25;
	v25 =	vld [tilespmem:$0x1FFC0]  }
0x2a4: {  	v0 =	vadd.f32 v0, v8;
	v15 =	vld [tilespmem:s0+$0x1C60]  }
0x2a5: {  	v8 =	vadd.f32 v10, v9;
	v9 =	vmul.f32 v5, v5;
	v10 =	vld [tilespmem:$0x6900];
	v52 =	vperm.xlane v13, v28  }
0x2a6: {  	v0 =	vadd.f32 v5, v0;
	v55 =	vsub.f32 v19, v17  }
0x2a7: {  	v5 =	vadd.f32 v9, v8;
	v8 =	vmul.f32 v6, v6;
	v9 =	vld [tilespmem:$0x6C00];
	v53 =	vadd.s32 v52, v13  }
0x2a8: {  	v14 =	vmul.f32 s31, v55;
	v19 =	vperm.xlane v53, v25  }
0x2a9: {  	v54 =	vld [tilespmem:s26+$0x850];
	[tilespmem:s26+$0x840] =	vst v37;
	v0 =	vadd.f32 v6, v0;
	v6 =	vmul.f32 v7, v7;
	v5 =	vadd.f32 v8, v5  }
0x2aa: {  	v23 =	vld [tilespmem:s2+$0x1050];
	v15 =	vadd.f32 v15, v21;
	v10 =	vmul.f32 v14, v10;
	v8 =	vadd.s32 v19, v53  }
0x2ab: {  	v0 =	vadd.f32 v7, v0;
	v7 =	vld [tilespmem:s29+$0x810];
	(v2sf) =	vpush v8, $0x0  }
0x2ac: {  	v56 =	vld [tilespmem:s30+$0x1470];
	v5 =	vadd.f32 v6, v5;
	v6 =	vmul.f32 v11, v11;
	[tilespmem:s30+$0x1460] =	vst v15;
	v8 =	vadd.f32 v10, v9  }
0x2ad: {  	v0 =	vadd.f32 v11, v0;
	v9 =	vld [tilespmem:s0+$0x1C70]  }
0x2ae: {  	v5 =	vadd.f32 v6, v5;
	v6 =	vmul.f32 v18, v18;
	[tilespmem:s29+$0x800] =	vst v8  }
0x2af: {  	v43 =	vadd.f32 v23, v54;
	v0 =	vadd.f32 v18, v0;
	v8 =	vld [tilespmem:$0x6910]  }
0x2b0: {  	v7 =	vsub.f32 v7, v17;
	v5 =	vadd.f32 v6, v5;
	v6 =	vmul.f32 v16, v16  }
0x2b1: {  	v57 =	vmul.f32 v15, v15;
	v0 =	vadd.f32 v16, v0;
	v10 =	vld [tilespmem:$0x6C10]  }
0x2b2: {  	v11 =	vld [tilespmem:s26+$0x860];
	[tilespmem:s26+$0x850] =	vst v43;
	v7 =	vmul.f32 s31, v7;
	v6 =	vadd.f32 v6, v5;
	v5 =	vadd.f32 v9, v56  }
0x2b3: {  	v0 =	vadd.f32 v15, v0;
	v9 =	vld [tilespmem:s2+$0x1060]  }
0x2b4: {  	v6 =	vadd.f32 v57, v6;
	v12 =	vmul.f32 v5, v5;
	v7 =	vmul.f32 v7, v8  }
0x2b5: {  	v0 =	vadd.f32 v5, v0;
	v8 =	vld [tilespmem:s29+$0x820]  }
0x2b6: {  	v6 =	vadd.f32 v12, v6;
	v7 =	vadd.f32 v7, v10  }
0x2b7: {  	v10 =	vperm.xlane v0, v62  }
0x2b8: {  	v44 =	vadd.f32 v9, v11;
	v9 =	vld [tilespmem:s26+$0x870];
	v12 =	vperm.xlane v6, v62;
	[tilespmem:s29+$0x810] =	vst v7  }
0x2b9: {  	v0 =	vadd.f32 v10, v0;
	v7 =	vld [tilespmem:$0x6920]  }
0x2ba: {  	s10 =	simm.s32 $0x0;
	[tilespmem:s26+$0x860] =	vst v44;
	v6 =	vadd.f32 v12, v6;
	v8 =	vsub.f32 v8, v17;
	v11 =	vld [tilespmem:$0x6C20];
	s8 =	spop (v2sf)  }
0x2bb: {  	s3 =	smul.u32 $0x6000, s10;
	v58 =	vld [tilespmem:s2+$0x1070];
	v10 =	vperm.xlane v0, v63;
	s0 =	sadd.s32 s18, s8  }
0x2bc: {  	v59 =	vperm.xlane v6, v63;
	v8 =	vmul.f32 s31, v8;
	s7 =	sshrl.u32 s0, $0x3  }
0x2bd: {  	s11 =	simm.s32 $0x180;
	s3 =	sshra.s32 s3, $0x2;
	v0 =	vadd.f32 v10, v0;
	s7 =	smul.u32 $0x6000, s7  }
0x2be: {  	s3 =	sadd.s32 s3, s25;
	s8 =	sand.u32 $0x380, s11;
	v6 =	vadd.f32 v59, v6;
	s0 =	sshll.u32 s0, $0x7;
	v7 =	vmul.f32 v8, v7  }
0x2bf: {  	v10 =	vld [tilespmem:s29+$0x830];
	s28 =	sadd.s32 s8, s3;
	v8 =	vperm.xlane v0, v28;
	s0 =	sand.u32 $0x380, s0;
	s15 =	sshra.s32 s7, $0x2  }
0x2c0: {  	v58 =	vadd.f32 v58, v9;
	v62 =	vperm.xlane v6, v28;
	v7 =	vadd.f32 v7, v11;
	v11 =	vld [tilespmem:s28+$0x0];
	s0 =	sor.u32 s0, s15  }
0x2c1: {  	v0 =	vadd.f32 v8, v0;
	v8 =	vld [tilespmem:s0+$0x800]  }
0x2c2: {  	v61 =	vld [tilespmem:s26+$0xC00];
	[tilespmem:s26+$0x870] =	vst v58;
	v6 =	vadd.f32 v62, v6  }
0x2c3: {  	v63 =	vld [tilespmem:s2+$0x1400];
	[tilespmem:s29+$0x820] =	vst v7;
	v7 =	vperm.xlane v0, v25  }
0x2c4: {  	v9 =	vld [tilespmem:$0x6930];
	v14 =	vperm.xlane v6, v25  }
0x2c5: {  	v10 =	vsub.f32 v10, v17;
	v0 =	vadd.f32 v7, v0  }
0x2c6: {  	v7 =	vld [tilespmem:$0x6C30];
	v6 =	vadd.f32 v14, v6;
	v8 =	vadd.f32 v8, v11  }
0x2c7: {  	v38 =	vld [tilespmem:s26+$0xC10];
	v10 =	vmul.f32 s31, v10;
	(v2sf) =	vpush v0, $0x0  }
0x2c8: {  	v0 =	vld [tilespmem:s28+$0x10];
	(v2sf) =	vpush v6, $0x0;
	[tilespmem:$0x1FE50] =	vst v8  }
0x2c9: {  	v57 =	vadd.f32 v63, v61;
	v6 =	vmul.f32 v10, v9;
	[tilespmem:s28+$0x0] =	vst v8;
	v8 =	vld [tilespmem:s29+$0x840]  }
0x2ca: {  	v9 =	vld [tilespmem:s0+$0x810]  }
0x2cb: {  	v6 =	vadd.f32 v6, v7;
	[tilespmem:s26+$0xC00] =	vst v57  }
0x2cc: {  	v7 =	vld [tilespmem:s2+$0x1410]  }
0x2cd: {  	[tilespmem:s29+$0x830] =	vst v6  }
0x2ce: {  	v6 =	vld [tilespmem:$0x6940]  }
0x2cf: {  	v10 =	vld [tilespmem:s28+$0x20];
	v8 =	vsub.f32 v8, v17;
	v19 =	vadd.f32 v9, v0  }
0x2d0: {  	v9 =	vld [tilespmem:$0x6C40]  }
0x2d1: {  	v11 =	vld [tilespmem:s26+$0xC20];
	v0 =	vadd.f32 v7, v38;
	v8 =	vmul.f32 s31, v8;
	[tilespmem:s28+$0x10] =	vst v19  }
0x2d2: {  	v7 =	vld [tilespmem:s0+$0x820]  }
0x2d3: {  	[tilespmem:s26+$0xC10] =	vst v0;
	v6 =	vmul.f32 v8, v6;
	v8 =	vld [tilespmem:s29+$0x850]  }
0x2d4: {  	v41 =	vld [tilespmem:s2+$0x1420]  }
0x2d5: {  	v6 =	vadd.f32 v6, v9  }
0x2d6: {  	s16 =	spop (v2sf)  }
0x2d7: {  	v9 =	vld [tilespmem:s26+$0xC30];
	s3 =	smul.f32 $1.302083370e-03, s16;
	s18 =	spop (v2sf);
	[tilespmem:s29+$0x840] =	vst v6  }
0x2d8: {  	s7 =	smul.f32 $1.302083370e-03, s18;
	v59 =	vadd.f32 v7, v10;
	v6 =	vld [tilespmem:$0x6950]  }
0x2d9: {  	v7 =	vld [tilespmem:s28+$0x30];
	v8 =	vsub.f32 v8, v17;
	v28 =	vadd.f32 v41, v11;
	s19 =	smul.f32 s3, s3  }
0x2da: {  	v10 =	vld [tilespmem:$0x6C50];
	[tilespmem:s28+$0x20] =	vst v59  }
0x2db: {  	v8 =	vmul.f32 s31, v8;
	[tilespmem:s26+$0xC20] =	vst v28;
	s7 =	ssub.f32 s7, s19;
	v11 =	vld [tilespmem:s0+$0x830]  }
0x2dc: {  	v42 =	vld [tilespmem:s2+$0x1430]  }
0x2dd: {  	s7 =	sadd.f32 $9.999999740e-06, s7;
	v6 =	vmul.f32 v8, v6;
	_ =	sdelay $0x1  }
0x2de: {  	v8 =	vld [tilespmem:s29+$0x860];
	s10 =	sshra.s32 s7, $0x1;
	s7 =	smul.f32 $5.000000000e-01, s7;
	v6 =	vadd.f32 v6, v10  }
0x2df: {  	v10 =	vld [tilespmem:s26+$0xC40];
	s8 =	ssub.s32 $0x5F3759DF, s10;
	v55 =	vadd.f32 v11, v7  }
0x2e0: {  	v7 =	vld [tilespmem:s28+$0x40];
	v26 =	vadd.f32 v42, v9;
	s11 =	smul.f32 s8, s7;
	[tilespmem:s29+$0x850] =	vst v6  }
0x2e1: {  	[tilespmem:s28+$0x30] =	vst v55;
	v6 =	vld [tilespmem:$0x6960]  }
0x2e2: {  	[tilespmem:s26+$0xC30] =	vst v26;
	s10 =	smul.f32 s8, s11;
	v9 =	vld [tilespmem:s0+$0x840]  }
0x2e3: {  	v8 =	vsub.f32 v8, v17;
	v45 =	vld [tilespmem:s2+$0x1440]  }
0x2e4: {  	v11 =	vld [tilespmem:$0x6C60];
	s10 =	ssub.f32 $1.500000000e+00, s10  }
0x2e5: {  	v8 =	vmul.f32 s31, v8  }
0x2e6: {  	v49 =	vld [tilespmem:s26+$0x1420];
	s8 =	smul.f32 s8, s10  }
0x2e7: {  	v6 =	vmul.f32 v8, v6;
	v8 =	vld [tilespmem:s28+$0x50];
	v62 =	vadd.f32 v9, v7  }
0x2e8: {  	v7 =	vld [tilespmem:s29+$0x870];
	v47 =	vadd.f32 v45, v10;
	s10 =	smul.f32 s8, s7  }
0x2e9: {  	v9 =	vld [tilespmem:s26+$0xC50];
	v6 =	vadd.f32 v6, v11;
	[tilespmem:s28+$0x40] =	vst v62  }
0x2ea: {  	[tilespmem:s26+$0xC40] =	vst v47;
	s10 =	smul.f32 s10, s8;
	v10 =	vld [tilespmem:s0+$0x850]  }
0x2eb: {  	[tilespmem:s29+$0x860] =	vst v6;
	v11 =	vld [tilespmem:s2+$0x1450]  }
0x2ec: {  	v6 =	vld [tilespmem:$0x6970];
	s10 =	ssub.f32 $1.500000000e+00, s10  }
0x2ed: {  	v7 =	vsub.f32 v7, v17  }
0x2ee: {  	v46 =	vld [tilespmem:$0x6C70];
	[tilespmem:$0x1FE70] =	vst v49;
	s8 =	smul.f32 s10, s8  }
0x2ef: {  	v13 =	vld [tilespmem:s26+$0xC60];
	v7 =	vmul.f32 s31, v7  }
0x2f0: {  	v63 =	vadd.f32 v10, v8;
	v10 =	vld [tilespmem:s28+$0x60];
	s7 =	smul.f32 s8, s7  }
0x2f1: {  	v48 =	vadd.f32 v11, v9;
	v9 =	vld [tilespmem:s30+$0x0];
	v6 =	vmul.f32 v7, v6  }
0x2f2: {  	v7 =	vld [tilespmem:s29+$0xC00];
	[tilespmem:s28+$0x50] =	vst v63;
	s7 =	smul.f32 s7, s8  }
0x2f3: {  	[tilespmem:s26+$0xC50] =	vst v48;
	v6 =	vadd.f32 v6, v46;
	v11 =	vld [tilespmem:s0+$0x860]  }
0x2f4: {  	[tilespmem:s30+$0x1470] =	vst v5;
	v50 =	vld [tilespmem:s2+$0x1460];
	s7 =	ssub.f32 $1.500000000e+00, s7  }
0x2f5: {  	v8 =	vmov s3;
	[tilespmem:s29+$0x870] =	vst v6;
	v6 =	vld [tilespmem:$0x6800]  }
0x2f6: {  	v9 =	vsub.f32 v9, v8;
	v5 =	vld [tilespmem:$0x6980];
	s3 =	smul.f32 s7, s8  }
0x2f7: {  	v15 =	vld [tilespmem:$0x6B00];
	v7 =	vsub.f32 v7, v17  }
0x2f8: {  	v51 =	vld [tilespmem:$0x6C80];
	v9 =	vmul.f32 s3, v9  }
0x2f9: {  	v16 =	vld [tilespmem:s26+$0xC70];
	v7 =	vmul.f32 s31, v7  }
0x2fa: {  	v61 =	vadd.f32 v11, v10;
	v10 =	vld [tilespmem:s28+$0x70];
	v6 =	vmul.f32 v9, v6  }
0x2fb: {  	v21 =	vadd.f32 v50, v13;
	v9 =	vld [tilespmem:s30+$0x10];
	v5 =	vmul.f32 v7, v5  }
0x2fc: {  	[tilespmem:s28+$0x60] =	vst v61;
	v7 =	vld [tilespmem:s29+$0xC10];
	v6 =	vadd.f32 v6, v15  }
0x2fd: {  	[tilespmem:s26+$0xC60] =	vst v21;
	v11 =	vld [tilespmem:s0+$0x870];
	v5 =	vadd.f32 v5, v51  }
0x2fe: {  	v52 =	vld [tilespmem:s2+$0x1470];
	[tilespmem:s30+$0x0] =	vst v6  }
0x2ff: {  	[tilespmem:s29+$0xC00] =	vst v5;
	v6 =	vld [tilespmem:$0x6810]  }
0x300: {  	v9 =	vsub.f32 v9, v8;
	v5 =	vld [tilespmem:$0x6990]  }
0x301: {  	v54 =	vld [tilespmem:$0x6B10];
	v7 =	vsub.f32 v7, v17  }
0x302: {  	v53 =	vld [tilespmem:$0x6C90];
	v9 =	vmul.f32 s3, v9  }
0x303: {  	v15 =	vld [tilespmem:s26+$0x1000];
	v7 =	vmul.f32 s31, v7  }
0x304: {  	v41 =	vadd.f32 v11, v10;
	v11 =	vld [tilespmem:s28+$0x400];
	v6 =	vmul.f32 v9, v6  }
0x305: {  	v10 =	vadd.f32 v52, v16;
	v9 =	vld [tilespmem:s30+$0x20];
	v5 =	vmul.f32 v7, v5  }
0x306: {  	[tilespmem:s28+$0x70] =	vst v41;
	v7 =	vld [tilespmem:s29+$0xC20];
	v6 =	vadd.f32 v6, v54  }
0x307: {  	[tilespmem:s26+$0xC70] =	vst v10;
	v56 =	vld [tilespmem:s0+$0xC00];
	v5 =	vadd.f32 v5, v53  }
0x308: {  	v38 =	vld [tilespmem:s2+$0x1800];
	[tilespmem:s30+$0x10] =	vst v6  }
0x309: {  	[tilespmem:s29+$0xC10] =	vst v5;
	v6 =	vld [tilespmem:$0x6820]  }
0x30a: {  	v9 =	vsub.f32 v9, v8;
	v5 =	vld [tilespmem:$0x69A0]  }
0x30b: {  	v16 =	vld [tilespmem:$0x6B20];
	v7 =	vsub.f32 v7, v17  }
0x30c: {  	v45 =	vld [tilespmem:$0x6CA0];
	v9 =	vmul.f32 s3, v9  }
0x30d: {  	v23 =	vld [tilespmem:s26+$0x1010];
	v7 =	vmul.f32 s31, v7  }
0x30e: {  	v42 =	vadd.f32 v56, v11;
	v11 =	vld [tilespmem:s28+$0x410];
	v18 =	vadd.f32 v38, v15;
	v6 =	vmul.f32 v9, v6  }
0x30f: {  	v9 =	vld [tilespmem:s30+$0x30];
	v5 =	vmul.f32 v7, v5  }
0x310: {  	[tilespmem:s26+$0x1000] =	vst v18;
	v7 =	vld [tilespmem:s29+$0xC30];
	v6 =	vadd.f32 v6, v16  }
0x311: {  	[tilespmem:s28+$0x400] =	vst v42;
	v49 =	vld [tilespmem:s2+$0x1810];
	v5 =	vadd.f32 v5, v45  }
0x312: {  	v46 =	vld [tilespmem:s0+$0xC10];
	[tilespmem:s30+$0x20] =	vst v6  }
0x313: {  	[tilespmem:s29+$0xC20] =	vst v5;
	v6 =	vld [tilespmem:$0x6830]  }
0x314: {  	v9 =	vsub.f32 v9, v8;
	v5 =	vld [tilespmem:$0x69B0]  }
0x315: {  	v15 =	vld [tilespmem:$0x6B30];
	v7 =	vsub.f32 v7, v17  }
0x316: {  	v23 =	vadd.f32 v49, v23;
	v50 =	vld [tilespmem:$0x6CB0];
	v25 =	vmul.f32 s3, v9  }
0x317: {  	v51 =	vld [tilespmem:s30+$0x40];
	v7 =	vmul.f32 s31, v7  }
0x318: {  	v16 =	vld [tilespmem:s26+$0x1020];
	[tilespmem:s26+$0x1010] =	vst v23;
	v6 =	vmul.f32 v25, v6  }
0x319: {  	v53 =	vld [tilespmem:s2+$0x1820];
	v9 =	vadd.f32 v46, v11;
	v5 =	vmul.f32 v7, v5  }
0x31a: {  	v7 =	vld [tilespmem:s29+$0xC40];
	v6 =	vadd.f32 v6, v15  }
0x31b: {  	v11 =	vld [tilespmem:s28+$0x420];
	[tilespmem:s28+$0x410] =	vst v9;
	v5 =	vadd.f32 v5, v50  }
0x31c: {  	v52 =	vld [tilespmem:s0+$0xC20];
	[tilespmem:s30+$0x30] =	vst v6  }
0x31d: {  	[tilespmem:s29+$0xC30] =	vst v5;
	v6 =	vld [tilespmem:$0x6840]  }
0x31e: {  	v12 =	vsub.f32 v51, v8;
	v5 =	vld [tilespmem:$0x69C0]  }
0x31f: {  	v25 =	vld [tilespmem:$0x6B40];
	v7 =	vsub.f32 v7, v17  }
0x320: {  	v12 =	vmul.f32 s3, v12;
	v15 =	vld [tilespmem:$0x6CC0]  }
0x321: {  	v56 =	vld [tilespmem:s29+$0xC50];
	v14 =	vadd.f32 v53, v16;
	v54 =	vmul.f32 s31, v7  }
0x322: {  	v38 =	vld [tilespmem:s30+$0x50];
	v6 =	vmul.f32 v12, v6  }
0x323: {  	v49 =	vld [tilespmem:s26+$0x1030];
	[tilespmem:s26+$0x1020] =	vst v14;
	v46 =	vadd.f32 v52, v11;
	v5 =	vmul.f32 v54, v5  }
0x324: {  	v16 =	vld [tilespmem:s2+$0x1830];
	v6 =	vadd.f32 v6, v25  }
0x325: {  	v11 =	vld [tilespmem:s28+$0x430];
	[tilespmem:s28+$0x420] =	vst v46;
	v5 =	vadd.f32 v5, v15  }
0x326: {  	v15 =	vld [tilespmem:s0+$0xC30];
	[tilespmem:s30+$0x40] =	vst v6  }
0x327: {  	[tilespmem:s29+$0xC40] =	vst v5;
	v25 =	vld [tilespmem:$0x6850]  }
0x328: {  	v12 =	vsub.f32 v38, v8;
	v5 =	vld [tilespmem:$0x69D0]  }
0x329: {  	v6 =	vsub.f32 v56, v17;
	v54 =	vld [tilespmem:$0x6B50]  }
0x32a: {  	v12 =	vmul.f32 s3, v12;
	v45 =	vld [tilespmem:$0x6CD0]  }
0x32b: {  	v51 =	vld [tilespmem:s26+$0x1040];
	v56 =	vmul.f32 s31, v6  }
0x32c: {  	v7 =	vadd.f32 v15, v11;
	v11 =	vld [tilespmem:s28+$0x440];
	v15 =	vadd.f32 v16, v49;
	v12 =	vmul.f32 v12, v25  }
0x32d: {  	v25 =	vld [tilespmem:s30+$0x60];
	v5 =	vmul.f32 v56, v5  }
0x32e: {  	v16 =	vld [tilespmem:s29+$0xC60];
	[tilespmem:s26+$0x1030] =	vst v15;
	v12 =	vadd.f32 v12, v54  }
0x32f: {  	[tilespmem:s28+$0x430] =	vst v7;
	v38 =	vld [tilespmem:s2+$0x1840];
	v5 =	vadd.f32 v5, v45  }
0x330: {  	v45 =	vld [tilespmem:s0+$0xC40];
	[tilespmem:s30+$0x50] =	vst v12  }
0x331: {  	[tilespmem:s29+$0xC50] =	vst v5;
	v12 =	vld [tilespmem:$0x6860]  }
0x332: {  	v25 =	vsub.f32 v25, v8;
	v5 =	vld [tilespmem:$0x69E0]  }
0x333: {  	v16 =	vsub.f32 v16, v17;
	v52 =	vld [tilespmem:$0x6B60]  }
0x334: {  	v50 =	vld [tilespmem:$0x6CE0];
	v54 =	vmul.f32 s3, v25  }
0x335: {  	v53 =	vld [tilespmem:s26+$0x1050];
	v16 =	vmul.f32 s31, v16  }
0x336: {  	v45 =	vadd.f32 v45, v11;
	v11 =	vld [tilespmem:s28+$0x450];
	v12 =	vmul.f32 v54, v12  }
0x337: {  	v49 =	vadd.f32 v38, v51;
	v5 =	vmul.f32 v16, v5;
	v16 =	vld [tilespmem:s30+$0x70]  }
0x338: {  	v25 =	vmov v55;
	v55 =	vld [tilespmem:s29+$0xC70];
	[tilespmem:s28+$0x440] =	vst v45;
	v12 =	vadd.f32 v12, v52  }
0x339: {  	[tilespmem:s26+$0x1040] =	vst v49;
	v38 =	vld [tilespmem:s0+$0xC50];
	v5 =	vadd.f32 v5, v50  }
0x33a: {  	v50 =	vld [tilespmem:s2+$0x1850];
	[tilespmem:s30+$0x60] =	vst v12  }
0x33b: {  	[tilespmem:s29+$0xC60] =	vst v5;
	v51 =	vld [tilespmem:$0x6870]  }
0x33c: {  	v12 =	vld [tilespmem:$0x69F0];
	v13 =	vsub.f32 v16, v8  }
0x33d: {  	v5 =	vsub.f32 v55, v17;
	v52 =	vld [tilespmem:$0x6B70]  }
0x33e: {  	v16 =	vld [tilespmem:$0x6CF0];
	v56 =	vmul.f32 s3, v13  }
0x33f: {  	v54 =	vmul.f32 s31, v5  }
0x340: {  	v55 =	vld [tilespmem:s26+$0x1060];
	v5 =	vadd.f32 v38, v11;
	v56 =	vmul.f32 v56, v51  }
0x341: {  	v11 =	vld [tilespmem:s28+$0x460];
	v13 =	vadd.f32 v50, v53;
	v12 =	vmul.f32 v54, v12  }
0x342: {  	[tilespmem:s28+$0x450] =	vst v5;
	v51 =	vld [tilespmem:s30+$0x400];
	v38 =	vadd.f32 v56, v52  }
0x343: {  	v50 =	vld [tilespmem:s29+$0x1000];
	v53 =	vadd.f32 $0.0e+00, v20;
	[tilespmem:s26+$0x1050] =	vst v13;
	v12 =	vadd.f32 v12, v16  }
0x344: {  	v20 =	vmul.f32 v20, v20;
	v56 =	vmul.f32 v22, v22;
	v16 =	vld [tilespmem:s0+$0xC60];
	[tilespmem:s30+$0x70] =	vst v38  }
0x345: {  	v22 =	vadd.f32 v22, v53;
	[tilespmem:s29+$0xC70] =	vst v12;
	v12 =	vld [tilespmem:s2+$0x1860]  }
0x346: {  	v20 =	vadd.f32 v56, v20;
	v56 =	vmul.f32 v24, v24;
	v52 =	vld [tilespmem:$0x6880]  }
0x347: {  	v22 =	vadd.f32 v24, v22;
	v24 =	vsub.f32 v51, v8;
	v53 =	vld [tilespmem:$0x6A00]  }
0x348: {  	v50 =	vsub.f32 v50, v17;
	v20 =	vadd.f32 v56, v20;
	v56 =	vld [tilespmem:$0x6B80]  }
0x349: {  	v54 =	vmul.f32 v27, v27;
	v51 =	vld [tilespmem:$0x6D00];
	v22 =	vadd.f32 v27, v22;
	v24 =	vmul.f32 s3, v24  }
0x34a: {  	v50 =	vmul.f32 s31, v50;
	v27 =	vld [tilespmem:s26+$0x1070];
	v38 =	vadd.f32 v16, v11  }
0x34b: {  	v11 =	vadd.f32 v54, v20;
	v20 =	vld [tilespmem:s28+$0x470];
	v22 =	vadd.f32 v29, v22;
	v24 =	vmul.f32 v24, v52  }
0x34c: {  	v12 =	vadd.f32 v12, v55;
	v16 =	vmul.f32 v50, v53;
	v50 =	vmul.f32 v29, v29;
	v29 =	vld [tilespmem:s30+$0x410]  }
0x34d: {  	v52 =	vld [tilespmem:s29+$0x1010];
	[tilespmem:s28+$0x460] =	vst v38;
	v55 =	vmul.f32 v1, v1;
	v1 =	vadd.f32 v1, v22;
	v24 =	vadd.f32 v24, v56  }
0x34e: {  	[tilespmem:s26+$0x1060] =	vst v12;
	v16 =	vadd.f32 v16, v51;
	v51 =	vld [tilespmem:s0+$0xC70];
	v11 =	vadd.f32 v50, v11  }
0x34f: {  	v22 =	vld [tilespmem:s2+$0x1870];
	[tilespmem:s30+$0x400] =	vst v24  }
0x350: {  	v1 =	vadd.f32 v30, v1;
	[tilespmem:s29+$0x1000] =	vst v16;
	v11 =	vadd.f32 v55, v11;
	v16 =	vmul.f32 v30, v30;
	v30 =	vld [tilespmem:$0x6890]  }
0x351: {  	v24 =	vld [tilespmem:$0x6A10];
	v29 =	vsub.f32 v29, v8  }
0x352: {  	v50 =	vsub.f32 v52, v17;
	v56 =	vld [tilespmem:$0x6B90];
	v11 =	vadd.f32 v16, v11;
	v16 =	vmul.f32 v31, v31  }
0x353: {  	v1 =	vadd.f32 v31, v1;
	v55 =	vmul.f32 v3, v3;
	v52 =	vld [tilespmem:$0x6D10];
	v29 =	vmul.f32 s3, v29  }
0x354: {  	v50 =	vmul.f32 s31, v50;
	v31 =	vadd.f32 v51, v20;
	v20 =	vld [tilespmem:s28+$0x800];
	v11 =	vadd.f32 v16, v11  }
0x355: {  	v3 =	vadd.f32 v3, v1;
	v1 =	vadd.f32 v22, v27;
	v27 =	vld [tilespmem:s29+$0x1020];
	v22 =	vmul.f32 v29, v30  }
0x356: {  	v16 =	vld [tilespmem:s26+$0x1400];
	v29 =	vmul.f32 v32, v32;
	v24 =	vmul.f32 v50, v24;
	v11 =	vadd.f32 v55, v11  }
0x357: {  	[tilespmem:s28+$0x470] =	vst v31;
	v30 =	vld [tilespmem:s30+$0x420];
	v22 =	vadd.f32 v22, v56  }
0x358: {  	[tilespmem:s26+$0x1070] =	vst v1;
	v50 =	vld [tilespmem:s0+$0x1000];
	v24 =	vadd.f32 v24, v52;
	v11 =	vadd.f32 v29, v11;
	v29 =	vmul.f32 v33, v33  }
0x359: {  	v3 =	vadd.f32 v32, v3;
	v32 =	vld [tilespmem:s2+$0x1C00];
	[tilespmem:s30+$0x410] =	vst v22  }
0x35a: {  	[tilespmem:s29+$0x1010] =	vst v24;
	v11 =	vadd.f32 v29, v11;
	v29 =	vld [tilespmem:$0x68A0]  }
0x35b: {  	v3 =	vadd.f32 v33, v3;
	v22 =	vld [tilespmem:$0x6A20]  }
0x35c: {  	v27 =	vsub.f32 v27, v17;
	v6 =	vld [tilespmem:$0x1FE60]  }
0x35d: {  	v24 =	vmul.f32 v2, v2;
	v2 =	vadd.f32 v2, v3;
	v3 =	vsub.f32 v30, v8;
	v30 =	vld [tilespmem:$0x6D20]  }
0x35e: {  	v27 =	vmul.f32 s31, v27  }
0x35f: {  	v51 =	vld [tilespmem:$0x6BA0];
	v11 =	vadd.f32 v24, v11;
	v24 =	vmul.f32 v34, v34;
	v34 =	vadd.f32 v34, v2  }
0x360: {  	v56 =	vld [tilespmem:s26+$0x1410];
	v3 =	vmul.f32 s3, v3;
	v2 =	vadd.f32 v32, v16;
	v22 =	vmul.f32 v27, v22  }
0x361: {  	v16 =	vld [tilespmem:s29+$0x1030];
	v11 =	vadd.f32 v24, v11;
	v24 =	vmul.f32 v6, v6;
	v27 =	vadd.f32 v6, v34  }
0x362: {  	v33 =	vadd.f32 v50, v20;
	v20 =	vld [tilespmem:s28+$0x810];
	v3 =	vmul.f32 v3, v29;
	v22 =	vadd.f32 v22, v30  }
0x363: {  	[tilespmem:s26+$0x1400] =	vst v2;
	v29 =	vld [tilespmem:s30+$0x430];
	v11 =	vadd.f32 v24, v11;
	v24 =	vmul.f32 v36, v36;
	v27 =	vadd.f32 v36, v27  }
0x364: {  	[tilespmem:s28+$0x800] =	vst v33;
	v50 =	vld [tilespmem:s2+$0x1C10];
	v3 =	vadd.f32 v3, v51  }
0x365: {  	s18 =	simm.s32 $0x4;
	v30 =	vld [tilespmem:s0+$0x1010];
	[tilespmem:s29+$0x1020] =	vst v22;
	v11 =	vadd.f32 v24, v11;
	v22 =	vmul.f32 v35, v35;
	v24 =	vadd.f32 v35, v27  }
0x366: {  	s15 =	sand.u32 $0xF, s18;
	v16 =	vsub.f32 v16, v17;
	[tilespmem:s30+$0x420] =	vst v3;
	v3 =	vld [tilespmem:$0x6A30]  }
0x367: {  	s19 =	sshll.u32 s15, $0x2;
	v27 =	vld [tilespmem:$0x68B0];
	v11 =	vadd.f32 v22, v11;
	v22 =	vmul.f32 v4, v4;
	v4 =	vadd.f32 v4, v24  }
0x368: {  	s8 =	ssub.s32 $0x0, s19;
	v29 =	vsub.f32 v29, v8;
	v51 =	vld [tilespmem:$0x6D30]  }
0x369: {  	s16 =	sadd.s32 $0x1, s4;
	s8 =	sshra.s32 s8, $0x2;
	v16 =	vmul.f32 s31, v16;
	v53 =	vld [tilespmem:$0x6BB0];
	v4 =	vadd.f32 v60, v4  }
0x36a: {  	s4 =	sadd.s32 s8, s16;
	v36 =	vld [tilespmem:s28+$0x820];
	v11 =	vadd.f32 v22, v11;
	v22 =	vmul.f32 s3, v29  }
0x36b: {  	v24 =	vld [tilespmem:s4+$0x0];
	v6 =	vadd.f32 v30, v20;
	v16 =	vmul.f32 v16, v3;
	v4 =	vadd.f32 v40, v4  }
0x36c: {  	v3 =	vadd.f32 v50, v56;
	v22 =	vmul.f32 v22, v27;
	v27 =	vld [tilespmem:s29+$0x1040]  }
0x36d: {  	v54 =	vlaneseq.u32;
	v29 =	vld [tilespmem:s30+$0x440];
	[tilespmem:s28+$0x810] =	vst v6;
	v16 =	vadd.f32 v16, v51;
	v4 =	vadd.f32 v39, v4  }
0x36e: {  	v20 =	vmul.f32 v60, v60;
	v30 =	vmov s15;
	v32 =	vld [tilespmem:s0+$0x1020];
	[tilespmem:s26+$0x1410] =	vst v3;
	v22 =	vadd.f32 v22, v53  }
0x36f: {  	vm1 =	veq.s32 v30, v54;
	v30 =	vld [tilespmem:s2+$0x1C20];
	[tilespmem:s29+$0x1030] =	vst v16;
	v4 =	vadd.f32 v37, v4  }
0x370: {  	v11 =	vadd.f32 v20, v11;
	v20 =	vmul.f32 v40, v40;
	v16 =	vnsel vm1, $0x0, v24;
	[tilespmem:s30+$0x430] =	vst v22;
	v24 =	vld [tilespmem:$0x6A40]  }
0x371: {  	v55 =	vld [tilespmem:$0x68C0];
	v22 =	vsub.f32 v27, v17;
	v4 =	vadd.f32 v43, v4  }
0x372: {  	v11 =	vadd.f32 v20, v11;
	v20 =	vmul.f32 v39, v39;
	v56 =	vld [tilespmem:$0x6D40]  }
0x373: {  	v29 =	vsub.f32 v29, v8;
	v60 =	vmul.f32 s31, v22;
	v54 =	vadd.f32 v44, v4;
	v4 =	vld [tilespmem:$0x1FE70]  }
0x374: {  	v52 =	vld [tilespmem:s26+$0x1430];
	v11 =	vadd.f32 v20, v11;
	v20 =	vmul.f32 v37, v37  }
0x375: {  	v40 =	vmovc v61;
	v53 =	vld [tilespmem:s28+$0x830];
	v61 =	vadd.f32 v32, v36;
	v29 =	vmul.f32 s3, v29;
	v24 =	vmul.f32 v60, v24  }
0x376: {  	v37 =	vld [tilespmem:$0x6BC0];
	v11 =	vadd.f32 v20, v11;
	v20 =	vmul.f32 v43, v43  }
0x377: {  	v22 =	vmov v19;
	v19 =	vmul.f32 v29, v55;
	v29 =	vld [tilespmem:s29+$0x1050];
	[tilespmem:$0x1FE80] =	vst v61;
	v24 =	vadd.f32 v24, v56  }
0x378: {  	v51 =	vld [tilespmem:$0x1FFD0];
	v11 =	vadd.f32 v20, v11;
	v20 =	vmul.f32 v44, v44;
	[tilespmem:s28+$0x820] =	vst v61;
	v4 =	vadd.f32 v30, v4  }
0x379: {  	[tilespmem:s29+$0x1040] =	vst v24  }
0x37a: {  	v11 =	vadd.f32 v20, v11;
	v20 =	vmul.f32 v58, v58;
	[tilespmem:s26+$0x1420] =	vst v4  }
0x37b: {  	v50 =	vld [tilespmem:$0x1FFE0]  }
0x37c: {  	v11 =	vadd.f32 v20, v11;
	v20 =	vmul.f32 v57, v57;
	v30 =	vld [tilespmem:s30+$0x450]  }
0x37d: {  	v27 =	vperm.xlane v16, v51;
	v60 =	vld [tilespmem:s28+$0x840];
	v56 =	vadd.f32 v58, v54  }
0x37e: {  	v55 =	vld [tilespmem:s0+$0x1030];
	v19 =	vadd.f32 v19, v37;
	v11 =	vadd.f32 v20, v11;
	v20 =	vmul.f32 v0, v0  }
0x37f: {  	v16 =	vadd.s32 v27, v16;
	v35 =	vadd.f32 v57, v56;
	v29 =	vsub.f32 v29, v17;
	v27 =	vld [tilespmem:s2+$0x1C30]  }
0x380: {  	[tilespmem:s30+$0x440] =	vst v19;
	v19 =	vld [tilespmem:$0x6A50];
	v11 =	vadd.f32 v20, v11;
	v20 =	vmul.f32 v28, v28;
	v24 =	vperm.xlane v16, v50  }
0x381: {  	v0 =	vadd.f32 v0, v35;
	v57 =	vld [tilespmem:$0x68D0];
	v30 =	vsub.f32 v30, v8  }
0x382: {  	v58 =	vld [tilespmem:$0x6D50];
	v29 =	vmul.f32 s31, v29;
	v11 =	vadd.f32 v20, v11;
	v20 =	vmul.f32 v26, v26  }
0x383: {  	v44 =	vmovc v6;
	v6 =	vadd.f32 v55, v53;
	v0 =	vadd.f32 v28, v0;
	v28 =	vld [tilespmem:s26+$0x1440];
	v30 =	vmul.f32 s3, v30  }
0x384: {  	v11 =	vadd.f32 v20, v11;
	v20 =	vmul.f32 v47, v47;
	v16 =	vadd.s32 v24, v16;
	v24 =	vmovc v59;
	v59 =	vld [tilespmem:$0x6BD0]  }
0x385: {  	v26 =	vadd.f32 v26, v0;
	v19 =	vmul.f32 v29, v19;
	v0 =	vadd.f32 v27, v52;
	v29 =	vld [tilespmem:s29+$0x1060];
	[tilespmem:$0x1FE90] =	vst v6  }
0x386: {  	v27 =	vmul.f32 v30, v57;
	v11 =	vadd.f32 v20, v11;
	v20 =	vmul.f32 v48, v48;
	[tilespmem:s28+$0x830] =	vst v6;
	v30 =	vld [tilespmem:s30+$0x460]  }
0x387: {  	v26 =	vadd.f32 v47, v26;
	v19 =	vadd.f32 v19, v58;
	v52 =	vld [tilespmem:$0x1FFF0]  }
0x388: {  	v11 =	vadd.f32 v20, v11;
	v20 =	vmul.f32 v21, v21;
	v53 =	vld [tilespmem:s0+$0x1040];
	[tilespmem:s26+$0x1430] =	vst v0  }
0x389: {  	[tilespmem:s29+$0x1050] =	vst v19;
	v19 =	vadd.f32 v48, v26;
	v54 =	vld [tilespmem:s2+$0x1C40];
	v27 =	vadd.f32 v27, v59  }
0x38a: {  	v11 =	vadd.f32 v20, v11;
	v20 =	vmul.f32 v10, v10;
	v26 =	vld [tilespmem:$0x6A60]  }
0x38b: {  	v19 =	vadd.f32 v21, v19;
	v21 =	vsub.f32 v30, v8;
	v30 =	vld [tilespmem:$0x6D60];
	[tilespmem:s30+$0x450] =	vst v27  }
0x38c: {  	v11 =	vadd.f32 v20, v11;
	v20 =	vmul.f32 v18, v18;
	v27 =	vsub.f32 v29, v17;
	v55 =	vld [tilespmem:$0x68E0]  }
0x38d: {  	v43 =	vmov v9;
	v10 =	vadd.f32 v10, v19;
	v9 =	vld [tilespmem:$0x1FFC0]  }
0x38e: {  	v11 =	vadd.f32 v20, v11;
	v20 =	vmul.f32 v23, v23;
	v56 =	vld [tilespmem:$0x6BE0];
	v57 =	vmul.f32 s31, v27  }
0x38f: {  	v58 =	vld [tilespmem:s28+$0x850];
	v6 =	vadd.f32 v53, v60;
	v21 =	vmul.f32 s3, v21;
	v10 =	vadd.f32 v18, v10  }
0x390: {  	v19 =	vld [tilespmem:s26+$0x1450];
	v61 =	vperm.xlane v16, v52;
	v18 =	vadd.f32 v54, v28;
	v26 =	vmul.f32 v57, v26  }
0x391: {  	v11 =	vadd.f32 v20, v11;
	v28 =	vld [tilespmem:s29+$0x1070];
	[tilespmem:$0x1FEA0] =	vst v6;
	v10 =	vadd.f32 v23, v10;
	v21 =	vmul.f32 v21, v55  }
0x392: {  	v20 =	vmul.f32 v14, v14;
	v16 =	vadd.s32 v61, v16;
	v59 =	vld [tilespmem:s30+$0x470];
	[tilespmem:s26+$0x1440] =	vst v18;
	v26 =	vadd.f32 v26, v30  }
0x393: {  	[tilespmem:s28+$0x840] =	vst v6;
	v23 =	vld [tilespmem:s2+$0x1C50];
	v10 =	vadd.f32 v14, v10;
	v29 =	vperm.xlane v16, v9;
	v21 =	vadd.f32 v21, v56  }
0x394: {  	v30 =	vld [tilespmem:s0+$0x1050];
	[tilespmem:s29+$0x1060] =	vst v26  }
0x395: {  	v11 =	vadd.f32 v20, v11;
	v10 =	vadd.f32 v15, v10;
	v16 =	vadd.s32 v29, v16;
	v60 =	vld [tilespmem:$0x6A70];
	[tilespmem:s30+$0x460] =	vst v21  }
0x396: {  	(v2sf) =	vpush v16, $0x0;
	v16 =	vmul.f32 v15, v15;
	v21 =	vsub.f32 v28, v17;
	v20 =	vld [tilespmem:$0x68F0]  }
0x397: {  	v15 =	vsub.f32 v59, v8;
	v26 =	vld [tilespmem:$0x6D70];
	v10 =	vadd.f32 v49, v10  }
0x398: {  	v11 =	vadd.f32 v16, v11;
	v16 =	vmul.f32 v49, v49;
	v28 =	vld [tilespmem:$0x6BF0];
	v21 =	vmul.f32 s31, v21  }
0x399: {  	v61 =	vld [tilespmem:s28+$0x860];
	v27 =	vmovc v62;
	v62 =	vadd.f32 v23, v19;
	v29 =	vadd.f32 v30, v58;
	v15 =	vmul.f32 s3, v15  }
0x39a: {  	v19 =	vld [tilespmem:s29+$0x1400];
	v11 =	vadd.f32 v16, v11;
	v16 =	vmul.f32 v13, v13;
	v14 =	vmul.f32 v21, v60  }
0x39b: {  	v30 =	vld [tilespmem:s26+$0x1460];
	v10 =	vadd.f32 v13, v10;
	v15 =	vmul.f32 v15, v20  }
0x39c: {  	[tilespmem:s28+$0x850] =	vst v29;
	v11 =	vadd.f32 v16, v11;
	v16 =	vmul.f32 v12, v12;
	v20 =	vld [tilespmem:s30+$0x800];
	v14 =	vadd.f32 v14, v26  }
0x39d: {  	[tilespmem:s26+$0x1450] =	vst v62;
	v10 =	vadd.f32 v12, v10;
	v21 =	vld [tilespmem:s0+$0x1060];
	v34 =	vadd.f32 v15, v28  }
0x39e: {  	v11 =	vadd.f32 v16, v11;
	v16 =	vld [tilespmem:s2+$0x1C60];
	v15 =	vmul.f32 v1, v1;
	[tilespmem:s29+$0x1070] =	vst v14  }
0x39f: {  	v1 =	vadd.f32 v1, v10;
	v10 =	vld [tilespmem:$0x6A80];
	[tilespmem:s30+$0x470] =	vst v34  }
0x3a0: {  	v35 =	vmul.f32 v2, v2;
	v11 =	vadd.f32 v15, v11;
	v15 =	vsub.f32 v19, v17;
	v47 =	vld [tilespmem:$0x6900]  }
0x3a1: {  	v1 =	vadd.f32 v2, v1;
	v19 =	vld [tilespmem:$0x6D80];
	v2 =	vsub.f32 v20, v8  }
0x3a2: {  	v48 =	vmul.f32 v3, v3;
	v20 =	vld [tilespmem:$0x6C00];
	v11 =	vadd.f32 v35, v11;
	v15 =	vmul.f32 s31, v15  }
0x3a3: {  	v53 =	vld [tilespmem:s29+$0x1410];
	v49 =	vmul.f32 v4, v4;
	v1 =	vadd.f32 v3, v1;
	v2 =	vmul.f32 s3, v2  }
0x3a4: {  	v32 =	vadd.f32 v21, v61;
	v21 =	vld [tilespmem:s28+$0x870];
	v11 =	vadd.f32 v48, v11;
	v10 =	vmul.f32 v15, v10  }
0x3a5: {  	v3 =	vld [tilespmem:s26+$0x1470];
	v1 =	vadd.f32 v4, v1;
	v4 =	vadd.f32 v16, v30;
	v2 =	vmul.f32 v2, v47  }
0x3a6: {  	v54 =	vmul.f32 v0, v0;
	[tilespmem:s28+$0x860] =	vst v32;
	v15 =	vld [tilespmem:s30+$0x810];
	v11 =	vadd.f32 v49, v11;
	v10 =	vadd.f32 v10, v19  }
0x3a7: {  	v16 =	vld [tilespmem:s0+$0x1070];
	v0 =	vadd.f32 v0, v1;
	[tilespmem:s26+$0x1460] =	vst v4;
	v1 =	vadd.f32 v2, v20  }
0x3a8: {  	v55 =	vld [tilespmem:s2+$0x1C70];
	v2 =	vadd.f32 v54, v11;
	v11 =	vmul.f32 v18, v18;
	[tilespmem:s29+$0x1400] =	vst v10  }
0x3a9: {  	v14 =	vsub.f32 v53, v17;
	[tilespmem:s30+$0x800] =	vst v1;
	v1 =	vld [tilespmem:$0x6A90]  }
0x3aa: {  	s8 =	simm.s32 $0x0;
	s11 =	spop (v2sf);
	v0 =	vadd.f32 v18, v0;
	v2 =	vadd.f32 v11, v2;
	v11 =	vld [tilespmem:$0x6910]  }
0x3ab: {  	s10 =	smul.u32 $0x6000, s8;
	s4 =	sadd.s32 s15, s11;
	v10 =	vmul.f32 v62, v62;
	v15 =	vsub.f32 v15, v8;
	v18 =	vld [tilespmem:$0x6D90]  }
0x3ac: {  	v14 =	vmul.f32 s31, v14;
	s19 =	sshrl.u32 s4, $0x3;
	v20 =	vmul.f32 v4, v4;
	v0 =	vadd.f32 v62, v0;
	v56 =	vld [tilespmem:$0x6C10]  }
0x3ad: {  	s7 =	simm.s32 $0x200;
	v58 =	vld [tilespmem:s30+$0x820];
	s2 =	sshra.s32 s10, $0x2;
	s10 =	smul.u32 $0x6000, s19;
	v10 =	vadd.f32 v10, v2;
	v2 =	vadd.f32 v55, v3;
	v3 =	vmul.f32 s3, v15  }
0x3ae: {  	s15 =	sand.u32 $0x380, s7;
	v19 =	vld [tilespmem:s28+$0xC00];
	s4 =	sshll.u32 s4, $0x7;
	s2 =	sadd.s32 s2, s25;
	v35 =	vadd.f32 v16, v21;
	v0 =	vadd.f32 v4, v0;
	v1 =	vmul.f32 v14, v1  }
0x3af: {  	s4 =	sand.u32 $0x380, s4;
	s2 =	sadd.s32 s15, s2;
	s8 =	sshra.s32 s10, $0x2;
	v4 =	vadd.f32 v20, v10;
	v10 =	vmul.f32 v2, v2;
	v3 =	vmul.f32 v3, v11;
	v11 =	vld [tilespmem:s29+$0x1420]  }
0x3b0: {  	v57 =	vld [tilespmem:s2+$0x0];
	s4 =	sor.u32 s4, s8;
	v0 =	vadd.f32 v2, v0;
	v1 =	vadd.f32 v1, v18  }
0x3b1: {  	[tilespmem:s28+$0x870] =	vst v35;
	v15 =	vld [tilespmem:s4+$0x800];
	v4 =	vadd.f32 v10, v4;
	v3 =	vadd.f32 v3, v56  }
0x3b2: {  	v10 =	vld [tilespmem:s0+$0x1400];
	v59 =	vperm.xlane v0, v51;
	[tilespmem:s29+$0x1410] =	vst v1  }
0x3b3: {  	v1 =	vperm.xlane v4, v51;
	[tilespmem:s30+$0x810] =	vst v3;
	v3 =	vld [tilespmem:$0x6AA0]  }
0x3b4: {  	v0 =	vadd.f32 v59, v0;
	v60 =	vld [tilespmem:$0x6920];
	v11 =	vsub.f32 v11, v17  }
0x3b5: {  	v61 =	vld [tilespmem:$0x6DA0];
	v1 =	vadd.f32 v1, v4;
	v4 =	vsub.f32 v58, v8  }
0x3b6: {  	v16 =	vperm.xlane v0, v50;
	v18 =	vld [tilespmem:$0x6C20];
	v11 =	vmul.f32 s31, v11  }
0x3b7: {  	v34 =	vld [tilespmem:s30+$0x830];
	v21 =	vperm.xlane v1, v50;
	v4 =	vmul.f32 s3, v4  }
0x3b8: {  	v62 =	vld [tilespmem:s2+$0x10];
	v48 =	vadd.f32 v15, v57;
	v0 =	vadd.f32 v16, v0;
	v3 =	vmul.f32 v11, v3  }
0x3b9: {  	v47 =	vadd.f32 v10, v19;
	v10 =	vld [tilespmem:s29+$0x1430];
	v1 =	vadd.f32 v21, v1;
	v4 =	vmul.f32 v4, v60  }
0x3ba: {  	v20 =	vld [tilespmem:s28+$0xC10];
	[tilespmem:s2+$0x0] =	vst v48;
	v11 =	vperm.xlane v0, v52;
	v3 =	vadd.f32 v3, v61  }
0x3bb: {  	v49 =	vld [tilespmem:s4+$0x810];
	[tilespmem:s28+$0xC00] =	vst v47;
	v15 =	vperm.xlane v1, v52;
	v4 =	vadd.f32 v4, v18  }
0x3bc: {  	v16 =	vld [tilespmem:s0+$0x1410];
	v0 =	vadd.f32 v11, v0;
	[tilespmem:s29+$0x1420] =	vst v3  }
0x3bd: {  	v1 =	vadd.f32 v15, v1;
	[tilespmem:s30+$0x820] =	vst v4;
	v3 =	vld [tilespmem:$0x6AB0]  }
0x3be: {  	v10 =	vsub.f32 v10, v17;
	v4 =	vperm.xlane v0, v9;
	v11 =	vld [tilespmem:$0x6930]  }
0x3bf: {  	v13 =	vsub.f32 v34, v8;
	v18 =	vld [tilespmem:$0x6DB0];
	v15 =	vperm.xlane v1, v9  }
0x3c0: {  	v10 =	vmul.f32 s31, v10;
	v0 =	vadd.f32 v4, v0;
	v4 =	vld [tilespmem:$0x6C30]  }
0x3c1: {  	v13 =	vmul.f32 s3, v13;
	v19 =	vld [tilespmem:s28+$0xC20];
	v1 =	vadd.f32 v15, v1  }
0x3c2: {  	v50 =	vld [tilespmem:s2+$0x20];
	v56 =	vadd.f32 v49, v62;
	(v2sf) =	vpush v0, $0x0;
	v0 =	vmul.f32 v10, v3  }
0x3c3: {  	v53 =	vadd.f32 v16, v20;
	(v2sf) =	vpush v1, $0x0;
	v3 =	vld [tilespmem:s29+$0x1440];
	v1 =	vmul.f32 v13, v11  }
0x3c4: {  	[tilespmem:s2+$0x10] =	vst v56;
	v10 =	vld [tilespmem:s30+$0x840];
	v0 =	vadd.f32 v0, v18  }
0x3c5: {  	[tilespmem:s28+$0xC10] =	vst v53;
	v11 =	vld [tilespmem:s4+$0x820];
	v1 =	vadd.f32 v1, v4  }
0x3c6: {  	v4 =	vld [tilespmem:s0+$0x1420];
	[tilespmem:s29+$0x1430] =	vst v0  }
0x3c7: {  	[tilespmem:s30+$0x830] =	vst v1;
	v0 =	vld [tilespmem:$0x6AC0]  }
0x3c8: {  	v3 =	vsub.f32 v3, v17;
	v1 =	vld [tilespmem:$0x6940]  }
0x3c9: {  	v10 =	vsub.f32 v10, v8;
	v51 =	vld [tilespmem:$0x6DC0]  }
0x3ca: {  	v60 =	vld [tilespmem:$0x6C40];
	v3 =	vmul.f32 s31, v3  }
0x3cb: {  	v15 =	vld [tilespmem:s28+$0xC30];
	v10 =	vmul.f32 s3, v10  }
0x3cc: {  	v58 =	vadd.f32 v11, v50;
	v11 =	vld [tilespmem:s2+$0x30];
	v0 =	vmul.f32 v3, v0  }
0x3cd: {  	v54 =	vadd.f32 v4, v19;
	v3 =	vld [tilespmem:s29+$0x1450];
	v1 =	vmul.f32 v10, v1  }
0x3ce: {  	[tilespmem:s2+$0x20] =	vst v58;
	v4 =	vld [tilespmem:s30+$0x850];
	v0 =	vadd.f32 v0, v51  }
0x3cf: {  	[tilespmem:s28+$0xC20] =	vst v54;
	v10 =	vld [tilespmem:s4+$0x830];
	v1 =	vadd.f32 v1, v60  }
0x3d0: {  	v61 =	vld [tilespmem:s0+$0x1430];
	[tilespmem:s29+$0x1440] =	vst v0  }
0x3d1: {  	[tilespmem:s30+$0x840] =	vst v1;
	v0 =	vld [tilespmem:$0x6AD0]  }
0x3d2: {  	v3 =	vsub.f32 v3, v17;
	v1 =	vld [tilespmem:$0x6950]  }
0x3d3: {  	v4 =	vsub.f32 v4, v8;
	v62 =	vld [tilespmem:$0x6DD0]  }
0x3d4: {  	v34 =	vld [tilespmem:$0x6C50];
	v3 =	vmul.f32 s31, v3  }
0x3d5: {  	v16 =	vld [tilespmem:s28+$0xC40];
	v4 =	vmul.f32 s3, v4  }
0x3d6: {  	v59 =	vadd.f32 v10, v11;
	v10 =	vld [tilespmem:s2+$0x40];
	v0 =	vmul.f32 v3, v0  }
0x3d7: {  	v55 =	vadd.f32 v61, v15;
	v3 =	vld [tilespmem:s29+$0x1460];
	v1 =	vmul.f32 v4, v1  }
0x3d8: {  	[tilespmem:s2+$0x30] =	vst v59;
	v4 =	vld [tilespmem:s30+$0x860];
	v0 =	vadd.f32 v0, v62  }
0x3d9: {  	[tilespmem:s28+$0xC30] =	vst v55;
	v11 =	vld [tilespmem:s4+$0x840];
	v1 =	vadd.f32 v1, v34  }
0x3da: {  	v49 =	vld [tilespmem:s0+$0x1440];
	[tilespmem:s29+$0x1450] =	vst v0  }
0x3db: {  	[tilespmem:s30+$0x850] =	vst v1;
	v0 =	vld [tilespmem:$0x6AE0]  }
0x3dc: {  	v1 =	vsub.f32 v3, v17;
	v50 =	vld [tilespmem:$0x6960]  }
0x3dd: {  	v3 =	vsub.f32 v4, v8;
	v4 =	vld [tilespmem:$0x6DE0]  }
0x3de: {  	s11 =	spop (v2sf);
	v51 =	vld [tilespmem:$0x6C60];
	v15 =	vmul.f32 s31, v1  }
0x3df: {  	v52 =	vld [tilespmem:s29+$0x1470];
	s10 =	smul.f32 $1.302083370e-03, s11;
	s15 =	spop (v2sf);
	v60 =	vadd.f32 v11, v10;
	v18 =	vmul.f32 s3, v3  }
0x3e0: {  	s8 =	smul.f32 $1.302083370e-03, s15;
	v11 =	vld [tilespmem:s30+$0x870];
	v0 =	vmul.f32 v15, v0  }
0x3e1: {  	s11 =	smul.f32 s10, s10;
	v57 =	vadd.f32 v49, v16;
	[tilespmem:s2+$0x40] =	vst v60;
	v1 =	vld [tilespmem:s28+$0xC50];
	v10 =	vmul.f32 v18, v50  }
0x3e2: {  	v16 =	vld [tilespmem:s4+$0x850];
	v0 =	vadd.f32 v0, v4  }
0x3e3: {  	s8 =	ssub.f32 s8, s11;
	[tilespmem:s28+$0xC40] =	vst v57;
	v3 =	vld [tilespmem:s2+$0x50];
	v4 =	vadd.f32 v10, v51  }
0x3e4: {  	v10 =	vld [tilespmem:s0+$0x1450];
	[tilespmem:s29+$0x1460] =	vst v0  }
0x3e5: {  	s8 =	sadd.f32 $9.999999740e-06, s8;
	[tilespmem:s30+$0x860] =	vst v4;
	v61 =	vld [tilespmem:$0x6AF0]  }
0x3e6: {  	v30 =	vld [tilespmem:$0x6970];
	[tilespmem:$0x1FEB0] =	vst v25  }
0x3e7: {  	s15 =	sshra.s32 s8, $0x1;
	s11 =	smul.f32 $5.000000000e-01, s8;
	[tilespmem:$0x1FEC0] =	vst v27  }
0x3e8: {  	s19 =	ssub.s32 $0x5F3759DF, s15;
	[tilespmem:$0x1FED0] =	vst v63  }
0x3e9: {  	s15 =	smul.f32 s19, s11;
	[tilespmem:$0x1FEE0] =	vst v40  }
0x3ea: {  	[tilespmem:$0x1FEF0] =	vst v41  }
0x3eb: {  	s15 =	smul.f32 s19, s15;
	[tilespmem:$0x1FF00] =	vst v42  }
0x3ec: {  	[tilespmem:$0x1FF10] =	vst v43  }
0x3ed: {  	s15 =	ssub.f32 $1.500000000e+00, s15;
	[tilespmem:$0x1FF20] =	vst v46  }
0x3ee: {  	[tilespmem:$0x1FF30] =	vst v7  }
0x3ef: {  	s15 =	smul.f32 s19, s15;
	[tilespmem:$0x1FF40] =	vst v45  }
0x3f0: {  	[tilespmem:$0x1FF50] =	vst v5  }
0x3f1: {  	s19 =	smul.f32 s15, s11;
	[tilespmem:$0x1FF60] =	vst v38  }
0x3f2: {  	v39 =	vmov v7;
	v36 =	vmov v46;
	[tilespmem:$0x1FF70] =	vst v31  }
0x3f3: {  	v37 =	vmovc v63;
	v62 =	vsub.f32 v52, v17;
	v52 =	vmovc v22;
	s8 =	simm.s32 $0x5;
	v34 =	vmov v44;
	v51 =	vmov v24;
	s19 =	smul.f32 s19, s15;
	[tilespmem:$0x1FF80] =	vst v33  }
.LBB2_3:
0x3f4: {  	_ = 	snop  }
0x3f5: {  	v6 =	vld [tilespmem:$0x6DF0]  }
0x3f6: {  	v26 =	vmov v5;
	v9 =	vmul.f32 s31, v62;
	v5 =	vsub.f32 v11, v8  }
0x3f7: {  	v7 =	vld [tilespmem:$0x6C70];
	s19 =	ssub.f32 $1.500000000e+00, s19;
	s31 =	smov.u32 s3  }
0x3f8: {  	v49 =	vmovc v44;
	v44 =	vadd.f32 v16, v3;
	v9 =	vmul.f32 v9, v61;
	v5 =	vmul.f32 s31, v5  }
0x3f9: {  	s15 =	smul.f32 s19, s15;
	v3 =	vld [tilespmem:s28+$0xC60];
	v1 =	vadd.f32 v10, v1  }
0x3fa: {  	v10 =	vld [tilespmem:s30+$0xC00];
	[tilespmem:s2+$0x50] =	vst v44;
	v6 =	vadd.f32 v9, v6;
	v5 =	vmul.f32 v5, v30  }
0x3fb: {  	s11 =	smul.f32 s15, s11;
	[tilespmem:s28+$0xC50] =	vst v1;
	v9 =	vld [tilespmem:s26+$0x0]  }
0x3fc: {  	v5 =	vadd.f32 v5, v7;
	v7 =	vld [tilespmem:s4+$0x860];
	[tilespmem:s29+$0x1470] =	vst v6;
	s29 =	smov.u32 s30;
	s30 =	smov.u32 s26  }
0x3fd: {  	s11 =	smul.f32 s11, s15;
	v6 =	vld [tilespmem:s0+$0x1460];
	[tilespmem:s30+$0x1470] =	vst v2  }
0x3fe: {  	v11 =	vld [tilespmem:s2+$0x60];
	[tilespmem:s29+$0x870] =	vst v5  }
0x3ff: {  	s19 =	ssub.f32 $1.500000000e+00, s11;
	v2 =	vld [tilespmem:$0x6980]  }
0x400: {  	v17 =	vmov s10;
	v10 =	vsub.f32 v10, v8;
	v5 =	vld [tilespmem:$0x6800]  }
0x401: {  	s3 =	smul.f32 s19, s15;
	v9 =	vsub.f32 v9, v17;
	v16 =	vld [tilespmem:$0x6C80]  }
0x402: {  	v28 =	vmov v38;
	v38 =	vmov v25;
	v10 =	vmul.f32 s31, v10;
	v25 =	vld [tilespmem:$0x6B00]  }
0x403: {  	v4 =	vld [tilespmem:s28+$0x1420];
	s26 =	smov.u32 s28;
	v9 =	vmul.f32 s3, v9  }
0x404: {  	v15 =	vmov v40;
	v30 =	vld [tilespmem:s26+$0xC70];
	v40 =	vadd.f32 v7, v11;
	v10 =	vmul.f32 v10, v2  }
0x405: {  	s28 =	smov.u32 s2;
	v2 =	vadd.f32 v6, v3;
	v3 =	vmul.f32 v9, v5;
	v5 =	vld [tilespmem:s29+$0xC10]  }
0x406: {  	[tilespmem:s28+$0x60] =	vst v40;
	v6 =	vld [tilespmem:s30+$0x10];
	v9 =	vadd.f32 v10, v16  }
0x407: {  	v10 =	vld [tilespmem:s4+$0x870];
	[tilespmem:s26+$0xC60] =	vst v2;
	v3 =	vadd.f32 v3, v25  }
0x408: {  	v11 =	vld [tilespmem:s0+$0x1470];
	[tilespmem:s29+$0xC00] =	vst v9  }
0x409: {  	v7 =	vld [tilespmem:s28+$0x70];
	[tilespmem:s30+$0x0] =	vst v3  }
0x40a: {  	v3 =	vld [tilespmem:$0x6990]  }
0x40b: {  	v9 =	vld [tilespmem:$0x6810];
	v5 =	vsub.f32 v5, v8  }
0x40c: {  	v6 =	vsub.f32 v6, v17;
	v16 =	vld [tilespmem:$0x6C90]  }
0x40d: {  	v25 =	vld [tilespmem:$0x6B10];
	v5 =	vmul.f32 s31, v5  }
0x40e: {  	v6 =	vmul.f32 s3, v6  }
0x40f: {  	v0 =	vmovc v31;
	v31 =	vmov v41;
	v41 =	vadd.f32 v10, v7;
	v7 =	vld [tilespmem:s28+$0x400];
	v5 =	vmul.f32 v5, v3  }
0x410: {  	v10 =	vld [tilespmem:s30+$0x20];
	v3 =	vadd.f32 v11, v30;
	v6 =	vmul.f32 v6, v9  }
0x411: {  	[tilespmem:s28+$0x70] =	vst v41;
	v9 =	vld [tilespmem:s29+$0xC20];
	v5 =	vadd.f32 v5, v16  }
0x412: {  	v11 =	vld [tilespmem:s4+$0xC00];
	[tilespmem:s26+$0xC70] =	vst v3;
	v6 =	vadd.f32 v6, v25  }
0x413: {  	v16 =	vld [tilespmem:s0+$0x1800];
	[tilespmem:s29+$0xC10] =	vst v5  }
0x414: {  	v21 =	vmov v36;
	v36 =	vld [tilespmem:s26+$0x1000];
	[tilespmem:s30+$0x10] =	vst v6  }
0x415: {  	v5 =	vld [tilespmem:$0x69A0]  }
0x416: {  	v6 =	vld [tilespmem:$0x6820];
	v9 =	vsub.f32 v9, v8  }
0x417: {  	v10 =	vsub.f32 v10, v17;
	v25 =	vld [tilespmem:$0x6CA0]  }
0x418: {  	v18 =	vmov v42;
	v30 =	vld [tilespmem:$0x6B20];
	v42 =	vadd.f32 v11, v7;
	v9 =	vmul.f32 s31, v9  }
0x419: {  	v10 =	vmul.f32 s3, v10  }
0x41a: {  	v63 =	vmov v33;
	v33 =	vmov v45;
	v45 =	vld [tilespmem:s26+$0x1010];
	[tilespmem:s28+$0x400] =	vst v42;
	v5 =	vmul.f32 v9, v5  }
0x41b: {  	v20 =	vmovc v27;
	v27 =	vmov v58;
	v58 =	vadd.f32 v16, v36;
	v11 =	vld [tilespmem:s4+$0xC10];
	v6 =	vmul.f32 v10, v6  }
0x41c: {  	v9 =	vld [tilespmem:s29+$0xC30];
	v5 =	vadd.f32 v5, v25  }
0x41d: {  	v10 =	vld [tilespmem:s30+$0x30];
	[tilespmem:s26+$0x1000] =	vst v58;
	v6 =	vadd.f32 v6, v30  }
0x41e: {  	v16 =	vld [tilespmem:s0+$0x1810];
	[tilespmem:s29+$0xC20] =	vst v5  }
0x41f: {  	v7 =	vld [tilespmem:s28+$0x410];
	[tilespmem:s30+$0x20] =	vst v6  }
0x420: {  	v5 =	vld [tilespmem:$0x69B0]  }
0x421: {  	v6 =	vld [tilespmem:$0x6830];
	v9 =	vsub.f32 v9, v8  }
0x422: {  	v10 =	vsub.f32 v10, v17;
	v25 =	vld [tilespmem:$0x6CB0]  }
0x423: {  	v30 =	vld [tilespmem:$0x6B30];
	v46 =	vmul.f32 s31, v9  }
0x424: {  	v10 =	vmul.f32 s3, v10  }
0x425: {  	v19 =	vmov v43;
	v43 =	vadd.f32 v11, v7;
	v7 =	vld [tilespmem:s28+$0x420];
	v5 =	vmul.f32 v46, v5  }
0x426: {  	v50 =	vmovc v29;
	v29 =	vmov v59;
	[tilespmem:$0x1FE40] =	vst v59;
	v11 =	vld [tilespmem:s30+$0x40];
	v59 =	vadd.f32 v16, v45;
	v6 =	vmul.f32 v10, v6  }
0x427: {  	[tilespmem:s28+$0x410] =	vst v43;
	v10 =	vld [tilespmem:s29+$0xC40];
	v5 =	vadd.f32 v5, v25  }
0x428: {  	v16 =	vld [tilespmem:s4+$0xC20];
	[tilespmem:s26+$0x1010] =	vst v59;
	v6 =	vadd.f32 v6, v30  }
0x429: {  	v25 =	vld [tilespmem:s0+$0x1820];
	[tilespmem:s29+$0xC30] =	vst v5  }
0x42a: {  	v36 =	vld [tilespmem:s26+$0x1020];
	[tilespmem:s30+$0x30] =	vst v6  }
0x42b: {  	v5 =	vld [tilespmem:$0x69C0]  }
0x42c: {  	v6 =	vld [tilespmem:$0x6840];
	v10 =	vsub.f32 v10, v8  }
0x42d: {  	v11 =	vsub.f32 v11, v17;
	v30 =	vld [tilespmem:$0x6CC0]  }
0x42e: {  	v23 =	vmov v39;
	v46 =	vadd.f32 v16, v7;
	v39 =	vld [tilespmem:$0x6B40];
	v10 =	vmul.f32 s31, v10  }
0x42f: {  	v11 =	vmul.f32 s3, v11  }
0x430: {  	v9 =	vld [tilespmem:s26+$0x1030];
	[tilespmem:s28+$0x420] =	vst v46;
	v5 =	vmul.f32 v10, v5  }
0x431: {  	v14 =	vmovc v37;
	v37 =	vmovc v48;
	v48 =	vmov v60;
	v60 =	vadd.f32 v25, v36;
	v25 =	vld [tilespmem:s4+$0xC30];
	v6 =	vmul.f32 v11, v6  }
0x432: {  	v10 =	vld [tilespmem:s29+$0xC50];
	v5 =	vadd.f32 v5, v30  }
0x433: {  	[tilespmem:s26+$0x1020] =	vst v60;
	v11 =	vld [tilespmem:s30+$0x50];
	v6 =	vadd.f32 v6, v39  }
0x434: {  	v30 =	vld [tilespmem:s0+$0x1830];
	[tilespmem:s29+$0xC40] =	vst v5  }
0x435: {  	v16 =	vld [tilespmem:s28+$0x430];
	[tilespmem:s30+$0x40] =	vst v6  }
0x436: {  	v5 =	vld [tilespmem:$0x69D0]  }
0x437: {  	v62 =	vld [tilespmem:$0x6850];
	v6 =	vsub.f32 v10, v8  }
0x438: {  	v10 =	vsub.f32 v11, v17;
	v11 =	vld [tilespmem:$0x6CD0]  }
0x439: {  	v7 =	vld [tilespmem:$0x6B50];
	v45 =	vmul.f32 s31, v6  }
0x43a: {  	v10 =	vmul.f32 s3, v10  }
0x43b: {  	v12 =	vmov v22;
	v22 =	vld [tilespmem:s26+$0x1040];
	v39 =	vadd.f32 v25, v16;
	v5 =	vmul.f32 v45, v5  }
0x43c: {  	v25 =	vld [tilespmem:s30+$0x60];
	v61 =	vadd.f32 v30, v9;
	v9 =	vmul.f32 v10, v62  }
0x43d: {  	[tilespmem:s28+$0x430] =	vst v39;
	v10 =	vld [tilespmem:s29+$0xC60];
	v5 =	vadd.f32 v5, v11  }
0x43e: {  	v11 =	vld [tilespmem:s4+$0xC40];
	[tilespmem:s26+$0x1030] =	vst v61;
	v7 =	vadd.f32 v9, v7  }
0x43f: {  	v9 =	vld [tilespmem:s0+$0x1840];
	[tilespmem:s29+$0xC50] =	vst v5  }
0x440: {  	v16 =	vld [tilespmem:s28+$0x440];
	[tilespmem:s30+$0x50] =	vst v7  }
0x441: {  	v5 =	vld [tilespmem:$0x69E0]  }
0x442: {  	v7 =	vld [tilespmem:$0x6860];
	v10 =	vsub.f32 v10, v8  }
0x443: {  	v25 =	vsub.f32 v25, v17;
	v30 =	vld [tilespmem:$0x6CE0]  }
0x444: {  	v6 =	vld [tilespmem:$0x6B60];
	v10 =	vmul.f32 s31, v10  }
0x445: {  	[tilespmem:$0x1FE30] =	vst v4;
	v4 =	vld [tilespmem:$0x1FE50];
	v25 =	vmul.f32 s3, v25  }
0x446: {  	v13 =	vmov v24;
	v24 =	vld [tilespmem:s26+$0x1050];
	v45 =	vadd.f32 v11, v16;
	v5 =	vmul.f32 v10, v5  }
0x447: {  	v62 =	vadd.f32 v9, v22;
	v9 =	vld [tilespmem:s29+$0xC70];
	v7 =	vmul.f32 v25, v7  }
0x448: {  	[tilespmem:s28+$0x440] =	vst v45;
	v10 =	vld [tilespmem:s30+$0x70];
	v5 =	vadd.f32 v5, v30  }
0x449: {  	v16 =	vld [tilespmem:s4+$0xC50];
	[tilespmem:s26+$0x1040] =	vst v62;
	v6 =	vadd.f32 v7, v6  }
0x44a: {  	v7 =	vld [tilespmem:s0+$0x1850];
	[tilespmem:s29+$0xC60] =	vst v5  }
0x44b: {  	v11 =	vld [tilespmem:s28+$0x450];
	[tilespmem:s30+$0x60] =	vst v6  }
0x44c: {  	v6 =	vld [tilespmem:$0x69F0]  }
0x44d: {  	v5 =	vsub.f32 v9, v8;
	v22 =	vld [tilespmem:$0x6870]  }
0x44e: {  	v9 =	vsub.f32 v10, v17;
	v25 =	vld [tilespmem:$0x6CF0]  }
0x44f: {  	v30 =	vld [tilespmem:$0x6B70];
	v10 =	vmul.f32 s31, v5  }
0x450: {  	v5 =	vadd.f32 v16, v11;
	v11 =	vld [tilespmem:s28+$0x460];
	v9 =	vmul.f32 s3, v9  }
0x451: {  	v16 =	vld [tilespmem:s30+$0x400];
	v6 =	vmul.f32 v10, v6;
	v10 =	vadd.f32 v7, v24  }
0x452: {  	[tilespmem:s28+$0x450] =	vst v5;
	v7 =	vmul.f32 v9, v22;
	v9 =	vld [tilespmem:s29+$0x1000]  }
0x453: {  	v22 =	vld [tilespmem:s4+$0xC60];
	v24 =	vadd.f32 $0.0e+00, v4;
	v6 =	vadd.f32 v6, v25;
	[tilespmem:s26+$0x1050] =	vst v10;
	v25 =	vmul.f32 v4, v4;
	v4 =	vmovc v37  }
0x454: {  	v7 =	vadd.f32 v7, v30;
	[tilespmem:$0x1FE50] =	vst v4;
	v4 =	vld [tilespmem:$0x1FEB0]  }
0x455: {  	v12 =	vmul.f32 v12, v52;
	v30 =	vld [tilespmem:s0+$0x1860];
	[tilespmem:s29+$0xC70] =	vst v6  }
0x456: {  	v36 =	vld [tilespmem:s26+$0x1060];
	[tilespmem:s30+$0x70] =	vst v7  }
0x457: {  	v13 =	vmul.f32 v13, v51;
	v6 =	vadd.f32 v52, v24;
	v12 =	vadd.f32 v12, v25;
	v24 =	vld [tilespmem:$0x6880]  }
0x458: {  	v16 =	vsub.f32 v16, v17  }
0x459: {  	v7 =	vld [tilespmem:$0x6A00];
	v12 =	vadd.f32 v13, v12;
	v13 =	vmul.f32 v38, v4;
	v38 =	vmov v29  }
0x45a: {  	v16 =	vmul.f32 s3, v16;
	v9 =	vsub.f32 v9, v8;
	[tilespmem:$0x1FEB0] =	vst v38;
	v38 =	vadd.f32 v22, v11;
	v22 =	vld [tilespmem:$0x1FEC0]  }
0x45b: {  	v25 =	vld [tilespmem:$0x6D00];
	v6 =	vadd.f32 v51, v6  }
0x45c: {  	v9 =	vmul.f32 s31, v9;
	v30 =	vadd.f32 v30, v36;
	v36 =	vmul.f32 v16, v24;
	v24 =	vld [tilespmem:$0x1FED0]  }
0x45d: {  	v6 =	vadd.f32 v4, v6  }
0x45e: {  	v37 =	vld [tilespmem:$0x6B80];
	v12 =	vadd.f32 v13, v12;
	v7 =	vmul.f32 v9, v7  }
0x45f: {  	v11 =	vld [tilespmem:s28+$0x470];
	[tilespmem:s28+$0x460] =	vst v38;
	v9 =	vmul.f32 v20, v22;
	v6 =	vadd.f32 v22, v6;
	v22 =	vmov v48  }
0x460: {  	v25 =	vadd.f32 v7, v25;
	[tilespmem:$0x1FEC0] =	vst v22;
	v22 =	vld [tilespmem:s4+$0xC70]  }
0x461: {  	[tilespmem:s26+$0x1060] =	vst v30;
	v9 =	vadd.f32 v9, v12;
	v12 =	vmul.f32 v14, v24;
	v6 =	vadd.f32 v24, v6;
	v24 =	vld [tilespmem:$0x1FEE0]  }
0x462: {  	v14 =	vld [tilespmem:s0+$0x1870]  }
0x463: {  	[tilespmem:s29+$0x1000] =	vst v25;
	v25 =	vld [tilespmem:$0x1FEF0]  }
0x464: {  	v16 =	vld [tilespmem:s29+$0x1010];
	v13 =	vadd.f32 v36, v37;
	v7 =	vmov v44  }
0x465: {  	v20 =	vld [tilespmem:s30+$0x410];
	[tilespmem:$0x1FED0] =	vst v7  }
0x466: {  	v4 =	vld [tilespmem:s26+$0x1070];
	[tilespmem:s30+$0x400] =	vst v13;
	v7 =	vadd.f32 v12, v9;
	v9 =	vmul.f32 v15, v24  }
0x467: {  	v36 =	vld [tilespmem:$0x6A10]  }
0x468: {  	v7 =	vadd.f32 v9, v7;
	v9 =	vmul.f32 v31, v25;
	v31 =	vadd.f32 v22, v11;
	v22 =	vld [tilespmem:$0x1FF00]  }
0x469: {  	v13 =	vld [tilespmem:$0x6890];
	v6 =	vadd.f32 v24, v6;
	v15 =	vsub.f32 v16, v8;
	v16 =	vmov v40  }
0x46a: {  	[tilespmem:$0x1FEE0] =	vst v16;
	v16 =	vsub.f32 v20, v17;
	v20 =	vld [tilespmem:$0x6D10]  }
0x46b: {  	v24 =	vld [tilespmem:$0x6B90];
	v29 =	vmul.f32 s31, v15;
	v6 =	vadd.f32 v25, v6  }
0x46c: {  	v11 =	vld [tilespmem:s28+$0x800]  }
0x46d: {  	v12 =	vmul.f32 v29, v36;
	v18 =	vmul.f32 v18, v22;
	v6 =	vadd.f32 v22, v6;
	v22 =	vld [tilespmem:$0x1FF10]  }
0x46e: {  	v25 =	vmov v41;
	v16 =	vmul.f32 s3, v16;
	v7 =	vadd.f32 v9, v7;
	v9 =	vld [tilespmem:s26+$0x1400]  }
0x46f: {  	[tilespmem:$0x1FEF0] =	vst v25;
	v25 =	vadd.f32 v12, v20;
	v20 =	vld [tilespmem:$0x1FF20]  }
0x470: {  	v14 =	vadd.f32 v14, v4;
	v4 =	vmul.f32 v16, v13;
	v13 =	vld [tilespmem:s29+$0x1020]  }
0x471: {  	v15 =	vmov v42;
	[tilespmem:s28+$0x470] =	vst v31;
	v16 =	vld [tilespmem:s30+$0x420]  }
0x472: {  	[tilespmem:$0x1FF00] =	vst v15;
	v7 =	vadd.f32 v18, v7;
	v18 =	vld [tilespmem:s4+$0x1000];
	v15 =	vmul.f32 v19, v22;
	v6 =	vadd.f32 v22, v6  }
0x473: {  	v4 =	vadd.f32 v4, v24;
	[tilespmem:s26+$0x1070] =	vst v14;
	v19 =	vmov v43;
	v22 =	vld [tilespmem:$0x1FF40]  }
0x474: {  	[tilespmem:$0x1FF10] =	vst v19;
	v7 =	vadd.f32 v15, v7;
	v15 =	vmul.f32 v21, v20;
	v6 =	vadd.f32 v20, v6;
	v20 =	vld [tilespmem:$0x1FF30]  }
0x475: {  	v19 =	vld [tilespmem:s0+$0x1C00];
	[tilespmem:s29+$0x1010] =	vst v25  }
0x476: {  	[tilespmem:s30+$0x410] =	vst v4  }
0x477: {  	v37 =	vmov v44;
	v44 =	vmov v46;
	v4 =	vld [tilespmem:$0x6A20]  }
0x478: {  	[tilespmem:$0x1FF20] =	vst v44;
	v44 =	vmul.f32 v33, v22;
	v33 =	vadd.f32 v18, v11;
	v18 =	vld [tilespmem:$0x1FF50]  }
0x479: {  	v13 =	vsub.f32 v13, v8;
	v21 =	vmovc v39;
	v7 =	vadd.f32 v15, v7;
	v15 =	vld [tilespmem:$0x68A0];
	v36 =	vmul.f32 v23, v20  }
0x47a: {  	v16 =	vsub.f32 v16, v17;
	[tilespmem:$0x1FF30] =	vst v21;
	v21 =	vld [tilespmem:$0x6BA0];
	v12 =	vadd.f32 v19, v9  }
0x47b: {  	v19 =	vld [tilespmem:$0x1FF60];
	v6 =	vadd.f32 v20, v6;
	v7 =	vadd.f32 v36, v7  }
0x47c: {  	v13 =	vmul.f32 s31, v13;
	v16 =	vmul.f32 s3, v16;
	v20 =	vld [tilespmem:$0x6D20];
	v23 =	vmov v45  }
0x47d: {  	[tilespmem:$0x1FF40] =	vst v23;
	v23 =	vld [tilespmem:$0x1FF80];
	v6 =	vadd.f32 v22, v6;
	v36 =	vmul.f32 v26, v18;
	v7 =	vadd.f32 v44, v7  }
0x47e: {  	v4 =	vmul.f32 v13, v4;
	v9 =	vmul.f32 v16, v15;
	v15 =	vld [tilespmem:s29+$0x1030]  }
0x47f: {  	[tilespmem:s28+$0x800] =	vst v33;
	v6 =	vadd.f32 v18, v6;
	v18 =	vmov v5;
	v7 =	vadd.f32 v36, v7;
	v36 =	vld [tilespmem:$0x1FF70]  }
0x480: {  	v16 =	vld [tilespmem:s30+$0x430];
	v9 =	vadd.f32 v9, v21;
	[tilespmem:$0x1FF50] =	vst v18  }
0x481: {  	v20 =	vadd.f32 v4, v20;
	v18 =	vld [tilespmem:s4+$0x1010];
	[tilespmem:s26+$0x1400] =	vst v12  }
0x482: {  	v44 =	vmul.f32 v28, v19;
	v6 =	vadd.f32 v19, v6;
	v19 =	vld [tilespmem:s0+$0x1C10];
	[tilespmem:s30+$0x420] =	vst v9  }
0x483: {  	v22 =	vld [tilespmem:s26+$0x1410];
	v4 =	vmov v38;
	[tilespmem:s29+$0x1020] =	vst v20  }
0x484: {  	[tilespmem:$0x1FF60] =	vst v4;
	v4 =	vadd.f32 v44, v7;
	v7 =	vld [tilespmem:$0x6A30];
	v0 =	vmul.f32 v0, v36  }
0x485: {  	s18 =	sadd.s32 $0x1, s18;
	v9 =	vld [tilespmem:$0x68B0];
	v44 =	vsub.f32 v15, v8;
	v15 =	vmov v31  }
0x486: {  	s11 =	sand.u32 $0xF, s18;
	v11 =	vld [tilespmem:s28+$0x810];
	[tilespmem:$0x1FF70] =	vst v15;
	v15 =	vsub.f32 v16, v17  }
0x487: {  	s2 =	sshll.u32 s11, $0x2;
	v20 =	vld [tilespmem:$0x6BB0];
	v13 =	vmul.f32 s31, v44  }
0x488: {  	s2 =	ssub.s32 $0x0, s2;
	v16 =	vld [tilespmem:$0x6D30];
	v6 =	vadd.f32 v36, v6;
	v15 =	vmul.f32 s3, v15;
	v24 =	vadd.f32 v0, v4;
	v0 =	vmovc v33  }
0x489: {  	s16 =	sadd.s32 $0x1, s16;
	s2 =	sshra.s32 s2, $0x2;
	v4 =	vmul.f32 v63, v23;
	[tilespmem:$0x1FF80] =	vst v0;
	v0 =	vadd.f32 v19, v22;
	v19 =	vld [tilespmem:$0x1FE80]  }
0x48a: {  	s2 =	sadd.s32 s2, s16;
	v26 =	vld [tilespmem:$0x1FFD0];
	v6 =	vadd.f32 v23, v6;
	v7 =	vmul.f32 v13, v7;
	v9 =	vmul.f32 v15, v9  }
0x48b: {  	v23 =	vld [tilespmem:s2+$0x0];
	v4 =	vadd.f32 v4, v24;
	v24 =	vmul.f32 v34, v49;
	v34 =	vadd.f32 v18, v11  }
0x48c: {  	s2 =	sand.u32 $0xF, s8;
	v15 =	vld [tilespmem:s30+$0x440];
	v6 =	vadd.f32 v49, v6  }
0x48d: {  	v11 =	vld [tilespmem:s29+$0x1040];
	v7 =	vadd.f32 v7, v16;
	v16 =	vmov s2;
	v9 =	vadd.f32 v9, v20;
	[tilespmem:s28+$0x810] =	vst v34  }
0x48e: {  	v18 =	vld [tilespmem:s4+$0x1020];
	[tilespmem:s26+$0x1410] =	vst v0;
	v36 =	vmul.f32 v19, v19;
	v6 =	vadd.f32 v19, v6;
	v19 =	vlaneseq.u32  }
0x48f: {  	vm1 =	veq.s32 v16, v19;
	v16 =	vld [tilespmem:s0+$0x1C20];
	[tilespmem:s29+$0x1030] =	vst v7  }
0x490: {  	v19 =	vld [tilespmem:$0x1FE90];
	[tilespmem:s30+$0x430] =	vst v9  }
0x491: {  	v9 =	vld [tilespmem:$0x6A40]  }
0x492: {  	v22 =	vld [tilespmem:$0x1FEA0];
	v11 =	vsub.f32 v11, v8  }
0x493: {  	v21 =	vld [tilespmem:s28+$0x820];
	v4 =	vadd.f32 v24, v4  }
0x494: {  	v28 =	vld [tilespmem:$0x1FFE0];
	v11 =	vmul.f32 s31, v11  }
0x495: {  	v4 =	vadd.f32 v36, v4;
	v49 =	vmul.f32 v19, v19;
	v6 =	vadd.f32 v19, v6;
	v19 =	vld [tilespmem:$0x68C0]  }
0x496: {  	v15 =	vsub.f32 v15, v17;
	v9 =	vmul.f32 v11, v9;
	v11 =	vld [tilespmem:$0x1FE30]  }
0x497: {  	v63 =	vmul.f32 v22, v22;
	v4 =	vadd.f32 v49, v4;
	v6 =	vadd.f32 v22, v6;
	v22 =	vld [tilespmem:$0x6D40]  }
0x498: {  	v15 =	vmul.f32 s3, v15;
	v7 =	vnsel vm1, $0x0, v23;
	v23 =	vld [tilespmem:$0x6BC0]  }
0x499: {  	v36 =	vmul.f32 v50, v50;
	v25 =	vadd.f32 v18, v21;
	v18 =	vld [tilespmem:s26+$0x1430];
	v4 =	vadd.f32 v63, v4  }
0x49a: {  	v24 =	vmul.f32 v32, v32;
	v21 =	vld [tilespmem:s28+$0x830];
	v6 =	vadd.f32 v50, v6  }
0x49b: {  	v4 =	vadd.f32 v36, v4;
	v49 =	vadd.f32 v16, v11;
	v11 =	vmul.f32 v15, v19;
	v15 =	vld [tilespmem:s29+$0x1050]  }
0x49c: {  	v20 =	vperm.xlane v7, v26;
	[tilespmem:s28+$0x820] =	vst v25;
	v6 =	vadd.f32 v32, v6;
	v19 =	vld [tilespmem:s30+$0x450];
	v9 =	vadd.f32 v9, v22  }
0x49d: {  	v16 =	vmul.f32 v35, v35;
	v22 =	vld [tilespmem:s4+$0x1030];
	v4 =	vadd.f32 v24, v4;
	[tilespmem:s26+$0x1420] =	vst v49;
	v11 =	vadd.f32 v11, v23  }
0x49e: {  	v7 =	vadd.s32 v20, v7;
	v6 =	vadd.f32 v35, v6;
	v20 =	vld [tilespmem:s0+$0x1C30];
	[tilespmem:s29+$0x1040] =	vst v9  }
0x49f: {  	v63 =	vld [tilespmem:$0x1FFF0];
	v4 =	vadd.f32 v16, v4;
	v16 =	vmul.f32 v47, v47;
	[tilespmem:s30+$0x440] =	vst v11  }
0x4a0: {  	v9 =	vperm.xlane v7, v28;
	v6 =	vadd.f32 v47, v6;
	v11 =	vld [tilespmem:$0x6A50]  }
0x4a1: {  	v23 =	vld [tilespmem:$0x68D0];
	v15 =	vsub.f32 v15, v8;
	v4 =	vadd.f32 v16, v4;
	v16 =	vmul.f32 v53, v53  }
0x4a2: {  	v7 =	vadd.s32 v9, v7;
	v9 =	vsub.f32 v19, v17;
	v19 =	vld [tilespmem:$0x6D50];
	v6 =	vadd.f32 v53, v6  }
0x4a3: {  	v24 =	vld [tilespmem:$0x6BD0];
	v15 =	vmul.f32 s31, v15;
	v4 =	vadd.f32 v16, v4;
	v16 =	vmul.f32 v54, v54  }
0x4a4: {  	[tilespmem:$0x1FE80] =	vst v25;
	v25 =	vadd.f32 v22, v21;
	v21 =	vld [tilespmem:s26+$0x1440];
	v9 =	vmul.f32 s3, v9  }
0x4a5: {  	v22 =	vld [tilespmem:s28+$0x840];
	v6 =	vadd.f32 v54, v6;
	v4 =	vadd.f32 v16, v4;
	v11 =	vmul.f32 v15, v11  }
0x4a6: {  	[tilespmem:$0x1FE90] =	vst v25;
	v16 =	vmul.f32 v55, v55;
	v15 =	vadd.f32 v20, v18;
	v9 =	vmul.f32 v9, v23;
	v18 =	vld [tilespmem:s29+$0x1060]  }
0x4a7: {  	[tilespmem:s28+$0x830] =	vst v25;
	v6 =	vadd.f32 v55, v6;
	v20 =	vld [tilespmem:s30+$0x460];
	v11 =	vadd.f32 v11, v19  }
0x4a8: {  	v23 =	vld [tilespmem:s4+$0x1040];
	v4 =	vadd.f32 v16, v4;
	v16 =	vmul.f32 v57, v57;
	[tilespmem:s26+$0x1430] =	vst v15;
	v9 =	vadd.f32 v9, v24  }
0x4a9: {  	v6 =	vadd.f32 v57, v6;
	v24 =	vld [tilespmem:s0+$0x1C40];
	[tilespmem:s29+$0x1050] =	vst v11  }
0x4aa: {  	v25 =	vld [tilespmem:$0x1FFC0];
	v4 =	vadd.f32 v16, v4;
	v16 =	vmul.f32 v1, v1;
	[tilespmem:s30+$0x450] =	vst v9  }
0x4ab: {  	v19 =	vperm.xlane v7, v63;
	v1 =	vadd.f32 v1, v6;
	v6 =	vld [tilespmem:$0x6A60]  }
0x4ac: {  	v9 =	vmul.f32 v2, v2;
	v11 =	vld [tilespmem:$0x68E0];
	v4 =	vadd.f32 v16, v4;
	v16 =	vsub.f32 v18, v8  }
0x4ad: {  	v7 =	vadd.s32 v19, v7;
	v19 =	vld [tilespmem:$0x6D60];
	v1 =	vadd.f32 v2, v1;
	v2 =	vsub.f32 v20, v17  }
0x4ae: {  	v20 =	vld [tilespmem:$0x6BE0];
	v4 =	vadd.f32 v9, v4;
	v9 =	vmul.f32 v3, v3;
	v16 =	vmul.f32 s31, v16  }
0x4af: {  	v23 =	vadd.f32 v23, v22;
	v2 =	vmul.f32 s3, v2  }
0x4b0: {  	v22 =	vld [tilespmem:s28+$0x850];
	v1 =	vadd.f32 v3, v1;
	v4 =	vadd.f32 v9, v4;
	v6 =	vmul.f32 v16, v6  }
0x4b1: {  	v9 =	vmul.f32 v58, v58;
	v16 =	vadd.f32 v24, v21;
	v2 =	vmul.f32 v2, v11;
	v11 =	vld [tilespmem:s29+$0x1070]  }
0x4b2: {  	v18 =	vperm.xlane v7, v25;
	[tilespmem:s28+$0x840] =	vst v23;
	v1 =	vadd.f32 v58, v1;
	v21 =	vld [tilespmem:s30+$0x470];
	v6 =	vadd.f32 v6, v19  }
0x4b3: {  	v4 =	vadd.f32 v9, v4;
	v9 =	vmul.f32 v59, v59;
	v19 =	vld [tilespmem:s4+$0x1050];
	[tilespmem:s26+$0x1440] =	vst v16;
	v2 =	vadd.f32 v2, v20  }
0x4b4: {  	v7 =	vadd.s32 v18, v7;
	v1 =	vadd.f32 v59, v1;
	v18 =	vld [tilespmem:s0+$0x1C50];
	[tilespmem:s29+$0x1060] =	vst v6  }
0x4b5: {  	v3 =	vld [tilespmem:s26+$0x1450];
	v4 =	vadd.f32 v9, v4;
	v9 =	vmul.f32 v60, v60;
	[tilespmem:s30+$0x460] =	vst v2  }
0x4b6: {  	(v2sf) =	vpush v7, $0x0;
	v1 =	vadd.f32 v60, v1;
	v2 =	vld [tilespmem:$0x6A70]  }
0x4b7: {  	v7 =	vld [tilespmem:$0x68F0];
	v4 =	vadd.f32 v9, v4;
	v9 =	vsub.f32 v11, v8  }
0x4b8: {  	v6 =	vmul.f32 v61, v61;
	v20 =	vld [tilespmem:$0x6D70];
	v11 =	vsub.f32 v21, v17  }
0x4b9: {  	v1 =	vadd.f32 v61, v1;
	v21 =	vld [tilespmem:$0x6BF0];
	v29 =	vadd.f32 v19, v22;
	v9 =	vmul.f32 s31, v9  }
0x4ba: {  	v4 =	vadd.f32 v6, v4;
	v6 =	vmul.f32 v62, v62;
	v11 =	vmul.f32 s3, v11  }
0x4bb: {  	v19 =	vld [tilespmem:s26+$0x1460];
	v1 =	vadd.f32 v62, v1;
	v3 =	vadd.f32 v18, v3;
	v2 =	vmul.f32 v9, v2  }
0x4bc: {  	v4 =	vadd.f32 v6, v4;
	v6 =	vmul.f32 v10, v10;
	v7 =	vmul.f32 v11, v7;
	v9 =	vld [tilespmem:s29+$0x1400]  }
0x4bd: {  	[tilespmem:s28+$0x850] =	vst v29;
	v1 =	vadd.f32 v10, v1;
	v10 =	vld [tilespmem:s30+$0x800];
	v2 =	vadd.f32 v2, v20  }
0x4be: {  	v11 =	vld [tilespmem:s4+$0x1060];
	[tilespmem:s26+$0x1450] =	vst v3;
	v4 =	vadd.f32 v6, v4;
	v6 =	vmul.f32 v30, v30;
	v7 =	vadd.f32 v7, v21  }
0x4bf: {  	v18 =	vld [tilespmem:s0+$0x1C60];
	v1 =	vadd.f32 v30, v1;
	[tilespmem:s29+$0x1070] =	vst v2  }
0x4c0: {  	v22 =	vld [tilespmem:s28+$0x860];
	v4 =	vadd.f32 v6, v4;
	v6 =	vmul.f32 v14, v14;
	[tilespmem:s30+$0x470] =	vst v7  }
0x4c1: {  	v1 =	vadd.f32 v14, v1;
	v2 =	vld [tilespmem:$0x6A80]  }
0x4c2: {  	v7 =	vld [tilespmem:$0x6900];
	v9 =	vsub.f32 v9, v8;
	v4 =	vadd.f32 v6, v4;
	v6 =	vmul.f32 v12, v12  }
0x4c3: {  	v10 =	vsub.f32 v10, v17;
	v50 =	vld [tilespmem:$0x6D80];
	v1 =	vadd.f32 v12, v1  }
0x4c4: {  	v53 =	vld [tilespmem:$0x6C00];
	v9 =	vmul.f32 s31, v9;
	v4 =	vadd.f32 v6, v4;
	v6 =	vmul.f32 v0, v0  }
0x4c5: {  	v32 =	vadd.f32 v11, v22;
	v10 =	vmul.f32 s3, v10  }
0x4c6: {  	v54 =	vld [tilespmem:s30+$0x810];
	v0 =	vadd.f32 v0, v1;
	v4 =	vadd.f32 v6, v4;
	v2 =	vmul.f32 v9, v2  }
0x4c7: {  	v11 =	vld [tilespmem:s28+$0x870];
	v6 =	vmul.f32 v49, v49;
	v9 =	vadd.f32 v18, v19;
	v7 =	vmul.f32 v10, v7  }
0x4c8: {  	[tilespmem:s28+$0x860] =	vst v32;
	v0 =	vadd.f32 v49, v0;
	v10 =	vld [tilespmem:s29+$0x1410];
	v2 =	vadd.f32 v2, v50  }
0x4c9: {  	v55 =	vld [tilespmem:s4+$0x1070];
	v4 =	vadd.f32 v6, v4;
	v6 =	vmul.f32 v15, v15;
	[tilespmem:s26+$0x1460] =	vst v9;
	v7 =	vadd.f32 v7, v53  }
0x4ca: {  	v52 =	vmov v56;
	v22 =	vmov v56;
	v0 =	vadd.f32 v15, v0;
	v56 =	vld [tilespmem:s0+$0x1C70];
	[tilespmem:s29+$0x1400] =	vst v2  }
0x4cb: {  	s15 =	sshrl.u32 s8, $0x3;
	s10 =	spop (v2sf);
	v1 =	vld [tilespmem:s26+$0x1470];
	v4 =	vadd.f32 v6, v4;
	v6 =	vmul.f32 v16, v16;
	[tilespmem:s30+$0x800] =	vst v7  }
0x4cc: {  	s19 =	smul.u32 $0x6000, s15;
	s10 =	sadd.s32 s2, s10;
	v0 =	vadd.f32 v16, v0;
	v7 =	vld [tilespmem:$0x6A90]  }
0x4cd: {  	s15 =	sshrl.u32 s10, $0x3;
	v10 =	vsub.f32 v10, v8;
	v2 =	vadd.f32 v6, v4;
	v4 =	vmul.f32 v3, v3;
	v6 =	vld [tilespmem:$0x6910]  }
0x4ce: {  	v13 =	vsub.f32 v54, v17;
	s0 =	smov.u32 s4;
	s4 =	sshra.s32 s19, $0x2;
	s19 =	smul.u32 $0x6000, s15;
	v15 =	vld [tilespmem:$0x6D90]  }
0x4cf: {  	s10 =	sshll.u32 s10, $0x7;
	v0 =	vadd.f32 v3, v0;
	v10 =	vmul.f32 s31, v10;
	v3 =	vadd.f32 v4, v2;
	v4 =	vld [tilespmem:$0x6C10]  }
0x4d0: {  	s10 =	sand.u32 $0x380, s10;
	s2 =	sadd.s32 s4, s25;
	s4 =	sshra.s32 s19, $0x2;
	v2 =	vadd.f32 v56, v1;
	v1 =	vmul.f32 s3, v13  }
0x4d1: {  	v18 =	vmul.f32 v9, v9;
	v16 =	vld [tilespmem:s28+$0xC00];
	s4 =	sor.u32 s10, s4;
	v7 =	vmul.f32 v10, v7  }
0x4d2: {  	v35 =	vadd.f32 v55, v11;
	v11 =	vld [tilespmem:s4+$0x800];
	v0 =	vadd.f32 v9, v0;
	v1 =	vmul.f32 v1, v6  }
0x4d3: {  	s7 =	sadd.s32 $0x80, s7;
	v3 =	vadd.f32 v18, v3;
	v9 =	vmul.f32 v2, v2;
	v6 =	vld [tilespmem:s29+$0x1420];
	v7 =	vadd.f32 v7, v15  }
0x4d4: {  	s11 =	sand.u32 $0x380, s7;
	[tilespmem:s28+$0x870] =	vst v35;
	v0 =	vadd.f32 v2, v0;
	v10 =	vld [tilespmem:s30+$0x820];
	v1 =	vadd.f32 v1, v4  }
0x4d5: {  	s2 =	sadd.s32 s11, s2;
	v3 =	vadd.f32 v9, v3;
	v4 =	vld [tilespmem:s0+$0x1400];
	[tilespmem:s29+$0x1410] =	vst v7  }
0x4d6: {  	v57 =	vld [tilespmem:s2+$0x0];
	v9 =	vperm.xlane v0, v26;
	[tilespmem:s30+$0x810] =	vst v1  }
0x4d7: {  	v7 =	vperm.xlane v3, v26;
	v1 =	vld [tilespmem:$0x6AA0]  }
0x4d8: {  	v0 =	vadd.f32 v9, v0;
	v9 =	vld [tilespmem:$0x6920];
	v6 =	vsub.f32 v6, v8  }
0x4d9: {  	v3 =	vadd.f32 v7, v3;
	v7 =	vsub.f32 v10, v17;
	v10 =	vld [tilespmem:$0x6DA0]  }
0x4da: {  	v59 =	vld [tilespmem:$0x6C20];
	v6 =	vmul.f32 s31, v6  }
0x4db: {  	v51 =	vmovc v27;
	v24 =	vmov v27;
	v58 =	vperm.xlane v0, v28;
	v7 =	vmul.f32 s3, v7  }
0x4dc: {  	v27 =	vmovc v48;
	v15 =	vld [tilespmem:s28+$0xC10];
	v48 =	vadd.f32 v11, v57;
	v18 =	vperm.xlane v3, v28;
	v1 =	vmul.f32 v6, v1  }
0x4dd: {  	v0 =	vadd.f32 v58, v0;
	v47 =	vadd.f32 v4, v16;
	v4 =	vmul.f32 v7, v9;
	v6 =	vld [tilespmem:s29+$0x1430]  }
0x4de: {  	[tilespmem:s2+$0x0] =	vst v48;
	v3 =	vadd.f32 v18, v3;
	v9 =	vld [tilespmem:s30+$0x830];
	v1 =	vadd.f32 v1, v10  }
0x4df: {  	v7 =	vperm.xlane v0, v63;
	v10 =	vld [tilespmem:s4+$0x810];
	[tilespmem:s28+$0xC00] =	vst v47;
	v4 =	vadd.f32 v4, v59  }
0x4e0: {  	v60 =	vperm.xlane v3, v63;
	v61 =	vld [tilespmem:s0+$0x1410];
	[tilespmem:s29+$0x1420] =	vst v1  }
0x4e1: {  	v11 =	vld [tilespmem:s2+$0x10];
	v0 =	vadd.f32 v7, v0;
	[tilespmem:s30+$0x820] =	vst v4  }
0x4e2: {  	v1 =	vadd.f32 v60, v3;
	v3 =	vld [tilespmem:$0x6AB0]  }
0x4e3: {  	v4 =	vperm.xlane v0, v25;
	v7 =	vld [tilespmem:$0x6930];
	v6 =	vsub.f32 v6, v8  }
0x4e4: {  	v9 =	vsub.f32 v9, v17;
	v62 =	vld [tilespmem:$0x6DB0];
	v12 =	vperm.xlane v1, v25  }
0x4e5: {  	v0 =	vadd.f32 v4, v0;
	v4 =	vld [tilespmem:$0x6C30];
	v6 =	vmul.f32 s31, v6  }
0x4e6: {  	v9 =	vmul.f32 s3, v9;
	v1 =	vadd.f32 v12, v1  }
0x4e7: {  	v16 =	vld [tilespmem:s28+$0xC20];
	v56 =	vadd.f32 v10, v11;
	(v2sf) =	vpush v0, $0x0;
	v0 =	vmul.f32 v6, v3  }
0x4e8: {  	v53 =	vadd.f32 v61, v15;
	(v2sf) =	vpush v1, $0x0;
	v1 =	vmul.f32 v9, v7;
	v3 =	vld [tilespmem:s29+$0x1440]  }
0x4e9: {  	[tilespmem:s2+$0x10] =	vst v56;
	v6 =	vld [tilespmem:s30+$0x840];
	v0 =	vadd.f32 v0, v62  }
0x4ea: {  	v7 =	vld [tilespmem:s4+$0x820];
	[tilespmem:s28+$0xC10] =	vst v53;
	v1 =	vadd.f32 v1, v4  }
0x4eb: {  	v4 =	vld [tilespmem:s0+$0x1420];
	[tilespmem:s29+$0x1430] =	vst v0  }
0x4ec: {  	v10 =	vld [tilespmem:s2+$0x20];
	[tilespmem:s30+$0x830] =	vst v1  }
0x4ed: {  	v0 =	vld [tilespmem:$0x6AC0]  }
0x4ee: {  	v1 =	vld [tilespmem:$0x6940];
	v3 =	vsub.f32 v3, v8  }
0x4ef: {  	v6 =	vsub.f32 v6, v17;
	v9 =	vld [tilespmem:$0x6DC0]  }
0x4f0: {  	v11 =	vld [tilespmem:$0x6C40];
	v3 =	vmul.f32 s31, v3  }
0x4f1: {  	v6 =	vmul.f32 s3, v6  }
0x4f2: {  	v58 =	vadd.f32 v7, v10;
	v7 =	vld [tilespmem:s2+$0x30];
	v0 =	vmul.f32 v3, v0  }
0x4f3: {  	v54 =	vadd.f32 v4, v16;
	v4 =	vld [tilespmem:s30+$0x850];
	v1 =	vmul.f32 v6, v1  }
0x4f4: {  	[tilespmem:s2+$0x20] =	vst v58;
	v3 =	vld [tilespmem:s29+$0x1450];
	v0 =	vadd.f32 v0, v9  }
0x4f5: {  	v6 =	vld [tilespmem:s4+$0x830];
	[tilespmem:s28+$0xC20] =	vst v54;
	v1 =	vadd.f32 v1, v11  }
0x4f6: {  	v9 =	vld [tilespmem:s0+$0x1430];
	[tilespmem:s29+$0x1440] =	vst v0  }
0x4f7: {  	v63 =	vld [tilespmem:s28+$0xC30];
	[tilespmem:s30+$0x840] =	vst v1  }
0x4f8: {  	v0 =	vld [tilespmem:$0x6AD0]  }
0x4f9: {  	s11 =	spop (v2sf);
	v1 =	vld [tilespmem:$0x6950];
	v3 =	vsub.f32 v3, v8  }
0x4fa: {  	v4 =	vsub.f32 v4, v17;
	s10 =	smul.f32 $1.302083370e-03, s11;
	s15 =	spop (v2sf);
	v10 =	vld [tilespmem:$0x6DD0]  }
0x4fb: {  	v11 =	vld [tilespmem:$0x6C50];
	v59 =	vadd.f32 v6, v7;
	s11 =	smul.f32 $1.302083370e-03, s15;
	v3 =	vmul.f32 s31, v3  }
0x4fc: {  	v4 =	vmul.f32 s3, v4;
	s19 =	smul.f32 s10, s10  }
0x4fd: {  	v6 =	vld [tilespmem:s2+$0x40];
	[tilespmem:s2+$0x30] =	vst v59;
	v0 =	vmul.f32 v3, v0  }
0x4fe: {  	v55 =	vadd.f32 v9, v63;
	s11 =	ssub.f32 s11, s19;
	v7 =	vld [tilespmem:s4+$0x840];
	v1 =	vmul.f32 v4, v1  }
0x4ff: {  	v3 =	vld [tilespmem:s29+$0x1460];
	v0 =	vadd.f32 v0, v10  }
0x500: {  	[tilespmem:s28+$0xC30] =	vst v55;
	s11 =	sadd.f32 $9.999999740e-06, s11;
	v4 =	vld [tilespmem:s30+$0x860];
	v1 =	vadd.f32 v1, v11  }
0x501: {  	v9 =	vld [tilespmem:s0+$0x1440];
	[tilespmem:s29+$0x1450] =	vst v0  }
0x502: {  	v36 =	vmov v46;
	v46 =	vld [tilespmem:s28+$0xC40];
	s19 =	sshra.s32 s11, $0x1;
	s11 =	smul.f32 $5.000000000e-01, s11;
	[tilespmem:s30+$0x850] =	vst v1  }
0x503: {  	s15 =	ssub.s32 $0x5F3759DF, s19;
	v0 =	vld [tilespmem:$0x6AE0]  }
0x504: {  	s19 =	smul.f32 s15, s11;
	v10 =	vld [tilespmem:$0x6960];
	v1 =	vsub.f32 v3, v8  }
0x505: {  	v3 =	vsub.f32 v4, v17;
	v4 =	vld [tilespmem:$0x6DE0]  }
0x506: {  	v60 =	vadd.f32 v7, v6;
	v49 =	vld [tilespmem:$0x6C60];
	s19 =	smul.f32 s15, s19;
	v11 =	vmul.f32 s31, v1  }
0x507: {  	v25 =	vld [tilespmem:$0x1FE40];
	v50 =	vmul.f32 s3, v3  }
0x508: {  	v7 =	vld [tilespmem:s29+$0x1470];
	[tilespmem:s2+$0x40] =	vst v60;
	s19 =	ssub.f32 $1.500000000e+00, s19;
	v0 =	vmul.f32 v11, v0  }
0x509: {  	v57 =	vadd.f32 v9, v46;
	v16 =	vld [tilespmem:s4+$0x850];
	v6 =	vmul.f32 v50, v10  }
0x50a: {  	p0 =	sne.s32 s8, $0x1F;
	v1 =	vld [tilespmem:s28+$0xC50];
	s15 =	smul.f32 s15, s19;
	v0 =	vadd.f32 v0, v4  }
.Ltmp0:
0x50b: {  	v3 =	vld [tilespmem:s2+$0x50];
	[tilespmem:s28+$0xC40] =	vst v57;
	v4 =	vadd.f32 v6, v49;
	(pc) =	sbr.rel @p0 .LBB2_3-.Ltmp0, $4  }
0x50c: {  	v10 =	vld [tilespmem:s0+$0x1450];
	[tilespmem:s29+$0x1460] =	vst v0  }
0x50d: {  	v11 =	vld [tilespmem:s30+$0x870];
	s19 =	smul.f32 s15, s11;
	[tilespmem:s30+$0x860] =	vst v4  }
0x50e: {  	v61 =	vld [tilespmem:$0x6AF0]  }
0x50f: {  	s8 =	sadd.s32 $0x1, s8;
	v44 =	vmov v34;
	[tilespmem:$0x1FEA0] =	vst v23;
	v62 =	vsub.f32 v7, v8;
	v8 =	vmov v17;
	s19 =	smul.f32 s19, s15;
	v30 =	vld [tilespmem:$0x6970]  }
0x510: {  	_ = 	snop  }
0x511: {  	s7 =	ssub.f32 $1.500000000e+00, s19;
	_ =	sdelay $0x1  }
0x512: {  	s7 =	smul.f32 s7, s15;
	_ =	sdelay $0x1  }
0x513: {  	s8 =	smul.f32 s7, s11  }
0x514: {  	v0 =	vld [tilespmem:s26+$0x0]  }
0x515: {  	s8 =	smul.f32 s8, s7;
	_ =	sdelay $0x1  }
0x516: {  	[tilespmem:s26+$0x1470] =	vst v2;
	s8 =	ssub.f32 $1.500000000e+00, s8  }
0x517: {  	v17 =	vmov s10;
	v2 =	vld [tilespmem:$0x6800]  }
0x518: {  	v0 =	vsub.f32 v0, v17;
	s18 =	smul.f32 s8, s7  }
0x519: {  	v4 =	vld [tilespmem:$0x6B00]  }
0x51a: {  	v0 =	vmul.f32 s18, v0;
	_ =	sdelay $0x1  }
0x51b: {  	v0 =	vmul.f32 v0, v2  }
0x51c: {  	v7 =	vld [tilespmem:s26+$0x10];
	v6 =	vsub.f32 v11, v8  }
0x51d: {  	v49 =	vld [tilespmem:$0x6C70];
	v0 =	vadd.f32 v0, v4  }
0x51e: {  	v15 =	vld [tilespmem:s28+$0x1420];
	v50 =	vmul.f32 s3, v6  }
0x51f: {  	v9 =	vld [tilespmem:s30+$0xC00];
	[tilespmem:s26+$0x0] =	vst v0  }
0x520: {  	v46 =	vadd.f32 v16, v3;
	v4 =	vmul.f32 v50, v30;
	v63 =	vld [tilespmem:$0x6810]  }
0x521: {  	v19 =	vld [tilespmem:s2+$0x60];
	v18 =	vsub.f32 v7, v17  }
0x522: {  	[tilespmem:s2+$0x50] =	vst v46;
	v16 =	vadd.f32 v4, v49;
	v7 =	vld [tilespmem:$0x6B10]  }
0x523: {  	v11 =	vld [tilespmem:s4+$0x860];
	v2 =	vmul.f32 s18, v18  }
0x524: {  	v23 =	vld [tilespmem:s30+$0xC10];
	[tilespmem:s30+$0x870] =	vst v16  }
0x525: {  	v20 =	vld [tilespmem:$0x6980];
	v2 =	vmul.f32 v2, v63  }
0x526: {  	v21 =	vsub.f32 v9, v8;
	v0 =	vadd.f32 v10, v1;
	v10 =	vld [tilespmem:s26+$0x20]  }
0x527: {  	v9 =	vld [tilespmem:$0x6C80];
	v2 =	vadd.f32 v2, v7  }
0x528: {  	v6 =	vld [tilespmem:s28+$0xC60];
	v3 =	vmul.f32 s3, v21;
	v49 =	vadd.f32 v11, v19;
	[tilespmem:s28+$0xC50] =	vst v0  }
0x529: {  	v7 =	vld [tilespmem:s0+$0x1460];
	[tilespmem:s26+$0x10] =	vst v2  }
0x52a: {  	[tilespmem:s2+$0x60] =	vst v49;
	v1 =	vmul.f32 v3, v20;
	v26 =	vld [tilespmem:$0x6820]  }
0x52b: {  	v50 =	vld [tilespmem:s4+$0x870];
	v28 =	vsub.f32 v10, v17  }
0x52c: {  	v1 =	vadd.f32 v1, v9;
	v10 =	vld [tilespmem:$0x6B20]  }
0x52d: {  	v30 =	vmul.f32 s18, v28;
	v9 =	vld [tilespmem:s2+$0x70]  }
0x52e: {  	v12 =	vld [tilespmem:s28+$0xC70];
	[tilespmem:s30+$0xC00] =	vst v1  }
0x52f: {  	v19 =	vadd.f32 v7, v6;
	v6 =	vld [tilespmem:$0x6990];
	v1 =	vmul.f32 v30, v26  }
0x530: {  	v11 =	vld [tilespmem:s28+$0x1000];
	v2 =	vsub.f32 v23, v8  }
0x531: {  	v63 =	vld [tilespmem:$0x6C90];
	v1 =	vadd.f32 v1, v10  }
0x532: {  	v2 =	vmul.f32 s3, v2;
	v7 =	vld [tilespmem:s26+$0x30];
	[tilespmem:s28+$0xC60] =	vst v19;
	v9 =	vadd.f32 v50, v9  }
0x533: {  	v16 =	vld [tilespmem:s30+$0xC20];
	[tilespmem:s26+$0x20] =	vst v1  }
0x534: {  	v10 =	vld [tilespmem:s0+$0x1470];
	v2 =	vmul.f32 v2, v6;
	[tilespmem:$0x1FE10] =	vst v9  }
0x535: {  	v26 =	vld [tilespmem:$0x6830]  }
0x536: {  	v2 =	vadd.f32 v2, v63;
	v6 =	vld [tilespmem:s2+$0x400]  }
0x537: {  	v28 =	vsub.f32 v7, v17;
	[tilespmem:s2+$0x70] =	vst v9;
	v7 =	vld [tilespmem:$0x6B30]  }
0x538: {  	[tilespmem:s30+$0xC10] =	vst v2;
	v50 =	vld [tilespmem:s4+$0xC00]  }
0x539: {  	v30 =	vmul.f32 s18, v28;
	v9 =	vld [tilespmem:$0x69A0]  }
0x53a: {  	v1 =	vsub.f32 v16, v8  }
0x53b: {  	v2 =	vmul.f32 v30, v26  }
0x53c: {  	v1 =	vmul.f32 s3, v1;
	v20 =	vadd.f32 v10, v12;
	v63 =	vld [tilespmem:$0x6CA0]  }
0x53d: {  	v10 =	vld [tilespmem:s26+$0x40];
	v2 =	vadd.f32 v2, v7  }
0x53e: {  	v16 =	vld [tilespmem:s30+$0xC30];
	[tilespmem:s28+$0xC70] =	vst v20;
	v1 =	vmul.f32 v1, v9;
	v9 =	vadd.f32 v50, v6  }
0x53f: {  	v7 =	vld [tilespmem:s0+$0x1800];
	[tilespmem:s26+$0x30] =	vst v2  }
0x540: {  	v12 =	vld [tilespmem:s28+$0x1010];
	[tilespmem:$0x1FE20] =	vst v9  }
0x541: {  	v1 =	vadd.f32 v1, v63;
	v18 =	vld [tilespmem:$0x6840]  }
0x542: {  	v26 =	vsub.f32 v10, v17;
	v6 =	vld [tilespmem:s2+$0x410];
	[tilespmem:s2+$0x400] =	vst v9  }
0x543: {  	v9 =	vld [tilespmem:$0x6B40];
	[tilespmem:s30+$0xC20] =	vst v1  }
0x544: {  	v28 =	vmul.f32 s18, v26;
	v21 =	vadd.f32 v7, v11;
	v7 =	vld [tilespmem:$0x69B0]  }
0x545: {  	v2 =	vsub.f32 v16, v8;
	v10 =	vld [tilespmem:s26+$0x50]  }
0x546: {  	v50 =	vld [tilespmem:$0x6CB0];
	v1 =	vmul.f32 v28, v18  }
0x547: {  	v2 =	vmul.f32 s3, v2;
	v30 =	vld [tilespmem:s4+$0xC10]  }
0x548: {  	[tilespmem:s28+$0x1000] =	vst v21;
	v1 =	vadd.f32 v1, v9  }
0x549: {  	v2 =	vmul.f32 v2, v7;
	v9 =	vld [tilespmem:s0+$0x1810]  }
0x54a: {  	v16 =	vld [tilespmem:s30+$0xC40];
	[tilespmem:s26+$0x40] =	vst v1  }
0x54b: {  	v2 =	vadd.f32 v2, v50;
	v18 =	vld [tilespmem:$0x6850]  }
0x54c: {  	v23 =	vsub.f32 v10, v17;
	v63 =	vadd.f32 v30, v6;
	v6 =	vld [tilespmem:s2+$0x420]  }
0x54d: {  	v7 =	vld [tilespmem:$0x6B50];
	[tilespmem:s30+$0xC30] =	vst v2  }
0x54e: {  	v26 =	vmul.f32 s18, v23;
	[tilespmem:s2+$0x410] =	vst v63;
	v23 =	vadd.f32 v9, v12;
	v9 =	vld [tilespmem:$0x69C0]  }
0x54f: {  	v28 =	vld [tilespmem:s4+$0xC20];
	v1 =	vsub.f32 v16, v8  }
0x550: {  	v30 =	vld [tilespmem:$0x6CC0];
	v2 =	vmul.f32 v26, v18  }
0x551: {  	v10 =	vld [tilespmem:s26+$0x60];
	v1 =	vmul.f32 s3, v1  }
0x552: {  	v11 =	vld [tilespmem:s28+$0x1020];
	[tilespmem:s28+$0x1010] =	vst v23;
	v2 =	vadd.f32 v2, v7  }
0x553: {  	v7 =	vld [tilespmem:s0+$0x1820];
	v1 =	vmul.f32 v1, v9  }
0x554: {  	v50 =	vld [tilespmem:s30+$0xC50];
	[tilespmem:s26+$0x50] =	vst v2  }
0x555: {  	v3 =	vadd.f32 v28, v6;
	v1 =	vadd.f32 v1, v30;
	v6 =	vld [tilespmem:$0x6860]  }
0x556: {  	v16 =	vsub.f32 v10, v17;
	v9 =	vld [tilespmem:s2+$0x430]  }
0x557: {  	v10 =	vld [tilespmem:$0x6B60];
	[tilespmem:s30+$0xC40] =	vst v1  }
0x558: {  	v18 =	vmul.f32 s18, v16;
	[tilespmem:s2+$0x420] =	vst v3;
	v12 =	vadd.f32 v7, v11;
	v7 =	vld [tilespmem:$0x69D0]  }
0x559: {  	v26 =	vld [tilespmem:s4+$0xC30];
	v2 =	vsub.f32 v50, v8  }
0x55a: {  	v1 =	vmul.f32 v18, v6;
	v6 =	vld [tilespmem:$0x6CD0]  }
0x55b: {  	v2 =	vmul.f32 s3, v2;
	v11 =	vld [tilespmem:s26+$0x70]  }
0x55c: {  	v13 =	vld [tilespmem:s28+$0x1030];
	[tilespmem:s28+$0x1020] =	vst v12;
	v1 =	vadd.f32 v1, v10  }
0x55d: {  	v10 =	vld [tilespmem:s0+$0x1830];
	v7 =	vmul.f32 v2, v7  }
0x55e: {  	v28 =	vld [tilespmem:s30+$0xC60];
	[tilespmem:s26+$0x60] =	vst v1  }
0x55f: {  	v30 =	vld [tilespmem:$0x6870];
	v6 =	vadd.f32 v7, v6  }
0x560: {  	v2 =	vadd.f32 v26, v9;
	v9 =	vld [tilespmem:s2+$0x440];
	v7 =	vsub.f32 v11, v17  }
0x561: {  	v11 =	vld [tilespmem:$0x6B70];
	[tilespmem:s30+$0xC50] =	vst v6  }
0x562: {  	[tilespmem:s2+$0x430] =	vst v2;
	v6 =	vmul.f32 s18, v7;
	v26 =	vadd.f32 v10, v13;
	v10 =	vld [tilespmem:$0x69E0]  }
0x563: {  	v1 =	vsub.f32 v28, v8;
	v7 =	vld [tilespmem:s4+$0xC40]  }
0x564: {  	v4 =	vmul.f32 v6, v30;
	v6 =	vld [tilespmem:$0x6CE0]  }
0x565: {  	v14 =	vld [tilespmem:s28+$0x1040];
	v1 =	vmul.f32 s3, v1  }
0x566: {  	v13 =	vld [tilespmem:s26+$0x400];
	[tilespmem:s28+$0x1030] =	vst v26  }
0x567: {  	v4 =	vadd.f32 v4, v11;
	v11 =	vld [tilespmem:s0+$0x1840];
	v10 =	vmul.f32 v1, v10  }
0x568: {  	v1 =	vadd.f32 v7, v9  }
0x569: {  	[tilespmem:s26+$0x70] =	vst v4;
	v6 =	vadd.f32 v10, v6  }
0x56a: {  	[tilespmem:s2+$0x440] =	vst v1  }
0x56b: {  	v7 =	vld [tilespmem:$0x6880];
	[tilespmem:s30+$0xC60] =	vst v6  }
0x56c: {  	v9 =	vsub.f32 v13, v17;
	v28 =	vadd.f32 v11, v14;
	v14 =	vld [tilespmem:$0x1FE50]  }
0x56d: {  	v11 =	vld [tilespmem:$0x6B80]  }
0x56e: {  	v10 =	vld [tilespmem:s2+$0x450];
	v6 =	vmul.f32 s18, v9  }
0x56f: {  	v9 =	vld [tilespmem:s4+$0xC50]  }
0x570: {  	v4 =	vld [tilespmem:s30+$0xC70];
	v6 =	vmul.f32 v6, v7  }
0x571: {  	v18 =	vmul.f32 v22, v52;
	v13 =	vadd.f32 $0.0e+00, v14;
	v14 =	vmul.f32 v14, v14  }
0x572: {  	v16 =	vld [tilespmem:s28+$0x1050];
	v6 =	vadd.f32 v6, v11  }
0x573: {  	v50 =	vld [tilespmem:$0x69F0];
	[tilespmem:s28+$0x1040] =	vst v28;
	v13 =	vadd.f32 v52, v13;
	v14 =	vadd.f32 v18, v14;
	v52 =	vmul.f32 v24, v51  }
0x574: {  	v7 =	vld [tilespmem:s0+$0x1850];
	v10 =	vadd.f32 v9, v10  }
0x575: {  	v4 =	vsub.f32 v4, v8;
	v9 =	vadd.f32 v52, v14;
	v52 =	vld [tilespmem:$0x1FEB0];
	[tilespmem:s26+$0x400] =	vst v6  }
0x576: {  	v11 =	vld [tilespmem:$0x6CF0];
	[tilespmem:s2+$0x450] =	vst v10  }
0x577: {  	v4 =	vmul.f32 s3, v4;
	v22 =	vld [tilespmem:$0x1FEC0];
	_ =	sdelay $0x1  }
0x578: {  	v4 =	vmul.f32 v4, v50  }
0x579: {  	v50 =	vadd.f32 v7, v16;
	v14 =	vmul.f32 v25, v52  }
0x57a: {  	v30 =	vld [tilespmem:s26+$0x410];
	v4 =	vadd.f32 v4, v11  }
0x57b: {  	v7 =	vadd.f32 v14, v9;
	v9 =	vmul.f32 v27, v22;
	v27 =	vld [tilespmem:$0x1FED0];
	[tilespmem:s28+$0x1050] =	vst v50  }
0x57c: {  	[tilespmem:s30+$0xC70] =	vst v4  }
0x57d: {  	v13 =	vadd.f32 v51, v13;
	v51 =	vld [tilespmem:$0x1FEE0]  }
0x57e: {  	v6 =	vld [tilespmem:s2+$0x460]  }
0x57f: {  	v24 =	vsub.f32 v30, v17;
	v14 =	vld [tilespmem:$0x6890]  }
0x580: {  	v18 =	vld [tilespmem:s4+$0xC60];
	v7 =	vadd.f32 v9, v7;
	v9 =	vmul.f32 v37, v27  }
0x581: {  	v16 =	vmul.f32 s18, v24;
	v11 =	vld [tilespmem:$0x6B90]  }
0x582: {  	v25 =	vld [tilespmem:s28+$0x1060];
	v13 =	vadd.f32 v52, v13;
	v37 =	vadd.f32 v9, v7;
	v7 =	vmul.f32 v40, v51  }
0x583: {  	v9 =	vld [tilespmem:s0+$0x1860]  }
0x584: {  	v13 =	vadd.f32 v22, v13;
	v14 =	vmul.f32 v16, v14;
	v4 =	vadd.f32 v7, v37;
	v37 =	vld [tilespmem:$0x1FEF0]  }
0x585: {  	v40 =	vld [tilespmem:$0x1FF00]  }
0x586: {  	v30 =	vld [tilespmem:s30+$0x1000];
	v13 =	vadd.f32 v27, v13;
	v14 =	vadd.f32 v14, v11  }
0x587: {  	v18 =	vadd.f32 v18, v6;
	v52 =	vld [tilespmem:$0x6A00]  }
0x588: {  	v24 =	vld [tilespmem:$0x6D00];
	v13 =	vadd.f32 v51, v13;
	[tilespmem:s26+$0x410] =	vst v14  }
0x589: {  	v7 =	vld [tilespmem:s26+$0x420];
	[tilespmem:s2+$0x460] =	vst v18;
	v6 =	vmul.f32 v41, v37  }
0x58a: {  	v11 =	vadd.f32 v9, v25;
	v13 =	vadd.f32 v37, v13;
	v41 =	vmul.f32 v42, v40;
	v42 =	vld [tilespmem:$0x1FF10]  }
0x58b: {  	v22 =	vld [tilespmem:$0x68A0];
	v4 =	vadd.f32 v6, v4;
	v6 =	vsub.f32 v30, v8  }
0x58c: {  	v51 =	vld [tilespmem:$0x1FF20]  }
0x58d: {  	[tilespmem:s28+$0x1060] =	vst v11;
	v9 =	vadd.f32 v40, v13;
	v13 =	vld [tilespmem:s2+$0x470];
	v6 =	vmul.f32 s3, v6  }
0x58e: {  	v4 =	vadd.f32 v41, v4;
	v41 =	vld [tilespmem:$0x1FF30]  }
0x58f: {  	v7 =	vsub.f32 v7, v17;
	v14 =	vmul.f32 v43, v42;
	v43 =	vld [tilespmem:s4+$0xC70];
	v6 =	vmul.f32 v6, v52  }
0x590: {  	v30 =	vld [tilespmem:s28+$0x1070]  }
0x591: {  	v7 =	vmul.f32 s18, v7;
	v52 =	vld [tilespmem:$0x6BA0];
	v6 =	vadd.f32 v6, v24  }
0x592: {  	v40 =	vld [tilespmem:s30+$0x1010];
	v4 =	vadd.f32 v14, v4;
	v14 =	vmul.f32 v36, v51  }
0x593: {  	v7 =	vmul.f32 v7, v22;
	v9 =	vadd.f32 v42, v9;
	v42 =	vld [tilespmem:s0+$0x1870];
	[tilespmem:s30+$0x1000] =	vst v6  }
0x594: {  	v4 =	vadd.f32 v14, v4;
	v14 =	vmul.f32 v39, v41;
	v13 =	vadd.f32 v43, v13;
	v43 =	vld [tilespmem:$0x1FF40]  }
0x595: {  	v36 =	vld [tilespmem:$0x1FF50]  }
0x596: {  	v4 =	vadd.f32 v14, v4;
	v14 =	vld [tilespmem:s26+$0x430];
	v7 =	vadd.f32 v7, v52  }
0x597: {  	v9 =	vadd.f32 v51, v9;
	v51 =	vld [tilespmem:$0x6A10]  }
0x598: {  	[tilespmem:s26+$0x420] =	vst v7;
	v7 =	vld [tilespmem:s28+$0x1400]  }
0x599: {  	v9 =	vadd.f32 v41, v9;
	v52 =	vsub.f32 v40, v8;
	v39 =	vld [tilespmem:$0x1FF60]  }
0x59a: {  	v41 =	vld [tilespmem:$0x68B0];
	v6 =	vmul.f32 v45, v43;
	v37 =	vmul.f32 v5, v36;
	v5 =	vadd.f32 v42, v30  }
0x59b: {  	v45 =	vld [tilespmem:$0x6BB0]  }
0x59c: {  	v22 =	vmul.f32 s3, v52;
	v14 =	vsub.f32 v14, v17;
	v4 =	vadd.f32 v6, v4;
	v6 =	vld [tilespmem:$0x6D10];
	[tilespmem:s28+$0x1070] =	vst v5  }
0x59d: {  	v42 =	vld [tilespmem:$0x1FF70]  }
0x59e: {  	v9 =	vadd.f32 v43, v9;
	v16 =	vmul.f32 v22, v51;
	v14 =	vmul.f32 s18, v14;
	v51 =	vld [tilespmem:s0+$0x1C00]  }
0x59f: {  	v52 =	vld [tilespmem:s30+$0x1020];
	[tilespmem:s2+$0x470] =	vst v13  }
0x5a0: {  	v9 =	vadd.f32 v36, v9;
	v36 =	vld [tilespmem:$0x1FF80];
	v14 =	vmul.f32 v14, v41  }
0x5a1: {  	v30 =	vld [tilespmem:s2+$0x800];
	v40 =	vmul.f32 v38, v39;
	v4 =	vadd.f32 v37, v4;
	v6 =	vadd.f32 v16, v6  }
0x5a2: {  	v9 =	vadd.f32 v39, v9;
	v25 =	vld [tilespmem:s4+$0x1000];
	v14 =	vadd.f32 v14, v45  }
0x5a3: {  	v39 =	vld [tilespmem:s26+$0x440];
	v4 =	vadd.f32 v40, v4;
	v43 =	vmul.f32 v31, v42;
	[tilespmem:s30+$0x1010] =	vst v6;
	v6 =	vadd.f32 v51, v7  }
0x5a4: {  	v9 =	vadd.f32 v42, v9;
	v41 =	vld [tilespmem:$0x1FE80];
	[tilespmem:s26+$0x430] =	vst v14  }
0x5a5: {  	v42 =	vld [tilespmem:s28+$0x1410];
	v37 =	vmul.f32 v33, v36;
	v4 =	vadd.f32 v43, v4;
	[tilespmem:s28+$0x1400] =	vst v6  }
0x5a6: {  	v9 =	vadd.f32 v36, v9;
	v43 =	vld [tilespmem:$0x1FE90]  }
0x5a7: {  	v38 =	vmul.f32 v34, v44;
	v34 =	vld [tilespmem:$0x6A20];
	v4 =	vadd.f32 v37, v4  }
0x5a8: {  	v16 =	vsub.f32 v52, v8;
	v9 =	vadd.f32 v44, v9;
	v51 =	vld [tilespmem:$0x1FEA0]  }
0x5a9: {  	v40 =	vld [tilespmem:$0x6D20];
	v4 =	vadd.f32 v38, v4;
	v7 =	vmul.f32 v41, v41  }
0x5aa: {  	v14 =	vmul.f32 s3, v16;
	v44 =	vld [tilespmem:$0x68C0];
	v9 =	vadd.f32 v41, v9  }
0x5ab: {  	v37 =	vld [tilespmem:s30+$0x1030];
	v4 =	vadd.f32 v7, v4;
	v7 =	vmul.f32 v43, v43  }
0x5ac: {  	v33 =	vsub.f32 v39, v17;
	v45 =	vld [tilespmem:s0+$0x1C10];
	v34 =	vmul.f32 v14, v34;
	v9 =	vadd.f32 v43, v9  }
0x5ad: {  	v52 =	vld [tilespmem:$0x6BC0];
	v14 =	vadd.f32 v25, v30;
	v4 =	vadd.f32 v7, v4;
	v7 =	vmul.f32 v51, v51  }
0x5ae: {  	v33 =	vmul.f32 s18, v33;
	v24 =	vadd.f32 v34, v40;
	v9 =	vadd.f32 v51, v9  }
0x5af: {  	v38 =	vmul.f32 v29, v29;
	[tilespmem:s2+$0x800] =	vst v14;
	v40 =	vld [tilespmem:s26+$0x450];
	v4 =	vadd.f32 v7, v4  }
0x5b0: {  	v27 =	vmul.f32 v33, v44;
	v25 =	vsub.f32 v37, v8;
	v41 =	vld [tilespmem:s4+$0x1010];
	[tilespmem:s30+$0x1020] =	vst v24;
	v9 =	vadd.f32 v29, v9  }
0x5b1: {  	v39 =	vmul.f32 v32, v32;
	v7 =	vadd.f32 v45, v42;
	v42 =	vld [tilespmem:$0x6A30];
	v4 =	vadd.f32 v38, v4  }
0x5b2: {  	v27 =	vadd.f32 v27, v52;
	v51 =	vld [tilespmem:$0x6D30];
	v9 =	vadd.f32 v32, v9  }
0x5b3: {  	v43 =	vmul.f32 v35, v35;
	v29 =	vld [tilespmem:s2+$0x810];
	[tilespmem:s28+$0x1410] =	vst v7;
	v4 =	vadd.f32 v39, v4  }
0x5b4: {  	v25 =	vmul.f32 s3, v25;
	[tilespmem:s26+$0x440] =	vst v27;
	v44 =	vld [tilespmem:s0+$0x1C20];
	v9 =	vadd.f32 v35, v9  }
0x5b5: {  	v45 =	vmul.f32 v47, v47;
	v27 =	vld [tilespmem:$0x68D0];
	v4 =	vadd.f32 v43, v4  }
0x5b6: {  	v22 =	vsub.f32 v40, v17;
	v25 =	vmul.f32 v25, v42;
	v9 =	vadd.f32 v47, v9  }
0x5b7: {  	v52 =	vmul.f32 v53, v53;
	v36 =	vld [tilespmem:$0x6BD0];
	v4 =	vadd.f32 v45, v4  }
0x5b8: {  	v38 =	vld [tilespmem:s2+$0x820];
	v22 =	vmul.f32 s18, v22;
	v25 =	vadd.f32 v25, v51;
	v37 =	vadd.f32 v53, v9  }
0x5b9: {  	v40 =	vmul.f32 v54, v54;
	v39 =	vld [tilespmem:s30+$0x1040];
	v9 =	vadd.f32 v44, v15;
	v4 =	vadd.f32 v52, v4  }
0x5ba: {  	v22 =	vmul.f32 v22, v27;
	v15 =	vadd.f32 v41, v29;
	v41 =	vld [tilespmem:s28+$0x1430];
	v42 =	vadd.f32 v54, v37  }
0x5bb: {  	v43 =	vmul.f32 v55, v55;
	v44 =	vld [tilespmem:s26+$0x460];
	[tilespmem:s30+$0x1030] =	vst v25;
	v4 =	vadd.f32 v40, v4  }
0x5bc: {  	v22 =	vadd.f32 v22, v36;
	[tilespmem:s28+$0x1420] =	vst v9;
	v25 =	vld [tilespmem:$0x6A40];
	v29 =	vadd.f32 v55, v42  }
0x5bd: {  	v51 =	vmul.f32 v57, v57;
	[tilespmem:s2+$0x810] =	vst v15;
	v45 =	vld [tilespmem:s0+$0x1C30];
	v4 =	vadd.f32 v43, v4  }
0x5be: {  	[tilespmem:s26+$0x450] =	vst v22;
	v47 =	vld [tilespmem:s4+$0x1020];
	v29 =	vadd.f32 v57, v29  }
0x5bf: {  	v31 =	vsub.f32 v39, v8;
	v52 =	vmul.f32 v0, v0;
	v22 =	vld [tilespmem:$0x68E0];
	v4 =	vadd.f32 v51, v4  }
0x5c0: {  	v53 =	vld [tilespmem:$0x6D40];
	v27 =	vsub.f32 v44, v17;
	v0 =	vadd.f32 v0, v29  }
0x5c1: {  	v54 =	vmul.f32 v19, v19;
	v31 =	vmul.f32 s3, v31;
	v55 =	vld [tilespmem:$0x6BE0];
	v4 =	vadd.f32 v52, v4  }
0x5c2: {  	v35 =	vld [tilespmem:s2+$0x830];
	v27 =	vmul.f32 s18, v27;
	v24 =	vadd.f32 v45, v41;
	v19 =	vadd.f32 v19, v0  }
0x5c3: {  	v36 =	vmul.f32 v20, v20;
	v57 =	vld [tilespmem:s28+$0x1440];
	v25 =	vmul.f32 v31, v25;
	v4 =	vadd.f32 v54, v4  }
0x5c4: {  	v41 =	vld [tilespmem:s26+$0x470];
	[tilespmem:s28+$0x1430] =	vst v24;
	v0 =	vadd.f32 v47, v38;
	v38 =	vmul.f32 v27, v22;
	v19 =	vadd.f32 v20, v19  }
0x5c5: {  	v40 =	vmul.f32 v21, v21;
	v39 =	vadd.f32 v25, v53;
	v37 =	vld [tilespmem:s0+$0x1C40];
	v4 =	vadd.f32 v36, v4  }
0x5c6: {  	v42 =	vld [tilespmem:s30+$0x1050];
	v20 =	vadd.f32 v38, v55;
	v19 =	vadd.f32 v21, v19  }
0x5c7: {  	v44 =	vmul.f32 v23, v23;
	v51 =	vld [tilespmem:s28+$0x1450];
	[tilespmem:s30+$0x1040] =	vst v39;
	v4 =	vadd.f32 v40, v4  }
0x5c8: {  	v22 =	vld [tilespmem:$0x6A50];
	[tilespmem:s26+$0x460] =	vst v20;
	v19 =	vadd.f32 v23, v19  }
0x5c9: {  	v45 =	vmul.f32 v12, v12;
	[tilespmem:s2+$0x820] =	vst v0;
	v52 =	vsub.f32 v41, v17;
	v47 =	vld [tilespmem:$0x68F0];
	v4 =	vadd.f32 v44, v4  }
0x5ca: {  	v43 =	vld [tilespmem:s4+$0x1030];
	v20 =	vadd.f32 v37, v57;
	v12 =	vadd.f32 v12, v19  }
0x5cb: {  	v54 =	vmul.f32 v26, v26;
	v55 =	vld [tilespmem:$0x6BF0];
	v4 =	vadd.f32 v45, v4  }
0x5cc: {  	v53 =	vsub.f32 v42, v8;
	v33 =	vld [tilespmem:$0x6D50];
	[tilespmem:s28+$0x1440] =	vst v20;
	v19 =	vmul.f32 s18, v52;
	v12 =	vadd.f32 v26, v12  }
0x5cd: {  	v34 =	vmul.f32 v28, v28;
	v57 =	vld [tilespmem:s0+$0x1C50];
	v16 =	vadd.f32 v54, v4  }
0x5ce: {  	v25 =	vmul.f32 s3, v53;
	v38 =	vld [tilespmem:s30+$0x1060];
	v19 =	vmul.f32 v19, v47;
	v12 =	vadd.f32 v28, v12  }
0x5cf: {  	v36 =	vmul.f32 v50, v50;
	v37 =	vld [tilespmem:s26+$0x800];
	v4 =	vadd.f32 v43, v35;
	v16 =	vadd.f32 v34, v16  }
0x5d0: {  	v41 =	vld [tilespmem:s28+$0x1460];
	v19 =	vadd.f32 v19, v55;
	v12 =	vadd.f32 v50, v12  }
0x5d1: {  	v40 =	vmul.f32 v11, v11;
	v22 =	vmul.f32 v25, v22;
	v35 =	vld [tilespmem:s2+$0x840];
	[tilespmem:s2+$0x830] =	vst v4;
	v16 =	vadd.f32 v36, v16  }
0x5d2: {  	v29 =	vadd.f32 v57, v51;
	[tilespmem:s26+$0x470] =	vst v19;
	v39 =	vld [tilespmem:s4+$0x1040];
	v11 =	vadd.f32 v11, v12  }
0x5d3: {  	v42 =	vmul.f32 v5, v5;
	v43 =	vld [tilespmem:$0x6900];
	v12 =	vadd.f32 v22, v33;
	v16 =	vadd.f32 v40, v16  }
0x5d4: {  	v47 =	vld [tilespmem:$0x6C00];
	[tilespmem:s28+$0x1450] =	vst v29;
	v5 =	vadd.f32 v5, v11;
	v11 =	vsub.f32 v37, v17  }
0x5d5: {  	v45 =	vmul.f32 v6, v6;
	v44 =	vld [tilespmem:s0+$0x1C60];
	[tilespmem:s30+$0x1050] =	vst v12;
	v12 =	vadd.f32 v42, v16  }
0x5d6: {  	v6 =	vadd.f32 v6, v5;
	v11 =	vmul.f32 s18, v11  }
0x5d7: {  	v52 =	vmul.f32 v7, v7;
	v50 =	vld [tilespmem:$0x6A60];
	v12 =	vadd.f32 v45, v12  }
0x5d8: {  	v25 =	vsub.f32 v38, v8;
	v55 =	vld [tilespmem:s26+$0x810];
	v6 =	vadd.f32 v7, v6;
	v7 =	vmul.f32 v11, v43  }
0x5d9: {  	v51 =	vld [tilespmem:$0x6D60];
	v5 =	vadd.f32 v39, v35;
	v11 =	vadd.f32 v52, v12;
	v12 =	vmul.f32 v9, v9  }
0x5da: {  	v30 =	vld [tilespmem:s28+$0x1470];
	v57 =	vmul.f32 s3, v25;
	v54 =	vadd.f32 v44, v41;
	v7 =	vadd.f32 v7, v47  }
0x5db: {  	v53 =	vld [tilespmem:s2+$0x850];
	[tilespmem:s2+$0x840] =	vst v5;
	v6 =	vadd.f32 v9, v6;
	v9 =	vadd.f32 v12, v11;
	v11 =	vmul.f32 v24, v24  }
0x5dc: {  	v31 =	vld [tilespmem:s4+$0x1050];
	v12 =	vmul.f32 v57, v50;
	[tilespmem:s26+$0x800] =	vst v7  }
0x5dd: {  	v22 =	vsub.f32 v55, v17;
	[tilespmem:s28+$0x1460] =	vst v54;
	v7 =	vadd.f32 v11, v9;
	v11 =	vld [tilespmem:$0x6910]  }
0x5de: {  	v32 =	vld [tilespmem:s0+$0x1C70];
	v6 =	vadd.f32 v24, v6;
	v12 =	vadd.f32 v12, v51  }
0x5df: {  	v34 =	vld [tilespmem:$0x6C10];
	v9 =	vmul.f32 v20, v20  }
0x5e0: {  	v33 =	vld [tilespmem:s30+$0x1070];
	v20 =	vadd.f32 v20, v6;
	[tilespmem:s30+$0x1060] =	vst v12;
	v12 =	vmul.f32 s18, v22  }
0x5e1: {  	v6 =	vadd.f32 v31, v53;
	v7 =	vadd.f32 v9, v7;
	v9 =	vmul.f32 v29, v29  }
0x5e2: {  	v36 =	vld [tilespmem:s2+$0x860];
	v11 =	vmul.f32 v12, v11  }
0x5e3: {  	v37 =	vmul.f32 v54, v54;
	[tilespmem:s2+$0x850] =	vst v6;
	v35 =	vld [tilespmem:$0x6A70];
	v7 =	vadd.f32 v9, v7;
	v9 =	vadd.f32 v32, v30  }
0x5e4: {  	v44 =	vld [tilespmem:s4+$0x1060];
	v11 =	vadd.f32 v11, v34  }
0x5e5: {  	v47 =	vsub.f32 v33, v8;
	v7 =	vadd.f32 v37, v7;
	v45 =	vmul.f32 v9, v9  }
0x5e6: {  	v20 =	vadd.f32 v29, v20;
	[tilespmem:s26+$0x810] =	vst v11  }
0x5e7: {  	v22 =	vadd.f32 v45, v7;
	v7 =	vmul.f32 s3, v47;
	v41 =	vld [tilespmem:$0x1FFD0]  }
0x5e8: {  	v38 =	vld [tilespmem:s26+$0x820];
	v12 =	vadd.f32 v54, v20  }
0x5e9: {  	v19 =	vmul.f32 v7, v35;
	v7 =	vadd.f32 v44, v36  }
0x5ea: {  	v50 =	vld [tilespmem:$0x6D70];
	v12 =	vadd.f32 v9, v12  }
0x5eb: {  	v51 =	vld [tilespmem:$0x6920];
	[tilespmem:s2+$0x860] =	vst v7  }
0x5ec: {  	v42 =	vld [tilespmem:$0x1FFE0];
	v11 =	vperm.xlane v12, v41  }
0x5ed: {  	v16 =	vsub.f32 v38, v17  }
0x5ee: {  	v11 =	vadd.f32 v11, v12;
	v12 =	vld [tilespmem:$0x6C20]  }
0x5ef: {  	v16 =	vmul.f32 s18, v16;
	v54 =	vld [tilespmem:s2+$0x870]  }
0x5f0: {  	v28 =	vld [tilespmem:s4+$0x1070]  }
0x5f1: {  	v52 =	vld [tilespmem:s30+$0x1400];
	v19 =	vadd.f32 v19, v50;
	v16 =	vmul.f32 v16, v51;
	v57 =	vperm.xlane v11, v42  }
0x5f2: {  	v53 =	vperm.xlane v22, v41  }
0x5f3: {  	v30 =	vld [tilespmem:s26+$0x830];
	[tilespmem:s30+$0x1070] =	vst v19;
	v29 =	vadd.f32 v57, v11;
	v11 =	vadd.f32 v16, v12  }
0x5f4: {  	v43 =	vld [tilespmem:$0x1FFF0];
	v55 =	vadd.f32 v53, v22  }
0x5f5: {  	v31 =	vld [tilespmem:$0x6A80];
	[tilespmem:s26+$0x820] =	vst v11;
	v11 =	vadd.f32 v28, v54  }
0x5f6: {  	v33 =	vld [tilespmem:$0x6D80];
	v26 =	vperm.xlane v55, v42;
	v12 =	vsub.f32 v52, v8  }
0x5f7: {  	v34 =	vld [tilespmem:$0x6930];
	[tilespmem:s2+$0x870] =	vst v11  }
0x5f8: {  	v21 =	vadd.f32 v26, v55;
	v12 =	vmul.f32 s3, v12;
	v44 =	vld [tilespmem:$0x1FFC0]  }
0x5f9: {  	v22 =	vsub.f32 v30, v17;
	v32 =	vperm.xlane v29, v43  }
0x5fa: {  	v26 =	vperm.xlane v21, v43;
	v37 =	vld [tilespmem:$0x6C30];
	v12 =	vmul.f32 v12, v31  }
0x5fb: {  	v22 =	vmul.f32 s18, v22;
	v16 =	vadd.f32 v32, v29  }
0x5fc: {  	v35 =	vld [tilespmem:s2+$0xC00];
	v21 =	vadd.f32 v26, v21;
	v12 =	vadd.f32 v12, v33  }
0x5fd: {  	v38 =	vld [tilespmem:s4+$0x1400];
	v19 =	vmul.f32 v22, v34;
	v36 =	vperm.xlane v16, v44  }
0x5fe: {  	[tilespmem:s30+$0x1400] =	vst v12;
	v12 =	vld [tilespmem:s26+$0x840];
	v39 =	vperm.xlane v21, v44  }
0x5ff: {  	v19 =	vadd.f32 v19, v37;
	v16 =	vadd.f32 v36, v16  }
0x600: {  	v21 =	vadd.f32 v39, v21  }
0x601: {  	v40 =	vld [tilespmem:s30+$0x1410];
	[tilespmem:s26+$0x830] =	vst v19;
	(v2sf) =	vpush v16, $0x0  }
0x602: {  	v19 =	vld [tilespmem:$0x6940];
	v16 =	vadd.f32 v38, v35;
	(v2sf) =	vpush v21, $0x0  }
0x603: {  	v51 =	vld [tilespmem:s2+$0xC10];
	v12 =	vsub.f32 v12, v17  }
0x604: {  	v53 =	vld [tilespmem:$0x6C40];
	[tilespmem:s2+$0xC00] =	vst v16  }
0x605: {  	v12 =	vmul.f32 s18, v12;
	v52 =	vld [tilespmem:s4+$0x1410];
	_ =	sdelay $0x1  }
0x606: {  	v55 =	vld [tilespmem:s26+$0x850];
	v12 =	vmul.f32 v12, v19  }
0x607: {  	v45 =	vld [tilespmem:$0x6A90]  }
0x608: {  	v50 =	vsub.f32 v40, v8;
	v57 =	vld [tilespmem:s2+$0xC20];
	v12 =	vadd.f32 v12, v53  }
0x609: {  	v47 =	vld [tilespmem:$0x6D90];
	v19 =	vadd.f32 v52, v51  }
0x60a: {  	v20 =	vmul.f32 s3, v50;
	v54 =	vld [tilespmem:s30+$0x1420];
	[tilespmem:s26+$0x840] =	vst v12  }
0x60b: {  	v30 =	vld [tilespmem:$0x6950];
	[tilespmem:s2+$0xC10] =	vst v19  }
0x60c: {  	v20 =	vmul.f32 v20, v45;
	v21 =	vsub.f32 v55, v17;
	v29 =	vld [tilespmem:s4+$0x1420]  }
0x60d: {  	v32 =	vld [tilespmem:$0x6C50]  }
0x60e: {  	v20 =	vadd.f32 v20, v47;
	v21 =	vmul.f32 s18, v21  }
0x60f: {  	s8 =	spop (v2sf)  }
0x610: {  	v35 =	vld [tilespmem:s26+$0x860];
	[tilespmem:s30+$0x1410] =	vst v20;
	v21 =	vmul.f32 v21, v30;
	s0 =	smul.f32 $1.302083370e-03, s8;
	s10 =	spop (v2sf)  }
0x611: {  	v28 =	vld [tilespmem:$0x6AA0];
	v20 =	vadd.f32 v29, v57;
	s7 =	smul.f32 $1.302083370e-03, s10  }
0x612: {  	v34 =	vld [tilespmem:s2+$0xC30];
	v12 =	vsub.f32 v54, v8;
	v21 =	vadd.f32 v21, v32;
	s11 =	smul.f32 s0, s0  }
0x613: {  	v31 =	vld [tilespmem:$0x6DA0];
	[tilespmem:s2+$0xC20] =	vst v20  }
0x614: {  	v12 =	vmul.f32 s3, v12;
	[tilespmem:s26+$0x850] =	vst v21;
	v36 =	vld [tilespmem:s4+$0x1430];
	s7 =	ssub.f32 s7, s11  }
0x615: {  	v38 =	vld [tilespmem:$0x6960]  }
0x616: {  	v33 =	vld [tilespmem:s30+$0x1430];
	v22 =	vsub.f32 v35, v17;
	v12 =	vmul.f32 v12, v28;
	s7 =	sadd.f32 $9.999999740e-06, s7  }
0x617: {  	v45 =	vld [tilespmem:$0x6C60]  }
0x618: {  	v47 =	vld [tilespmem:s2+$0xC40];
	v22 =	vmul.f32 s18, v22;
	v12 =	vadd.f32 v12, v31;
	s15 =	sshra.s32 s7, $0x1;
	s7 =	smul.f32 $5.000000000e-01, s7  }
0x619: {  	v52 =	vld [tilespmem:s26+$0x870];
	v21 =	vadd.f32 v36, v34;
	s8 =	ssub.s32 $0x5F3759DF, s15  }
0x61a: {  	v53 =	vld [tilespmem:s30+$0x1440];
	[tilespmem:s30+$0x1420] =	vst v12;
	v22 =	vmul.f32 v22, v38;
	s16 =	smul.f32 s8, s7  }
0x61b: {  	v12 =	vld [tilespmem:$0x6AB0];
	[tilespmem:s2+$0xC30] =	vst v21  }
0x61c: {  	v22 =	vadd.f32 v22, v45;
	v50 =	vld [tilespmem:s4+$0x1440];
	s10 =	smul.f32 s8, s16  }
0x61d: {  	v37 =	vsub.f32 v33, v8;
	v54 =	vld [tilespmem:s2+$0xC50]  }
0x61e: {  	v55 =	vsub.f32 v52, v17;
	v39 =	vld [tilespmem:$0x6DB0];
	[tilespmem:s26+$0x860] =	vst v22;
	s10 =	ssub.f32 $1.500000000e+00, s10  }
0x61f: {  	v40 =	vmul.f32 s3, v37;
	v22 =	vld [tilespmem:$0x6970]  }
0x620: {  	v25 =	vmul.f32 s18, v55;
	v55 =	vld [tilespmem:s26+$0xC10];
	s8 =	smul.f32 s8, s10  }
0x621: {  	v12 =	vmul.f32 v40, v12;
	v57 =	vld [tilespmem:$0x6C70];
	v26 =	vadd.f32 v50, v47  }
0x622: {  	v40 =	vld [tilespmem:s28+$0x10];
	s10 =	smul.f32 s8, s7  }
0x623: {  	v51 =	vadd.f32 v12, v39;
	v12 =	vld [tilespmem:$0x6DF0];
	[tilespmem:s2+$0xC40] =	vst v26  }
0x624: {  	v22 =	vmul.f32 v25, v22;
	v36 =	vld [tilespmem:s4+$0x1450];
	s10 =	smul.f32 s10, s8  }
0x625: {  	[tilespmem:s30+$0x1430] =	vst v51;
	v45 =	vld [tilespmem:s26+$0xC00]  }
0x626: {  	v23 =	vld [tilespmem:$0x6AC0];
	v22 =	vadd.f32 v22, v57;
	s10 =	ssub.f32 $1.500000000e+00, s10  }
0x627: {  	v37 =	vld [tilespmem:$0x6DC0]  }
0x628: {  	v47 =	vld [tilespmem:s2+$0xC60];
	[tilespmem:s26+$0x870] =	vst v22;
	s8 =	smul.f32 s10, s8  }
0x629: {  	v38 =	vsub.f32 v53, v8;
	v22 =	vld [tilespmem:$0x6980];
	v27 =	vadd.f32 v36, v54  }
0x62a: {  	v50 =	vld [tilespmem:s28+$0x0];
	v25 =	vsub.f32 v45, v17;
	s7 =	smul.f32 s8, s7  }
0x62b: {  	v29 =	vmul.f32 s3, v38;
	v52 =	vld [tilespmem:$0x6C80];
	[tilespmem:s2+$0xC50] =	vst v27  }
0x62c: {  	v25 =	vmul.f32 s18, v25;
	v51 =	vld [tilespmem:s4+$0x1460];
	s7 =	smul.f32 s7, s8  }
0x62d: {  	[tilespmem:s28+$0x1470] =	vst v9;
	v39 =	vld [tilespmem:s30+$0x1450];
	v23 =	vmul.f32 v29, v23  }
0x62e: {  	v53 =	vld [tilespmem:$0x6800];
	v22 =	vmul.f32 v25, v22;
	s7 =	ssub.f32 $1.500000000e+00, s7  }
0x62f: {  	v9 =	vmov s0;
	v34 =	vld [tilespmem:s30+$0x1470];
	v23 =	vadd.f32 v23, v37  }
0x630: {  	v57 =	vld [tilespmem:s2+$0xC70];
	v24 =	vsub.f32 v50, v9;
	v22 =	vadd.f32 v22, v52;
	s19 =	smul.f32 s7, s8  }
0x631: {  	[tilespmem:s30+$0x1440] =	vst v23;
	v54 =	vld [tilespmem:$0x6B00];
	v29 =	vadd.f32 v51, v47  }
0x632: {  	v31 =	vld [tilespmem:$0x6AD0];
	[tilespmem:s26+$0xC00] =	vst v22;
	v24 =	vmul.f32 s19, v24  }
0x633: {  	v47 =	vld [tilespmem:$0x6990];
	[tilespmem:s2+$0xC60] =	vst v29  }
0x634: {  	v25 =	vsub.f32 v55, v17;
	v50 =	vld [tilespmem:s4+$0x1470];
	v23 =	vmul.f32 v24, v53  }
0x635: {  	v32 =	vsub.f32 v39, v8;
	v51 =	vld [tilespmem:$0x6C90]  }
0x636: {  	v35 =	vld [tilespmem:$0x6DD0];
	v25 =	vmul.f32 s18, v25;
	v45 =	vadd.f32 v23, v54  }
0x637: {  	v32 =	vmul.f32 s3, v32;
	v36 =	vld [tilespmem:s30+$0x1460]  }
0x638: {  	v55 =	vld [tilespmem:s26+$0xC20];
	v23 =	vmul.f32 v25, v47;
	[tilespmem:s28+$0x0] =	vst v45  }
0x639: {  	v54 =	vmul.f32 v32, v31;
	v31 =	vadd.f32 v50, v57;
	v52 =	vld [tilespmem:$0x6810]  }
0x63a: {  	v24 =	vsub.f32 v40, v9;
	v57 =	vld [tilespmem:s2+$0x1000];
	v22 =	vadd.f32 v23, v51  }
0x63b: {  	v53 =	vld [tilespmem:$0x6B10];
	[tilespmem:s2+$0xC70] =	vst v31  }
0x63c: {  	v24 =	vmul.f32 s19, v24;
	[tilespmem:s26+$0xC10] =	vst v22;
	v45 =	vld [tilespmem:s4+$0x1800]  }
0x63d: {  	v50 =	vld [tilespmem:$0x69A0]  }
0x63e: {  	v30 =	vsub.f32 v55, v17;
	v40 =	vld [tilespmem:s28+$0x20];
	v24 =	vmul.f32 v24, v52  }
0x63f: {  	v39 =	vadd.f32 v54, v35;
	v51 =	vld [tilespmem:$0x6CA0]  }
0x640: {  	v55 =	vld [tilespmem:s26+$0xC30];
	v30 =	vmul.f32 s18, v30;
	v47 =	vadd.f32 v24, v53  }
0x641: {  	v54 =	vld [tilespmem:s2+$0x1010];
	[tilespmem:s30+$0x1450] =	vst v39;
	v32 =	vadd.f32 v45, v57  }
0x642: {  	v24 =	vld [tilespmem:$0x6AE0];
	v23 =	vmul.f32 v30, v50;
	[tilespmem:s28+$0x10] =	vst v47  }
0x643: {  	v25 =	vsub.f32 v40, v9;
	[tilespmem:s2+$0x1000] =	vst v32;
	v52 =	vld [tilespmem:$0x6820]  }
0x644: {  	v45 =	vsub.f32 v36, v8;
	v22 =	vadd.f32 v23, v51;
	v40 =	vld [tilespmem:s4+$0x1810]  }
0x645: {  	v57 =	vld [tilespmem:$0x6DE0]  }
0x646: {  	v33 =	vmul.f32 s3, v45;
	v53 =	vld [tilespmem:$0x6B20];
	[tilespmem:s26+$0xC20] =	vst v22  }
0x647: {  	v25 =	vmul.f32 s19, v25;
	v50 =	vld [tilespmem:$0x69B0]  }
0x648: {  	v30 =	vsub.f32 v55, v17;
	v55 =	vld [tilespmem:s26+$0xC40];
	v24 =	vmul.f32 v33, v24  }
0x649: {  	v39 =	vmul.f32 v25, v52;
	v52 =	vld [tilespmem:$0x6CB0];
	v33 =	vadd.f32 v40, v54  }
0x64a: {  	v51 =	vld [tilespmem:s28+$0x30];
	v30 =	vmul.f32 s18, v30;
	v24 =	vadd.f32 v24, v57  }
0x64b: {  	v54 =	vld [tilespmem:s2+$0x1020];
	v47 =	vadd.f32 v39, v53;
	[tilespmem:s2+$0x1010] =	vst v33  }
0x64c: {  	[tilespmem:s30+$0x1460] =	vst v24;
	v23 =	vmul.f32 v30, v50;
	v57 =	vld [tilespmem:s4+$0x1820]  }
0x64d: {  	v45 =	vld [tilespmem:$0x6AF0];
	[tilespmem:s28+$0x20] =	vst v47  }
0x64e: {  	v50 =	vsub.f32 v34, v8;
	v53 =	vld [tilespmem:$0x6830];
	v22 =	vadd.f32 v23, v52  }
0x64f: {  	v35 =	vsub.f32 v51, v9;
	v47 =	vld [tilespmem:$0x6DF0]  }
0x650: {  	v30 =	vsub.f32 v55, v17;
	v55 =	vmul.f32 s3, v50;
	v40 =	vld [tilespmem:$0x6B30];
	[tilespmem:s26+$0xC30] =	vst v22  }
0x651: {  	v35 =	vmul.f32 s19, v35;
	v52 =	vld [tilespmem:$0x69C0];
	v8 =	vadd.f32 v57, v54  }
0x652: {  	v25 =	vmul.f32 v55, v45;
	v54 =	vld [tilespmem:$0x6CC0]  }
0x653: {  	v57 =	vld [tilespmem:s2+$0x1030];
	v51 =	vmul.f32 v35, v53;
	v53 =	vmul.f32 s31, v62;
	[tilespmem:s2+$0x1020] =	vst v8  }
0x654: {  	v30 =	vmul.f32 s18, v30;
	v62 =	vld [tilespmem:s4+$0x1830]  }
0x655: {  	v28 =	vld [tilespmem:s2+$0x1420];
	v45 =	vadd.f32 v25, v47;
	v36 =	vmul.f32 v53, v61  }
0x656: {  	v22 =	vld [tilespmem:s28+$0x40];
	v24 =	vadd.f32 v51, v40;
	v40 =	vmul.f32 v30, v52  }
0x657: {  	v47 =	vld [tilespmem:s2+$0x1040];
	[tilespmem:s30+$0x1470] =	vst v45;
	v12 =	vadd.f32 v36, v12  }
0x658: {  	[tilespmem:s28+$0x30] =	vst v24;
	v24 =	vld [tilespmem:s28+$0x50];
	v35 =	vadd.f32 v40, v54  }
0x659: {  	v23 =	vld [tilespmem:$0x6840];
	[tilespmem:s29+$0x1470] =	vst v12;
	v34 =	vadd.f32 v62, v57  }
0x65a: {  	v25 =	vld [tilespmem:$0x6B40];
	[tilespmem:s26+$0xC40] =	vst v35  }
0x65b: {  	v12 =	vld [tilespmem:s26+$0xC50];
	[tilespmem:s2+$0x1030] =	vst v34  }
0x65c: {  	v50 =	vld [tilespmem:s4+$0x1840];
	_ =	sdelay $0x3  }
0x65d: {  	v51 =	vadd.f32 $0.0e+00, v48  }
0x65e: {  	v30 =	vadd.f32 v50, v47  }
0x65f: {  	v36 =	vadd.f32 v56, v51  }
0x660: {  	v53 =	vmul.f32 v56, v56;
	v56 =	vld [tilespmem:s2+$0x1050];
	[tilespmem:s2+$0x1040] =	vst v30  }
0x661: {  	v55 =	vmul.f32 v58, v58;
	v36 =	vadd.f32 v58, v36;
	v58 =	vld [tilespmem:s4+$0x1850]  }
0x662: {  	v52 =	vmul.f32 v48, v48;
	_ =	sdelay $0x1  }
0x663: {  	v54 =	vadd.f32 v53, v52  }
0x664: {  	v36 =	vadd.f32 v59, v36  }
0x665: {  	v57 =	vmul.f32 v59, v59;
	v35 =	vadd.f32 v55, v54;
	v38 =	vadd.f32 v58, v56  }
0x666: {  	v36 =	vadd.f32 v60, v36  }
0x667: {  	v59 =	vmul.f32 v60, v60;
	v35 =	vadd.f32 v57, v35;
	[tilespmem:s2+$0x1050] =	vst v38  }
0x668: {  	v60 =	vmul.f32 v46, v46;
	v36 =	vadd.f32 v46, v36;
	v46 =	vld [tilespmem:$0x1FE10]  }
0x669: {  	v35 =	vadd.f32 v59, v35  }
0x66a: {  	v61 =	vmul.f32 v49, v49;
	v36 =	vadd.f32 v49, v36;
	v49 =	vld [tilespmem:$0x1FE20]  }
0x66b: {  	v35 =	vadd.f32 v60, v35;
	_ =	sdelay $0x1  }
0x66c: {  	v62 =	vld [tilespmem:s2+$0x1060];
	v35 =	vadd.f32 v61, v35;
	v47 =	vmul.f32 v46, v46  }
0x66d: {  	v48 =	vld [tilespmem:s4+$0x1860];
	v36 =	vadd.f32 v46, v36  }
0x66e: {  	v50 =	vmul.f32 v49, v49;
	v35 =	vadd.f32 v47, v35  }
0x66f: {  	v36 =	vadd.f32 v49, v36  }
0x670: {  	v51 =	vmul.f32 v63, v63;
	v35 =	vadd.f32 v50, v35  }
0x671: {  	v36 =	vadd.f32 v63, v36  }
0x672: {  	v52 =	vmul.f32 v3, v3;
	v39 =	vadd.f32 v48, v62;
	v35 =	vadd.f32 v51, v35  }
0x673: {  	v3 =	vadd.f32 v3, v36  }
0x674: {  	v54 =	vmul.f32 v2, v2;
	v53 =	vld [tilespmem:s2+$0x1070];
	[tilespmem:s2+$0x1060] =	vst v39;
	v35 =	vadd.f32 v52, v35  }
0x675: {  	v55 =	vld [tilespmem:s4+$0x1870];
	v2 =	vadd.f32 v2, v3  }
0x676: {  	v56 =	vmul.f32 v1, v1;
	v35 =	vadd.f32 v54, v35  }
0x677: {  	v1 =	vadd.f32 v1, v2  }
0x678: {  	v58 =	vmul.f32 v10, v10;
	v57 =	vadd.f32 v56, v35  }
0x679: {  	v1 =	vadd.f32 v10, v1  }
0x67a: {  	v3 =	vadd.f32 v55, v53;
	v10 =	vmul.f32 v18, v18;
	v2 =	vadd.f32 v58, v57  }
0x67b: {  	v1 =	vadd.f32 v18, v1  }
0x67c: {  	v59 =	vld [tilespmem:s2+$0x1400];
	[tilespmem:s2+$0x1070] =	vst v3;
	v2 =	vadd.f32 v10, v2;
	v10 =	vmul.f32 v13, v13  }
0x67d: {  	v1 =	vadd.f32 v13, v1;
	v13 =	vld [tilespmem:s4+$0x1C00]  }
0x67e: {  	v2 =	vadd.f32 v10, v2;
	v10 =	vmul.f32 v14, v14  }
0x67f: {  	v1 =	vadd.f32 v14, v1  }
0x680: {  	v2 =	vadd.f32 v10, v2;
	v10 =	vmul.f32 v15, v15  }
0x681: {  	v1 =	vadd.f32 v15, v1  }
0x682: {  	v13 =	vadd.f32 v13, v59;
	v2 =	vadd.f32 v10, v2;
	v10 =	vmul.f32 v0, v0  }
0x683: {  	v0 =	vadd.f32 v0, v1  }
0x684: {  	v60 =	vld [tilespmem:s2+$0x1410];
	[tilespmem:s2+$0x1400] =	vst v13;
	v2 =	vadd.f32 v10, v2;
	v10 =	vmul.f32 v4, v4  }
0x685: {  	v0 =	vadd.f32 v4, v0;
	v61 =	vld [tilespmem:s4+$0x1C10]  }
0x686: {  	v2 =	vadd.f32 v10, v2;
	v10 =	vmul.f32 v5, v5  }
0x687: {  	v0 =	vadd.f32 v5, v0  }
0x688: {  	v62 =	vmul.f32 v6, v6;
	v2 =	vadd.f32 v10, v2  }
0x689: {  	v0 =	vadd.f32 v6, v0  }
0x68a: {  	v63 =	vmul.f32 v7, v7;
	v1 =	vadd.f32 v61, v60;
	v2 =	vadd.f32 v62, v2  }
0x68b: {  	v0 =	vadd.f32 v7, v0  }
0x68c: {  	v18 =	vmul.f32 v11, v11;
	[tilespmem:s2+$0x1410] =	vst v1;
	v2 =	vadd.f32 v63, v2  }
0x68d: {  	v0 =	vadd.f32 v11, v0;
	v35 =	vld [tilespmem:s4+$0x1C20]  }
0x68e: {  	v36 =	vmul.f32 v16, v16;
	v2 =	vadd.f32 v18, v2  }
0x68f: {  	v0 =	vadd.f32 v16, v0  }
0x690: {  	v37 =	vmul.f32 v19, v19;
	v2 =	vadd.f32 v36, v2  }
0x691: {  	v0 =	vadd.f32 v19, v0  }
0x692: {  	v40 =	vmul.f32 v20, v20;
	v5 =	vadd.f32 v35, v28;
	v2 =	vadd.f32 v37, v2  }
0x693: {  	v0 =	vadd.f32 v20, v0  }
0x694: {  	v45 =	vmul.f32 v21, v21;
	v6 =	vld [tilespmem:s2+$0x1430];
	[tilespmem:s2+$0x1420] =	vst v5;
	v2 =	vadd.f32 v40, v2  }
0x695: {  	v0 =	vadd.f32 v21, v0;
	v7 =	vld [tilespmem:s4+$0x1C30]  }
0x696: {  	v46 =	vmul.f32 v26, v26;
	v2 =	vadd.f32 v45, v2  }
0x697: {  	v0 =	vadd.f32 v26, v0  }
0x698: {  	v47 =	vmul.f32 v27, v27;
	v2 =	vadd.f32 v46, v2  }
0x699: {  	v0 =	vadd.f32 v27, v0  }
0x69a: {  	v48 =	vmul.f32 v29, v29;
	v6 =	vadd.f32 v7, v6;
	v2 =	vadd.f32 v47, v2  }
0x69b: {  	v0 =	vadd.f32 v29, v0  }
0x69c: {  	v49 =	vmul.f32 v31, v31;
	v7 =	vld [tilespmem:s2+$0x1440];
	[tilespmem:s2+$0x1430] =	vst v6;
	v2 =	vadd.f32 v48, v2  }
0x69d: {  	v0 =	vadd.f32 v31, v0;
	v10 =	vld [tilespmem:s4+$0x1C40]  }
0x69e: {  	v50 =	vmul.f32 v32, v32;
	v2 =	vadd.f32 v49, v2  }
0x69f: {  	v0 =	vadd.f32 v32, v0  }
0x6a0: {  	v51 =	vmul.f32 v33, v33;
	v2 =	vadd.f32 v50, v2  }
0x6a1: {  	v0 =	vadd.f32 v33, v0  }
0x6a2: {  	v52 =	vmul.f32 v8, v8;
	v7 =	vadd.f32 v10, v7;
	v2 =	vadd.f32 v51, v2  }
0x6a3: {  	v0 =	vadd.f32 v8, v0  }
0x6a4: {  	v53 =	vmul.f32 v34, v34;
	v8 =	vld [tilespmem:s2+$0x1450];
	[tilespmem:s2+$0x1440] =	vst v7;
	v2 =	vadd.f32 v52, v2  }
0x6a5: {  	v0 =	vadd.f32 v34, v0;
	v10 =	vld [tilespmem:s4+$0x1C50]  }
0x6a6: {  	v54 =	vmul.f32 v30, v30;
	v2 =	vadd.f32 v53, v2  }
0x6a7: {  	v0 =	vadd.f32 v30, v0  }
0x6a8: {  	v55 =	vmul.f32 v38, v38;
	v2 =	vadd.f32 v54, v2  }
0x6a9: {  	v0 =	vadd.f32 v38, v0  }
0x6aa: {  	v56 =	vmul.f32 v39, v39;
	v8 =	vadd.f32 v10, v8;
	v2 =	vadd.f32 v55, v2  }
0x6ab: {  	v0 =	vadd.f32 v39, v0  }
0x6ac: {  	v57 =	vmul.f32 v3, v3;
	v10 =	vld [tilespmem:s2+$0x1460];
	[tilespmem:s2+$0x1450] =	vst v8;
	v2 =	vadd.f32 v56, v2  }
0x6ad: {  	v0 =	vadd.f32 v3, v0;
	v58 =	vld [tilespmem:s4+$0x1C60]  }
0x6ae: {  	v59 =	vmul.f32 v13, v13;
	v2 =	vadd.f32 v57, v2  }
0x6af: {  	v0 =	vadd.f32 v13, v0  }
0x6b0: {  	v60 =	vmul.f32 v1, v1;
	v2 =	vadd.f32 v59, v2  }
0x6b1: {  	v0 =	vadd.f32 v1, v0  }
0x6b2: {  	v63 =	vmul.f32 v5, v5;
	v62 =	vadd.f32 v58, v10;
	v61 =	vadd.f32 v60, v2  }
0x6b3: {  	v0 =	vadd.f32 v5, v0  }
0x6b4: {  	v16 =	vld [tilespmem:s2+$0x1470];
	v18 =	vmul.f32 v6, v6;
	[tilespmem:s2+$0x1460] =	vst v62;
	v1 =	vadd.f32 v63, v61  }
0x6b5: {  	v0 =	vadd.f32 v6, v0;
	v19 =	vld [tilespmem:s4+$0x1C70]  }
0x6b6: {  	v20 =	vmul.f32 v7, v7;
	v1 =	vadd.f32 v18, v1  }
0x6b7: {  	v0 =	vadd.f32 v7, v0  }
0x6b8: {  	v21 =	vmul.f32 v8, v8;
	v1 =	vadd.f32 v20, v1  }
0x6b9: {  	v0 =	vadd.f32 v8, v0  }
0x6ba: {  	v27 =	vmul.f32 v62, v62;
	v26 =	vadd.f32 v19, v16;
	v1 =	vadd.f32 v21, v1  }
0x6bb: {  	v0 =	vadd.f32 v62, v0  }
0x6bc: {  	v28 =	vmul.f32 v26, v26;
	v1 =	vadd.f32 v27, v1  }
0x6bd: {  	v0 =	vadd.f32 v26, v0  }
0x6be: {  	v1 =	vadd.f32 v28, v1  }
0x6bf: {  	v29 =	vperm.xlane v0, v41  }
0x6c0: {  	v30 =	vperm.xlane v1, v41  }
0x6c1: {  	v0 =	vadd.f32 v29, v0  }
0x6c2: {  	v1 =	vadd.f32 v30, v1  }
0x6c3: {  	v2 =	vperm.xlane v0, v42  }
0x6c4: {  	v4 =	vperm.xlane v1, v42  }
0x6c5: {  	v0 =	vadd.f32 v2, v0  }
0x6c6: {  	v1 =	vadd.f32 v4, v1  }
0x6c7: {  	v2 =	vperm.xlane v0, v43  }
0x6c8: {  	v4 =	vperm.xlane v1, v43  }
0x6c9: {  	v0 =	vadd.f32 v2, v0  }
0x6ca: {  	v1 =	vadd.f32 v4, v1  }
0x6cb: {  	v2 =	vperm.xlane v0, v44  }
0x6cc: {  	v4 =	vperm.xlane v1, v44  }
0x6cd: {  	v0 =	vadd.f32 v2, v0  }
0x6ce: {  	v1 =	vadd.f32 v4, v1  }
0x6cf: {  	(v2sf) =	vpush v0, $0x0  }
0x6d0: {  	(v2sf) =	vpush v1, $0x0;
	_ =	sdelay $0xd  }
0x6d1: {  	s7 =	spop (v2sf)  }
0x6d2: {  	s3 =	smul.f32 $1.302083370e-03, s7;
	s8 =	spop (v2sf)  }
0x6d3: {  	s4 =	smul.f32 $1.302083370e-03, s8  }
0x6d4: {  	s10 =	smul.f32 s3, s3;
	_ =	sdelay $0x1  }
0x6d5: {  	s4 =	ssub.f32 s4, s10;
	_ =	sdelay $0x1  }
0x6d6: {  	s4 =	sadd.f32 $9.999999740e-06, s4;
	_ =	sdelay $0x1  }
0x6d7: {  	s11 =	sshra.s32 s4, $0x1;
	s4 =	smul.f32 $5.000000000e-01, s4  }
0x6d8: {  	s7 =	ssub.s32 $0x5F3759DF, s11  }
0x6d9: {  	s15 =	smul.f32 s7, s4;
	_ =	sdelay $0x1  }
0x6da: {  	s8 =	smul.f32 s7, s15;
	_ =	sdelay $0x1  }
0x6db: {  	s8 =	ssub.f32 $1.500000000e+00, s8;
	_ =	sdelay $0x1  }
0x6dc: {  	s7 =	smul.f32 s7, s8;
	_ =	sdelay $0x1  }
0x6dd: {  	s8 =	smul.f32 s7, s4;
	_ =	sdelay $0x1  }
0x6de: {  	s8 =	smul.f32 s8, s7;
	_ =	sdelay $0x1  }
0x6df: {  	s8 =	ssub.f32 $1.500000000e+00, s8;
	_ =	sdelay $0x1  }
0x6e0: {  	s7 =	smul.f32 s8, s7;
	_ =	sdelay $0x1  }
0x6e1: {  	s4 =	smul.f32 s7, s4  }
0x6e2: {  	v31 =	vld [tilespmem:s2+$0x0]  }
0x6e3: {  	s4 =	smul.f32 s4, s7;
	_ =	sdelay $0x1  }
0x6e4: {  	[tilespmem:s2+$0x1470] =	vst v26;
	s4 =	ssub.f32 $1.500000000e+00, s4  }
0x6e5: {  	v32 =	vld [tilespmem:$0x6800];
	v8 =	vmov s3  }
0x6e6: {  	v0 =	vsub.f32 v31, v8;
	s16 =	smul.f32 s4, s7  }
0x6e7: {  	v33 =	vld [tilespmem:$0x6B00]  }
0x6e8: {  	v0 =	vmul.f32 s16, v0;
	_ =	sdelay $0x1  }
0x6e9: {  	v0 =	vmul.f32 v0, v32  }
0x6ea: {  	v34 =	vld [tilespmem:s2+$0x10]  }
0x6eb: {  	v0 =	vadd.f32 v0, v33;
	_ =	sdelay $0x1  }
0x6ec: {  	[tilespmem:s2+$0x0] =	vst v0  }
0x6ed: {  	v0 =	vld [tilespmem:$0x6810]  }
0x6ee: {  	v1 =	vsub.f32 v34, v8  }
0x6ef: {  	v35 =	vld [tilespmem:$0x6B10]  }
0x6f0: {  	v1 =	vmul.f32 s16, v1;
	_ =	sdelay $0x1  }
0x6f1: {  	v0 =	vmul.f32 v1, v0  }
0x6f2: {  	v36 =	vld [tilespmem:s2+$0x20]  }
0x6f3: {  	v0 =	vadd.f32 v0, v35;
	_ =	sdelay $0x1  }
0x6f4: {  	[tilespmem:s2+$0x10] =	vst v0  }
0x6f5: {  	v0 =	vld [tilespmem:$0x6820]  }
0x6f6: {  	v1 =	vsub.f32 v36, v8  }
0x6f7: {  	v37 =	vld [tilespmem:$0x6B20]  }
0x6f8: {  	v1 =	vmul.f32 s16, v1;
	_ =	sdelay $0x1  }
0x6f9: {  	v0 =	vmul.f32 v1, v0  }
0x6fa: {  	v38 =	vld [tilespmem:s2+$0x30]  }
0x6fb: {  	v0 =	vadd.f32 v0, v37;
	_ =	sdelay $0x1  }
0x6fc: {  	[tilespmem:s2+$0x20] =	vst v0  }
0x6fd: {  	v0 =	vld [tilespmem:$0x6830]  }
0x6fe: {  	v1 =	vsub.f32 v38, v8  }
0x6ff: {  	v39 =	vld [tilespmem:$0x6B30]  }
0x700: {  	v1 =	vmul.f32 s16, v1;
	_ =	sdelay $0x1  }
0x701: {  	v0 =	vmul.f32 v1, v0  }
0x702: {  	v40 =	vld [tilespmem:s2+$0x40]  }
0x703: {  	v0 =	vadd.f32 v0, v39;
	_ =	sdelay $0x1  }
0x704: {  	[tilespmem:s2+$0x30] =	vst v0  }
0x705: {  	v45 =	vsub.f32 v22, v9;
	v46 =	vld [tilespmem:$0x6840]  }
0x706: {  	v1 =	vsub.f32 v40, v8  }
0x707: {  	v0 =	vmul.f32 s19, v45;
	v3 =	vld [tilespmem:$0x6B40]  }
0x708: {  	v1 =	vmul.f32 s16, v1  }
0x709: {  	v0 =	vmul.f32 v0, v23  }
0x70a: {  	v1 =	vmul.f32 v1, v46  }
0x70b: {  	v47 =	vld [tilespmem:s2+$0x50];
	v0 =	vadd.f32 v0, v25  }
0x70c: {  	v1 =	vadd.f32 v1, v3  }
0x70d: {  	[tilespmem:s28+$0x40] =	vst v0  }
0x70e: {  	v0 =	vld [tilespmem:$0x6850];
	[tilespmem:s2+$0x40] =	vst v1  }
0x70f: {  	v48 =	vsub.f32 v24, v9;
	v49 =	vld [tilespmem:$0x6850]  }
0x710: {  	v2 =	vsub.f32 v47, v8;
	v50 =	vld [tilespmem:$0x6B50]  }
0x711: {  	v1 =	vmul.f32 s19, v48;
	v51 =	vld [tilespmem:$0x6B50]  }
0x712: {  	v2 =	vmul.f32 s16, v2  }
0x713: {  	v0 =	vmul.f32 v1, v0  }
0x714: {  	v52 =	vld [tilespmem:s28+$0x60];
	v2 =	vmul.f32 v2, v49  }
0x715: {  	v53 =	vld [tilespmem:s2+$0x60];
	v0 =	vadd.f32 v0, v50  }
0x716: {  	v2 =	vadd.f32 v2, v51  }
0x717: {  	[tilespmem:s28+$0x50] =	vst v0  }
0x718: {  	v0 =	vld [tilespmem:$0x6860];
	[tilespmem:s2+$0x50] =	vst v2  }
0x719: {  	v1 =	vsub.f32 v52, v9;
	v2 =	vld [tilespmem:$0x6860]  }
0x71a: {  	v3 =	vsub.f32 v53, v8;
	v54 =	vld [tilespmem:$0x6B60]  }
0x71b: {  	v1 =	vmul.f32 s19, v1;
	v55 =	vld [tilespmem:$0x6B60]  }
0x71c: {  	v3 =	vmul.f32 s16, v3  }
0x71d: {  	v0 =	vmul.f32 v1, v0  }
0x71e: {  	v56 =	vld [tilespmem:s28+$0x70];
	v2 =	vmul.f32 v3, v2  }
0x71f: {  	v57 =	vld [tilespmem:s2+$0x70];
	v0 =	vadd.f32 v0, v54  }
0x720: {  	v2 =	vadd.f32 v2, v55  }
0x721: {  	[tilespmem:s28+$0x60] =	vst v0  }
0x722: {  	v0 =	vld [tilespmem:$0x6870];
	[tilespmem:s2+$0x60] =	vst v2  }
0x723: {  	v1 =	vsub.f32 v56, v9;
	v2 =	vld [tilespmem:$0x6870]  }
0x724: {  	v3 =	vsub.f32 v57, v8;
	v58 =	vld [tilespmem:$0x6B70]  }
0x725: {  	v1 =	vmul.f32 s19, v1;
	v59 =	vld [tilespmem:$0x6B70]  }
0x726: {  	v3 =	vmul.f32 s16, v3  }
0x727: {  	v0 =	vmul.f32 v1, v0  }
0x728: {  	v60 =	vld [tilespmem:s28+$0x400];
	v2 =	vmul.f32 v3, v2  }
0x729: {  	v61 =	vld [tilespmem:s2+$0x400];
	v0 =	vadd.f32 v0, v58  }
0x72a: {  	v2 =	vadd.f32 v2, v59  }
0x72b: {  	[tilespmem:s28+$0x70] =	vst v0  }
0x72c: {  	v0 =	vld [tilespmem:$0x6880];
	[tilespmem:s2+$0x70] =	vst v2  }
0x72d: {  	v1 =	vsub.f32 v60, v9;
	v2 =	vld [tilespmem:$0x6880]  }
0x72e: {  	v3 =	vsub.f32 v61, v8;
	v62 =	vld [tilespmem:$0x6B80]  }
0x72f: {  	v1 =	vmul.f32 s19, v1;
	v63 =	vld [tilespmem:$0x6B80]  }
0x730: {  	v3 =	vmul.f32 s16, v3  }
0x731: {  	v0 =	vmul.f32 v1, v0  }
0x732: {  	v16 =	vld [tilespmem:s28+$0x410];
	v2 =	vmul.f32 v3, v2  }
0x733: {  	v18 =	vld [tilespmem:s2+$0x410];
	v0 =	vadd.f32 v0, v62  }
0x734: {  	v2 =	vadd.f32 v2, v63  }
0x735: {  	[tilespmem:s28+$0x400] =	vst v0  }
0x736: {  	v0 =	vld [tilespmem:$0x6890];
	[tilespmem:s2+$0x400] =	vst v2  }
0x737: {  	v1 =	vsub.f32 v16, v9;
	v2 =	vld [tilespmem:$0x6890]  }
0x738: {  	v3 =	vsub.f32 v18, v8;
	v19 =	vld [tilespmem:$0x6B90]  }
0x739: {  	v1 =	vmul.f32 s19, v1;
	v20 =	vld [tilespmem:$0x6B90]  }
0x73a: {  	v3 =	vmul.f32 s16, v3  }
0x73b: {  	v0 =	vmul.f32 v1, v0  }
0x73c: {  	v21 =	vld [tilespmem:s28+$0x420];
	v2 =	vmul.f32 v3, v2  }
0x73d: {  	v22 =	vld [tilespmem:s2+$0x420];
	v0 =	vadd.f32 v0, v19  }
0x73e: {  	v2 =	vadd.f32 v2, v20  }
0x73f: {  	[tilespmem:s28+$0x410] =	vst v0  }
0x740: {  	v0 =	vld [tilespmem:$0x68A0];
	[tilespmem:s2+$0x410] =	vst v2  }
0x741: {  	v1 =	vsub.f32 v21, v9;
	v2 =	vld [tilespmem:$0x68A0]  }
0x742: {  	v3 =	vsub.f32 v22, v8;
	v23 =	vld [tilespmem:$0x6BA0]  }
0x743: {  	v1 =	vmul.f32 s19, v1;
	v24 =	vld [tilespmem:$0x6BA0]  }
0x744: {  	v3 =	vmul.f32 s16, v3  }
0x745: {  	v0 =	vmul.f32 v1, v0  }
0x746: {  	v25 =	vld [tilespmem:s28+$0x430];
	v2 =	vmul.f32 v3, v2  }
0x747: {  	v26 =	vld [tilespmem:s2+$0x430];
	v0 =	vadd.f32 v0, v23  }
0x748: {  	v2 =	vadd.f32 v2, v24  }
0x749: {  	[tilespmem:s28+$0x420] =	vst v0  }
0x74a: {  	v0 =	vld [tilespmem:$0x68B0];
	[tilespmem:s2+$0x420] =	vst v2  }
0x74b: {  	v1 =	vsub.f32 v25, v9;
	v2 =	vld [tilespmem:$0x68B0]  }
0x74c: {  	v3 =	vsub.f32 v26, v8;
	v27 =	vld [tilespmem:$0x6BB0]  }
0x74d: {  	v1 =	vmul.f32 s19, v1;
	v28 =	vld [tilespmem:$0x6BB0]  }
0x74e: {  	v3 =	vmul.f32 s16, v3  }
0x74f: {  	v0 =	vmul.f32 v1, v0  }
0x750: {  	v29 =	vld [tilespmem:s28+$0x440];
	v2 =	vmul.f32 v3, v2  }
0x751: {  	v30 =	vld [tilespmem:s2+$0x440];
	v0 =	vadd.f32 v0, v27  }
0x752: {  	v2 =	vadd.f32 v2, v28  }
0x753: {  	[tilespmem:s28+$0x430] =	vst v0  }
0x754: {  	v0 =	vld [tilespmem:$0x68C0];
	[tilespmem:s2+$0x430] =	vst v2  }
0x755: {  	v1 =	vsub.f32 v29, v9;
	v2 =	vld [tilespmem:$0x68C0]  }
0x756: {  	v3 =	vsub.f32 v30, v8;
	v31 =	vld [tilespmem:$0x6BC0]  }
0x757: {  	v1 =	vmul.f32 s19, v1;
	v32 =	vld [tilespmem:$0x6BC0]  }
0x758: {  	v3 =	vmul.f32 s16, v3  }
0x759: {  	v0 =	vmul.f32 v1, v0  }
0x75a: {  	v33 =	vld [tilespmem:s28+$0x450];
	v2 =	vmul.f32 v3, v2  }
0x75b: {  	v34 =	vld [tilespmem:s2+$0x450];
	v0 =	vadd.f32 v0, v31  }
0x75c: {  	v2 =	vadd.f32 v2, v32  }
0x75d: {  	[tilespmem:s28+$0x440] =	vst v0  }
0x75e: {  	v0 =	vld [tilespmem:$0x68D0];
	[tilespmem:s2+$0x440] =	vst v2  }
0x75f: {  	v1 =	vsub.f32 v33, v9;
	v2 =	vld [tilespmem:$0x68D0]  }
0x760: {  	v3 =	vsub.f32 v34, v8;
	v35 =	vld [tilespmem:$0x6BD0]  }
0x761: {  	v1 =	vmul.f32 s19, v1;
	v36 =	vld [tilespmem:$0x6BD0]  }
0x762: {  	v3 =	vmul.f32 s16, v3  }
0x763: {  	v0 =	vmul.f32 v1, v0  }
0x764: {  	v37 =	vld [tilespmem:s28+$0x460];
	v2 =	vmul.f32 v3, v2  }
0x765: {  	v38 =	vld [tilespmem:s2+$0x460];
	v0 =	vadd.f32 v0, v35  }
0x766: {  	v2 =	vadd.f32 v2, v36  }
0x767: {  	[tilespmem:s28+$0x450] =	vst v0  }
0x768: {  	v0 =	vld [tilespmem:$0x68E0];
	[tilespmem:s2+$0x450] =	vst v2  }
0x769: {  	v1 =	vsub.f32 v37, v9;
	v2 =	vld [tilespmem:$0x68E0]  }
0x76a: {  	v3 =	vsub.f32 v38, v8;
	v39 =	vld [tilespmem:$0x6BE0]  }
0x76b: {  	v1 =	vmul.f32 s19, v1;
	v40 =	vld [tilespmem:$0x6BE0]  }
0x76c: {  	v3 =	vmul.f32 s16, v3  }
0x76d: {  	v0 =	vmul.f32 v1, v0  }
0x76e: {  	v45 =	vld [tilespmem:s28+$0x470];
	v2 =	vmul.f32 v3, v2  }
0x76f: {  	v46 =	vld [tilespmem:s2+$0x470];
	v0 =	vadd.f32 v0, v39  }
0x770: {  	v2 =	vadd.f32 v2, v40  }
0x771: {  	[tilespmem:s28+$0x460] =	vst v0  }
0x772: {  	v0 =	vld [tilespmem:$0x68F0];
	[tilespmem:s2+$0x460] =	vst v2  }
0x773: {  	v1 =	vsub.f32 v45, v9;
	v2 =	vld [tilespmem:$0x68F0]  }
0x774: {  	v3 =	vsub.f32 v46, v8;
	v47 =	vld [tilespmem:$0x6BF0]  }
0x775: {  	v1 =	vmul.f32 s19, v1;
	v48 =	vld [tilespmem:$0x6BF0]  }
0x776: {  	v3 =	vmul.f32 s16, v3  }
0x777: {  	v0 =	vmul.f32 v1, v0  }
0x778: {  	v49 =	vld [tilespmem:s28+$0x800];
	v2 =	vmul.f32 v3, v2  }
0x779: {  	v50 =	vld [tilespmem:s2+$0x800];
	v0 =	vadd.f32 v0, v47  }
0x77a: {  	v2 =	vadd.f32 v2, v48  }
0x77b: {  	[tilespmem:s28+$0x470] =	vst v0  }
0x77c: {  	v0 =	vld [tilespmem:$0x6900];
	[tilespmem:s2+$0x470] =	vst v2  }
0x77d: {  	v1 =	vsub.f32 v49, v9;
	v2 =	vld [tilespmem:$0x6900]  }
0x77e: {  	v3 =	vsub.f32 v50, v8;
	v51 =	vld [tilespmem:$0x6C00]  }
0x77f: {  	v1 =	vmul.f32 s19, v1;
	v52 =	vld [tilespmem:$0x6C00]  }
0x780: {  	v3 =	vmul.f32 s16, v3  }
0x781: {  	v0 =	vmul.f32 v1, v0  }
0x782: {  	v53 =	vld [tilespmem:s28+$0x810];
	v2 =	vmul.f32 v3, v2  }
0x783: {  	v54 =	vld [tilespmem:s2+$0x810];
	v0 =	vadd.f32 v0, v51  }
0x784: {  	v2 =	vadd.f32 v2, v52  }
0x785: {  	[tilespmem:s28+$0x800] =	vst v0  }
0x786: {  	v0 =	vld [tilespmem:$0x6910];
	[tilespmem:s2+$0x800] =	vst v2  }
0x787: {  	v1 =	vsub.f32 v53, v9;
	v2 =	vld [tilespmem:$0x6910]  }
0x788: {  	v3 =	vsub.f32 v54, v8;
	v55 =	vld [tilespmem:$0x6C10]  }
0x789: {  	v1 =	vmul.f32 s19, v1;
	v56 =	vld [tilespmem:$0x6C10]  }
0x78a: {  	v3 =	vmul.f32 s16, v3  }
0x78b: {  	v0 =	vmul.f32 v1, v0  }
0x78c: {  	v57 =	vld [tilespmem:s28+$0x820];
	v2 =	vmul.f32 v3, v2  }
0x78d: {  	v58 =	vld [tilespmem:s2+$0x820];
	v0 =	vadd.f32 v0, v55  }
0x78e: {  	v2 =	vadd.f32 v2, v56  }
0x78f: {  	[tilespmem:s28+$0x810] =	vst v0  }
0x790: {  	v0 =	vld [tilespmem:$0x6920];
	[tilespmem:s2+$0x810] =	vst v2  }
0x791: {  	v1 =	vsub.f32 v57, v9;
	v2 =	vld [tilespmem:$0x6920]  }
0x792: {  	v3 =	vsub.f32 v58, v8;
	v59 =	vld [tilespmem:$0x6C20]  }
0x793: {  	v1 =	vmul.f32 s19, v1;
	v60 =	vld [tilespmem:$0x6C20]  }
0x794: {  	v3 =	vmul.f32 s16, v3  }
0x795: {  	v0 =	vmul.f32 v1, v0  }
0x796: {  	v61 =	vld [tilespmem:s28+$0x830];
	v2 =	vmul.f32 v3, v2  }
0x797: {  	v62 =	vld [tilespmem:s2+$0x830];
	v0 =	vadd.f32 v0, v59  }
0x798: {  	v2 =	vadd.f32 v2, v60  }
0x799: {  	[tilespmem:s28+$0x820] =	vst v0  }
0x79a: {  	v0 =	vld [tilespmem:$0x6930];
	[tilespmem:s2+$0x820] =	vst v2  }
0x79b: {  	v1 =	vsub.f32 v61, v9;
	v2 =	vld [tilespmem:$0x6930]  }
0x79c: {  	v3 =	vsub.f32 v62, v8;
	v63 =	vld [tilespmem:$0x6C30]  }
0x79d: {  	v1 =	vmul.f32 s19, v1;
	v16 =	vld [tilespmem:$0x6C30]  }
0x79e: {  	v3 =	vmul.f32 s16, v3  }
0x79f: {  	v0 =	vmul.f32 v1, v0  }
0x7a0: {  	v18 =	vld [tilespmem:s28+$0x840];
	v2 =	vmul.f32 v3, v2  }
0x7a1: {  	v19 =	vld [tilespmem:s2+$0x840];
	v0 =	vadd.f32 v0, v63  }
0x7a2: {  	v2 =	vadd.f32 v2, v16  }
0x7a3: {  	[tilespmem:s28+$0x830] =	vst v0  }
0x7a4: {  	v0 =	vld [tilespmem:$0x6940];
	[tilespmem:s2+$0x830] =	vst v2  }
0x7a5: {  	v1 =	vsub.f32 v18, v9;
	v2 =	vld [tilespmem:$0x6940]  }
0x7a6: {  	v3 =	vsub.f32 v19, v8;
	v20 =	vld [tilespmem:$0x6C40]  }
0x7a7: {  	v1 =	vmul.f32 s19, v1;
	v21 =	vld [tilespmem:$0x6C40]  }
0x7a8: {  	v3 =	vmul.f32 s16, v3  }
0x7a9: {  	v0 =	vmul.f32 v1, v0  }
0x7aa: {  	v22 =	vld [tilespmem:s28+$0x850];
	v2 =	vmul.f32 v3, v2  }
0x7ab: {  	v23 =	vld [tilespmem:s2+$0x850];
	v0 =	vadd.f32 v0, v20  }
0x7ac: {  	v2 =	vadd.f32 v2, v21  }
0x7ad: {  	[tilespmem:s28+$0x840] =	vst v0  }
0x7ae: {  	v0 =	vld [tilespmem:$0x6950];
	[tilespmem:s2+$0x840] =	vst v2  }
0x7af: {  	v1 =	vsub.f32 v22, v9;
	v2 =	vld [tilespmem:$0x6950]  }
0x7b0: {  	v3 =	vsub.f32 v23, v8;
	v24 =	vld [tilespmem:$0x6C50]  }
0x7b1: {  	v1 =	vmul.f32 s19, v1;
	v25 =	vld [tilespmem:$0x6C50]  }
0x7b2: {  	v3 =	vmul.f32 s16, v3  }
0x7b3: {  	v0 =	vmul.f32 v1, v0  }
0x7b4: {  	v26 =	vld [tilespmem:s28+$0x860];
	v2 =	vmul.f32 v3, v2  }
0x7b5: {  	v27 =	vld [tilespmem:s2+$0x860];
	v0 =	vadd.f32 v0, v24  }
0x7b6: {  	v2 =	vadd.f32 v2, v25  }
0x7b7: {  	[tilespmem:s28+$0x850] =	vst v0  }
0x7b8: {  	v0 =	vld [tilespmem:$0x6960];
	[tilespmem:s2+$0x850] =	vst v2  }
0x7b9: {  	v1 =	vsub.f32 v26, v9;
	v2 =	vld [tilespmem:$0x6960]  }
0x7ba: {  	v3 =	vsub.f32 v27, v8;
	v28 =	vld [tilespmem:$0x6C60]  }
0x7bb: {  	v1 =	vmul.f32 s19, v1;
	v29 =	vld [tilespmem:$0x6C60]  }
0x7bc: {  	v3 =	vmul.f32 s16, v3  }
0x7bd: {  	v0 =	vmul.f32 v1, v0  }
0x7be: {  	v30 =	vld [tilespmem:s28+$0x870];
	v2 =	vmul.f32 v3, v2  }
0x7bf: {  	v31 =	vld [tilespmem:s2+$0x870];
	v0 =	vadd.f32 v0, v28  }
0x7c0: {  	v2 =	vadd.f32 v2, v29  }
0x7c1: {  	[tilespmem:s28+$0x860] =	vst v0  }
0x7c2: {  	v0 =	vld [tilespmem:$0x6970];
	[tilespmem:s2+$0x860] =	vst v2  }
0x7c3: {  	v1 =	vsub.f32 v30, v9;
	v2 =	vld [tilespmem:$0x6970]  }
0x7c4: {  	v3 =	vsub.f32 v31, v8;
	v32 =	vld [tilespmem:$0x6C70]  }
0x7c5: {  	v1 =	vmul.f32 s19, v1;
	v33 =	vld [tilespmem:$0x6C70]  }
0x7c6: {  	v3 =	vmul.f32 s16, v3  }
0x7c7: {  	v0 =	vmul.f32 v1, v0  }
0x7c8: {  	v34 =	vld [tilespmem:s28+$0xC00];
	v2 =	vmul.f32 v3, v2  }
0x7c9: {  	v35 =	vld [tilespmem:s2+$0xC00];
	v0 =	vadd.f32 v0, v32  }
0x7ca: {  	v2 =	vadd.f32 v2, v33  }
0x7cb: {  	[tilespmem:s28+$0x870] =	vst v0  }
0x7cc: {  	v0 =	vld [tilespmem:$0x6980];
	[tilespmem:s2+$0x870] =	vst v2  }
0x7cd: {  	v1 =	vsub.f32 v34, v9;
	v2 =	vld [tilespmem:$0x6980]  }
0x7ce: {  	v3 =	vsub.f32 v35, v8;
	v36 =	vld [tilespmem:$0x6C80]  }
0x7cf: {  	v1 =	vmul.f32 s19, v1;
	v37 =	vld [tilespmem:$0x6C80]  }
0x7d0: {  	v3 =	vmul.f32 s16, v3  }
0x7d1: {  	v0 =	vmul.f32 v1, v0  }
0x7d2: {  	v38 =	vld [tilespmem:s28+$0xC10];
	v2 =	vmul.f32 v3, v2  }
0x7d3: {  	v39 =	vld [tilespmem:s2+$0xC10];
	v0 =	vadd.f32 v0, v36  }
0x7d4: {  	v2 =	vadd.f32 v2, v37  }
0x7d5: {  	[tilespmem:s28+$0xC00] =	vst v0  }
0x7d6: {  	v0 =	vld [tilespmem:$0x6990];
	[tilespmem:s2+$0xC00] =	vst v2  }
0x7d7: {  	v1 =	vsub.f32 v38, v9;
	v2 =	vld [tilespmem:$0x6990]  }
0x7d8: {  	v3 =	vsub.f32 v39, v8;
	v40 =	vld [tilespmem:$0x6C90]  }
0x7d9: {  	v1 =	vmul.f32 s19, v1;
	v45 =	vld [tilespmem:$0x6C90]  }
0x7da: {  	v3 =	vmul.f32 s16, v3  }
0x7db: {  	v0 =	vmul.f32 v1, v0  }
0x7dc: {  	v46 =	vld [tilespmem:s28+$0xC20];
	v2 =	vmul.f32 v3, v2  }
0x7dd: {  	v47 =	vld [tilespmem:s2+$0xC20];
	v0 =	vadd.f32 v0, v40  }
0x7de: {  	v2 =	vadd.f32 v2, v45  }
0x7df: {  	[tilespmem:s28+$0xC10] =	vst v0  }
0x7e0: {  	v0 =	vld [tilespmem:$0x69A0];
	[tilespmem:s2+$0xC10] =	vst v2  }
0x7e1: {  	v1 =	vsub.f32 v46, v9;
	v2 =	vld [tilespmem:$0x69A0]  }
0x7e2: {  	v3 =	vsub.f32 v47, v8;
	v48 =	vld [tilespmem:$0x6CA0]  }
0x7e3: {  	v1 =	vmul.f32 s19, v1;
	v49 =	vld [tilespmem:$0x6CA0]  }
0x7e4: {  	v3 =	vmul.f32 s16, v3  }
0x7e5: {  	v0 =	vmul.f32 v1, v0  }
0x7e6: {  	v50 =	vld [tilespmem:s28+$0xC30];
	v2 =	vmul.f32 v3, v2  }
0x7e7: {  	v51 =	vld [tilespmem:s2+$0xC30];
	v0 =	vadd.f32 v0, v48  }
0x7e8: {  	v2 =	vadd.f32 v2, v49  }
0x7e9: {  	[tilespmem:s28+$0xC20] =	vst v0  }
0x7ea: {  	v0 =	vld [tilespmem:$0x69B0];
	[tilespmem:s2+$0xC20] =	vst v2  }
0x7eb: {  	v1 =	vsub.f32 v50, v9;
	v2 =	vld [tilespmem:$0x69B0]  }
0x7ec: {  	v3 =	vsub.f32 v51, v8;
	v52 =	vld [tilespmem:$0x6CB0]  }
0x7ed: {  	v1 =	vmul.f32 s19, v1;
	v53 =	vld [tilespmem:$0x6CB0]  }
0x7ee: {  	v3 =	vmul.f32 s16, v3  }
0x7ef: {  	v0 =	vmul.f32 v1, v0  }
0x7f0: {  	v54 =	vld [tilespmem:s28+$0xC40];
	v2 =	vmul.f32 v3, v2  }
0x7f1: {  	v55 =	vld [tilespmem:s2+$0xC40];
	v0 =	vadd.f32 v0, v52  }
0x7f2: {  	v2 =	vadd.f32 v2, v53  }
0x7f3: {  	[tilespmem:s28+$0xC30] =	vst v0  }
0x7f4: {  	v0 =	vld [tilespmem:$0x69C0];
	[tilespmem:s2+$0xC30] =	vst v2  }
0x7f5: {  	v1 =	vsub.f32 v54, v9;
	v2 =	vld [tilespmem:$0x69C0]  }
0x7f6: {  	v3 =	vsub.f32 v55, v8;
	v56 =	vld [tilespmem:$0x6CC0]  }
0x7f7: {  	v1 =	vmul.f32 s19, v1;
	v57 =	vld [tilespmem:$0x6CC0]  }
0x7f8: {  	v3 =	vmul.f32 s16, v3  }
0x7f9: {  	v0 =	vmul.f32 v1, v0  }
0x7fa: {  	v58 =	vld [tilespmem:s28+$0xC50];
	v2 =	vmul.f32 v3, v2  }
0x7fb: {  	v59 =	vld [tilespmem:s2+$0xC50];
	v0 =	vadd.f32 v0, v56  }
0x7fc: {  	v60 =	vld [tilespmem:$0x69D0];
	v2 =	vadd.f32 v2, v57  }
0x7fd: {  	v6 =	vld [tilespmem:$0x6CD0];
	v61 =	vsub.f32 v12, v17;
	[tilespmem:s28+$0xC40] =	vst v0  }
0x7fe: {  	v0 =	vld [tilespmem:$0x69D0];
	[tilespmem:s2+$0xC40] =	vst v2  }
0x7ff: {  	v62 =	vmul.f32 s18, v61;
	v1 =	vsub.f32 v58, v9;
	v63 =	vld [tilespmem:$0x69D0]  }
0x800: {  	v3 =	vsub.f32 v59, v8;
	v7 =	vld [tilespmem:$0x6CD0]  }
0x801: {  	v1 =	vmul.f32 s19, v1;
	v2 =	vmul.f32 v62, v60;
	v16 =	vld [tilespmem:$0x6CD0]  }
0x802: {  	v10 =	vld [tilespmem:s26+$0xC60];
	v3 =	vmul.f32 s16, v3  }
0x803: {  	v2 =	vadd.f32 v2, v6;
	v0 =	vmul.f32 v1, v0  }
0x804: {  	v18 =	vld [tilespmem:s28+$0xC60];
	v3 =	vmul.f32 v3, v63  }
0x805: {  	v19 =	vld [tilespmem:s2+$0xC60];
	[tilespmem:s26+$0xC50] =	vst v2;
	v0 =	vadd.f32 v0, v7  }
0x806: {  	v20 =	vld [tilespmem:$0x69E0];
	v3 =	vadd.f32 v3, v16  }
0x807: {  	v21 =	vsub.f32 v10, v17;
	v6 =	vld [tilespmem:$0x6CE0];
	[tilespmem:s28+$0xC50] =	vst v0  }
0x808: {  	v0 =	vld [tilespmem:$0x69E0];
	[tilespmem:s2+$0xC50] =	vst v3  }
0x809: {  	v22 =	vmul.f32 s18, v21;
	v1 =	vsub.f32 v18, v9;
	v23 =	vld [tilespmem:$0x69E0]  }
0x80a: {  	v2 =	vsub.f32 v19, v8;
	v7 =	vld [tilespmem:$0x6CE0]  }
0x80b: {  	v1 =	vmul.f32 s19, v1;
	v3 =	vmul.f32 v22, v20;
	v24 =	vld [tilespmem:$0x6CE0]  }
0x80c: {  	v10 =	vld [tilespmem:s26+$0xC70];
	v2 =	vmul.f32 s16, v2  }
0x80d: {  	v3 =	vadd.f32 v3, v6;
	v0 =	vmul.f32 v1, v0  }
0x80e: {  	v25 =	vld [tilespmem:s28+$0xC70];
	v2 =	vmul.f32 v2, v23  }
0x80f: {  	v26 =	vld [tilespmem:s2+$0xC70];
	[tilespmem:s26+$0xC60] =	vst v3;
	v0 =	vadd.f32 v0, v7  }
0x810: {  	v27 =	vld [tilespmem:$0x69F0];
	v2 =	vadd.f32 v2, v24  }
0x811: {  	v28 =	vsub.f32 v10, v17;
	v6 =	vld [tilespmem:$0x6CF0];
	[tilespmem:s28+$0xC60] =	vst v0  }
0x812: {  	v0 =	vld [tilespmem:$0x69F0];
	[tilespmem:s2+$0xC60] =	vst v2  }
0x813: {  	v29 =	vmul.f32 s18, v28;
	v1 =	vsub.f32 v25, v9;
	v30 =	vld [tilespmem:$0x69F0]  }
0x814: {  	v3 =	vsub.f32 v26, v8;
	v7 =	vld [tilespmem:$0x6CF0]  }
0x815: {  	v1 =	vmul.f32 s19, v1;
	v2 =	vmul.f32 v29, v27;
	v31 =	vld [tilespmem:$0x6CF0]  }
0x816: {  	v10 =	vld [tilespmem:s26+$0x1000];
	v3 =	vmul.f32 s16, v3  }
0x817: {  	v2 =	vadd.f32 v2, v6;
	v0 =	vmul.f32 v1, v0  }
0x818: {  	v32 =	vld [tilespmem:s28+$0x1000];
	v3 =	vmul.f32 v3, v30  }
0x819: {  	v33 =	vld [tilespmem:s2+$0x1000];
	[tilespmem:s26+$0xC70] =	vst v2;
	v0 =	vadd.f32 v0, v7  }
0x81a: {  	v34 =	vld [tilespmem:$0x6A00];
	v3 =	vadd.f32 v3, v31  }
0x81b: {  	v35 =	vsub.f32 v10, v17;
	v6 =	vld [tilespmem:$0x6D00];
	[tilespmem:s28+$0xC70] =	vst v0  }
0x81c: {  	v0 =	vld [tilespmem:$0x6A00];
	[tilespmem:s2+$0xC70] =	vst v3  }
0x81d: {  	v36 =	vmul.f32 s18, v35;
	v1 =	vsub.f32 v32, v9;
	v37 =	vld [tilespmem:$0x6A00]  }
0x81e: {  	v2 =	vsub.f32 v33, v8;
	v7 =	vld [tilespmem:$0x6D00]  }
0x81f: {  	v1 =	vmul.f32 s19, v1;
	v3 =	vmul.f32 v36, v34;
	v38 =	vld [tilespmem:$0x6D00]  }
0x820: {  	v10 =	vld [tilespmem:s26+$0x1010];
	v2 =	vmul.f32 s16, v2  }
0x821: {  	v3 =	vadd.f32 v3, v6;
	v0 =	vmul.f32 v1, v0  }
0x822: {  	v39 =	vld [tilespmem:s28+$0x1010];
	v2 =	vmul.f32 v2, v37  }
0x823: {  	v40 =	vld [tilespmem:s2+$0x1010];
	[tilespmem:s26+$0x1000] =	vst v3;
	v0 =	vadd.f32 v0, v7  }
0x824: {  	v45 =	vld [tilespmem:$0x6A10];
	v2 =	vadd.f32 v2, v38  }
0x825: {  	v46 =	vsub.f32 v10, v17;
	v6 =	vld [tilespmem:$0x6D10];
	[tilespmem:s28+$0x1000] =	vst v0  }
0x826: {  	v0 =	vld [tilespmem:$0x6A10];
	[tilespmem:s2+$0x1000] =	vst v2  }
0x827: {  	v47 =	vmul.f32 s18, v46;
	v1 =	vsub.f32 v39, v9;
	v48 =	vld [tilespmem:$0x6A10]  }
0x828: {  	v3 =	vsub.f32 v40, v8;
	v7 =	vld [tilespmem:$0x6D10]  }
0x829: {  	v1 =	vmul.f32 s19, v1;
	v2 =	vmul.f32 v47, v45;
	v49 =	vld [tilespmem:$0x6D10]  }
0x82a: {  	v10 =	vld [tilespmem:s26+$0x1020];
	v3 =	vmul.f32 s16, v3  }
0x82b: {  	v2 =	vadd.f32 v2, v6;
	v0 =	vmul.f32 v1, v0  }
0x82c: {  	v50 =	vld [tilespmem:s28+$0x1020];
	v3 =	vmul.f32 v3, v48  }
0x82d: {  	v51 =	vld [tilespmem:s2+$0x1020];
	[tilespmem:s26+$0x1010] =	vst v2;
	v0 =	vadd.f32 v0, v7  }
0x82e: {  	v52 =	vld [tilespmem:$0x6A20];
	v3 =	vadd.f32 v3, v49  }
0x82f: {  	v53 =	vsub.f32 v10, v17;
	v6 =	vld [tilespmem:$0x6D20];
	[tilespmem:s28+$0x1010] =	vst v0  }
0x830: {  	v0 =	vld [tilespmem:$0x6A20];
	[tilespmem:s2+$0x1010] =	vst v3  }
0x831: {  	v54 =	vmul.f32 s18, v53;
	v1 =	vsub.f32 v50, v9;
	v55 =	vld [tilespmem:$0x6A20]  }
0x832: {  	v2 =	vsub.f32 v51, v8;
	v7 =	vld [tilespmem:$0x6D20]  }
0x833: {  	v1 =	vmul.f32 s19, v1;
	v3 =	vmul.f32 v54, v52;
	v56 =	vld [tilespmem:$0x6D20]  }
0x834: {  	v10 =	vld [tilespmem:s26+$0x1030];
	v2 =	vmul.f32 s16, v2  }
0x835: {  	v3 =	vadd.f32 v3, v6;
	v0 =	vmul.f32 v1, v0  }
0x836: {  	v57 =	vld [tilespmem:s28+$0x1030];
	v2 =	vmul.f32 v2, v55  }
0x837: {  	v58 =	vld [tilespmem:s2+$0x1030];
	[tilespmem:s26+$0x1020] =	vst v3;
	v0 =	vadd.f32 v0, v7  }
0x838: {  	v59 =	vld [tilespmem:$0x6A30];
	v2 =	vadd.f32 v2, v56  }
0x839: {  	v60 =	vsub.f32 v10, v17;
	v6 =	vld [tilespmem:$0x6D30];
	[tilespmem:s28+$0x1020] =	vst v0  }
0x83a: {  	v0 =	vld [tilespmem:$0x6A30];
	[tilespmem:s2+$0x1020] =	vst v2  }
0x83b: {  	v61 =	vmul.f32 s18, v60;
	v1 =	vsub.f32 v57, v9;
	v62 =	vld [tilespmem:$0x6A30]  }
0x83c: {  	v3 =	vsub.f32 v58, v8;
	v7 =	vld [tilespmem:$0x6D30]  }
0x83d: {  	v1 =	vmul.f32 s19, v1;
	v2 =	vmul.f32 v61, v59;
	v63 =	vld [tilespmem:$0x6D30]  }
0x83e: {  	v10 =	vld [tilespmem:s26+$0x1040];
	v3 =	vmul.f32 s16, v3  }
0x83f: {  	v2 =	vadd.f32 v2, v6;
	v0 =	vmul.f32 v1, v0  }
0x840: {  	v16 =	vld [tilespmem:s28+$0x1040];
	v3 =	vmul.f32 v3, v62  }
0x841: {  	v18 =	vld [tilespmem:s2+$0x1040];
	[tilespmem:s26+$0x1030] =	vst v2;
	v0 =	vadd.f32 v0, v7  }
0x842: {  	v19 =	vld [tilespmem:$0x6A40];
	v3 =	vadd.f32 v3, v63  }
0x843: {  	v20 =	vsub.f32 v10, v17;
	v6 =	vld [tilespmem:$0x6D40];
	[tilespmem:s28+$0x1030] =	vst v0  }
0x844: {  	v0 =	vld [tilespmem:$0x6A40];
	[tilespmem:s2+$0x1030] =	vst v3  }
0x845: {  	v21 =	vmul.f32 s18, v20;
	v1 =	vsub.f32 v16, v9;
	v22 =	vld [tilespmem:$0x6A40]  }
0x846: {  	v2 =	vsub.f32 v18, v8;
	v7 =	vld [tilespmem:$0x6D40]  }
0x847: {  	v1 =	vmul.f32 s19, v1;
	v3 =	vmul.f32 v21, v19;
	v23 =	vld [tilespmem:$0x6D40]  }
0x848: {  	v10 =	vld [tilespmem:s26+$0x1050];
	v2 =	vmul.f32 s16, v2  }
0x849: {  	v3 =	vadd.f32 v3, v6;
	v0 =	vmul.f32 v1, v0  }
0x84a: {  	v24 =	vld [tilespmem:s28+$0x1050];
	v2 =	vmul.f32 v2, v22  }
0x84b: {  	v25 =	vld [tilespmem:s2+$0x1050];
	[tilespmem:s26+$0x1040] =	vst v3;
	v0 =	vadd.f32 v0, v7  }
0x84c: {  	v26 =	vld [tilespmem:$0x6A50];
	v2 =	vadd.f32 v2, v23  }
0x84d: {  	v27 =	vsub.f32 v10, v17;
	v6 =	vld [tilespmem:$0x6D50];
	[tilespmem:s28+$0x1040] =	vst v0  }
0x84e: {  	v0 =	vld [tilespmem:$0x6A50];
	[tilespmem:s2+$0x1040] =	vst v2  }
0x84f: {  	v28 =	vmul.f32 s18, v27;
	v1 =	vsub.f32 v24, v9;
	v29 =	vld [tilespmem:$0x6A50]  }
0x850: {  	v3 =	vsub.f32 v25, v8;
	v7 =	vld [tilespmem:$0x6D50]  }
0x851: {  	v1 =	vmul.f32 s19, v1;
	v2 =	vmul.f32 v28, v26;
	v30 =	vld [tilespmem:$0x6D50]  }
0x852: {  	v10 =	vld [tilespmem:s26+$0x1060];
	v3 =	vmul.f32 s16, v3  }
0x853: {  	v2 =	vadd.f32 v2, v6;
	v0 =	vmul.f32 v1, v0  }
0x854: {  	v31 =	vld [tilespmem:s28+$0x1060];
	v3 =	vmul.f32 v3, v29  }
0x855: {  	v32 =	vld [tilespmem:s2+$0x1060];
	[tilespmem:s26+$0x1050] =	vst v2;
	v0 =	vadd.f32 v0, v7  }
0x856: {  	v33 =	vld [tilespmem:$0x6A60];
	v3 =	vadd.f32 v3, v30  }
0x857: {  	v34 =	vsub.f32 v10, v17;
	v6 =	vld [tilespmem:$0x6D60];
	[tilespmem:s28+$0x1050] =	vst v0  }
0x858: {  	v0 =	vld [tilespmem:$0x6A60];
	[tilespmem:s2+$0x1050] =	vst v3  }
0x859: {  	v35 =	vmul.f32 s18, v34;
	v1 =	vsub.f32 v31, v9;
	v36 =	vld [tilespmem:$0x6A60]  }
0x85a: {  	v2 =	vsub.f32 v32, v8;
	v7 =	vld [tilespmem:$0x6D60]  }
0x85b: {  	v1 =	vmul.f32 s19, v1;
	v3 =	vmul.f32 v35, v33;
	v37 =	vld [tilespmem:$0x6D60]  }
0x85c: {  	v10 =	vld [tilespmem:s26+$0x1070];
	v2 =	vmul.f32 s16, v2  }
0x85d: {  	v3 =	vadd.f32 v3, v6;
	v0 =	vmul.f32 v1, v0  }
0x85e: {  	v38 =	vld [tilespmem:s28+$0x1070];
	v2 =	vmul.f32 v2, v36  }
0x85f: {  	v39 =	vld [tilespmem:s2+$0x1070];
	[tilespmem:s26+$0x1060] =	vst v3;
	v0 =	vadd.f32 v0, v7  }
0x860: {  	v40 =	vld [tilespmem:$0x6A70];
	v2 =	vadd.f32 v2, v37  }
0x861: {  	v45 =	vsub.f32 v10, v17;
	v6 =	vld [tilespmem:$0x6D70];
	[tilespmem:s28+$0x1060] =	vst v0  }
0x862: {  	v0 =	vld [tilespmem:$0x6A70];
	[tilespmem:s2+$0x1060] =	vst v2  }
0x863: {  	v46 =	vmul.f32 s18, v45;
	v1 =	vsub.f32 v38, v9;
	v47 =	vld [tilespmem:$0x6A70]  }
0x864: {  	v3 =	vsub.f32 v39, v8;
	v7 =	vld [tilespmem:$0x6D70]  }
0x865: {  	v1 =	vmul.f32 s19, v1;
	v2 =	vmul.f32 v46, v40;
	v48 =	vld [tilespmem:$0x6D70]  }
0x866: {  	v10 =	vld [tilespmem:s26+$0x1400];
	v3 =	vmul.f32 s16, v3  }
0x867: {  	v2 =	vadd.f32 v2, v6;
	v0 =	vmul.f32 v1, v0  }
0x868: {  	v49 =	vld [tilespmem:s28+$0x1400];
	v3 =	vmul.f32 v3, v47  }
0x869: {  	v50 =	vld [tilespmem:s2+$0x1400];
	[tilespmem:s26+$0x1070] =	vst v2;
	v0 =	vadd.f32 v0, v7  }
0x86a: {  	v51 =	vld [tilespmem:$0x6A80];
	v3 =	vadd.f32 v3, v48  }
0x86b: {  	v52 =	vsub.f32 v10, v17;
	v6 =	vld [tilespmem:$0x6D80];
	[tilespmem:s28+$0x1070] =	vst v0  }
0x86c: {  	v0 =	vld [tilespmem:$0x6A80];
	[tilespmem:s2+$0x1070] =	vst v3  }
0x86d: {  	v53 =	vmul.f32 s18, v52;
	v1 =	vsub.f32 v49, v9;
	v54 =	vld [tilespmem:$0x6A80]  }
0x86e: {  	v2 =	vsub.f32 v50, v8;
	v7 =	vld [tilespmem:$0x6D80]  }
0x86f: {  	v1 =	vmul.f32 s19, v1;
	v3 =	vmul.f32 v53, v51;
	v55 =	vld [tilespmem:$0x6D80]  }
0x870: {  	v10 =	vld [tilespmem:s26+$0x1410];
	v2 =	vmul.f32 s16, v2  }
0x871: {  	v3 =	vadd.f32 v3, v6;
	v0 =	vmul.f32 v1, v0  }
0x872: {  	v56 =	vld [tilespmem:s28+$0x1410];
	v2 =	vmul.f32 v2, v54  }
0x873: {  	v57 =	vld [tilespmem:s2+$0x1410];
	[tilespmem:s26+$0x1400] =	vst v3;
	v0 =	vadd.f32 v0, v7  }
0x874: {  	v58 =	vld [tilespmem:$0x6A90];
	v2 =	vadd.f32 v2, v55  }
0x875: {  	v59 =	vsub.f32 v10, v17;
	v6 =	vld [tilespmem:$0x6D90];
	[tilespmem:s28+$0x1400] =	vst v0  }
0x876: {  	v0 =	vld [tilespmem:$0x6A90];
	[tilespmem:s2+$0x1400] =	vst v2  }
0x877: {  	v60 =	vmul.f32 s18, v59;
	v1 =	vsub.f32 v56, v9;
	v61 =	vld [tilespmem:$0x6A90]  }
0x878: {  	v3 =	vsub.f32 v57, v8;
	v7 =	vld [tilespmem:$0x6D90]  }
0x879: {  	v1 =	vmul.f32 s19, v1;
	v2 =	vmul.f32 v60, v58;
	v62 =	vld [tilespmem:$0x6D90]  }
0x87a: {  	v10 =	vld [tilespmem:s26+$0x1420];
	v3 =	vmul.f32 s16, v3  }
0x87b: {  	v2 =	vadd.f32 v2, v6;
	v0 =	vmul.f32 v1, v0  }
0x87c: {  	v63 =	vld [tilespmem:s28+$0x1420];
	v3 =	vmul.f32 v3, v61  }
0x87d: {  	v16 =	vld [tilespmem:s2+$0x1420];
	[tilespmem:s26+$0x1410] =	vst v2;
	v0 =	vadd.f32 v0, v7  }
0x87e: {  	v18 =	vld [tilespmem:$0x6AA0];
	v3 =	vadd.f32 v3, v62  }
0x87f: {  	v19 =	vsub.f32 v10, v17;
	v6 =	vld [tilespmem:$0x6DA0];
	[tilespmem:s28+$0x1410] =	vst v0  }
0x880: {  	v0 =	vld [tilespmem:$0x6AA0];
	[tilespmem:s2+$0x1410] =	vst v3  }
0x881: {  	v20 =	vmul.f32 s18, v19;
	v1 =	vsub.f32 v63, v9;
	v21 =	vld [tilespmem:$0x6AA0]  }
0x882: {  	v2 =	vsub.f32 v16, v8;
	v7 =	vld [tilespmem:$0x6DA0]  }
0x883: {  	v1 =	vmul.f32 s19, v1;
	v3 =	vmul.f32 v20, v18;
	v22 =	vld [tilespmem:$0x6DA0]  }
0x884: {  	v10 =	vld [tilespmem:s26+$0x1430];
	v2 =	vmul.f32 s16, v2  }
0x885: {  	v3 =	vadd.f32 v3, v6;
	v0 =	vmul.f32 v1, v0  }
0x886: {  	v23 =	vld [tilespmem:s28+$0x1430];
	v2 =	vmul.f32 v2, v21  }
0x887: {  	v24 =	vld [tilespmem:s2+$0x1430];
	[tilespmem:s26+$0x1420] =	vst v3;
	v0 =	vadd.f32 v0, v7  }
0x888: {  	v25 =	vld [tilespmem:$0x6AB0];
	v2 =	vadd.f32 v2, v22  }
0x889: {  	v26 =	vsub.f32 v10, v17;
	v6 =	vld [tilespmem:$0x6DB0];
	[tilespmem:s28+$0x1420] =	vst v0  }
0x88a: {  	v0 =	vld [tilespmem:$0x6AB0];
	[tilespmem:s2+$0x1420] =	vst v2  }
0x88b: {  	v27 =	vmul.f32 s18, v26;
	v1 =	vsub.f32 v23, v9;
	v28 =	vld [tilespmem:$0x6AB0]  }
0x88c: {  	v3 =	vsub.f32 v24, v8;
	v7 =	vld [tilespmem:$0x6DB0]  }
0x88d: {  	v1 =	vmul.f32 s19, v1;
	v2 =	vmul.f32 v27, v25;
	v29 =	vld [tilespmem:$0x6DB0]  }
0x88e: {  	v10 =	vld [tilespmem:s26+$0x1440];
	v3 =	vmul.f32 s16, v3  }
0x88f: {  	v2 =	vadd.f32 v2, v6;
	v0 =	vmul.f32 v1, v0  }
0x890: {  	v30 =	vld [tilespmem:s28+$0x1440];
	v3 =	vmul.f32 v3, v28  }
0x891: {  	v31 =	vld [tilespmem:s2+$0x1440];
	[tilespmem:s26+$0x1430] =	vst v2;
	v0 =	vadd.f32 v0, v7  }
0x892: {  	v32 =	vld [tilespmem:$0x6AC0];
	v3 =	vadd.f32 v3, v29  }
0x893: {  	v33 =	vsub.f32 v10, v17;
	v6 =	vld [tilespmem:$0x6DC0];
	[tilespmem:s28+$0x1430] =	vst v0  }
0x894: {  	v0 =	vld [tilespmem:$0x6AC0];
	[tilespmem:s2+$0x1430] =	vst v3  }
0x895: {  	v34 =	vmul.f32 s18, v33;
	v1 =	vsub.f32 v30, v9;
	v35 =	vld [tilespmem:$0x6AC0]  }
0x896: {  	v2 =	vsub.f32 v31, v8;
	v7 =	vld [tilespmem:$0x6DC0]  }
0x897: {  	v1 =	vmul.f32 s19, v1;
	v3 =	vmul.f32 v34, v32;
	v36 =	vld [tilespmem:$0x6DC0]  }
0x898: {  	v10 =	vld [tilespmem:s26+$0x1450];
	v2 =	vmul.f32 s16, v2  }
0x899: {  	v3 =	vadd.f32 v3, v6;
	v0 =	vmul.f32 v1, v0  }
0x89a: {  	v37 =	vld [tilespmem:s28+$0x1450];
	v2 =	vmul.f32 v2, v35  }
0x89b: {  	v38 =	vld [tilespmem:s2+$0x1450];
	[tilespmem:s26+$0x1440] =	vst v3;
	v0 =	vadd.f32 v0, v7  }
0x89c: {  	v39 =	vld [tilespmem:$0x6AD0];
	v2 =	vadd.f32 v2, v36  }
0x89d: {  	v40 =	vsub.f32 v10, v17;
	v6 =	vld [tilespmem:$0x6DD0];
	[tilespmem:s28+$0x1440] =	vst v0  }
0x89e: {  	v0 =	vld [tilespmem:$0x6AD0];
	[tilespmem:s2+$0x1440] =	vst v2  }
0x89f: {  	v45 =	vmul.f32 s18, v40;
	v1 =	vsub.f32 v37, v9;
	v46 =	vld [tilespmem:$0x6AD0]  }
0x8a0: {  	v3 =	vsub.f32 v38, v8;
	v7 =	vld [tilespmem:$0x6DD0]  }
0x8a1: {  	v1 =	vmul.f32 s19, v1;
	v2 =	vmul.f32 v45, v39;
	v47 =	vld [tilespmem:$0x6DD0]  }
0x8a2: {  	v10 =	vld [tilespmem:s26+$0x1460];
	v3 =	vmul.f32 s16, v3  }
0x8a3: {  	v2 =	vadd.f32 v2, v6;
	v0 =	vmul.f32 v1, v0  }
0x8a4: {  	v48 =	vld [tilespmem:s28+$0x1460];
	v3 =	vmul.f32 v3, v46  }
0x8a5: {  	v49 =	vld [tilespmem:s2+$0x1460];
	[tilespmem:s26+$0x1450] =	vst v2;
	v0 =	vadd.f32 v0, v7  }
0x8a6: {  	v50 =	vld [tilespmem:$0x6AE0];
	v3 =	vadd.f32 v3, v47  }
0x8a7: {  	v51 =	vsub.f32 v10, v17;
	v6 =	vld [tilespmem:$0x6DE0];
	[tilespmem:s28+$0x1450] =	vst v0  }
0x8a8: {  	v0 =	vld [tilespmem:$0x6AE0];
	[tilespmem:s2+$0x1450] =	vst v3  }
0x8a9: {  	v52 =	vmul.f32 s18, v51;
	v1 =	vsub.f32 v48, v9;
	v53 =	vld [tilespmem:$0x6AE0]  }
0x8aa: {  	v2 =	vsub.f32 v49, v8;
	v7 =	vld [tilespmem:$0x6DE0]  }
0x8ab: {  	v1 =	vmul.f32 s19, v1;
	v3 =	vmul.f32 v52, v50;
	v54 =	vld [tilespmem:$0x6DE0]  }
0x8ac: {  	v2 =	vmul.f32 s16, v2  }
0x8ad: {  	v55 =	vld [tilespmem:s26+$0x1470];
	v3 =	vadd.f32 v3, v6;
	v0 =	vmul.f32 v1, v0  }
0x8ae: {  	v56 =	vld [tilespmem:s28+$0x1470];
	v2 =	vmul.f32 v2, v53  }
0x8af: {  	v57 =	vld [tilespmem:s2+$0x1470];
	[tilespmem:s26+$0x1460] =	vst v3;
	v0 =	vadd.f32 v0, v7  }
0x8b0: {  	v58 =	vld [tilespmem:$0x6AF0];
	v2 =	vadd.f32 v2, v54  }
0x8b1: {  	v59 =	vld [tilespmem:$0x6DF0];
	[tilespmem:s28+$0x1460] =	vst v0  }
0x8b2: {  	v1 =	vsub.f32 v55, v17;
	v6 =	vld [tilespmem:$0x6AF0];
	[tilespmem:s2+$0x1460] =	vst v2  }
0x8b3: {  	v60 =	vsub.f32 v56, v9;
	v61 =	vld [tilespmem:$0x6AF0]  }
0x8b4: {  	v1 =	vmul.f32 s18, v1;
	v3 =	vsub.f32 v57, v8;
	v7 =	vld [tilespmem:$0x6DF0]  }
0x8b5: {  	v2 =	vmul.f32 s19, v60;
	v8 =	vld [tilespmem:$0x6DF0]  }
0x8b6: {  	v3 =	vmul.f32 s16, v3;
	v1 =	vmul.f32 v1, v58  }
0x8b7: {  	v2 =	vmul.f32 v2, v6  }
0x8b8: {  	s0 =	sshll.u32 s22, $0x7;
	v0 =	vadd.f32 v1, v59;
	v62 =	vmul.f32 v3, v61  }
0x8b9: {  	s19 =	sor.u32 s9, s0;
	v2 =	vadd.f32 v2, v7  }
0x8ba: {  	s3 =	smul.u32 $0x300, s19;
	[tilespmem:s26+$0x1470] =	vst v0;
	v63 =	vadd.f32 v62, v8  }
0x8bb: {  	p1 =	seq.s32 s22, $0x0;
	[tilespmem:s28+$0x1470] =	vst v2  }
0x8bc: {  	s31 =	sadd.s32 $0xFFFFFFFF, s22;
	s29 =	sadd.s32 s5, s3;
	s28 =	sadd.s32 $0x5, s23;
	[tilespmem:s2+$0x1470] =	vst v63  }
0x8bd: {  	[hbm4b:s29+s6] =	stream.linear.scatter [tilespmem:s25], [sflag:s28], $0x3000, $0x38;
	[tilespmem:$0x1EE00] =	vst v63  }
0x8be: {  	s30 =	sadd.s32 $0x9E00, s24;
	s3 =	sadd.s32 s3, s14;
	s2 =	sand.u32 $0x3, s31  }
0x8bf: {  	[hbm4b:s3+s6] =	stream.linear.scatter [tilespmem:s30], [sflag:s28], $0x3000, $0x38;
	[tilespmem:$0x1EE00] =	vst v63  }
0x8c0: {  	s3 =	sadd.s32 @!p1 $0x5, s2  }
0x8c1: {  	_ =	swait.ge @!p1 [sflag:s3], $0x3000  }
0x8c2: {  	[sflag:s3] =	ssyncset.done @!p1 $0x0  }
0x8c3: {  	[sflag:s3] =	ssyncadd.s32 @!p1 $0xFFFFD000  }
0x8c4: {  	p0 =	sgt.u32 @!p1 s22, $0x1C;
	_ =	swait.ge @!p1 [sflag:s3], $0x3000  }
0x8c5: {  	p0 =	por p0, p1;
	[sflag:s3] =	ssyncset.done @!p1 $0x0  }
0x8c6: {  	s0 =	sshrl.u32 @!p0 s0, $0x2;
	[sflag:s3] =	ssyncadd.s32 @!p1 $0xFFFFD000  }
0x8c7: {  	v0 =	vld @!p0 [tilespmem:s0+$0x60];
	_ =	sdelay $0x4  }
0x8c8: {  	v1 =	vshrl.u32 @!p0 v0, $0x3  }
0x8c9: {  	v1 =	vmul.u32 @!p0 $0x30, v1  }
0x8ca: {  	v2 =	vlaneseq.u32 @!p0;
	v0 =	vand.u32 @!p0 $0x7, v0  }
0x8cb: {  	v3 =	vshrl.u32 @!p0 v2, $0x3;
	v0 =	vor.u32 @!p0 v0, v1;
	v1 =	vand.u32 @!p0 $0x7, v2  }
0x8cc: {  	v3 =	vmul.u32 @!p0 $0x8, v3;
	v4 =	vperm.xlane @!p0 v0, v1;
	_ =	sdelay $0x1  }
0x8cd: {  	v4 =	vadd.s32 @!p0 v3, v4  }
0x8ce: {  	s3 =	smul.u32 @!p0 $0x18000, s2;
	_ =	sdelay $0x1  }
0x8cf: {  	s3 =	sshrl.u32 @!p0 s3, $0x2;
	v2 =	vor.u32 @!p0 $0x8, v2  }
0x8d0: {  	vm1 =	vmmov @!p0 $0xffff;
	s7 =	simm.s32 @!p0 $0x0;
	s2 =	sadd.s32 @!p0 $0x1, s2;
	s4 =	sadd.s32 @!p0 $0x6E00, s3;
	v0 =	vperm.xlane @!p0 v0, v2  }
0x8d1: {  	[tilespmem:s4], [sflag:s2] =	stream.indirect_vreg.gather @!p0 [hbm4b:s1+s7], $0x80, v4, vm1, $0xb8;
	[tilespmem:$0x1EE00] =	vst v63  }
0x8d2: {  	v0 =	vadd.s32 @!p0 v3, v0;
	s4 =	sadd.s32 @!p0 $0x7600, s3  }
0x8d3: {  	[tilespmem:s4], [sflag:s2] =	stream.indirect_vreg.gather @!p0 [hbm4b:s12+s7], $0x80, v4, vm1, $0xb8;
	[tilespmem:$0x1EE00] =	vst v63  }
0x8d4: {  	s4 =	sadd.s32 @!p0 $0x7E00, s3  }
0x8d5: {  	[tilespmem:s4], [sflag:s2] =	stream.indirect_vreg.gather @!p0 [hbm4b:s13+s7], $0x80, v4, vm1, $0xb8;
	[tilespmem:$0x1EE00] =	vst v63  }
0x8d6: {  	s4 =	sadd.s32 @!p0 $0x8600, s3  }
0x8d7: {  	[tilespmem:s4], [sflag:s2] =	stream.indirect_vreg.gather @!p0 [hbm4b:s1+s7], $0x80, v0, vm1, $0xb8;
	[tilespmem:$0x1EE00] =	vst v63  }
0x8d8: {  	s4 =	sadd.s32 @!p0 $0x8E00, s3  }
0x8d9: {  	[tilespmem:s4], [sflag:s2] =	stream.indirect_vreg.gather @!p0 [hbm4b:s12+s7], $0x80, v0, vm1, $0xb8;
	[tilespmem:$0x1EE00] =	vst v63  }
0x8da: {  	s4 =	sadd.s32 @!p0 $0x9600, s3  }
0x8db: {  	[tilespmem:s4], [sflag:s2] =	stream.indirect_vreg.gather @!p0 [hbm4b:s13+s7], $0x80, v0, vm1, $0xb8;
	[tilespmem:$0x1EE00] =	vst v63  }
0x8dc: {  	v0 =	vld @!p0 [tilespmem:s0+$0x70];
	_ =	sdelay $0x4  }
0x8dd: {  	v4 =	vshrl.u32 @!p0 v0, $0x3  }
0x8de: {  	v4 =	vmul.u32 @!p0 $0x30, v4  }
0x8df: {  	v0 =	vand.u32 @!p0 $0x7, v0  }
0x8e0: {  	v0 =	vor.u32 @!p0 v0, v4  }
0x8e1: {  	v1 =	vperm.xlane @!p0 v0, v1;
	_ =	sdelay $0x1  }
0x8e2: {  	v1 =	vadd.s32 @!p0 v3, v1;
	_ =	sdelay $0x3  }
0x8e3: {  	s0 =	sadd.s32 @!p0 $0x9E00, s3;
	v0 =	vperm.xlane @!p0 v0, v2  }
0x8e4: {  	[tilespmem:s0], [sflag:s2] =	stream.indirect_vreg.gather @!p0 [hbm4b:s1+s7], $0x80, v1, vm1, $0xb8;
	[tilespmem:$0x1EE00] =	vst v63  }
0x8e5: {  	v0 =	vadd.s32 @!p0 v3, v0;
	s0 =	sadd.s32 @!p0 $0xA600, s3  }
0x8e6: {  	[tilespmem:s0], [sflag:s2] =	stream.indirect_vreg.gather @!p0 [hbm4b:s12+s7], $0x80, v1, vm1, $0xb8;
	[tilespmem:$0x1EE00] =	vst v63  }
0x8e7: {  	s0 =	sadd.s32 @!p0 $0xAE00, s3  }
0x8e8: {  	[tilespmem:s0], [sflag:s2] =	stream.indirect_vreg.gather @!p0 [hbm4b:s13+s7], $0x80, v1, vm1, $0xb8;
	[tilespmem:$0x1EE00] =	vst v63  }
0x8e9: {  	s0 =	sadd.s32 @!p0 $0xB600, s3  }
0x8ea: {  	[tilespmem:s0], [sflag:s2] =	stream.indirect_vreg.gather @!p0 [hbm4b:s1+s7], $0x80, v0, vm1, $0xb8;
	[tilespmem:$0x1EE00] =	vst v63  }
0x8eb: {  	s0 =	sadd.s32 @!p0 $0xBE00, s3  }
0x8ec: {  	[tilespmem:s0], [sflag:s2] =	stream.indirect_vreg.gather @!p0 [hbm4b:s12+s7], $0x80, v0, vm1, $0xb8;
	[tilespmem:$0x1EE00] =	vst v63  }
0x8ed: {  	s22 =	sadd.s32 $0x1, s22;
	s0 =	sadd.s32 @!p0 $0xC600, s3  }
0x8ee: {  	[tilespmem:s0], [sflag:s2] =	stream.indirect_vreg.gather @!p0 [hbm4b:s13+s7], $0x80, v0, vm1, $0xb8;
	[tilespmem:$0x1EE00] =	vst v63  }
0x8ef: {  	p0 =	sne.s32 s22, $0x20  }
.Ltmp1:
0x8f0: {  	_ = 	snop;
	(pc) =	sbr.rel @p0 .LBB2_2-.Ltmp1, $2  }
0x8f1: {  	_ =	sdelay $0x2  }
0x8f2: {  	s21 =	sadd.s32 $0x20, s21;
	v13 =	vmovc v44;
	v8 =	vlaneseq.u32;
	v62 =	vmov v41;
	v63 =	vmov v42  }
0x8f3: {  	s2 =	simm.s32 $0x8  }
0x8f4: {  	_ =	swait.ge [sflag:s2], $0x3000  }
0x8f5: {  	[sflag:s2] =	ssyncset.done $0x0  }
0x8f6: {  	[sflag:s2] =	ssyncadd.s32 $0xFFFFD000  }
0x8f7: {  	_ =	swait.ge [sflag:s2], $0x3000  }
0x8f8: {  	s20 =	sadd.s32 $0x1, s20;
	s0 =	rddreg [dreg:$0xa]  }
0x8f9: {  	p0 =	sne.s32 s20, s0  }
.Ltmp2:
0x8fa: {  	_ = 	snop;
	(pc) =	sbr.rel @p0 .LBB2_1-.Ltmp2, $3  }
0x8fb: {  	_ =	sdelay $0x1  }
0x8fc: {  	[sflag:s2] =	ssyncset.done $0x0  }
0x8fd: {  	[sflag:s2] =	ssyncadd.s32 $0xFFFFD000  }
0x8fe: {  	_ =	sfence.sel $0x180000  }
0x8ff: {  	[bflag:$0x0] =	sbarrier.arrive $0xFFFF  }
0x900: {  	_ =	strace $0x90000047  }
0x901: {  	s0 =	stileid.u32;
	[bflag:$0x2] =	sbarrier.arrive $0xFFFF  }
0x902: {  	p0 =	sne.s32 s0, $0x0;
	s0 =	rddreg [dreg:$0x5]  }
0x903: {  	s0 =	sadd.s32 @!p0 $0x100000, s0  }
0x904: {  	[sflag:s0] =	ssyncadd.tile.s32 @!p0 $0x1;
	_ =	shalt  }
.Lfunc_end2:
_tile_overlayer_lowered:
.L_overlay_start_2:
0x905: {  	(tag) =	ssettag $0x2  }
0x906: {  	s0 =	rddreg [dreg:$0x0];
	s2 =	stileid.u32  }
0x907: {  	s1 =	rddreg [dreg:$0x1];
	p0 =	sne.s32 s2, $0x0  }
0x908: {  	s3 =	rddreg [dreg:$0x2];
	[bflag:$0x3] =	sbarrier.arrive $0xFFFF;
	s2 =	simm.s32 @!p0 $0x1C09  }
0x909: {  	[timem:s3], [sflag:s2] =	dma.local @!p0 [hbm:s0], s1  }
0x90a: {  	s0 =	simm.s32 @!p0 $0x9  }
0x90b: {  	_ =	swait.ge @!p0 [sflag:s0], s1  }
0x90c: {  	s1 =	ssub.s32 @!p0 $0x0, s1;
	[sflag:s0] =	ssyncset.done @!p0 $0x0  }
0x90d: {  	[sflag:s0] =	ssyncadd.s32 @!p0 s1  }
0x90e: {  	[bflag:$0x3] =	sbarrier.arrive $0xFFFF  }
0x90f: {  	_ =	shalt  }

</sc_bundles>
